<compile_context>
chip_gen: v7x
topology: tpu7x:2x2x1
jax: 0.10.2.dev20260603
libtpu: 0.0.44.dev20260713+nightly
codegen_flags: <defaults>
</compile_context>

<pallas_src>
import functools

import jax
import jax.numpy as jnp
from jax import lax
from jax.experimental import pallas as pl
from jax.experimental.pallas import tpu as pltpu
from jax.experimental.pallas import tpu_sc as plsc

_HARTREE_TO_EV = 27.211386245988
_CUTOFF = 5.0
_SPSHIFT = 20

_info = plsc.get_sparse_core_info()
_NC, _NS, _L = _info.num_cores, _info.num_subcores, _info.num_lanes
_NW = _NC * _NS


def _rsqrt_newton(x):
    xi = plsc.bitcast(x, jnp.int32)
    y = plsc.bitcast(jnp.int32(0x5F3759DF) - (xi >> 1), jnp.float32)
    for _ in range(2):
        y = y * (1.5 - 0.5 * x * y * y)
    return y


def _soft_exp(x):
    t = x * 1.4426950408889634
    tt = t + 0.5
    ti = tt.astype(jnp.int32)
    n = ti - jnp.where(tt < ti.astype(jnp.float32), 1, 0)
    u = (t - n.astype(jnp.float32)) * 0.6931471805599453
    p = 1.0 / 120.0
    for c in (1.0 / 24.0, 1.0 / 6.0, 0.5, 1.0, 1.0):
        p = p * u + c
    scale = plsc.bitcast((jnp.maximum(n, -127) + 127) << 23, jnp.float32)
    return scale * p


def _make_sc_kernel(npa, ppw, npass):
    quarter = npa // npass
    mask_lo = (1 << _SPSHIFT) - 1

    def body(cx_h, cy_h, cz_h, sp_h, pa_h, pb_h, gsum_out, s_out,
             cx_v, cy_v, cz_v, sp_v, pa_v, pb_v, gsum_v, ge_v, s_v):
        wid = lax.axis_index("s") * _NC + lax.axis_index("c")
        base = wid * ppw
        pltpu.sync_copy(cx_h, cx_v)
        pltpu.sync_copy(cy_h, cy_v)
        pltpu.sync_copy(cz_h, cz_v)
        pltpu.sync_copy(sp_h, sp_v)
        pltpu.sync_copy(pa_h.at[pl.ds(base, ppw)], pa_v)
        pltpu.sync_copy(pb_h.at[pl.ds(base, ppw)], pb_v)

        zeros = jnp.zeros((_L,), jnp.float32)

        @plsc.parallel_loop(0, npa, _L, unroll=8)
        def zero_gsum(i):
            gsum_v[pl.ds(i, _L)] = zeros

        def zero_s():
            for z in range(10):
                @plsc.parallel_loop(0, quarter, _L, unroll=8)
                def zero_row(i):
                    s_v[z, pl.ds(i, _L)] = zeros

        zero_s()

        @plsc.parallel_loop(0, ppw, _L, unroll=6)
        def pass0(i):
            a16 = pa_v[pl.ds(i, _L)]
            b16 = pb_v[pl.ds(i, _L)]
            spa = plsc.load_gather(sp_v, [a16])
            spb = plsc.load_gather(sp_v, [b16])
            pa_v[pl.ds(i, _L)] = a16 | (spb << _SPSHIFT)
            pb_v[pl.ds(i, _L)] = b16 | (spa << _SPSHIFT)
            xa = plsc.load_gather(cx_v, [a16])
            ya = plsc.load_gather(cy_v, [a16])
            za = plsc.load_gather(cz_v, [a16])
            xb = plsc.load_gather(cx_v, [b16])
            yb = plsc.load_gather(cy_v, [b16])
            zb = plsc.load_gather(cz_v, [b16])
            dx = xa - xb
            dy = ya - yb
            dz = za - zb
            d2 = dx * dx + dy * dy + dz * dz + 1e-6
            d = d2 * _rsqrt_newton(d2)
            glr = _soft_exp(-0.1 * d)
            g2 = glr * glr
            g5 = g2 * g2 * glr
            ge = jnp.where(d <= _CUTOFF, g5 * g5, 0.0)
            ge_v[pl.ds(i, _L)] = ge
            plsc.addupdate_scatter(gsum_v, [a16], glr)
            plsc.addupdate_scatter(gsum_v, [b16], glr)
            ma = a16 < quarter
            mb = b16 < quarter
            plsc.addupdate_scatter(s_v, [spb, jnp.where(ma, a16, 0)], ge,
                                   mask=ma)
            plsc.addupdate_scatter(s_v, [spa, jnp.where(mb, b16, 0)], ge,
                                   mask=mb)

        pltpu.sync_copy(gsum_v, gsum_out.at[wid])
        pltpu.sync_copy(s_v, s_out.at[wid, 0])

        for pno in range(1, npass):
            zero_s()
            lo = pno * quarter

            @plsc.parallel_loop(0, ppw, _L, unroll=8)
            def passk(i):
                pa16 = pa_v[pl.ds(i, _L)]
                pb16 = pb_v[pl.ds(i, _L)]
                ge = ge_v[pl.ds(i, _L)]
                al = (pa16 & mask_lo) - lo
                bl = (pb16 & mask_lo) - lo
                spb = pa16 >> _SPSHIFT
                spa = pb16 >> _SPSHIFT
                ma = (al >= 0) & (al < quarter)
                mb = (bl >= 0) & (bl < quarter)
                plsc.addupdate_scatter(s_v, [spb, jnp.where(ma, al, 0)], ge,
                                       mask=ma)
                plsc.addupdate_scatter(s_v, [spa, jnp.where(mb, bl, 0)], ge,
                                       mask=mb)

            pltpu.sync_copy(s_v, s_out.at[wid, pno])

    return pl.kernel(
        body,
        out_type=[
            jax.ShapeDtypeStruct((_NW, npa), jnp.float32),
            jax.ShapeDtypeStruct((_NW, npass, 10, quarter), jnp.float32),
        ],
        mesh=plsc.VectorSubcoreMesh(core_axis_name="c", subcore_axis_name="s"),
        compiler_params=pltpu.CompilerParams(needs_layout_passes=False),
        scratch_types=[
            pltpu.VMEM((npa,), jnp.float32),
            pltpu.VMEM((npa,), jnp.float32),
            pltpu.VMEM((npa,), jnp.float32),
            pltpu.VMEM((npa,), jnp.int32),
            pltpu.VMEM((ppw,), jnp.int32),
            pltpu.VMEM((ppw,), jnp.int32),
            pltpu.VMEM((npa,), jnp.float32),
            pltpu.VMEM((ppw,), jnp.float32),
            pltpu.VMEM((10, quarter), jnp.float32),
        ],
    )


def _tc_tail(n_species, wb, s_ref, gs_ref, sp_ref, embt_ref, w1t_ref, w2t_ref,
             e_ref, q_ref):
    j = pl.program_id(0)
    hi = lax.Precision.HIGHEST
    s_sum = s_ref[0, 0]
    g_sum = gs_ref[0:1, :]
    for w in range(1, _NW):
        s_sum = s_sum + s_ref[w, 0]
        g_sum = g_sum + gs_ref[w:w + 1, :]
    s16 = jnp.concatenate(
        [s_sum, jnp.zeros((16 - n_species, wb), jnp.float32)], axis=0)
    embt = embt_ref[...]
    msgt = jnp.dot(embt, s16, precision=hi,
                   preferred_element_type=jnp.float32)
    row = lax.broadcasted_iota(jnp.int32, (16, wb), 0)
    oh = (row == sp_ref[0]).astype(jnp.float32)
    featt = jnp.dot(embt, oh, precision=hi,
                    preferred_element_type=jnp.float32)
    pt = jnp.dot(w1t_ref[...], msgt,
                 preferred_element_type=jnp.float32)
    e_blk = jnp.sum(featt * pt) / _HARTREE_TO_EV

    @pl.when(j == 0)
    def _():
        e_ref[0, 0] = 0.0

    e_ref[0, 0] += e_blk

    cqt = jnp.dot(w2t_ref[...], featt,
                  preferred_element_type=jnp.float32)
    q_ref[0] = cqt[0:1, :] * jnp.tanh(g_sum)


def kernel(species, coords, pair_idx, emb, w1, w2):
    n = coords.shape[1]
    p = pair_idx.shape[1]
    z, dim = emb.shape
    f32 = jnp.float32
    npass = 4

    npa = ((n + 2 + 511) // 512) * 512
    quarter = npa // npass
    nrow = npa // 128
    ppw = ((p + _NW * _L - 1) // (_NW * _L)) * _L
    pp = ppw * _NW

    c = coords[0]
    cx = jnp.zeros((npa,), f32).at[:n].set(c[:, 0]).at[n + 1].set(1e4)
    cy = jnp.zeros((npa,), f32).at[:n].set(c[:, 1])
    cz = jnp.zeros((npa,), f32).at[:n].set(c[:, 2])
    sp = jnp.zeros((npa,), jnp.int32).at[:n].set(species[0].astype(jnp.int32))
    pad_a = jnp.full((pp - p,), n, jnp.int32)
    pad_b = jnp.full((pp - p,), n + 1, jnp.int32)
    a_idx = jnp.concatenate([pair_idx[0].astype(jnp.int32), pad_a])
    b_idx = jnp.concatenate([pair_idx[1].astype(jnp.int32), pad_b])

    gsums, s_part = _make_sc_kernel(npa, ppw, npass)(cx, cy, cz, sp,
                                                     a_idx, b_idx)

    embt = jnp.zeros((128, 16), f32).at[:dim, :z].set(emb.T)
    w1t = jnp.zeros((128, 128), f32).at[:dim, :dim].set(w1.T)
    w2t = jnp.zeros((8, 128), f32).at[0, :dim].set(w2[:, 0])

    wb = quarter
    nblk = npa // wb
    bpq = quarter // wb
    energy, charges = pl.pallas_call(
        functools.partial(_tc_tail, z, wb),
        grid=(nblk,),
        in_specs=[
            pl.BlockSpec((_NW, 1, 10, wb),
                         lambda j: (0, j // bpq, 0, j % bpq)),
            pl.BlockSpec((_NW, wb), lambda j: (0, j)),
            pl.BlockSpec((1, 1, wb), lambda j: (j, 0, 0)),
            pl.BlockSpec((128, 16), lambda j: (0, 0)),
            pl.BlockSpec((128, 128), lambda j: (0, 0)),
            pl.BlockSpec((8, 128), lambda j: (0, 0)),
        ],
        out_specs=[
            pl.BlockSpec((1, 1), lambda j: (0, 0),
                         memory_space=pltpu.MemorySpace.SMEM),
            pl.BlockSpec((1, 1, wb), lambda j: (j, 0, 0)),
        ],
        out_shape=[
            jax.ShapeDtypeStruct((1, 1), f32),
            jax.ShapeDtypeStruct((nblk, 1, wb), f32),
        ],
    )(
        s_part,
        gsums,
        sp.reshape(nblk, 1, wb),
        embt,
        w1t,
        w2t,
    )
    return energy.reshape(1), charges.reshape(-1)[:n]

# --- scband reference (transcript-rebuilt; emitter-appended) ---
"""Pipeline reference for scband-aim-net2-wrapper-12627203850659 (READ-ONLY COPY).

The authoritative reference and input builder live on the scoring server;
editing this copy changes nothing except your own understanding.
"""

import jax, jax.numpy as jnp
import numpy as np

HARTREE_TO_EV = 27.211386245988
CUTOFF = 5.0
CUTOFF_LR = 15.0

def _safe_norm(diff):
    return jnp.sqrt(jnp.sum(diff * diff, axis=-1) + 1e-6)

def _sparse_to_dense(idx, atoms_num):
    # faithful port of AimNet2Wrapper._sparse_to_dense
    counts = jnp.bincount(idx.reshape(-1), length=atoms_num + 1)
    max_neigh = int(counts.max())
    full_idx = jnp.concatenate([idx, idx[::-1]], axis=1)  # cat(idx, idx.flipud())
    sort_idxs = jnp.argsort(full_idx[0])  # stable
    src = full_idx[0][sort_idxs]
    dst = full_idx[1][sort_idxs]
    excl = jnp.cumsum(counts) - counts
    pos = jnp.arange(src.shape[0]) - excl[src]
    dense_nb = jnp.full((atoms_num + 1, max_neigh), atoms_num, dtype=idx.dtype).at[src, pos].set(dst)
    mask = counts[:, None] > jnp.arange(max_neigh)
    return dense_nb, mask

def setup_inputs(seed: int = 0):
    key = jax.random.key(seed)
    ks = jax.random.split(key, 6)
    N, P, D, Z = 10000, 160000, 64, 10
    species = jax.random.randint(ks[0], (1, N), 0, Z)
    coords = jax.random.normal(ks[1], (1, N, 3), dtype=jnp.float32) * 5.0
    pair_idx = jax.random.randint(ks[2], (2, P), 0, N)
    emb = jax.random.normal(ks[3], (Z, D), dtype=jnp.float32) * 0.1
    w1 = jax.random.normal(ks[4], (D, D), dtype=jnp.float32) * 0.05
    w2 = jax.random.normal(ks[5], (D, 1), dtype=jnp.float32) * 0.05
    return {"species": species, "coords": coords, "pair_idx": pair_idx, "emb": emb, "w1": w1, "w2": w2}

def reference(species, coords, pair_idx, emb, w1, w2):
    N = coords.shape[1]
    c = coords[0]
    # discard_outside_cutoff (short-range neighbor list from the lr list)
    d_pair = _safe_norm(c[pair_idx[0]] - c[pair_idx[1]])
    keep = d_pair <= CUTOFF
    # pad_dim0 on coords and species
    coord_pad = jnp.concatenate([c, jnp.zeros((1, 3), c.dtype)], axis=0)
    numbers_pad = jnp.concatenate([species[0], jnp.zeros((1,), species.dtype)], axis=0)
    feat = emb[numbers_pad]
    # symmetrized edge list (cat(idx, idx.flipud())), stably sorted by source
    full_idx = jnp.concatenate([pair_idx, pair_idx[::-1]], axis=1)
    sort_idxs = jnp.argsort(full_idx[0])  # stable
    src = full_idx[0][sort_idxs]
    dst = full_idx[1][sort_idxs]
    keep2 = jnp.concatenate([keep, keep])[sort_idxs]
    # surrogate AimNet2 body: short-range message passing energy
    d_e = _safe_norm(coord_pad[dst] - coord_pad[src])
    g_e = jnp.exp(-d_e) * keep2
    msg = jax.ops.segment_sum(g_e[:, None] * feat[dst], src,
                              num_segments=N + 1, indices_are_sorted=True)
    e_atom = jnp.sum(feat * (msg @ w1), axis=-1)
    energy = jnp.sum(e_atom[:N]) / HARTREE_TO_EV
    # long-range charge head
    g_lr = jnp.exp(-0.1 * d_e)
    gsum = jax.ops.segment_sum(g_lr, src,
                               num_segments=N + 1, indices_are_sorted=True)
    charges = (feat @ w2)[:, 0] * jnp.tanh(gsum)
    return energy.reshape(1), charges[:N]

if __name__ == "__main__":
    import jax
    _d = setup_inputs()
    print(jax.jit(kernel)(*tuple(_d.values())))

</pallas_src>

<mosaic_0001>
#map = affine_map<(d0, d1) -> (0)>
#map1 = affine_map<(d0, d1) -> (0, 0)>
#map2 = affine_map<(d0, d1) -> (0, 0, 0, 0)>
module attributes {stable_mosaic.version = 14 : i64} {
  func.func @body(%arg0: i32, %arg1: i32, %arg2: memref<10240xf32, #tpu.memory_space<hbm>>, %arg3: memref<10240xf32, #tpu.memory_space<hbm>>, %arg4: memref<10240xf32, #tpu.memory_space<hbm>>, %arg5: memref<10240xi32, #tpu.memory_space<hbm>>, %arg6: memref<160256xi32, #tpu.memory_space<hbm>>, %arg7: memref<160256xi32, #tpu.memory_space<hbm>>, %arg8: memref<32x10240xf32, #tpu.memory_space<hbm>>, %arg9: memref<32x4x10x2560xf32, #tpu.memory_space<hbm>>, %arg10: memref<10240xf32, #tpu.memory_space<vmem>>, %arg11: memref<10240xf32, #tpu.memory_space<vmem>>, %arg12: memref<10240xf32, #tpu.memory_space<vmem>>, %arg13: memref<10240xi32, #tpu.memory_space<vmem>>, %arg14: memref<5008xi32, #tpu.memory_space<vmem>>, %arg15: memref<5008xi32, #tpu.memory_space<vmem>>, %arg16: memref<10240xf32, #tpu.memory_space<vmem>>, %arg17: memref<5008xf32, #tpu.memory_space<vmem>>, %arg18: memref<10x2560xf32, #tpu.memory_space<vmem>>) attributes {dimension_semantics = [#tpu.dimension_semantics<core_parallel>, #tpu.dimension_semantics<subcore_parallel>], iteration_bounds = array<i64: 2, 16>, scalar_prefetch = 0 : i64, scratch_operands = 9 : i64, tpu.core_type = #tpu.core_type<sc_vector_subcore>, window_params = [{transform_indices = #map}, {transform_indices = #map}, {transform_indices = #map}, {transform_indices = #map}, {transform_indices = #map}, {transform_indices = #map}, {transform_indices = #map1}, {transform_indices = #map2}]} {
    %mul3A = arith.constant 2 : i32
    %mul3A_0 = arith.muli %arg1, %mul3A : i32
    %add3A = arith.addi %mul3A_0, %arg0 : i32
    %mul3A_1 = arith.constant 5008 : i32
    %mul3A_2 = arith.muli %add3A, %mul3A_1 : i32
    "tpu.region"() ({
      %run_scoped3A_141 = tpu.sem_alloc : memref<!tpu.dma_semaphore, #tpu.memory_space<semaphore_mem>>
      tpu.enqueue_dma source(%arg2 : memref<10240xf32, #tpu.memory_space<hbm>>) target(%arg10 : memref<10240xf32, #tpu.memory_space<vmem>>) target_semaphore(%run_scoped3A_141 : memref<!tpu.dma_semaphore, #tpu.memory_space<semaphore_mem>>)
      tpu.wait_dma2 semaphore(%run_scoped3A_141 : memref<!tpu.dma_semaphore, #tpu.memory_space<semaphore_mem>>) src(%arg2 : memref<10240xf32, #tpu.memory_space<hbm>>) dst(%arg10 : memref<10240xf32, #tpu.memory_space<vmem>>)
      tpu.yield
    }) : () -> ()
    "tpu.region"() ({
      %run_scoped3A_141 = tpu.sem_alloc : memref<!tpu.dma_semaphore, #tpu.memory_space<semaphore_mem>>
      tpu.enqueue_dma source(%arg3 : memref<10240xf32, #tpu.memory_space<hbm>>) target(%arg11 : memref<10240xf32, #tpu.memory_space<vmem>>) target_semaphore(%run_scoped3A_141 : memref<!tpu.dma_semaphore, #tpu.memory_space<semaphore_mem>>)
      tpu.wait_dma2 semaphore(%run_scoped3A_141 : memref<!tpu.dma_semaphore, #tpu.memory_space<semaphore_mem>>) src(%arg3 : memref<10240xf32, #tpu.memory_space<hbm>>) dst(%arg11 : memref<10240xf32, #tpu.memory_space<vmem>>)
      tpu.yield
    }) : () -> ()
    "tpu.region"() ({
      %run_scoped3A_141 = tpu.sem_alloc : memref<!tpu.dma_semaphore, #tpu.memory_space<semaphore_mem>>
      tpu.enqueue_dma source(%arg4 : memref<10240xf32, #tpu.memory_space<hbm>>) target(%arg12 : memref<10240xf32, #tpu.memory_space<vmem>>) target_semaphore(%run_scoped3A_141 : memref<!tpu.dma_semaphore, #tpu.memory_space<semaphore_mem>>)
      tpu.wait_dma2 semaphore(%run_scoped3A_141 : memref<!tpu.dma_semaphore, #tpu.memory_space<semaphore_mem>>) src(%arg4 : memref<10240xf32, #tpu.memory_space<hbm>>) dst(%arg12 : memref<10240xf32, #tpu.memory_space<vmem>>)
      tpu.yield
    }) : () -> ()
    "tpu.region"() ({
      %run_scoped3A_141 = tpu.sem_alloc : memref<!tpu.dma_semaphore, #tpu.memory_space<semaphore_mem>>
      tpu.enqueue_dma source(%arg5 : memref<10240xi32, #tpu.memory_space<hbm>>) target(%arg13 : memref<10240xi32, #tpu.memory_space<vmem>>) target_semaphore(%run_scoped3A_141 : memref<!tpu.dma_semaphore, #tpu.memory_space<semaphore_mem>>)
      tpu.wait_dma2 semaphore(%run_scoped3A_141 : memref<!tpu.dma_semaphore, #tpu.memory_space<semaphore_mem>>) src(%arg5 : memref<10240xi32, #tpu.memory_space<hbm>>) dst(%arg13 : memref<10240xi32, #tpu.memory_space<vmem>>)
      tpu.yield
    }) : () -> ()
    "tpu.region"() ({
      %run_scoped3A_141 = tpu.sem_alloc : memref<!tpu.dma_semaphore, #tpu.memory_space<semaphore_mem>>
      %dma_start3A = tpu.memref_slice %arg6[%mul3A_2] : memref<160256xi32, #tpu.memory_space<hbm>> -> memref<5008xi32, #tpu.memory_space<hbm>>
      %dma_start3A_142 = tpu.memref_slice %arg6[%mul3A_2] : memref<160256xi32, #tpu.memory_space<hbm>> -> memref<5008xi32, #tpu.memory_space<hbm>>
      tpu.enqueue_dma source(%dma_start3A_142 : memref<5008xi32, #tpu.memory_space<hbm>>) target(%arg14 : memref<5008xi32, #tpu.memory_space<vmem>>) target_semaphore(%run_scoped3A_141 : memref<!tpu.dma_semaphore, #tpu.memory_space<semaphore_mem>>)
      %dma_wait3A = tpu.memref_slice %arg6[%mul3A_2] : memref<160256xi32, #tpu.memory_space<hbm>> -> memref<5008xi32, #tpu.memory_space<hbm>>
      %dma_wait3A_143 = tpu.memref_slice %arg6[%mul3A_2] : memref<160256xi32, #tpu.memory_space<hbm>> -> memref<5008xi32, #tpu.memory_space<hbm>>
      tpu.wait_dma2 semaphore(%run_scoped3A_141 : memref<!tpu.dma_semaphore, #tpu.memory_space<semaphore_mem>>) src(%dma_wait3A_143 : memref<5008xi32, #tpu.memory_space<hbm>>) dst(%arg14 : memref<5008xi32, #tpu.memory_space<vmem>>)
      tpu.yield
    }) : () -> ()
    "tpu.region"() ({
      %run_scoped3A_141 = tpu.sem_alloc : memref<!tpu.dma_semaphore, #tpu.memory_space<semaphore_mem>>
      %dma_start3A = tpu.memref_slice %arg7[%mul3A_2] : memref<160256xi32, #tpu.memory_space<hbm>> -> memref<5008xi32, #tpu.memory_space<hbm>>
      %dma_start3A_142 = tpu.memref_slice %arg7[%mul3A_2] : memref<160256xi32, #tpu.memory_space<hbm>> -> memref<5008xi32, #tpu.memory_space<hbm>>
      tpu.enqueue_dma source(%dma_start3A_142 : memref<5008xi32, #tpu.memory_space<hbm>>) target(%arg15 : memref<5008xi32, #tpu.memory_space<vmem>>) target_semaphore(%run_scoped3A_141 : memref<!tpu.dma_semaphore, #tpu.memory_space<semaphore_mem>>)
      %dma_wait3A = tpu.memref_slice %arg7[%mul3A_2] : memref<160256xi32, #tpu.memory_space<hbm>> -> memref<5008xi32, #tpu.memory_space<hbm>>
      %dma_wait3A_143 = tpu.memref_slice %arg7[%mul3A_2] : memref<160256xi32, #tpu.memory_space<hbm>> -> memref<5008xi32, #tpu.memory_space<hbm>>
      tpu.wait_dma2 semaphore(%run_scoped3A_141 : memref<!tpu.dma_semaphore, #tpu.memory_space<semaphore_mem>>) src(%dma_wait3A_143 : memref<5008xi32, #tpu.memory_space<hbm>>) dst(%arg15 : memref<5008xi32, #tpu.memory_space<vmem>>)
      tpu.yield
    }) : () -> ()
    %broadcast_in_dim3A = arith.constant 0.000000e+00 : f32
    %broadcast_in_dim3A_3 = vector.broadcast %broadcast_in_dim3A : f32 to vector<16xf32>
    %parallel_loop3A = arith.constant 0 : i32
    %parallel_loop3A_4 = arith.constant 10240 : i32
    %parallel_loop3A_5 = arith.constant 16 : i32
    scf.for %parallel_loop3A_141 = %parallel_loop3A to %parallel_loop3A_4 step %parallel_loop3A_5  : i32 {
      %parallel_loop3A_142 = arith.index_cast %parallel_loop3A_141 : i32 to index
      %parallel_loop3A_143 = tpu.vector_load %arg16[%parallel_loop3A_142] {strides = array<i32>} : memref<10240xf32, #tpu.memory_space<vmem>>, vector<16xf32>,
      tpu.vector_store %arg16[%parallel_loop3A_142], %broadcast_in_dim3A_3 {strides = array<i32>} : memref<10240xf32, #tpu.memory_space<vmem>>, vector<16xf32>,
    } {sc.loop_unroll_factor = 8 : i64, sc.parallel_access}
    %parallel_loop3A_6 = arith.constant 0 : i32
    %parallel_loop3A_7 = arith.constant 2560 : i32
    %parallel_loop3A_8 = arith.constant 16 : i32
    scf.for %parallel_loop3A_141 = %parallel_loop3A_6 to %parallel_loop3A_7 step %parallel_loop3A_8  : i32 {
      %parallel_loop3A_142 = arith.constant 0 : i32
      %parallel_loop3A_143 = arith.index_cast %parallel_loop3A_142 : i32 to index
      %parallel_loop3A_144 = arith.index_cast %parallel_loop3A_141 : i32 to index
      %parallel_loop3A_145 = tpu.vector_load %arg18[%parallel_loop3A_143, %parallel_loop3A_144] {strides = array<i32>} : memref<10x2560xf32, #tpu.memory_space<vmem>>, vector<16xf32>,
      tpu.vector_store %arg18[%parallel_loop3A_143, %parallel_loop3A_144], %broadcast_in_dim3A_3 {strides = array<i32>} : memref<10x2560xf32, #tpu.memory_space<vmem>>, vector<16xf32>,
    } {sc.loop_unroll_factor = 8 : i64, sc.parallel_access}
    %parallel_loop3A_9 = arith.constant 0 : i32
    %parallel_loop3A_10 = arith.constant 2560 : i32
    %parallel_loop3A_11 = arith.constant 16 : i32
    scf.for %parallel_loop3A_141 = %parallel_loop3A_9 to %parallel_loop3A_10 step %parallel_loop3A_11  : i32 {
      %parallel_loop3A_142 = arith.constant 1 : i32
      %parallel_loop3A_143 = arith.index_cast %parallel_loop3A_142 : i32 to index
      %parallel_loop3A_144 = arith.index_cast %parallel_loop3A_141 : i32 to index
      %parallel_loop3A_145 = tpu.vector_load %arg18[%parallel_loop3A_143, %parallel_loop3A_144] {strides = array<i32>} : memref<10x2560xf32, #tpu.memory_space<vmem>>, vector<16xf32>,
      tpu.vector_store %arg18[%parallel_loop3A_143, %parallel_loop3A_144], %broadcast_in_dim3A_3 {strides = array<i32>} : memref<10x2560xf32, #tpu.memory_space<vmem>>, vector<16xf32>,
    } {sc.loop_unroll_factor = 8 : i64, sc.parallel_access}
    %parallel_loop3A_12 = arith.constant 0 : i32
    %parallel_loop3A_13 = arith.constant 2560 : i32
    %parallel_loop3A_14 = arith.constant 16 : i32
    scf.for %parallel_loop3A_141 = %parallel_loop3A_12 to %parallel_loop3A_13 step %parallel_loop3A_14  : i32 {
      %parallel_loop3A_142 = arith.constant 2 : i32
      %parallel_loop3A_143 = arith.index_cast %parallel_loop3A_142 : i32 to index
      %parallel_loop3A_144 = arith.index_cast %parallel_loop3A_141 : i32 to index
      %parallel_loop3A_145 = tpu.vector_load %arg18[%parallel_loop3A_143, %parallel_loop3A_144] {strides = array<i32>} : memref<10x2560xf32, #tpu.memory_space<vmem>>, vector<16xf32>,
      tpu.vector_store %arg18[%parallel_loop3A_143, %parallel_loop3A_144], %broadcast_in_dim3A_3 {strides = array<i32>} : memref<10x2560xf32, #tpu.memory_space<vmem>>, vector<16xf32>,
    } {sc.loop_unroll_factor = 8 : i64, sc.parallel_access}
    %parallel_loop3A_15 = arith.constant 0 : i32
    %parallel_loop3A_16 = arith.constant 2560 : i32
    %parallel_loop3A_17 = arith.constant 16 : i32
    scf.for %parallel_loop3A_141 = %parallel_loop3A_15 to %parallel_loop3A_16 step %parallel_loop3A_17  : i32 {
      %parallel_loop3A_142 = arith.constant 3 : i32
      %parallel_loop3A_143 = arith.index_cast %parallel_loop3A_142 : i32 to index
      %parallel_loop3A_144 = arith.index_cast %parallel_loop3A_141 : i32 to index
      %parallel_loop3A_145 = tpu.vector_load %arg18[%parallel_loop3A_143, %parallel_loop3A_144] {strides = array<i32>} : memref<10x2560xf32, #tpu.memory_space<vmem>>, vector<16xf32>,
      tpu.vector_store %arg18[%parallel_loop3A_143, %parallel_loop3A_144], %broadcast_in_dim3A_3 {strides = array<i32>} : memref<10x2560xf32, #tpu.memory_space<vmem>>, vector<16xf32>,
    } {sc.loop_unroll_factor = 8 : i64, sc.parallel_access}
    %parallel_loop3A_18 = arith.constant 0 : i32
    %parallel_loop3A_19 = arith.constant 2560 : i32
    %parallel_loop3A_20 = arith.constant 16 : i32
    scf.for %parallel_loop3A_141 = %parallel_loop3A_18 to %parallel_loop3A_19 step %parallel_loop3A_20  : i32 {
      %parallel_loop3A_142 = arith.constant 4 : i32
      %parallel_loop3A_143 = arith.index_cast %parallel_loop3A_142 : i32 to index
      %parallel_loop3A_144 = arith.index_cast %parallel_loop3A_141 : i32 to index
      %parallel_loop3A_145 = tpu.vector_load %arg18[%parallel_loop3A_143, %parallel_loop3A_144] {strides = array<i32>} : memref<10x2560xf32, #tpu.memory_space<vmem>>, vector<16xf32>,
      tpu.vector_store %arg18[%parallel_loop3A_143, %parallel_loop3A_144], %broadcast_in_dim3A_3 {strides = array<i32>} : memref<10x2560xf32, #tpu.memory_space<vmem>>, vector<16xf32>,
    } {sc.loop_unroll_factor = 8 : i64, sc.parallel_access}
    %parallel_loop3A_21 = arith.constant 0 : i32
    %parallel_loop3A_22 = arith.constant 2560 : i32
    %parallel_loop3A_23 = arith.constant 16 : i32
    scf.for %parallel_loop3A_141 = %parallel_loop3A_21 to %parallel_loop3A_22 step %parallel_loop3A_23  : i32 {
      %parallel_loop3A_142 = arith.constant 5 : i32
      %parallel_loop3A_143 = arith.index_cast %parallel_loop3A_142 : i32 to index
      %parallel_loop3A_144 = arith.index_cast %parallel_loop3A_141 : i32 to index
      %parallel_loop3A_145 = tpu.vector_load %arg18[%parallel_loop3A_143, %parallel_loop3A_144] {strides = array<i32>} : memref<10x2560xf32, #tpu.memory_space<vmem>>, vector<16xf32>,
      tpu.vector_store %arg18[%parallel_loop3A_143, %parallel_loop3A_144], %broadcast_in_dim3A_3 {strides = array<i32>} : memref<10x2560xf32, #tpu.memory_space<vmem>>, vector<16xf32>,
    } {sc.loop_unroll_factor = 8 : i64, sc.parallel_access}
    %parallel_loop3A_24 = arith.constant 0 : i32
    %parallel_loop3A_25 = arith.constant 2560 : i32
    %parallel_loop3A_26 = arith.constant 16 : i32
    scf.for %parallel_loop3A_141 = %parallel_loop3A_24 to %parallel_loop3A_25 step %parallel_loop3A_26  : i32 {
      %parallel_loop3A_142 = arith.constant 6 : i32
      %parallel_loop3A_143 = arith.index_cast %parallel_loop3A_142 : i32 to index
      %parallel_loop3A_144 = arith.index_cast %parallel_loop3A_141 : i32 to index
      %parallel_loop3A_145 = tpu.vector_load %arg18[%parallel_loop3A_143, %parallel_loop3A_144] {strides = array<i32>} : memref<10x2560xf32, #tpu.memory_space<vmem>>, vector<16xf32>,
      tpu.vector_store %arg18[%parallel_loop3A_143, %parallel_loop3A_144], %broadcast_in_dim3A_3 {strides = array<i32>} : memref<10x2560xf32, #tpu.memory_space<vmem>>, vector<16xf32>,
    } {sc.loop_unroll_factor = 8 : i64, sc.parallel_access}
    %parallel_loop3A_27 = arith.constant 0 : i32
    %parallel_loop3A_28 = arith.constant 2560 : i32
    %parallel_loop3A_29 = arith.constant 16 : i32
    scf.for %parallel_loop3A_141 = %parallel_loop3A_27 to %parallel_loop3A_28 step %parallel_loop3A_29  : i32 {
      %parallel_loop3A_142 = arith.constant 7 : i32
      %parallel_loop3A_143 = arith.index_cast %parallel_loop3A_142 : i32 to index
      %parallel_loop3A_144 = arith.index_cast %parallel_loop3A_141 : i32 to index
      %parallel_loop3A_145 = tpu.vector_load %arg18[%parallel_loop3A_143, %parallel_loop3A_144] {strides = array<i32>} : memref<10x2560xf32, #tpu.memory_space<vmem>>, vector<16xf32>,
      tpu.vector_store %arg18[%parallel_loop3A_143, %parallel_loop3A_144], %broadcast_in_dim3A_3 {strides = array<i32>} : memref<10x2560xf32, #tpu.memory_space<vmem>>, vector<16xf32>,
    } {sc.loop_unroll_factor = 8 : i64, sc.parallel_access}
    %parallel_loop3A_30 = arith.constant 0 : i32
    %parallel_loop3A_31 = arith.constant 2560 : i32
    %parallel_loop3A_32 = arith.constant 16 : i32
    scf.for %parallel_loop3A_141 = %parallel_loop3A_30 to %parallel_loop3A_31 step %parallel_loop3A_32  : i32 {
      %parallel_loop3A_142 = arith.constant 8 : i32
      %parallel_loop3A_143 = arith.index_cast %parallel_loop3A_142 : i32 to index
      %parallel_loop3A_144 = arith.index_cast %parallel_loop3A_141 : i32 to index
      %parallel_loop3A_145 = tpu.vector_load %arg18[%parallel_loop3A_143, %parallel_loop3A_144] {strides = array<i32>} : memref<10x2560xf32, #tpu.memory_space<vmem>>, vector<16xf32>,
      tpu.vector_store %arg18[%parallel_loop3A_143, %parallel_loop3A_144], %broadcast_in_dim3A_3 {strides = array<i32>} : memref<10x2560xf32, #tpu.memory_space<vmem>>, vector<16xf32>,
    } {sc.loop_unroll_factor = 8 : i64, sc.parallel_access}
    %parallel_loop3A_33 = arith.constant 0 : i32
    %parallel_loop3A_34 = arith.constant 2560 : i32
    %parallel_loop3A_35 = arith.constant 16 : i32
    scf.for %parallel_loop3A_141 = %parallel_loop3A_33 to %parallel_loop3A_34 step %parallel_loop3A_35  : i32 {
      %parallel_loop3A_142 = arith.constant 9 : i32
      %parallel_loop3A_143 = arith.index_cast %parallel_loop3A_142 : i32 to index
      %parallel_loop3A_144 = arith.index_cast %parallel_loop3A_141 : i32 to index
      %parallel_loop3A_145 = tpu.vector_load %arg18[%parallel_loop3A_143, %parallel_loop3A_144] {strides = array<i32>} : memref<10x2560xf32, #tpu.memory_space<vmem>>, vector<16xf32>,
      tpu.vector_store %arg18[%parallel_loop3A_143, %parallel_loop3A_144], %broadcast_in_dim3A_3 {strides = array<i32>} : memref<10x2560xf32, #tpu.memory_space<vmem>>, vector<16xf32>,
    } {sc.loop_unroll_factor = 8 : i64, sc.parallel_access}
    %parallel_loop3A_36 = arith.constant 0 : i32
    %parallel_loop3A_37 = arith.constant 5008 : i32
    %parallel_loop3A_38 = arith.constant 16 : i32
    scf.for %parallel_loop3A_141 = %parallel_loop3A_36 to %parallel_loop3A_37 step %parallel_loop3A_38  : i32 {
      %parallel_loop3A_142 = arith.index_cast %parallel_loop3A_141 : i32 to index
      %parallel_loop3A_143 = tpu.vector_load %arg14[%parallel_loop3A_142] {strides = array<i32>} : memref<5008xi32, #tpu.memory_space<vmem>>, vector<16xi32>,
      %parallel_loop3A_144 = arith.index_cast %parallel_loop3A_141 : i32 to index
      %parallel_loop3A_145 = tpu.vector_load %arg15[%parallel_loop3A_144] {strides = array<i32>} : memref<5008xi32, #tpu.memory_space<vmem>>, vector<16xi32>,
      %parallel_loop3A_146 = tpu.vector_load_idx %arg13[%parallel_loop3A_143] : memref<10240xi32, #tpu.memory_space<vmem>>[vector<16xi32>], vector<16xi32>,
      %parallel_loop3A_147 = tpu.vector_load_idx %arg13[%parallel_loop3A_145] : memref<10240xi32, #tpu.memory_space<vmem>>[vector<16xi32>], vector<16xi32>,
      %parallel_loop3A_148 = arith.constant 20 : i32
      %parallel_loop3A_149 = vector.broadcast %parallel_loop3A_148 : i32 to vector<16xi32>
      %parallel_loop3A_150 = arith.shli %parallel_loop3A_147, %parallel_loop3A_149 : vector<16xi32>
      %parallel_loop3A_151 = arith.ori %parallel_loop3A_143, %parallel_loop3A_150 : vector<16xi32>
      %parallel_loop3A_152 = arith.index_cast %parallel_loop3A_141 : i32 to index
      %parallel_loop3A_153 = tpu.vector_load %arg14[%parallel_loop3A_152] {strides = array<i32>} : memref<5008xi32, #tpu.memory_space<vmem>>, vector<16xi32>,
      tpu.vector_store %arg14[%parallel_loop3A_152], %parallel_loop3A_151 {strides = array<i32>} : memref<5008xi32, #tpu.memory_space<vmem>>, vector<16xi32>,
      %parallel_loop3A_154 = arith.constant 20 : i32
      %parallel_loop3A_155 = vector.broadcast %parallel_loop3A_154 : i32 to vector<16xi32>
      %parallel_loop3A_156 = arith.shli %parallel_loop3A_146, %parallel_loop3A_155 : vector<16xi32>
      %parallel_loop3A_157 = arith.ori %parallel_loop3A_145, %parallel_loop3A_156 : vector<16xi32>
      %parallel_loop3A_158 = arith.index_cast %parallel_loop3A_141 : i32 to index
      %parallel_loop3A_159 = tpu.vector_load %arg15[%parallel_loop3A_158] {strides = array<i32>} : memref<5008xi32, #tpu.memory_space<vmem>>, vector<16xi32>,
      tpu.vector_store %arg15[%parallel_loop3A_158], %parallel_loop3A_157 {strides = array<i32>} : memref<5008xi32, #tpu.memory_space<vmem>>, vector<16xi32>,
      %parallel_loop3A_160 = tpu.vector_load_idx %arg10[%parallel_loop3A_143] : memref<10240xf32, #tpu.memory_space<vmem>>[vector<16xi32>], vector<16xf32>,
      %parallel_loop3A_161 = tpu.vector_load_idx %arg11[%parallel_loop3A_143] : memref<10240xf32, #tpu.memory_space<vmem>>[vector<16xi32>], vector<16xf32>,
      %parallel_loop3A_162 = tpu.vector_load_idx %arg12[%parallel_loop3A_143] : memref<10240xf32, #tpu.memory_space<vmem>>[vector<16xi32>], vector<16xf32>,
      %parallel_loop3A_163 = tpu.vector_load_idx %arg10[%parallel_loop3A_145] : memref<10240xf32, #tpu.memory_space<vmem>>[vector<16xi32>], vector<16xf32>,
      %parallel_loop3A_164 = tpu.vector_load_idx %arg11[%parallel_loop3A_145] : memref<10240xf32, #tpu.memory_space<vmem>>[vector<16xi32>], vector<16xf32>,
      %parallel_loop3A_165 = tpu.vector_load_idx %arg12[%parallel_loop3A_145] : memref<10240xf32, #tpu.memory_space<vmem>>[vector<16xi32>], vector<16xf32>,
      %parallel_loop3A_166 = arith.subf %parallel_loop3A_160, %parallel_loop3A_163 : vector<16xf32>
      %parallel_loop3A_167 = arith.subf %parallel_loop3A_161, %parallel_loop3A_164 : vector<16xf32>
      %parallel_loop3A_168 = arith.subf %parallel_loop3A_162, %parallel_loop3A_165 : vector<16xf32>
      %parallel_loop3A_169 = arith.mulf %parallel_loop3A_166, %parallel_loop3A_166 : vector<16xf32>
      %parallel_loop3A_170 = arith.mulf %parallel_loop3A_167, %parallel_loop3A_167 : vector<16xf32>
      %parallel_loop3A_171 = arith.addf %parallel_loop3A_169, %parallel_loop3A_170 : vector<16xf32>
      %parallel_loop3A_172 = arith.mulf %parallel_loop3A_168, %parallel_loop3A_168 : vector<16xf32>
      %parallel_loop3A_173 = arith.addf %parallel_loop3A_171, %parallel_loop3A_172 : vector<16xf32>
      %parallel_loop3A_174 = arith.constant 9.99999997E-7 : f32
      %parallel_loop3A_175 = vector.broadcast %parallel_loop3A_174 : f32 to vector<16xf32>
      %parallel_loop3A_176 = arith.addf %parallel_loop3A_173, %parallel_loop3A_175 : vector<16xf32>
      %parallel_loop3A_177 = vector.bitcast %parallel_loop3A_176 : vector<16xf32> to vector<16xi32>
      %parallel_loop3A_178 = arith.constant 1 : i32
      %parallel_loop3A_179 = vector.broadcast %parallel_loop3A_178 : i32 to vector<16xi32>
      %parallel_loop3A_180 = arith.shrsi %parallel_loop3A_177, %parallel_loop3A_179 : vector<16xi32>
      %parallel_loop3A_181 = arith.constant 1597463007 : i32
      %parallel_loop3A_182 = vector.broadcast %parallel_loop3A_181 : i32 to vector<16xi32>
      %parallel_loop3A_183 = arith.subi %parallel_loop3A_182, %parallel_loop3A_180 : vector<16xi32>
      %parallel_loop3A_184 = vector.bitcast %parallel_loop3A_183 : vector<16xi32> to vector<16xf32>
      %parallel_loop3A_185 = arith.constant 5.000000e-01 : f32
      %parallel_loop3A_186 = vector.broadcast %parallel_loop3A_185 : f32 to vector<16xf32>
      %parallel_loop3A_187 = arith.mulf %parallel_loop3A_186, %parallel_loop3A_176 : vector<16xf32>
      %parallel_loop3A_188 = arith.mulf %parallel_loop3A_187, %parallel_loop3A_184 : vector<16xf32>
      %parallel_loop3A_189 = arith.mulf %parallel_loop3A_188, %parallel_loop3A_184 : vector<16xf32>
      %parallel_loop3A_190 = arith.constant 1.500000e+00 : f32
      %parallel_loop3A_191 = vector.broadcast %parallel_loop3A_190 : f32 to vector<16xf32>
      %parallel_loop3A_192 = arith.subf %parallel_loop3A_191, %parallel_loop3A_189 : vector<16xf32>
      %parallel_loop3A_193 = arith.mulf %parallel_loop3A_184, %parallel_loop3A_192 : vector<16xf32>
      %parallel_loop3A_194 = arith.constant 5.000000e-01 : f32
      %parallel_loop3A_195 = vector.broadcast %parallel_loop3A_194 : f32 to vector<16xf32>
      %parallel_loop3A_196 = arith.mulf %parallel_loop3A_195, %parallel_loop3A_176 : vector<16xf32>
      %parallel_loop3A_197 = arith.mulf %parallel_loop3A_196, %parallel_loop3A_193 : vector<16xf32>
      %parallel_loop3A_198 = arith.mulf %parallel_loop3A_197, %parallel_loop3A_193 : vector<16xf32>
      %parallel_loop3A_199 = arith.constant 1.500000e+00 : f32
      %parallel_loop3A_200 = vector.broadcast %parallel_loop3A_199 : f32 to vector<16xf32>
      %parallel_loop3A_201 = arith.subf %parallel_loop3A_200, %parallel_loop3A_198 : vector<16xf32>
      %parallel_loop3A_202 = arith.mulf %parallel_loop3A_193, %parallel_loop3A_201 : vector<16xf32>
      %parallel_loop3A_203 = arith.mulf %parallel_loop3A_176, %parallel_loop3A_202 : vector<16xf32>
      %parallel_loop3A_204 = arith.constant -1.000000e-01 : f32
      %parallel_loop3A_205 = vector.broadcast %parallel_loop3A_204 : f32 to vector<16xf32>
      %parallel_loop3A_206 = arith.mulf %parallel_loop3A_205, %parallel_loop3A_203 : vector<16xf32>
      %parallel_loop3A_207 = arith.constant 1.44269502 : f32
      %parallel_loop3A_208 = vector.broadcast %parallel_loop3A_207 : f32 to vector<16xf32>
      %parallel_loop3A_209 = arith.mulf %parallel_loop3A_206, %parallel_loop3A_208 : vector<16xf32>
      %parallel_loop3A_210 = arith.constant 5.000000e-01 : f32
      %parallel_loop3A_211 = vector.broadcast %parallel_loop3A_210 : f32 to vector<16xf32>
      %parallel_loop3A_212 = arith.addf %parallel_loop3A_209, %parallel_loop3A_211 : vector<16xf32>
      %parallel_loop3A_213 = arith.fptosi %parallel_loop3A_212 : vector<16xf32> to vector<16xi32>
      %parallel_loop3A_214 = arith.sitofp %parallel_loop3A_213 : vector<16xi32> to vector<16xf32>
      %parallel_loop3A_215 = arith.cmpf olt, %parallel_loop3A_212, %parallel_loop3A_214 : vector<16xf32>
      %parallel_loop3A_216 = arith.constant 1 : i32
      %parallel_loop3A_217 = arith.constant 0 : i32
      %parallel_loop3A_218 = vector.broadcast %parallel_loop3A_216 : i32 to vector<16xi32>
      %parallel_loop3A_219 = vector.broadcast %parallel_loop3A_217 : i32 to vector<16xi32>
      %parallel_loop3A_220 = arith.select %parallel_loop3A_215, %parallel_loop3A_218, %parallel_loop3A_219 : vector<16xi1>, vector<16xi32>
      %parallel_loop3A_221 = arith.subi %parallel_loop3A_213, %parallel_loop3A_220 : vector<16xi32>
      %parallel_loop3A_222 = arith.sitofp %parallel_loop3A_221 : vector<16xi32> to vector<16xf32>
      %parallel_loop3A_223 = arith.subf %parallel_loop3A_209, %parallel_loop3A_222 : vector<16xf32>
      %parallel_loop3A_224 = arith.constant 0.693147182 : f32
      %parallel_loop3A_225 = vector.broadcast %parallel_loop3A_224 : f32 to vector<16xf32>
      %parallel_loop3A_226 = arith.mulf %parallel_loop3A_223, %parallel_loop3A_225 : vector<16xf32>
      %parallel_loop3A_227 = arith.constant 0.00833333377 : f32
      %parallel_loop3A_228 = vector.broadcast %parallel_loop3A_227 : f32 to vector<16xf32>
      %parallel_loop3A_229 = arith.mulf %parallel_loop3A_228, %parallel_loop3A_226 : vector<16xf32>
      %parallel_loop3A_230 = arith.constant 0.0416666679 : f32
      %parallel_loop3A_231 = vector.broadcast %parallel_loop3A_230 : f32 to vector<16xf32>
      %parallel_loop3A_232 = arith.addf %parallel_loop3A_229, %parallel_loop3A_231 : vector<16xf32>
      %parallel_loop3A_233 = arith.mulf %parallel_loop3A_232, %parallel_loop3A_226 : vector<16xf32>
      %parallel_loop3A_234 = arith.constant 0.166666672 : f32
      %parallel_loop3A_235 = vector.broadcast %parallel_loop3A_234 : f32 to vector<16xf32>
      %parallel_loop3A_236 = arith.addf %parallel_loop3A_233, %parallel_loop3A_235 : vector<16xf32>
      %parallel_loop3A_237 = arith.mulf %parallel_loop3A_236, %parallel_loop3A_226 : vector<16xf32>
      %parallel_loop3A_238 = arith.constant 5.000000e-01 : f32
      %parallel_loop3A_239 = vector.broadcast %parallel_loop3A_238 : f32 to vector<16xf32>
      %parallel_loop3A_240 = arith.addf %parallel_loop3A_237, %parallel_loop3A_239 : vector<16xf32>
      %parallel_loop3A_241 = arith.mulf %parallel_loop3A_240, %parallel_loop3A_226 : vector<16xf32>
      %parallel_loop3A_242 = arith.constant 1.000000e+00 : f32
      %parallel_loop3A_243 = vector.broadcast %parallel_loop3A_242 : f32 to vector<16xf32>
      %parallel_loop3A_244 = arith.addf %parallel_loop3A_241, %parallel_loop3A_243 : vector<16xf32>
      %parallel_loop3A_245 = arith.mulf %parallel_loop3A_244, %parallel_loop3A_226 : vector<16xf32>
      %parallel_loop3A_246 = arith.constant 1.000000e+00 : f32
      %parallel_loop3A_247 = vector.broadcast %parallel_loop3A_246 : f32 to vector<16xf32>
      %parallel_loop3A_248 = arith.addf %parallel_loop3A_245, %parallel_loop3A_247 : vector<16xf32>
      %parallel_loop3A_249 = arith.constant -127 : i32
      %parallel_loop3A_250 = vector.broadcast %parallel_loop3A_249 : i32 to vector<16xi32>
      %parallel_loop3A_251 = arith.maxsi %parallel_loop3A_221, %parallel_loop3A_250 : vector<16xi32>
      %parallel_loop3A_252 = arith.constant 127 : i32
      %parallel_loop3A_253 = vector.broadcast %parallel_loop3A_252 : i32 to vector<16xi32>
      %parallel_loop3A_254 = arith.addi %parallel_loop3A_251, %parallel_loop3A_253 : vector<16xi32>
      %parallel_loop3A_255 = arith.constant 23 : i32
      %parallel_loop3A_256 = vector.broadcast %parallel_loop3A_255 : i32 to vector<16xi32>
      %parallel_loop3A_257 = arith.shli %parallel_loop3A_254, %parallel_loop3A_256 : vector<16xi32>
      %parallel_loop3A_258 = vector.bitcast %parallel_loop3A_257 : vector<16xi32> to vector<16xf32>
      %parallel_loop3A_259 = arith.mulf %parallel_loop3A_258, %parallel_loop3A_248 : vector<16xf32>
      %parallel_loop3A_260 = arith.mulf %parallel_loop3A_259, %parallel_loop3A_259 : vector<16xf32>
      %parallel_loop3A_261 = arith.mulf %parallel_loop3A_260, %parallel_loop3A_260 : vector<16xf32>
      %parallel_loop3A_262 = arith.mulf %parallel_loop3A_261, %parallel_loop3A_259 : vector<16xf32>
      %parallel_loop3A_263 = arith.constant 5.000000e+00 : f32
      %parallel_loop3A_264 = vector.broadcast %parallel_loop3A_263 : f32 to vector<16xf32>
      %parallel_loop3A_265 = arith.cmpf ole, %parallel_loop3A_203, %parallel_loop3A_264 : vector<16xf32>
      %parallel_loop3A_266 = arith.mulf %parallel_loop3A_262, %parallel_loop3A_262 : vector<16xf32>
      %parallel_loop3A_267 = arith.constant 0.000000e+00 : f32
      %parallel_loop3A_268 = vector.broadcast %parallel_loop3A_267 : f32 to vector<16xf32>
      %parallel_loop3A_269 = arith.select %parallel_loop3A_265, %parallel_loop3A_266, %parallel_loop3A_268 : vector<16xi1>, vector<16xf32>
      %parallel_loop3A_270 = arith.index_cast %parallel_loop3A_141 : i32 to index
      %parallel_loop3A_271 = tpu.vector_load %arg17[%parallel_loop3A_270] {strides = array<i32>} : memref<5008xf32, #tpu.memory_space<vmem>>, vector<16xf32>,
      tpu.vector_store %arg17[%parallel_loop3A_270], %parallel_loop3A_269 {strides = array<i32>} : memref<5008xf32, #tpu.memory_space<vmem>>, vector<16xf32>,
      tpu.vector_store_idx %arg16[%parallel_loop3A_143], %parallel_loop3A_259 {add = true} : memref<10240xf32, #tpu.memory_space<vmem>>[vector<16xi32>], vector<16xf32>,
      tpu.vector_store_idx %arg16[%parallel_loop3A_145], %parallel_loop3A_259 {add = true} : memref<10240xf32, #tpu.memory_space<vmem>>[vector<16xi32>], vector<16xf32>,
      %parallel_loop3A_272 = arith.constant 2560 : i32
      %parallel_loop3A_273 = vector.broadcast %parallel_loop3A_272 : i32 to vector<16xi32>
      %parallel_loop3A_274 = arith.cmpi slt, %parallel_loop3A_143, %parallel_loop3A_273 : vector<16xi32>
      %parallel_loop3A_275 = arith.constant 2560 : i32
      %parallel_loop3A_276 = vector.broadcast %parallel_loop3A_275 : i32 to vector<16xi32>
      %parallel_loop3A_277 = arith.cmpi slt, %parallel_loop3A_145, %parallel_loop3A_276 : vector<16xi32>
      %parallel_loop3A_278 = arith.constant 0 : i32
      %parallel_loop3A_279 = vector.broadcast %parallel_loop3A_278 : i32 to vector<16xi32>
      %parallel_loop3A_280 = arith.select %parallel_loop3A_274, %parallel_loop3A_143, %parallel_loop3A_279 : vector<16xi1>, vector<16xi32>
      tpu.vector_store_idx %arg18[%parallel_loop3A_147, %parallel_loop3A_280], %parallel_loop3A_269 masked %parallel_loop3A_274 {add = true} : memref<10x2560xf32, #tpu.memory_space<vmem>>[vector<16xi32>, vector<16xi32>], vector<16xf32>, vector<16xi1>
      %parallel_loop3A_281 = arith.constant 0 : i32
      %parallel_loop3A_282 = vector.broadcast %parallel_loop3A_281 : i32 to vector<16xi32>
      %parallel_loop3A_283 = arith.select %parallel_loop3A_277, %parallel_loop3A_145, %parallel_loop3A_282 : vector<16xi1>, vector<16xi32>
      tpu.vector_store_idx %arg18[%parallel_loop3A_146, %parallel_loop3A_283], %parallel_loop3A_269 masked %parallel_loop3A_277 {add = true} : memref<10x2560xf32, #tpu.memory_space<vmem>>[vector<16xi32>, vector<16xi32>], vector<16xf32>, vector<16xi1>
    } {sc.loop_unroll_factor = 6 : i64, sc.parallel_access}
    "tpu.region"() ({
      %run_scoped3A_141 = tpu.sem_alloc : memref<!tpu.dma_semaphore, #tpu.memory_space<semaphore_mem>>
      %dma_start3A = arith.constant 0 : i32
      %dma_start3A_142 = tpu.memref_slice %arg8[%add3A, %dma_start3A] : memref<32x10240xf32, #tpu.memory_space<hbm>> -> memref<1x10240xf32, #tpu.memory_space<hbm>>
      %dma_start3A_143 = tpu.memref_squeeze %dma_start3A_142 : memref<1x10240xf32, #tpu.memory_space<hbm>> -> memref<10240xf32, #tpu.memory_space<hbm>>
      %dma_start3A_144 = arith.constant 0 : i32
      %dma_start3A_145 = tpu.memref_slice %arg8[%add3A, %dma_start3A_144] : memref<32x10240xf32, #tpu.memory_space<hbm>> -> memref<1x10240xf32, #tpu.memory_space<hbm>>
      %dma_start3A_146 = tpu.memref_squeeze %dma_start3A_145 : memref<1x10240xf32, #tpu.memory_space<hbm>> -> memref<10240xf32, #tpu.memory_space<hbm>>
      tpu.enqueue_dma source(%arg16 : memref<10240xf32, #tpu.memory_space<vmem>>) target(%dma_start3A_146 : memref<10240xf32, #tpu.memory_space<hbm>>) target_semaphore(%run_scoped3A_141 : memref<!tpu.dma_semaphore, #tpu.memory_space<semaphore_mem>>)
      %dma_wait3A = arith.constant 0 : i32
      %dma_wait3A_147 = tpu.memref_slice %arg8[%add3A, %dma_wait3A] : memref<32x10240xf32, #tpu.memory_space<hbm>> -> memref<1x10240xf32, #tpu.memory_space<hbm>>
      %dma_wait3A_148 = tpu.memref_squeeze %dma_wait3A_147 : memref<1x10240xf32, #tpu.memory_space<hbm>> -> memref<10240xf32, #tpu.memory_space<hbm>>
      %dma_wait3A_149 = arith.constant 0 : i32
      %dma_wait3A_150 = tpu.memref_slice %arg8[%add3A, %dma_wait3A_149] : memref<32x10240xf32, #tpu.memory_space<hbm>> -> memref<1x10240xf32, #tpu.memory_space<hbm>>
      %dma_wait3A_151 = tpu.memref_squeeze %dma_wait3A_150 : memref<1x10240xf32, #tpu.memory_space<hbm>> -> memref<10240xf32, #tpu.memory_space<hbm>>
      tpu.wait_dma2 semaphore(%run_scoped3A_141 : memref<!tpu.dma_semaphore, #tpu.memory_space<semaphore_mem>>) src(%arg16 : memref<10240xf32, #tpu.memory_space<vmem>>) dst(%dma_wait3A_151 : memref<10240xf32, #tpu.memory_space<hbm>>)
      tpu.yield
    }) : () -> ()
    %run_scoped3A = arith.constant 0 : i32
    "tpu.region"() ({
      %run_scoped3A_141 = tpu.sem_alloc : memref<!tpu.dma_semaphore, #tpu.memory_space<semaphore_mem>>
      %dma_start3A = arith.constant 0 : i32
      %dma_start3A_142 = arith.constant 0 : i32
      %dma_start3A_143 = tpu.memref_slice %arg9[%add3A, %run_scoped3A, %dma_start3A, %dma_start3A_142] : memref<32x4x10x2560xf32, #tpu.memory_space<hbm>> -> memref<1x1x10x2560xf32, #tpu.memory_space<hbm>>
      %dma_start3A_144 = tpu.memref_squeeze %dma_start3A_143 : memref<1x1x10x2560xf32, #tpu.memory_space<hbm>> -> memref<10x2560xf32, #tpu.memory_space<hbm>>
      %dma_start3A_145 = arith.constant 0 : i32
      %dma_start3A_146 = arith.constant 0 : i32
      %dma_start3A_147 = tpu.memref_slice %arg9[%add3A, %run_scoped3A, %dma_start3A_145, %dma_start3A_146] : memref<32x4x10x2560xf32, #tpu.memory_space<hbm>> -> memref<1x1x10x2560xf32, #tpu.memory_space<hbm>>
      %dma_start3A_148 = tpu.memref_squeeze %dma_start3A_147 : memref<1x1x10x2560xf32, #tpu.memory_space<hbm>> -> memref<10x2560xf32, #tpu.memory_space<hbm>>
      tpu.enqueue_dma source(%arg18 : memref<10x2560xf32, #tpu.memory_space<vmem>>) target(%dma_start3A_148 : memref<10x2560xf32, #tpu.memory_space<hbm>>) target_semaphore(%run_scoped3A_141 : memref<!tpu.dma_semaphore, #tpu.memory_space<semaphore_mem>>)
      %dma_wait3A = arith.constant 0 : i32
      %dma_wait3A_149 = arith.constant 0 : i32
      %dma_wait3A_150 = tpu.memref_slice %arg9[%add3A, %run_scoped3A, %dma_wait3A, %dma_wait3A_149] : memref<32x4x10x2560xf32, #tpu.memory_space<hbm>> -> memref<1x1x10x2560xf32, #tpu.memory_space<hbm>>
      %dma_wait3A_151 = tpu.memref_squeeze %dma_wait3A_150 : memref<1x1x10x2560xf32, #tpu.memory_space<hbm>> -> memref<10x2560xf32, #tpu.memory_space<hbm>>
      %dma_wait3A_152 = arith.constant 0 : i32
      %dma_wait3A_153 = arith.constant 0 : i32
      %dma_wait3A_154 = tpu.memref_slice %arg9[%add3A, %run_scoped3A, %dma_wait3A_152, %dma_wait3A_153] : memref<32x4x10x2560xf32, #tpu.memory_space<hbm>> -> memref<1x1x10x2560xf32, #tpu.memory_space<hbm>>
      %dma_wait3A_155 = tpu.memref_squeeze %dma_wait3A_154 : memref<1x1x10x2560xf32, #tpu.memory_space<hbm>> -> memref<10x2560xf32, #tpu.memory_space<hbm>>
      tpu.wait_dma2 semaphore(%run_scoped3A_141 : memref<!tpu.dma_semaphore, #tpu.memory_space<semaphore_mem>>) src(%arg18 : memref<10x2560xf32, #tpu.memory_space<vmem>>) dst(%dma_wait3A_155 : memref<10x2560xf32, #tpu.memory_space<hbm>>)
      tpu.yield
    }) : () -> ()
    %parallel_loop3A_39 = arith.constant 0 : i32
    %parallel_loop3A_40 = arith.constant 2560 : i32
    %parallel_loop3A_41 = arith.constant 16 : i32
    scf.for %parallel_loop3A_141 = %parallel_loop3A_39 to %parallel_loop3A_40 step %parallel_loop3A_41  : i32 {
      %parallel_loop3A_142 = arith.constant 0 : i32
      %parallel_loop3A_143 = arith.index_cast %parallel_loop3A_142 : i32 to index
      %parallel_loop3A_144 = arith.index_cast %parallel_loop3A_141 : i32 to index
      %parallel_loop3A_145 = tpu.vector_load %arg18[%parallel_loop3A_143, %parallel_loop3A_144] {strides = array<i32>} : memref<10x2560xf32, #tpu.memory_space<vmem>>, vector<16xf32>,
      tpu.vector_store %arg18[%parallel_loop3A_143, %parallel_loop3A_144], %broadcast_in_dim3A_3 {strides = array<i32>} : memref<10x2560xf32, #tpu.memory_space<vmem>>, vector<16xf32>,
    } {sc.loop_unroll_factor = 8 : i64, sc.parallel_access}
    %parallel_loop3A_42 = arith.constant 0 : i32
    %parallel_loop3A_43 = arith.constant 2560 : i32
    %parallel_loop3A_44 = arith.constant 16 : i32
    scf.for %parallel_loop3A_141 = %parallel_loop3A_42 to %parallel_loop3A_43 step %parallel_loop3A_44  : i32 {
      %parallel_loop3A_142 = arith.constant 1 : i32
      %parallel_loop3A_143 = arith.index_cast %parallel_loop3A_142 : i32 to index
      %parallel_loop3A_144 = arith.index_cast %parallel_loop3A_141 : i32 to index
      %parallel_loop3A_145 = tpu.vector_load %arg18[%parallel_loop3A_143, %parallel_loop3A_144] {strides = array<i32>} : memref<10x2560xf32, #tpu.memory_space<vmem>>, vector<16xf32>,
      tpu.vector_store %arg18[%parallel_loop3A_143, %parallel_loop3A_144], %broadcast_in_dim3A_3 {strides = array<i32>} : memref<10x2560xf32, #tpu.memory_space<vmem>>, vector<16xf32>,
    } {sc.loop_unroll_factor = 8 : i64, sc.parallel_access}
    %parallel_loop3A_45 = arith.constant 0 : i32
    %parallel_loop3A_46 = arith.constant 2560 : i32
    %parallel_loop3A_47 = arith.constant 16 : i32
    scf.for %parallel_loop3A_141 = %parallel_loop3A_45 to %parallel_loop3A_46 step %parallel_loop3A_47  : i32 {
      %parallel_loop3A_142 = arith.constant 2 : i32
      %parallel_loop3A_143 = arith.index_cast %parallel_loop3A_142 : i32 to index
      %parallel_loop3A_144 = arith.index_cast %parallel_loop3A_141 : i32 to index
      %parallel_loop3A_145 = tpu.vector_load %arg18[%parallel_loop3A_143, %parallel_loop3A_144] {strides = array<i32>} : memref<10x2560xf32, #tpu.memory_space<vmem>>, vector<16xf32>,
      tpu.vector_store %arg18[%parallel_loop3A_143, %parallel_loop3A_144], %broadcast_in_dim3A_3 {strides = array<i32>} : memref<10x2560xf32, #tpu.memory_space<vmem>>, vector<16xf32>,
    } {sc.loop_unroll_factor = 8 : i64, sc.parallel_access}
    %parallel_loop3A_48 = arith.constant 0 : i32
    %parallel_loop3A_49 = arith.constant 2560 : i32
    %parallel_loop3A_50 = arith.constant 16 : i32
    scf.for %parallel_loop3A_141 = %parallel_loop3A_48 to %parallel_loop3A_49 step %parallel_loop3A_50  : i32 {
      %parallel_loop3A_142 = arith.constant 3 : i32
      %parallel_loop3A_143 = arith.index_cast %parallel_loop3A_142 : i32 to index
      %parallel_loop3A_144 = arith.index_cast %parallel_loop3A_141 : i32 to index
      %parallel_loop3A_145 = tpu.vector_load %arg18[%parallel_loop3A_143, %parallel_loop3A_144] {strides = array<i32>} : memref<10x2560xf32, #tpu.memory_space<vmem>>, vector<16xf32>,
      tpu.vector_store %arg18[%parallel_loop3A_143, %parallel_loop3A_144], %broadcast_in_dim3A_3 {strides = array<i32>} : memref<10x2560xf32, #tpu.memory_space<vmem>>, vector<16xf32>,
    } {sc.loop_unroll_factor = 8 : i64, sc.parallel_access}
    %parallel_loop3A_51 = arith.constant 0 : i32
    %parallel_loop3A_52 = arith.constant 2560 : i32
    %parallel_loop3A_53 = arith.constant 16 : i32
    scf.for %parallel_loop3A_141 = %parallel_loop3A_51 to %parallel_loop3A_52 step %parallel_loop3A_53  : i32 {
      %parallel_loop3A_142 = arith.constant 4 : i32
      %parallel_loop3A_143 = arith.index_cast %parallel_loop3A_142 : i32 to index
      %parallel_loop3A_144 = arith.index_cast %parallel_loop3A_141 : i32 to index
      %parallel_loop3A_145 = tpu.vector_load %arg18[%parallel_loop3A_143, %parallel_loop3A_144] {strides = array<i32>} : memref<10x2560xf32, #tpu.memory_space<vmem>>, vector<16xf32>,
      tpu.vector_store %arg18[%parallel_loop3A_143, %parallel_loop3A_144], %broadcast_in_dim3A_3 {strides = array<i32>} : memref<10x2560xf32, #tpu.memory_space<vmem>>, vector<16xf32>,
    } {sc.loop_unroll_factor = 8 : i64, sc.parallel_access}
    %parallel_loop3A_54 = arith.constant 0 : i32
    %parallel_loop3A_55 = arith.constant 2560 : i32
    %parallel_loop3A_56 = arith.constant 16 : i32
    scf.for %parallel_loop3A_141 = %parallel_loop3A_54 to %parallel_loop3A_55 step %parallel_loop3A_56  : i32 {
      %parallel_loop3A_142 = arith.constant 5 : i32
      %parallel_loop3A_143 = arith.index_cast %parallel_loop3A_142 : i32 to index
      %parallel_loop3A_144 = arith.index_cast %parallel_loop3A_141 : i32 to index
      %parallel_loop3A_145 = tpu.vector_load %arg18[%parallel_loop3A_143, %parallel_loop3A_144] {strides = array<i32>} : memref<10x2560xf32, #tpu.memory_space<vmem>>, vector<16xf32>,
      tpu.vector_store %arg18[%parallel_loop3A_143, %parallel_loop3A_144], %broadcast_in_dim3A_3 {strides = array<i32>} : memref<10x2560xf32, #tpu.memory_space<vmem>>, vector<16xf32>,
    } {sc.loop_unroll_factor = 8 : i64, sc.parallel_access}
    %parallel_loop3A_57 = arith.constant 0 : i32
    %parallel_loop3A_58 = arith.constant 2560 : i32
    %parallel_loop3A_59 = arith.constant 16 : i32
    scf.for %parallel_loop3A_141 = %parallel_loop3A_57 to %parallel_loop3A_58 step %parallel_loop3A_59  : i32 {
      %parallel_loop3A_142 = arith.constant 6 : i32
      %parallel_loop3A_143 = arith.index_cast %parallel_loop3A_142 : i32 to index
      %parallel_loop3A_144 = arith.index_cast %parallel_loop3A_141 : i32 to index
      %parallel_loop3A_145 = tpu.vector_load %arg18[%parallel_loop3A_143, %parallel_loop3A_144] {strides = array<i32>} : memref<10x2560xf32, #tpu.memory_space<vmem>>, vector<16xf32>,
      tpu.vector_store %arg18[%parallel_loop3A_143, %parallel_loop3A_144], %broadcast_in_dim3A_3 {strides = array<i32>} : memref<10x2560xf32, #tpu.memory_space<vmem>>, vector<16xf32>,
    } {sc.loop_unroll_factor = 8 : i64, sc.parallel_access}
    %parallel_loop3A_60 = arith.constant 0 : i32
    %parallel_loop3A_61 = arith.constant 2560 : i32
    %parallel_loop3A_62 = arith.constant 16 : i32
    scf.for %parallel_loop3A_141 = %parallel_loop3A_60 to %parallel_loop3A_61 step %parallel_loop3A_62  : i32 {
      %parallel_loop3A_142 = arith.constant 7 : i32
      %parallel_loop3A_143 = arith.index_cast %parallel_loop3A_142 : i32 to index
      %parallel_loop3A_144 = arith.index_cast %parallel_loop3A_141 : i32 to index
      %parallel_loop3A_145 = tpu.vector_load %arg18[%parallel_loop3A_143, %parallel_loop3A_144] {strides = array<i32>} : memref<10x2560xf32, #tpu.memory_space<vmem>>, vector<16xf32>,
      tpu.vector_store %arg18[%parallel_loop3A_143, %parallel_loop3A_144], %broadcast_in_dim3A_3 {strides = array<i32>} : memref<10x2560xf32, #tpu.memory_space<vmem>>, vector<16xf32>,
    } {sc.loop_unroll_factor = 8 : i64, sc.parallel_access}
    %parallel_loop3A_63 = arith.constant 0 : i32
    %parallel_loop3A_64 = arith.constant 2560 : i32
    %parallel_loop3A_65 = arith.constant 16 : i32
    scf.for %parallel_loop3A_141 = %parallel_loop3A_63 to %parallel_loop3A_64 step %parallel_loop3A_65  : i32 {
      %parallel_loop3A_142 = arith.constant 8 : i32
      %parallel_loop3A_143 = arith.index_cast %parallel_loop3A_142 : i32 to index
      %parallel_loop3A_144 = arith.index_cast %parallel_loop3A_141 : i32 to index
      %parallel_loop3A_145 = tpu.vector_load %arg18[%parallel_loop3A_143, %parallel_loop3A_144] {strides = array<i32>} : memref<10x2560xf32, #tpu.memory_space<vmem>>, vector<16xf32>,
      tpu.vector_store %arg18[%parallel_loop3A_143, %parallel_loop3A_144], %broadcast_in_dim3A_3 {strides = array<i32>} : memref<10x2560xf32, #tpu.memory_space<vmem>>, vector<16xf32>,
    } {sc.loop_unroll_factor = 8 : i64, sc.parallel_access}
    %parallel_loop3A_66 = arith.constant 0 : i32
    %parallel_loop3A_67 = arith.constant 2560 : i32
    %parallel_loop3A_68 = arith.constant 16 : i32
    scf.for %parallel_loop3A_141 = %parallel_loop3A_66 to %parallel_loop3A_67 step %parallel_loop3A_68  : i32 {
      %parallel_loop3A_142 = arith.constant 9 : i32
      %parallel_loop3A_143 = arith.index_cast %parallel_loop3A_142 : i32 to index
      %parallel_loop3A_144 = arith.index_cast %parallel_loop3A_141 : i32 to index
      %parallel_loop3A_145 = tpu.vector_load %arg18[%parallel_loop3A_143, %parallel_loop3A_144] {strides = array<i32>} : memref<10x2560xf32, #tpu.memory_space<vmem>>, vector<16xf32>,
      tpu.vector_store %arg18[%parallel_loop3A_143, %parallel_loop3A_144], %broadcast_in_dim3A_3 {strides = array<i32>} : memref<10x2560xf32, #tpu.memory_space<vmem>>, vector<16xf32>,
    } {sc.loop_unroll_factor = 8 : i64, sc.parallel_access}
    %parallel_loop3A_69 = arith.constant 0 : i32
    %parallel_loop3A_70 = arith.constant 5008 : i32
    %parallel_loop3A_71 = arith.constant 16 : i32
    scf.for %parallel_loop3A_141 = %parallel_loop3A_69 to %parallel_loop3A_70 step %parallel_loop3A_71  : i32 {
      %parallel_loop3A_142 = arith.index_cast %parallel_loop3A_141 : i32 to index
      %parallel_loop3A_143 = tpu.vector_load %arg14[%parallel_loop3A_142] {strides = array<i32>} : memref<5008xi32, #tpu.memory_space<vmem>>, vector<16xi32>,
      %parallel_loop3A_144 = arith.index_cast %parallel_loop3A_141 : i32 to index
      %parallel_loop3A_145 = tpu.vector_load %arg15[%parallel_loop3A_144] {strides = array<i32>} : memref<5008xi32, #tpu.memory_space<vmem>>, vector<16xi32>,
      %parallel_loop3A_146 = arith.index_cast %parallel_loop3A_141 : i32 to index
      %parallel_loop3A_147 = tpu.vector_load %arg17[%parallel_loop3A_146] {strides = array<i32>} : memref<5008xf32, #tpu.memory_space<vmem>>, vector<16xf32>,
      %parallel_loop3A_148 = arith.constant 1048575 : i32
      %parallel_loop3A_149 = vector.broadcast %parallel_loop3A_148 : i32 to vector<16xi32>
      %parallel_loop3A_150 = arith.andi %parallel_loop3A_143, %parallel_loop3A_149 : vector<16xi32>
      %parallel_loop3A_151 = arith.constant 2560 : i32
      %parallel_loop3A_152 = vector.broadcast %parallel_loop3A_151 : i32 to vector<16xi32>
      %parallel_loop3A_153 = arith.subi %parallel_loop3A_150, %parallel_loop3A_152 : vector<16xi32>
      %parallel_loop3A_154 = arith.constant 1048575 : i32
      %parallel_loop3A_155 = vector.broadcast %parallel_loop3A_154 : i32 to vector<16xi32>
      %parallel_loop3A_156 = arith.andi %parallel_loop3A_145, %parallel_loop3A_155 : vector<16xi32>
      %parallel_loop3A_157 = arith.constant 2560 : i32
      %parallel_loop3A_158 = vector.broadcast %parallel_loop3A_157 : i32 to vector<16xi32>
      %parallel_loop3A_159 = arith.subi %parallel_loop3A_156, %parallel_loop3A_158 : vector<16xi32>
      %parallel_loop3A_160 = arith.constant 20 : i32
      %parallel_loop3A_161 = vector.broadcast %parallel_loop3A_160 : i32 to vector<16xi32>
      %parallel_loop3A_162 = arith.shrsi %parallel_loop3A_143, %parallel_loop3A_161 : vector<16xi32>
      %parallel_loop3A_163 = arith.constant 20 : i32
      %parallel_loop3A_164 = vector.broadcast %parallel_loop3A_163 : i32 to vector<16xi32>
      %parallel_loop3A_165 = arith.shrsi %parallel_loop3A_145, %parallel_loop3A_164 : vector<16xi32>
      %parallel_loop3A_166 = arith.constant 0 : i32
      %parallel_loop3A_167 = vector.broadcast %parallel_loop3A_166 : i32 to vector<16xi32>
      %parallel_loop3A_168 = arith.cmpi sge, %parallel_loop3A_153, %parallel_loop3A_167 : vector<16xi32>
      %parallel_loop3A_169 = arith.constant 2560 : i32
      %parallel_loop3A_170 = vector.broadcast %parallel_loop3A_169 : i32 to vector<16xi32>
      %parallel_loop3A_171 = arith.cmpi slt, %parallel_loop3A_153, %parallel_loop3A_170 : vector<16xi32>
      %parallel_loop3A_172 = arith.andi %parallel_loop3A_168, %parallel_loop3A_171 : vector<16xi1>
      %parallel_loop3A_173 = arith.constant 0 : i32
      %parallel_loop3A_174 = vector.broadcast %parallel_loop3A_173 : i32 to vector<16xi32>
      %parallel_loop3A_175 = arith.cmpi sge, %parallel_loop3A_159, %parallel_loop3A_174 : vector<16xi32>
      %parallel_loop3A_176 = arith.constant 2560 : i32
      %parallel_loop3A_177 = vector.broadcast %parallel_loop3A_176 : i32 to vector<16xi32>
      %parallel_loop3A_178 = arith.cmpi slt, %parallel_loop3A_159, %parallel_loop3A_177 : vector<16xi32>
      %parallel_loop3A_179 = arith.andi %parallel_loop3A_175, %parallel_loop3A_178 : vector<16xi1>
      %parallel_loop3A_180 = arith.constant 0 : i32
      %parallel_loop3A_181 = vector.broadcast %parallel_loop3A_180 : i32 to vector<16xi32>
      %parallel_loop3A_182 = arith.select %parallel_loop3A_172, %parallel_loop3A_153, %parallel_loop3A_181 : vector<16xi1>, vector<16xi32>
      tpu.vector_store_idx %arg18[%parallel_loop3A_162, %parallel_loop3A_182], %parallel_loop3A_147 masked %parallel_loop3A_172 {add = true} : memref<10x2560xf32, #tpu.memory_space<vmem>>[vector<16xi32>, vector<16xi32>], vector<16xf32>, vector<16xi1>
      %parallel_loop3A_183 = arith.constant 0 : i32
      %parallel_loop3A_184 = vector.broadcast %parallel_loop3A_183 : i32 to vector<16xi32>
      %parallel_loop3A_185 = arith.select %parallel_loop3A_179, %parallel_loop3A_159, %parallel_loop3A_184 : vector<16xi1>, vector<16xi32>
      tpu.vector_store_idx %arg18[%parallel_loop3A_165, %parallel_loop3A_185], %parallel_loop3A_147 masked %parallel_loop3A_179 {add = true} : memref<10x2560xf32, #tpu.memory_space<vmem>>[vector<16xi32>, vector<16xi32>], vector<16xf32>, vector<16xi1>
    } {sc.loop_unroll_factor = 8 : i64, sc.parallel_access}
    %run_scoped3A_72 = arith.constant 1 : i32
    "tpu.region"() ({
      %run_scoped3A_141 = tpu.sem_alloc : memref<!tpu.dma_semaphore, #tpu.memory_space<semaphore_mem>>
      %dma_start3A = arith.constant 0 : i32
      %dma_start3A_142 = arith.constant 0 : i32
      %dma_start3A_143 = tpu.memref_slice %arg9[%add3A, %run_scoped3A_72, %dma_start3A, %dma_start3A_142] : memref<32x4x10x2560xf32, #tpu.memory_space<hbm>> -> memref<1x1x10x2560xf32, #tpu.memory_space<hbm>>
      %dma_start3A_144 = tpu.memref_squeeze %dma_start3A_143 : memref<1x1x10x2560xf32, #tpu.memory_space<hbm>> -> memref<10x2560xf32, #tpu.memory_space<hbm>>
      %dma_start3A_145 = arith.constant 0 : i32
      %dma_start3A_146 = arith.constant 0 : i32
      %dma_start3A_147 = tpu.memref_slice %arg9[%add3A, %run_scoped3A_72, %dma_start3A_145, %dma_start3A_146] : memref<32x4x10x2560xf32, #tpu.memory_space<hbm>> -> memref<1x1x10x2560xf32, #tpu.memory_space<hbm>>
      %dma_start3A_148 = tpu.memref_squeeze %dma_start3A_147 : memref<1x1x10x2560xf32, #tpu.memory_space<hbm>> -> memref<10x2560xf32, #tpu.memory_space<hbm>>
      tpu.enqueue_dma source(%arg18 : memref<10x2560xf32, #tpu.memory_space<vmem>>) target(%dma_start3A_148 : memref<10x2560xf32, #tpu.memory_space<hbm>>) target_semaphore(%run_scoped3A_141 : memref<!tpu.dma_semaphore, #tpu.memory_space<semaphore_mem>>)
      %dma_wait3A = arith.constant 0 : i32
      %dma_wait3A_149 = arith.constant 0 : i32
      %dma_wait3A_150 = tpu.memref_slice %arg9[%add3A, %run_scoped3A_72, %dma_wait3A, %dma_wait3A_149] : memref<32x4x10x2560xf32, #tpu.memory_space<hbm>> -> memref<1x1x10x2560xf32, #tpu.memory_space<hbm>>
      %dma_wait3A_151 = tpu.memref_squeeze %dma_wait3A_150 : memref<1x1x10x2560xf32, #tpu.memory_space<hbm>> -> memref<10x2560xf32, #tpu.memory_space<hbm>>
      %dma_wait3A_152 = arith.constant 0 : i32
      %dma_wait3A_153 = arith.constant 0 : i32
      %dma_wait3A_154 = tpu.memref_slice %arg9[%add3A, %run_scoped3A_72, %dma_wait3A_152, %dma_wait3A_153] : memref<32x4x10x2560xf32, #tpu.memory_space<hbm>> -> memref<1x1x10x2560xf32, #tpu.memory_space<hbm>>
      %dma_wait3A_155 = tpu.memref_squeeze %dma_wait3A_154 : memref<1x1x10x2560xf32, #tpu.memory_space<hbm>> -> memref<10x2560xf32, #tpu.memory_space<hbm>>
      tpu.wait_dma2 semaphore(%run_scoped3A_141 : memref<!tpu.dma_semaphore, #tpu.memory_space<semaphore_mem>>) src(%arg18 : memref<10x2560xf32, #tpu.memory_space<vmem>>) dst(%dma_wait3A_155 : memref<10x2560xf32, #tpu.memory_space<hbm>>)
      tpu.yield
    }) : () -> ()
    %parallel_loop3A_73 = arith.constant 0 : i32
    %parallel_loop3A_74 = arith.constant 2560 : i32
    %parallel_loop3A_75 = arith.constant 16 : i32
    scf.for %parallel_loop3A_141 = %parallel_loop3A_73 to %parallel_loop3A_74 step %parallel_loop3A_75  : i32 {
      %parallel_loop3A_142 = arith.constant 0 : i32
      %parallel_loop3A_143 = arith.index_cast %parallel_loop3A_142 : i32 to index
      %parallel_loop3A_144 = arith.index_cast %parallel_loop3A_141 : i32 to index
      %parallel_loop3A_145 = tpu.vector_load %arg18[%parallel_loop3A_143, %parallel_loop3A_144] {strides = array<i32>} : memref<10x2560xf32, #tpu.memory_space<vmem>>, vector<16xf32>,
      tpu.vector_store %arg18[%parallel_loop3A_143, %parallel_loop3A_144], %broadcast_in_dim3A_3 {strides = array<i32>} : memref<10x2560xf32, #tpu.memory_space<vmem>>, vector<16xf32>,
    } {sc.loop_unroll_factor = 8 : i64, sc.parallel_access}
    %parallel_loop3A_76 = arith.constant 0 : i32
    %parallel_loop3A_77 = arith.constant 2560 : i32
    %parallel_loop3A_78 = arith.constant 16 : i32
    scf.for %parallel_loop3A_141 = %parallel_loop3A_76 to %parallel_loop3A_77 step %parallel_loop3A_78  : i32 {
      %parallel_loop3A_142 = arith.constant 1 : i32
      %parallel_loop3A_143 = arith.index_cast %parallel_loop3A_142 : i32 to index
      %parallel_loop3A_144 = arith.index_cast %parallel_loop3A_141 : i32 to index
      %parallel_loop3A_145 = tpu.vector_load %arg18[%parallel_loop3A_143, %parallel_loop3A_144] {strides = array<i32>} : memref<10x2560xf32, #tpu.memory_space<vmem>>, vector<16xf32>,
      tpu.vector_store %arg18[%parallel_loop3A_143, %parallel_loop3A_144], %broadcast_in_dim3A_3 {strides = array<i32>} : memref<10x2560xf32, #tpu.memory_space<vmem>>, vector<16xf32>,
    } {sc.loop_unroll_factor = 8 : i64, sc.parallel_access}
    %parallel_loop3A_79 = arith.constant 0 : i32
    %parallel_loop3A_80 = arith.constant 2560 : i32
    %parallel_loop3A_81 = arith.constant 16 : i32
    scf.for %parallel_loop3A_141 = %parallel_loop3A_79 to %parallel_loop3A_80 step %parallel_loop3A_81  : i32 {
      %parallel_loop3A_142 = arith.constant 2 : i32
      %parallel_loop3A_143 = arith.index_cast %parallel_loop3A_142 : i32 to index
      %parallel_loop3A_144 = arith.index_cast %parallel_loop3A_141 : i32 to index
      %parallel_loop3A_145 = tpu.vector_load %arg18[%parallel_loop3A_143, %parallel_loop3A_144] {strides = array<i32>} : memref<10x2560xf32, #tpu.memory_space<vmem>>, vector<16xf32>,
      tpu.vector_store %arg18[%parallel_loop3A_143, %parallel_loop3A_144], %broadcast_in_dim3A_3 {strides = array<i32>} : memref<10x2560xf32, #tpu.memory_space<vmem>>, vector<16xf32>,
    } {sc.loop_unroll_factor = 8 : i64, sc.parallel_access}
    %parallel_loop3A_82 = arith.constant 0 : i32
    %parallel_loop3A_83 = arith.constant 2560 : i32
    %parallel_loop3A_84 = arith.constant 16 : i32
    scf.for %parallel_loop3A_141 = %parallel_loop3A_82 to %parallel_loop3A_83 step %parallel_loop3A_84  : i32 {
      %parallel_loop3A_142 = arith.constant 3 : i32
      %parallel_loop3A_143 = arith.index_cast %parallel_loop3A_142 : i32 to index
      %parallel_loop3A_144 = arith.index_cast %parallel_loop3A_141 : i32 to index
      %parallel_loop3A_145 = tpu.vector_load %arg18[%parallel_loop3A_143, %parallel_loop3A_144] {strides = array<i32>} : memref<10x2560xf32, #tpu.memory_space<vmem>>, vector<16xf32>,
      tpu.vector_store %arg18[%parallel_loop3A_143, %parallel_loop3A_144], %broadcast_in_dim3A_3 {strides = array<i32>} : memref<10x2560xf32, #tpu.memory_space<vmem>>, vector<16xf32>,
    } {sc.loop_unroll_factor = 8 : i64, sc.parallel_access}
    %parallel_loop3A_85 = arith.constant 0 : i32
    %parallel_loop3A_86 = arith.constant 2560 : i32
    %parallel_loop3A_87 = arith.constant 16 : i32
    scf.for %parallel_loop3A_141 = %parallel_loop3A_85 to %parallel_loop3A_86 step %parallel_loop3A_87  : i32 {
      %parallel_loop3A_142 = arith.constant 4 : i32
      %parallel_loop3A_143 = arith.index_cast %parallel_loop3A_142 : i32 to index
      %parallel_loop3A_144 = arith.index_cast %parallel_loop3A_141 : i32 to index
      %parallel_loop3A_145 = tpu.vector_load %arg18[%parallel_loop3A_143, %parallel_loop3A_144] {strides = array<i32>} : memref<10x2560xf32, #tpu.memory_space<vmem>>, vector<16xf32>,
      tpu.vector_store %arg18[%parallel_loop3A_143, %parallel_loop3A_144], %broadcast_in_dim3A_3 {strides = array<i32>} : memref<10x2560xf32, #tpu.memory_space<vmem>>, vector<16xf32>,
    } {sc.loop_unroll_factor = 8 : i64, sc.parallel_access}
    %parallel_loop3A_88 = arith.constant 0 : i32
    %parallel_loop3A_89 = arith.constant 2560 : i32
    %parallel_loop3A_90 = arith.constant 16 : i32
    scf.for %parallel_loop3A_141 = %parallel_loop3A_88 to %parallel_loop3A_89 step %parallel_loop3A_90  : i32 {
      %parallel_loop3A_142 = arith.constant 5 : i32
      %parallel_loop3A_143 = arith.index_cast %parallel_loop3A_142 : i32 to index
      %parallel_loop3A_144 = arith.index_cast %parallel_loop3A_141 : i32 to index
      %parallel_loop3A_145 = tpu.vector_load %arg18[%parallel_loop3A_143, %parallel_loop3A_144] {strides = array<i32>} : memref<10x2560xf32, #tpu.memory_space<vmem>>, vector<16xf32>,
      tpu.vector_store %arg18[%parallel_loop3A_143, %parallel_loop3A_144], %broadcast_in_dim3A_3 {strides = array<i32>} : memref<10x2560xf32, #tpu.memory_space<vmem>>, vector<16xf32>,
    } {sc.loop_unroll_factor = 8 : i64, sc.parallel_access}
    %parallel_loop3A_91 = arith.constant 0 : i32
    %parallel_loop3A_92 = arith.constant 2560 : i32
    %parallel_loop3A_93 = arith.constant 16 : i32
    scf.for %parallel_loop3A_141 = %parallel_loop3A_91 to %parallel_loop3A_92 step %parallel_loop3A_93  : i32 {
      %parallel_loop3A_142 = arith.constant 6 : i32
      %parallel_loop3A_143 = arith.index_cast %parallel_loop3A_142 : i32 to index
      %parallel_loop3A_144 = arith.index_cast %parallel_loop3A_141 : i32 to index
      %parallel_loop3A_145 = tpu.vector_load %arg18[%parallel_loop3A_143, %parallel_loop3A_144] {strides = array<i32>} : memref<10x2560xf32, #tpu.memory_space<vmem>>, vector<16xf32>,
      tpu.vector_store %arg18[%parallel_loop3A_143, %parallel_loop3A_144], %broadcast_in_dim3A_3 {strides = array<i32>} : memref<10x2560xf32, #tpu.memory_space<vmem>>, vector<16xf32>,
    } {sc.loop_unroll_factor = 8 : i64, sc.parallel_access}
    %parallel_loop3A_94 = arith.constant 0 : i32
    %parallel_loop3A_95 = arith.constant 2560 : i32
    %parallel_loop3A_96 = arith.constant 16 : i32
    scf.for %parallel_loop3A_141 = %parallel_loop3A_94 to %parallel_loop3A_95 step %parallel_loop3A_96  : i32 {
      %parallel_loop3A_142 = arith.constant 7 : i32
      %parallel_loop3A_143 = arith.index_cast %parallel_loop3A_142 : i32 to index
      %parallel_loop3A_144 = arith.index_cast %parallel_loop3A_141 : i32 to index
      %parallel_loop3A_145 = tpu.vector_load %arg18[%parallel_loop3A_143, %parallel_loop3A_144] {strides = array<i32>} : memref<10x2560xf32, #tpu.memory_space<vmem>>, vector<16xf32>,
      tpu.vector_store %arg18[%parallel_loop3A_143, %parallel_loop3A_144], %broadcast_in_dim3A_3 {strides = array<i32>} : memref<10x2560xf32, #tpu.memory_space<vmem>>, vector<16xf32>,
    } {sc.loop_unroll_factor = 8 : i64, sc.parallel_access}
    %parallel_loop3A_97 = arith.constant 0 : i32
    %parallel_loop3A_98 = arith.constant 2560 : i32
    %parallel_loop3A_99 = arith.constant 16 : i32
    scf.for %parallel_loop3A_141 = %parallel_loop3A_97 to %parallel_loop3A_98 step %parallel_loop3A_99  : i32 {
      %parallel_loop3A_142 = arith.constant 8 : i32
      %parallel_loop3A_143 = arith.index_cast %parallel_loop3A_142 : i32 to index
      %parallel_loop3A_144 = arith.index_cast %parallel_loop3A_141 : i32 to index
      %parallel_loop3A_145 = tpu.vector_load %arg18[%parallel_loop3A_143, %parallel_loop3A_144] {strides = array<i32>} : memref<10x2560xf32, #tpu.memory_space<vmem>>, vector<16xf32>,
      tpu.vector_store %arg18[%parallel_loop3A_143, %parallel_loop3A_144], %broadcast_in_dim3A_3 {strides = array<i32>} : memref<10x2560xf32, #tpu.memory_space<vmem>>, vector<16xf32>,
    } {sc.loop_unroll_factor = 8 : i64, sc.parallel_access}
    %parallel_loop3A_100 = arith.constant 0 : i32
    %parallel_loop3A_101 = arith.constant 2560 : i32
    %parallel_loop3A_102 = arith.constant 16 : i32
    scf.for %parallel_loop3A_141 = %parallel_loop3A_100 to %parallel_loop3A_101 step %parallel_loop3A_102  : i32 {
      %parallel_loop3A_142 = arith.constant 9 : i32
      %parallel_loop3A_143 = arith.index_cast %parallel_loop3A_142 : i32 to index
      %parallel_loop3A_144 = arith.index_cast %parallel_loop3A_141 : i32 to index
      %parallel_loop3A_145 = tpu.vector_load %arg18[%parallel_loop3A_143, %parallel_loop3A_144] {strides = array<i32>} : memref<10x2560xf32, #tpu.memory_space<vmem>>, vector<16xf32>,
      tpu.vector_store %arg18[%parallel_loop3A_143, %parallel_loop3A_144], %broadcast_in_dim3A_3 {strides = array<i32>} : memref<10x2560xf32, #tpu.memory_space<vmem>>, vector<16xf32>,
    } {sc.loop_unroll_factor = 8 : i64, sc.parallel_access}
    %parallel_loop3A_103 = arith.constant 0 : i32
    %parallel_loop3A_104 = arith.constant 5008 : i32
    %parallel_loop3A_105 = arith.constant 16 : i32
    scf.for %parallel_loop3A_141 = %parallel_loop3A_103 to %parallel_loop3A_104 step %parallel_loop3A_105  : i32 {
      %parallel_loop3A_142 = arith.index_cast %parallel_loop3A_141 : i32 to index
      %parallel_loop3A_143 = tpu.vector_load %arg14[%parallel_loop3A_142] {strides = array<i32>} : memref<5008xi32, #tpu.memory_space<vmem>>, vector<16xi32>,
      %parallel_loop3A_144 = arith.index_cast %parallel_loop3A_141 : i32 to index
      %parallel_loop3A_145 = tpu.vector_load %arg15[%parallel_loop3A_144] {strides = array<i32>} : memref<5008xi32, #tpu.memory_space<vmem>>, vector<16xi32>,
      %parallel_loop3A_146 = arith.index_cast %parallel_loop3A_141 : i32 to index
      %parallel_loop3A_147 = tpu.vector_load %arg17[%parallel_loop3A_146] {strides = array<i32>} : memref<5008xf32, #tpu.memory_space<vmem>>, vector<16xf32>,
      %parallel_loop3A_148 = arith.constant 1048575 : i32
      %parallel_loop3A_149 = vector.broadcast %parallel_loop3A_148 : i32 to vector<16xi32>
      %parallel_loop3A_150 = arith.andi %parallel_loop3A_143, %parallel_loop3A_149 : vector<16xi32>
      %parallel_loop3A_151 = arith.constant 5120 : i32
      %parallel_loop3A_152 = vector.broadcast %parallel_loop3A_151 : i32 to vector<16xi32>
      %parallel_loop3A_153 = arith.subi %parallel_loop3A_150, %parallel_loop3A_152 : vector<16xi32>
      %parallel_loop3A_154 = arith.constant 1048575 : i32
      %parallel_loop3A_155 = vector.broadcast %parallel_loop3A_154 : i32 to vector<16xi32>
      %parallel_loop3A_156 = arith.andi %parallel_loop3A_145, %parallel_loop3A_155 : vector<16xi32>
      %parallel_loop3A_157 = arith.constant 5120 : i32
      %parallel_loop3A_158 = vector.broadcast %parallel_loop3A_157 : i32 to vector<16xi32>
      %parallel_loop3A_159 = arith.subi %parallel_loop3A_156, %parallel_loop3A_158 : vector<16xi32>
      %parallel_loop3A_160 = arith.constant 20 : i32
      %parallel_loop3A_161 = vector.broadcast %parallel_loop3A_160 : i32 to vector<16xi32>
      %parallel_loop3A_162 = arith.shrsi %parallel_loop3A_143, %parallel_loop3A_161 : vector<16xi32>
      %parallel_loop3A_163 = arith.constant 20 : i32
      %parallel_loop3A_164 = vector.broadcast %parallel_loop3A_163 : i32 to vector<16xi32>
      %parallel_loop3A_165 = arith.shrsi %parallel_loop3A_145, %parallel_loop3A_164 : vector<16xi32>
      %parallel_loop3A_166 = arith.constant 0 : i32
      %parallel_loop3A_167 = vector.broadcast %parallel_loop3A_166 : i32 to vector<16xi32>
      %parallel_loop3A_168 = arith.cmpi sge, %parallel_loop3A_153, %parallel_loop3A_167 : vector<16xi32>
      %parallel_loop3A_169 = arith.constant 2560 : i32
      %parallel_loop3A_170 = vector.broadcast %parallel_loop3A_169 : i32 to vector<16xi32>
      %parallel_loop3A_171 = arith.cmpi slt, %parallel_loop3A_153, %parallel_loop3A_170 : vector<16xi32>
      %parallel_loop3A_172 = arith.andi %parallel_loop3A_168, %parallel_loop3A_171 : vector<16xi1>
      %parallel_loop3A_173 = arith.constant 0 : i32
      %parallel_loop3A_174 = vector.broadcast %parallel_loop3A_173 : i32 to vector<16xi32>
      %parallel_loop3A_175 = arith.cmpi sge, %parallel_loop3A_159, %parallel_loop3A_174 : vector<16xi32>
      %parallel_loop3A_176 = arith.constant 2560 : i32
      %parallel_loop3A_177 = vector.broadcast %parallel_loop3A_176 : i32 to vector<16xi32>
      %parallel_loop3A_178 = arith.cmpi slt, %parallel_loop3A_159, %parallel_loop3A_177 : vector<16xi32>
      %parallel_loop3A_179 = arith.andi %parallel_loop3A_175, %parallel_loop3A_178 : vector<16xi1>
      %parallel_loop3A_180 = arith.constant 0 : i32
      %parallel_loop3A_181 = vector.broadcast %parallel_loop3A_180 : i32 to vector<16xi32>
      %parallel_loop3A_182 = arith.select %parallel_loop3A_172, %parallel_loop3A_153, %parallel_loop3A_181 : vector<16xi1>, vector<16xi32>
      tpu.vector_store_idx %arg18[%parallel_loop3A_162, %parallel_loop3A_182], %parallel_loop3A_147 masked %parallel_loop3A_172 {add = true} : memref<10x2560xf32, #tpu.memory_space<vmem>>[vector<16xi32>, vector<16xi32>], vector<16xf32>, vector<16xi1>
      %parallel_loop3A_183 = arith.constant 0 : i32
      %parallel_loop3A_184 = vector.broadcast %parallel_loop3A_183 : i32 to vector<16xi32>
      %parallel_loop3A_185 = arith.select %parallel_loop3A_179, %parallel_loop3A_159, %parallel_loop3A_184 : vector<16xi1>, vector<16xi32>
      tpu.vector_store_idx %arg18[%parallel_loop3A_165, %parallel_loop3A_185], %parallel_loop3A_147 masked %parallel_loop3A_179 {add = true} : memref<10x2560xf32, #tpu.memory_space<vmem>>[vector<16xi32>, vector<16xi32>], vector<16xf32>, vector<16xi1>
    } {sc.loop_unroll_factor = 8 : i64, sc.parallel_access}
    %run_scoped3A_106 = arith.constant 2 : i32
    "tpu.region"() ({
      %run_scoped3A_141 = tpu.sem_alloc : memref<!tpu.dma_semaphore, #tpu.memory_space<semaphore_mem>>
      %dma_start3A = arith.constant 0 : i32
      %dma_start3A_142 = arith.constant 0 : i32
      %dma_start3A_143 = tpu.memref_slice %arg9[%add3A, %run_scoped3A_106, %dma_start3A, %dma_start3A_142] : memref<32x4x10x2560xf32, #tpu.memory_space<hbm>> -> memref<1x1x10x2560xf32, #tpu.memory_space<hbm>>
      %dma_start3A_144 = tpu.memref_squeeze %dma_start3A_143 : memref<1x1x10x2560xf32, #tpu.memory_space<hbm>> -> memref<10x2560xf32, #tpu.memory_space<hbm>>
      %dma_start3A_145 = arith.constant 0 : i32
      %dma_start3A_146 = arith.constant 0 : i32
      %dma_start3A_147 = tpu.memref_slice %arg9[%add3A, %run_scoped3A_106, %dma_start3A_145, %dma_start3A_146] : memref<32x4x10x2560xf32, #tpu.memory_space<hbm>> -> memref<1x1x10x2560xf32, #tpu.memory_space<hbm>>
      %dma_start3A_148 = tpu.memref_squeeze %dma_start3A_147 : memref<1x1x10x2560xf32, #tpu.memory_space<hbm>> -> memref<10x2560xf32, #tpu.memory_space<hbm>>
      tpu.enqueue_dma source(%arg18 : memref<10x2560xf32, #tpu.memory_space<vmem>>) target(%dma_start3A_148 : memref<10x2560xf32, #tpu.memory_space<hbm>>) target_semaphore(%run_scoped3A_141 : memref<!tpu.dma_semaphore, #tpu.memory_space<semaphore_mem>>)
      %dma_wait3A = arith.constant 0 : i32
      %dma_wait3A_149 = arith.constant 0 : i32
      %dma_wait3A_150 = tpu.memref_slice %arg9[%add3A, %run_scoped3A_106, %dma_wait3A, %dma_wait3A_149] : memref<32x4x10x2560xf32, #tpu.memory_space<hbm>> -> memref<1x1x10x2560xf32, #tpu.memory_space<hbm>>
      %dma_wait3A_151 = tpu.memref_squeeze %dma_wait3A_150 : memref<1x1x10x2560xf32, #tpu.memory_space<hbm>> -> memref<10x2560xf32, #tpu.memory_space<hbm>>
      %dma_wait3A_152 = arith.constant 0 : i32
      %dma_wait3A_153 = arith.constant 0 : i32
      %dma_wait3A_154 = tpu.memref_slice %arg9[%add3A, %run_scoped3A_106, %dma_wait3A_152, %dma_wait3A_153] : memref<32x4x10x2560xf32, #tpu.memory_space<hbm>> -> memref<1x1x10x2560xf32, #tpu.memory_space<hbm>>
      %dma_wait3A_155 = tpu.memref_squeeze %dma_wait3A_154 : memref<1x1x10x2560xf32, #tpu.memory_space<hbm>> -> memref<10x2560xf32, #tpu.memory_space<hbm>>
      tpu.wait_dma2 semaphore(%run_scoped3A_141 : memref<!tpu.dma_semaphore, #tpu.memory_space<semaphore_mem>>) src(%arg18 : memref<10x2560xf32, #tpu.memory_space<vmem>>) dst(%dma_wait3A_155 : memref<10x2560xf32, #tpu.memory_space<hbm>>)
      tpu.yield
    }) : () -> ()
    %parallel_loop3A_107 = arith.constant 0 : i32
    %parallel_loop3A_108 = arith.constant 2560 : i32
    %parallel_loop3A_109 = arith.constant 16 : i32
    scf.for %parallel_loop3A_141 = %parallel_loop3A_107 to %parallel_loop3A_108 step %parallel_loop3A_109  : i32 {
      %parallel_loop3A_142 = arith.constant 0 : i32
      %parallel_loop3A_143 = arith.index_cast %parallel_loop3A_142 : i32 to index
      %parallel_loop3A_144 = arith.index_cast %parallel_loop3A_141 : i32 to index
      %parallel_loop3A_145 = tpu.vector_load %arg18[%parallel_loop3A_143, %parallel_loop3A_144] {strides = array<i32>} : memref<10x2560xf32, #tpu.memory_space<vmem>>, vector<16xf32>,
      tpu.vector_store %arg18[%parallel_loop3A_143, %parallel_loop3A_144], %broadcast_in_dim3A_3 {strides = array<i32>} : memref<10x2560xf32, #tpu.memory_space<vmem>>, vector<16xf32>,
    } {sc.loop_unroll_factor = 8 : i64, sc.parallel_access}
    %parallel_loop3A_110 = arith.constant 0 : i32
    %parallel_loop3A_111 = arith.constant 2560 : i32
    %parallel_loop3A_112 = arith.constant 16 : i32
    scf.for %parallel_loop3A_141 = %parallel_loop3A_110 to %parallel_loop3A_111 step %parallel_loop3A_112  : i32 {
      %parallel_loop3A_142 = arith.constant 1 : i32
      %parallel_loop3A_143 = arith.index_cast %parallel_loop3A_142 : i32 to index
      %parallel_loop3A_144 = arith.index_cast %parallel_loop3A_141 : i32 to index
      %parallel_loop3A_145 = tpu.vector_load %arg18[%parallel_loop3A_143, %parallel_loop3A_144] {strides = array<i32>} : memref<10x2560xf32, #tpu.memory_space<vmem>>, vector<16xf32>,
      tpu.vector_store %arg18[%parallel_loop3A_143, %parallel_loop3A_144], %broadcast_in_dim3A_3 {strides = array<i32>} : memref<10x2560xf32, #tpu.memory_space<vmem>>, vector<16xf32>,
    } {sc.loop_unroll_factor = 8 : i64, sc.parallel_access}
    %parallel_loop3A_113 = arith.constant 0 : i32
    %parallel_loop3A_114 = arith.constant 2560 : i32
    %parallel_loop3A_115 = arith.constant 16 : i32
    scf.for %parallel_loop3A_141 = %parallel_loop3A_113 to %parallel_loop3A_114 step %parallel_loop3A_115  : i32 {
      %parallel_loop3A_142 = arith.constant 2 : i32
      %parallel_loop3A_143 = arith.index_cast %parallel_loop3A_142 : i32 to index
      %parallel_loop3A_144 = arith.index_cast %parallel_loop3A_141 : i32 to index
      %parallel_loop3A_145 = tpu.vector_load %arg18[%parallel_loop3A_143, %parallel_loop3A_144] {strides = array<i32>} : memref<10x2560xf32, #tpu.memory_space<vmem>>, vector<16xf32>,
      tpu.vector_store %arg18[%parallel_loop3A_143, %parallel_loop3A_144], %broadcast_in_dim3A_3 {strides = array<i32>} : memref<10x2560xf32, #tpu.memory_space<vmem>>, vector<16xf32>,
    } {sc.loop_unroll_factor = 8 : i64, sc.parallel_access}
    %parallel_loop3A_116 = arith.constant 0 : i32
    %parallel_loop3A_117 = arith.constant 2560 : i32
    %parallel_loop3A_118 = arith.constant 16 : i32
    scf.for %parallel_loop3A_141 = %parallel_loop3A_116 to %parallel_loop3A_117 step %parallel_loop3A_118  : i32 {
      %parallel_loop3A_142 = arith.constant 3 : i32
      %parallel_loop3A_143 = arith.index_cast %parallel_loop3A_142 : i32 to index
      %parallel_loop3A_144 = arith.index_cast %parallel_loop3A_141 : i32 to index
      %parallel_loop3A_145 = tpu.vector_load %arg18[%parallel_loop3A_143, %parallel_loop3A_144] {strides = array<i32>} : memref<10x2560xf32, #tpu.memory_space<vmem>>, vector<16xf32>,
      tpu.vector_store %arg18[%parallel_loop3A_143, %parallel_loop3A_144], %broadcast_in_dim3A_3 {strides = array<i32>} : memref<10x2560xf32, #tpu.memory_space<vmem>>, vector<16xf32>,
    } {sc.loop_unroll_factor = 8 : i64, sc.parallel_access}
    %parallel_loop3A_119 = arith.constant 0 : i32
    %parallel_loop3A_120 = arith.constant 2560 : i32
    %parallel_loop3A_121 = arith.constant 16 : i32
    scf.for %parallel_loop3A_141 = %parallel_loop3A_119 to %parallel_loop3A_120 step %parallel_loop3A_121  : i32 {
      %parallel_loop3A_142 = arith.constant 4 : i32
      %parallel_loop3A_143 = arith.index_cast %parallel_loop3A_142 : i32 to index
      %parallel_loop3A_144 = arith.index_cast %parallel_loop3A_141 : i32 to index
      %parallel_loop3A_145 = tpu.vector_load %arg18[%parallel_loop3A_143, %parallel_loop3A_144] {strides = array<i32>} : memref<10x2560xf32, #tpu.memory_space<vmem>>, vector<16xf32>,
      tpu.vector_store %arg18[%parallel_loop3A_143, %parallel_loop3A_144], %broadcast_in_dim3A_3 {strides = array<i32>} : memref<10x2560xf32, #tpu.memory_space<vmem>>, vector<16xf32>,
    } {sc.loop_unroll_factor = 8 : i64, sc.parallel_access}
    %parallel_loop3A_122 = arith.constant 0 : i32
    %parallel_loop3A_123 = arith.constant 2560 : i32
    %parallel_loop3A_124 = arith.constant 16 : i32
    scf.for %parallel_loop3A_141 = %parallel_loop3A_122 to %parallel_loop3A_123 step %parallel_loop3A_124  : i32 {
      %parallel_loop3A_142 = arith.constant 5 : i32
      %parallel_loop3A_143 = arith.index_cast %parallel_loop3A_142 : i32 to index
      %parallel_loop3A_144 = arith.index_cast %parallel_loop3A_141 : i32 to index
      %parallel_loop3A_145 = tpu.vector_load %arg18[%parallel_loop3A_143, %parallel_loop3A_144] {strides = array<i32>} : memref<10x2560xf32, #tpu.memory_space<vmem>>, vector<16xf32>,
      tpu.vector_store %arg18[%parallel_loop3A_143, %parallel_loop3A_144], %broadcast_in_dim3A_3 {strides = array<i32>} : memref<10x2560xf32, #tpu.memory_space<vmem>>, vector<16xf32>,
    } {sc.loop_unroll_factor = 8 : i64, sc.parallel_access}
    %parallel_loop3A_125 = arith.constant 0 : i32
    %parallel_loop3A_126 = arith.constant 2560 : i32
    %parallel_loop3A_127 = arith.constant 16 : i32
    scf.for %parallel_loop3A_141 = %parallel_loop3A_125 to %parallel_loop3A_126 step %parallel_loop3A_127  : i32 {
      %parallel_loop3A_142 = arith.constant 6 : i32
      %parallel_loop3A_143 = arith.index_cast %parallel_loop3A_142 : i32 to index
      %parallel_loop3A_144 = arith.index_cast %parallel_loop3A_141 : i32 to index
      %parallel_loop3A_145 = tpu.vector_load %arg18[%parallel_loop3A_143, %parallel_loop3A_144] {strides = array<i32>} : memref<10x2560xf32, #tpu.memory_space<vmem>>, vector<16xf32>,
      tpu.vector_store %arg18[%parallel_loop3A_143, %parallel_loop3A_144], %broadcast_in_dim3A_3 {strides = array<i32>} : memref<10x2560xf32, #tpu.memory_space<vmem>>, vector<16xf32>,
    } {sc.loop_unroll_factor = 8 : i64, sc.parallel_access}
    %parallel_loop3A_128 = arith.constant 0 : i32
    %parallel_loop3A_129 = arith.constant 2560 : i32
    %parallel_loop3A_130 = arith.constant 16 : i32
    scf.for %parallel_loop3A_141 = %parallel_loop3A_128 to %parallel_loop3A_129 step %parallel_loop3A_130  : i32 {
      %parallel_loop3A_142 = arith.constant 7 : i32
      %parallel_loop3A_143 = arith.index_cast %parallel_loop3A_142 : i32 to index
      %parallel_loop3A_144 = arith.index_cast %parallel_loop3A_141 : i32 to index
      %parallel_loop3A_145 = tpu.vector_load %arg18[%parallel_loop3A_143, %parallel_loop3A_144] {strides = array<i32>} : memref<10x2560xf32, #tpu.memory_space<vmem>>, vector<16xf32>,
      tpu.vector_store %arg18[%parallel_loop3A_143, %parallel_loop3A_144], %broadcast_in_dim3A_3 {strides = array<i32>} : memref<10x2560xf32, #tpu.memory_space<vmem>>, vector<16xf32>,
    } {sc.loop_unroll_factor = 8 : i64, sc.parallel_access}
    %parallel_loop3A_131 = arith.constant 0 : i32
    %parallel_loop3A_132 = arith.constant 2560 : i32
    %parallel_loop3A_133 = arith.constant 16 : i32
    scf.for %parallel_loop3A_141 = %parallel_loop3A_131 to %parallel_loop3A_132 step %parallel_loop3A_133  : i32 {
      %parallel_loop3A_142 = arith.constant 8 : i32
      %parallel_loop3A_143 = arith.index_cast %parallel_loop3A_142 : i32 to index
      %parallel_loop3A_144 = arith.index_cast %parallel_loop3A_141 : i32 to index
      %parallel_loop3A_145 = tpu.vector_load %arg18[%parallel_loop3A_143, %parallel_loop3A_144] {strides = array<i32>} : memref<10x2560xf32, #tpu.memory_space<vmem>>, vector<16xf32>,
      tpu.vector_store %arg18[%parallel_loop3A_143, %parallel_loop3A_144], %broadcast_in_dim3A_3 {strides = array<i32>} : memref<10x2560xf32, #tpu.memory_space<vmem>>, vector<16xf32>,
    } {sc.loop_unroll_factor = 8 : i64, sc.parallel_access}
    %parallel_loop3A_134 = arith.constant 0 : i32
    %parallel_loop3A_135 = arith.constant 2560 : i32
    %parallel_loop3A_136 = arith.constant 16 : i32
    scf.for %parallel_loop3A_141 = %parallel_loop3A_134 to %parallel_loop3A_135 step %parallel_loop3A_136  : i32 {
      %parallel_loop3A_142 = arith.constant 9 : i32
      %parallel_loop3A_143 = arith.index_cast %parallel_loop3A_142 : i32 to index
      %parallel_loop3A_144 = arith.index_cast %parallel_loop3A_141 : i32 to index
      %parallel_loop3A_145 = tpu.vector_load %arg18[%parallel_loop3A_143, %parallel_loop3A_144] {strides = array<i32>} : memref<10x2560xf32, #tpu.memory_space<vmem>>, vector<16xf32>,
      tpu.vector_store %arg18[%parallel_loop3A_143, %parallel_loop3A_144], %broadcast_in_dim3A_3 {strides = array<i32>} : memref<10x2560xf32, #tpu.memory_space<vmem>>, vector<16xf32>,
    } {sc.loop_unroll_factor = 8 : i64, sc.parallel_access}
    %parallel_loop3A_137 = arith.constant 0 : i32
    %parallel_loop3A_138 = arith.constant 5008 : i32
    %parallel_loop3A_139 = arith.constant 16 : i32
    scf.for %parallel_loop3A_141 = %parallel_loop3A_137 to %parallel_loop3A_138 step %parallel_loop3A_139  : i32 {
      %parallel_loop3A_142 = arith.index_cast %parallel_loop3A_141 : i32 to index
      %parallel_loop3A_143 = tpu.vector_load %arg14[%parallel_loop3A_142] {strides = array<i32>} : memref<5008xi32, #tpu.memory_space<vmem>>, vector<16xi32>,
      %parallel_loop3A_144 = arith.index_cast %parallel_loop3A_141 : i32 to index
      %parallel_loop3A_145 = tpu.vector_load %arg15[%parallel_loop3A_144] {strides = array<i32>} : memref<5008xi32, #tpu.memory_space<vmem>>, vector<16xi32>,
      %parallel_loop3A_146 = arith.index_cast %parallel_loop3A_141 : i32 to index
      %parallel_loop3A_147 = tpu.vector_load %arg17[%parallel_loop3A_146] {strides = array<i32>} : memref<5008xf32, #tpu.memory_space<vmem>>, vector<16xf32>,
      %parallel_loop3A_148 = arith.constant 1048575 : i32
      %parallel_loop3A_149 = vector.broadcast %parallel_loop3A_148 : i32 to vector<16xi32>
      %parallel_loop3A_150 = arith.andi %parallel_loop3A_143, %parallel_loop3A_149 : vector<16xi32>
      %parallel_loop3A_151 = arith.constant 7680 : i32
      %parallel_loop3A_152 = vector.broadcast %parallel_loop3A_151 : i32 to vector<16xi32>
      %parallel_loop3A_153 = arith.subi %parallel_loop3A_150, %parallel_loop3A_152 : vector<16xi32>
      %parallel_loop3A_154 = arith.constant 1048575 : i32
      %parallel_loop3A_155 = vector.broadcast %parallel_loop3A_154 : i32 to vector<16xi32>
      %parallel_loop3A_156 = arith.andi %parallel_loop3A_145, %parallel_loop3A_155 : vector<16xi32>
      %parallel_loop3A_157 = arith.constant 7680 : i32
      %parallel_loop3A_158 = vector.broadcast %parallel_loop3A_157 : i32 to vector<16xi32>
      %parallel_loop3A_159 = arith.subi %parallel_loop3A_156, %parallel_loop3A_158 : vector<16xi32>
      %parallel_loop3A_160 = arith.constant 20 : i32
      %parallel_loop3A_161 = vector.broadcast %parallel_loop3A_160 : i32 to vector<16xi32>
      %parallel_loop3A_162 = arith.shrsi %parallel_loop3A_143, %parallel_loop3A_161 : vector<16xi32>
      %parallel_loop3A_163 = arith.constant 20 : i32
      %parallel_loop3A_164 = vector.broadcast %parallel_loop3A_163 : i32 to vector<16xi32>
      %parallel_loop3A_165 = arith.shrsi %parallel_loop3A_145, %parallel_loop3A_164 : vector<16xi32>
      %parallel_loop3A_166 = arith.constant 0 : i32
      %parallel_loop3A_167 = vector.broadcast %parallel_loop3A_166 : i32 to vector<16xi32>
      %parallel_loop3A_168 = arith.cmpi sge, %parallel_loop3A_153, %parallel_loop3A_167 : vector<16xi32>
      %parallel_loop3A_169 = arith.constant 2560 : i32
      %parallel_loop3A_170 = vector.broadcast %parallel_loop3A_169 : i32 to vector<16xi32>
      %parallel_loop3A_171 = arith.cmpi slt, %parallel_loop3A_153, %parallel_loop3A_170 : vector<16xi32>
      %parallel_loop3A_172 = arith.andi %parallel_loop3A_168, %parallel_loop3A_171 : vector<16xi1>
      %parallel_loop3A_173 = arith.constant 0 : i32
      %parallel_loop3A_174 = vector.broadcast %parallel_loop3A_173 : i32 to vector<16xi32>
      %parallel_loop3A_175 = arith.cmpi sge, %parallel_loop3A_159, %parallel_loop3A_174 : vector<16xi32>
      %parallel_loop3A_176 = arith.constant 2560 : i32
      %parallel_loop3A_177 = vector.broadcast %parallel_loop3A_176 : i32 to vector<16xi32>
      %parallel_loop3A_178 = arith.cmpi slt, %parallel_loop3A_159, %parallel_loop3A_177 : vector<16xi32>
      %parallel_loop3A_179 = arith.andi %parallel_loop3A_175, %parallel_loop3A_178 : vector<16xi1>
      %parallel_loop3A_180 = arith.constant 0 : i32
      %parallel_loop3A_181 = vector.broadcast %parallel_loop3A_180 : i32 to vector<16xi32>
      %parallel_loop3A_182 = arith.select %parallel_loop3A_172, %parallel_loop3A_153, %parallel_loop3A_181 : vector<16xi1>, vector<16xi32>
      tpu.vector_store_idx %arg18[%parallel_loop3A_162, %parallel_loop3A_182], %parallel_loop3A_147 masked %parallel_loop3A_172 {add = true} : memref<10x2560xf32, #tpu.memory_space<vmem>>[vector<16xi32>, vector<16xi32>], vector<16xf32>, vector<16xi1>
      %parallel_loop3A_183 = arith.constant 0 : i32
      %parallel_loop3A_184 = vector.broadcast %parallel_loop3A_183 : i32 to vector<16xi32>
      %parallel_loop3A_185 = arith.select %parallel_loop3A_179, %parallel_loop3A_159, %parallel_loop3A_184 : vector<16xi1>, vector<16xi32>
      tpu.vector_store_idx %arg18[%parallel_loop3A_165, %parallel_loop3A_185], %parallel_loop3A_147 masked %parallel_loop3A_179 {add = true} : memref<10x2560xf32, #tpu.memory_space<vmem>>[vector<16xi32>, vector<16xi32>], vector<16xf32>, vector<16xi1>
    } {sc.loop_unroll_factor = 8 : i64, sc.parallel_access}
    %run_scoped3A_140 = arith.constant 3 : i32
    "tpu.region"() ({
      %run_scoped3A_141 = tpu.sem_alloc : memref<!tpu.dma_semaphore, #tpu.memory_space<semaphore_mem>>
      %dma_start3A = arith.constant 0 : i32
      %dma_start3A_142 = arith.constant 0 : i32
      %dma_start3A_143 = tpu.memref_slice %arg9[%add3A, %run_scoped3A_140, %dma_start3A, %dma_start3A_142] : memref<32x4x10x2560xf32, #tpu.memory_space<hbm>> -> memref<1x1x10x2560xf32, #tpu.memory_space<hbm>>
      %dma_start3A_144 = tpu.memref_squeeze %dma_start3A_143 : memref<1x1x10x2560xf32, #tpu.memory_space<hbm>> -> memref<10x2560xf32, #tpu.memory_space<hbm>>
      %dma_start3A_145 = arith.constant 0 : i32
      %dma_start3A_146 = arith.constant 0 : i32
      %dma_start3A_147 = tpu.memref_slice %arg9[%add3A, %run_scoped3A_140, %dma_start3A_145, %dma_start3A_146] : memref<32x4x10x2560xf32, #tpu.memory_space<hbm>> -> memref<1x1x10x2560xf32, #tpu.memory_space<hbm>>
      %dma_start3A_148 = tpu.memref_squeeze %dma_start3A_147 : memref<1x1x10x2560xf32, #tpu.memory_space<hbm>> -> memref<10x2560xf32, #tpu.memory_space<hbm>>
      tpu.enqueue_dma source(%arg18 : memref<10x2560xf32, #tpu.memory_space<vmem>>) target(%dma_start3A_148 : memref<10x2560xf32, #tpu.memory_space<hbm>>) target_semaphore(%run_scoped3A_141 : memref<!tpu.dma_semaphore, #tpu.memory_space<semaphore_mem>>)
      %dma_wait3A = arith.constant 0 : i32
      %dma_wait3A_149 = arith.constant 0 : i32
      %dma_wait3A_150 = tpu.memref_slice %arg9[%add3A, %run_scoped3A_140, %dma_wait3A, %dma_wait3A_149] : memref<32x4x10x2560xf32, #tpu.memory_space<hbm>> -> memref<1x1x10x2560xf32, #tpu.memory_space<hbm>>
      %dma_wait3A_151 = tpu.memref_squeeze %dma_wait3A_150 : memref<1x1x10x2560xf32, #tpu.memory_space<hbm>> -> memref<10x2560xf32, #tpu.memory_space<hbm>>
      %dma_wait3A_152 = arith.constant 0 : i32
      %dma_wait3A_153 = arith.constant 0 : i32
      %dma_wait3A_154 = tpu.memref_slice %arg9[%add3A, %run_scoped3A_140, %dma_wait3A_152, %dma_wait3A_153] : memref<32x4x10x2560xf32, #tpu.memory_space<hbm>> -> memref<1x1x10x2560xf32, #tpu.memory_space<hbm>>
      %dma_wait3A_155 = tpu.memref_squeeze %dma_wait3A_154 : memref<1x1x10x2560xf32, #tpu.memory_space<hbm>> -> memref<10x2560xf32, #tpu.memory_space<hbm>>
      tpu.wait_dma2 semaphore(%run_scoped3A_141 : memref<!tpu.dma_semaphore, #tpu.memory_space<semaphore_mem>>) src(%arg18 : memref<10x2560xf32, #tpu.memory_space<vmem>>) dst(%dma_wait3A_155 : memref<10x2560xf32, #tpu.memory_space<hbm>>)
      tpu.yield
    }) : () -> ()
    return
  }
}

module attributes {stable_mosaic.version = 14 : i64} {
  func.func @_tc_tail(%arg0: i32, %arg1: memref<32x1x10x2560xf32, #tpu.memory_space<vmem>>, %arg2: memref<32x2560xf32, #tpu.memory_space<vmem>>, %arg3: memref<1x1x2560xi32, #tpu.memory_space<vmem>>, %arg4: memref<128x16xf32, #tpu.memory_space<vmem>>, %arg5: memref<128x128xf32, #tpu.memory_space<vmem>>, %arg6: memref<8x128xf32, #tpu.memory_space<vmem>>, %arg7: memref<1x1xf32, #tpu.memory_space<smem>>, %arg8: memref<1x1x2560xf32, #tpu.memory_space<vmem>>) attributes {dimension_semantics = [#tpu.dimension_semantics<arbitrary>], iteration_bounds = array<i64: 4>, scalar_prefetch = 0 : i64, scratch_operands = 0 : i64, tpu.core_type = #tpu.core_type<tc>, window_params = [{transform_indices = @transform_0, window_bounds = array<i64: 32, 1, 10, 2560>}, {transform_indices = @transform_1, window_bounds = array<i64: 32, 2560>}, {transform_indices = @transform_2, window_bounds = array<i64: 1, 1, 2560>}, {pipeline_mode = #tpu.pipeline_mode<synchronous>, transform_indices = @transform_3, window_bounds = array<i64: 128, 16>}, {pipeline_mode = #tpu.pipeline_mode<synchronous>, transform_indices = @transform_4, window_bounds = array<i64: 128, 128>}, {pipeline_mode = #tpu.pipeline_mode<synchronous>, transform_indices = @transform_5, window_bounds = array<i64: 8, 128>}, {transform_indices = @transform_6, window_bounds = array<i64: 1, 1>}, {transform_indices = @transform_7, window_bounds = array<i64: 1, 1, 2560>}]} {
    %get3A = arith.constant 0 : index
    %get3A_0 = arith.constant 0 : index
    %get3A_1 = arith.constant 0 : index
    %get3A_2 = arith.constant 0 : index
    %get3A_3 = vector.load %arg1[%get3A, %get3A_0, %get3A_1, %get3A_2] : memref<32x1x10x2560xf32, #tpu.memory_space<vmem>>, vector<1x1x10x2560xf32>
    %get3A_4 = vector.shape_cast %get3A_3 : vector<1x1x10x2560xf32> to vector<10x2560xf32>
    %get3A_5 = arith.constant 0 : index
    %get3A_6 = arith.constant 0 : index
    %get3A_7 = vector.load %arg2[%get3A_5, %get3A_6] : memref<32x2560xf32, #tpu.memory_space<vmem>>, vector<1x2560xf32>
    %get3A_8 = arith.constant 1 : index
    %get3A_9 = arith.constant 0 : index
    %get3A_10 = arith.constant 0 : index
    %get3A_11 = arith.constant 0 : index
    %get3A_12 = vector.load %arg1[%get3A_8, %get3A_9, %get3A_10, %get3A_11] : memref<32x1x10x2560xf32, #tpu.memory_space<vmem>>, vector<1x1x10x2560xf32>
    %get3A_13 = vector.shape_cast %get3A_12 : vector<1x1x10x2560xf32> to vector<10x2560xf32>
    %add3A = arith.addf %get3A_4, %get3A_13 : vector<10x2560xf32>
    %get3A_14 = arith.constant 1 : index
    %get3A_15 = arith.constant 0 : index
    %get3A_16 = vector.load %arg2[%get3A_14, %get3A_15] : memref<32x2560xf32, #tpu.memory_space<vmem>>, vector<1x2560xf32>
    %add3A_17 = arith.addf %get3A_7, %get3A_16 : vector<1x2560xf32>
    %get3A_18 = arith.constant 2 : index
    %get3A_19 = arith.constant 0 : index
    %get3A_20 = arith.constant 0 : index
    %get3A_21 = arith.constant 0 : index
    %get3A_22 = vector.load %arg1[%get3A_18, %get3A_19, %get3A_20, %get3A_21] : memref<32x1x10x2560xf32, #tpu.memory_space<vmem>>, vector<1x1x10x2560xf32>
    %get3A_23 = vector.shape_cast %get3A_22 : vector<1x1x10x2560xf32> to vector<10x2560xf32>
    %add3A_24 = arith.addf %add3A, %get3A_23 : vector<10x2560xf32>
    %get3A_25 = arith.constant 2 : index
    %get3A_26 = arith.constant 0 : index
    %get3A_27 = vector.load %arg2[%get3A_25, %get3A_26] : memref<32x2560xf32, #tpu.memory_space<vmem>>, vector<1x2560xf32>
    %add3A_28 = arith.addf %add3A_17, %get3A_27 : vector<1x2560xf32>
    %get3A_29 = arith.constant 3 : index
    %get3A_30 = arith.constant 0 : index
    %get3A_31 = arith.constant 0 : index
    %get3A_32 = arith.constant 0 : index
    %get3A_33 = vector.load %arg1[%get3A_29, %get3A_30, %get3A_31, %get3A_32] : memref<32x1x10x2560xf32, #tpu.memory_space<vmem>>, vector<1x1x10x2560xf32>
    %get3A_34 = vector.shape_cast %get3A_33 : vector<1x1x10x2560xf32> to vector<10x2560xf32>
    %add3A_35 = arith.addf %add3A_24, %get3A_34 : vector<10x2560xf32>
    %get3A_36 = arith.constant 3 : index
    %get3A_37 = arith.constant 0 : index
    %get3A_38 = vector.load %arg2[%get3A_36, %get3A_37] : memref<32x2560xf32, #tpu.memory_space<vmem>>, vector<1x2560xf32>
    %add3A_39 = arith.addf %add3A_28, %get3A_38 : vector<1x2560xf32>
    %get3A_40 = arith.constant 4 : index
    %get3A_41 = arith.constant 0 : index
    %get3A_42 = arith.constant 0 : index
    %get3A_43 = arith.constant 0 : index
    %get3A_44 = vector.load %arg1[%get3A_40, %get3A_41, %get3A_42, %get3A_43] : memref<32x1x10x2560xf32, #tpu.memory_space<vmem>>, vector<1x1x10x2560xf32>
    %get3A_45 = vector.shape_cast %get3A_44 : vector<1x1x10x2560xf32> to vector<10x2560xf32>
    %add3A_46 = arith.addf %add3A_35, %get3A_45 : vector<10x2560xf32>
    %get3A_47 = arith.constant 4 : index
    %get3A_48 = arith.constant 0 : index
    %get3A_49 = vector.load %arg2[%get3A_47, %get3A_48] : memref<32x2560xf32, #tpu.memory_space<vmem>>, vector<1x2560xf32>
    %add3A_50 = arith.addf %add3A_39, %get3A_49 : vector<1x2560xf32>
    %get3A_51 = arith.constant 5 : index
    %get3A_52 = arith.constant 0 : index
    %get3A_53 = arith.constant 0 : index
    %get3A_54 = arith.constant 0 : index
    %get3A_55 = vector.load %arg1[%get3A_51, %get3A_52, %get3A_53, %get3A_54] : memref<32x1x10x2560xf32, #tpu.memory_space<vmem>>, vector<1x1x10x2560xf32>
    %get3A_56 = vector.shape_cast %get3A_55 : vector<1x1x10x2560xf32> to vector<10x2560xf32>
    %add3A_57 = arith.addf %add3A_46, %get3A_56 : vector<10x2560xf32>
    %get3A_58 = arith.constant 5 : index
    %get3A_59 = arith.constant 0 : index
    %get3A_60 = vector.load %arg2[%get3A_58, %get3A_59] : memref<32x2560xf32, #tpu.memory_space<vmem>>, vector<1x2560xf32>
    %add3A_61 = arith.addf %add3A_50, %get3A_60 : vector<1x2560xf32>
    %get3A_62 = arith.constant 6 : index
    %get3A_63 = arith.constant 0 : index
    %get3A_64 = arith.constant 0 : index
    %get3A_65 = arith.constant 0 : index
    %get3A_66 = vector.load %arg1[%get3A_62, %get3A_63, %get3A_64, %get3A_65] : memref<32x1x10x2560xf32, #tpu.memory_space<vmem>>, vector<1x1x10x2560xf32>
    %get3A_67 = vector.shape_cast %get3A_66 : vector<1x1x10x2560xf32> to vector<10x2560xf32>
    %add3A_68 = arith.addf %add3A_57, %get3A_67 : vector<10x2560xf32>
    %get3A_69 = arith.constant 6 : index
    %get3A_70 = arith.constant 0 : index
    %get3A_71 = vector.load %arg2[%get3A_69, %get3A_70] : memref<32x2560xf32, #tpu.memory_space<vmem>>, vector<1x2560xf32>
    %add3A_72 = arith.addf %add3A_61, %get3A_71 : vector<1x2560xf32>
    %get3A_73 = arith.constant 7 : index
    %get3A_74 = arith.constant 0 : index
    %get3A_75 = arith.constant 0 : index
    %get3A_76 = arith.constant 0 : index
    %get3A_77 = vector.load %arg1[%get3A_73, %get3A_74, %get3A_75, %get3A_76] : memref<32x1x10x2560xf32, #tpu.memory_space<vmem>>, vector<1x1x10x2560xf32>
    %get3A_78 = vector.shape_cast %get3A_77 : vector<1x1x10x2560xf32> to vector<10x2560xf32>
    %add3A_79 = arith.addf %add3A_68, %get3A_78 : vector<10x2560xf32>
    %get3A_80 = arith.constant 7 : index
    %get3A_81 = arith.constant 0 : index
    %get3A_82 = vector.load %arg2[%get3A_80, %get3A_81] : memref<32x2560xf32, #tpu.memory_space<vmem>>, vector<1x2560xf32>
    %add3A_83 = arith.addf %add3A_72, %get3A_82 : vector<1x2560xf32>
    %get3A_84 = arith.constant 8 : index
    %get3A_85 = arith.constant 0 : index
    %get3A_86 = arith.constant 0 : index
    %get3A_87 = arith.constant 0 : index
    %get3A_88 = vector.load %arg1[%get3A_84, %get3A_85, %get3A_86, %get3A_87] : memref<32x1x10x2560xf32, #tpu.memory_space<vmem>>, vector<1x1x10x2560xf32>
    %get3A_89 = vector.shape_cast %get3A_88 : vector<1x1x10x2560xf32> to vector<10x2560xf32>
    %add3A_90 = arith.addf %add3A_79, %get3A_89 : vector<10x2560xf32>
    %get3A_91 = arith.constant 8 : index
    %get3A_92 = arith.constant 0 : index
    %get3A_93 = vector.load %arg2[%get3A_91, %get3A_92] : memref<32x2560xf32, #tpu.memory_space<vmem>>, vector<1x2560xf32>
    %add3A_94 = arith.addf %add3A_83, %get3A_93 : vector<1x2560xf32>
    %get3A_95 = arith.constant 9 : index
    %get3A_96 = arith.constant 0 : index
    %get3A_97 = arith.constant 0 : index
    %get3A_98 = arith.constant 0 : index
    %get3A_99 = vector.load %arg1[%get3A_95, %get3A_96, %get3A_97, %get3A_98] : memref<32x1x10x2560xf32, #tpu.memory_space<vmem>>, vector<1x1x10x2560xf32>
    %get3A_100 = vector.shape_cast %get3A_99 : vector<1x1x10x2560xf32> to vector<10x2560xf32>
    %add3A_101 = arith.addf %add3A_90, %get3A_100 : vector<10x2560xf32>
    %get3A_102 = arith.constant 9 : index
    %get3A_103 = arith.constant 0 : index
    %get3A_104 = vector.load %arg2[%get3A_102, %get3A_103] : memref<32x2560xf32, #tpu.memory_space<vmem>>, vector<1x2560xf32>
    %add3A_105 = arith.addf %add3A_94, %get3A_104 : vector<1x2560xf32>
    %get3A_106 = arith.constant 10 : index
    %get3A_107 = arith.constant 0 : index
    %get3A_108 = arith.constant 0 : index
    %get3A_109 = arith.constant 0 : index
    %get3A_110 = vector.load %arg1[%get3A_106, %get3A_107, %get3A_108, %get3A_109] : memref<32x1x10x2560xf32, #tpu.memory_space<vmem>>, vector<1x1x10x2560xf32>
    %get3A_111 = vector.shape_cast %get3A_110 : vector<1x1x10x2560xf32> to vector<10x2560xf32>
    %add3A_112 = arith.addf %add3A_101, %get3A_111 : vector<10x2560xf32>
    %get3A_113 = arith.constant 10 : index
    %get3A_114 = arith.constant 0 : index
    %get3A_115 = vector.load %arg2[%get3A_113, %get3A_114] : memref<32x2560xf32, #tpu.memory_space<vmem>>, vector<1x2560xf32>
    %add3A_116 = arith.addf %add3A_105, %get3A_115 : vector<1x2560xf32>
    %get3A_117 = arith.constant 11 : index
    %get3A_118 = arith.constant 0 : index
    %get3A_119 = arith.constant 0 : index
    %get3A_120 = arith.constant 0 : index
    %get3A_121 = vector.load %arg1[%get3A_117, %get3A_118, %get3A_119, %get3A_120] : memref<32x1x10x2560xf32, #tpu.memory_space<vmem>>, vector<1x1x10x2560xf32>
    %get3A_122 = vector.shape_cast %get3A_121 : vector<1x1x10x2560xf32> to vector<10x2560xf32>
    %add3A_123 = arith.addf %add3A_112, %get3A_122 : vector<10x2560xf32>
    %get3A_124 = arith.constant 11 : index
    %get3A_125 = arith.constant 0 : index
    %get3A_126 = vector.load %arg2[%get3A_124, %get3A_125] : memref<32x2560xf32, #tpu.memory_space<vmem>>, vector<1x2560xf32>
    %add3A_127 = arith.addf %add3A_116, %get3A_126 : vector<1x2560xf32>
    %get3A_128 = arith.constant 12 : index
    %get3A_129 = arith.constant 0 : index
    %get3A_130 = arith.constant 0 : index
    %get3A_131 = arith.constant 0 : index
    %get3A_132 = vector.load %arg1[%get3A_128, %get3A_129, %get3A_130, %get3A_131] : memref<32x1x10x2560xf32, #tpu.memory_space<vmem>>, vector<1x1x10x2560xf32>
    %get3A_133 = vector.shape_cast %get3A_132 : vector<1x1x10x2560xf32> to vector<10x2560xf32>
    %add3A_134 = arith.addf %add3A_123, %get3A_133 : vector<10x2560xf32>
    %get3A_135 = arith.constant 12 : index
    %get3A_136 = arith.constant 0 : index
    %get3A_137 = vector.load %arg2[%get3A_135, %get3A_136] : memref<32x2560xf32, #tpu.memory_space<vmem>>, vector<1x2560xf32>
    %add3A_138 = arith.addf %add3A_127, %get3A_137 : vector<1x2560xf32>
    %get3A_139 = arith.constant 13 : index
    %get3A_140 = arith.constant 0 : index
    %get3A_141 = arith.constant 0 : index
    %get3A_142 = arith.constant 0 : index
    %get3A_143 = vector.load %arg1[%get3A_139, %get3A_140, %get3A_141, %get3A_142] : memref<32x1x10x2560xf32, #tpu.memory_space<vmem>>, vector<1x1x10x2560xf32>
    %get3A_144 = vector.shape_cast %get3A_143 : vector<1x1x10x2560xf32> to vector<10x2560xf32>
    %add3A_145 = arith.addf %add3A_134, %get3A_144 : vector<10x2560xf32>
    %get3A_146 = arith.constant 13 : index
    %get3A_147 = arith.constant 0 : index
    %get3A_148 = vector.load %arg2[%get3A_146, %get3A_147] : memref<32x2560xf32, #tpu.memory_space<vmem>>, vector<1x2560xf32>
    %add3A_149 = arith.addf %add3A_138, %get3A_148 : vector<1x2560xf32>
    %get3A_150 = arith.constant 14 : index
    %get3A_151 = arith.constant 0 : index
    %get3A_152 = arith.constant 0 : index
    %get3A_153 = arith.constant 0 : index
    %get3A_154 = vector.load %arg1[%get3A_150, %get3A_151, %get3A_152, %get3A_153] : memref<32x1x10x2560xf32, #tpu.memory_space<vmem>>, vector<1x1x10x2560xf32>
    %get3A_155 = vector.shape_cast %get3A_154 : vector<1x1x10x2560xf32> to vector<10x2560xf32>
    %add3A_156 = arith.addf %add3A_145, %get3A_155 : vector<10x2560xf32>
    %get3A_157 = arith.constant 14 : index
    %get3A_158 = arith.constant 0 : index
    %get3A_159 = vector.load %arg2[%get3A_157, %get3A_158] : memref<32x2560xf32, #tpu.memory_space<vmem>>, vector<1x2560xf32>
    %add3A_160 = arith.addf %add3A_149, %get3A_159 : vector<1x2560xf32>
    %get3A_161 = arith.constant 15 : index
    %get3A_162 = arith.constant 0 : index
    %get3A_163 = arith.constant 0 : index
    %get3A_164 = arith.constant 0 : index
    %get3A_165 = vector.load %arg1[%get3A_161, %get3A_162, %get3A_163, %get3A_164] : memref<32x1x10x2560xf32, #tpu.memory_space<vmem>>, vector<1x1x10x2560xf32>
    %get3A_166 = vector.shape_cast %get3A_165 : vector<1x1x10x2560xf32> to vector<10x2560xf32>
    %add3A_167 = arith.addf %add3A_156, %get3A_166 : vector<10x2560xf32>
    %get3A_168 = arith.constant 15 : index
    %get3A_169 = arith.constant 0 : index
    %get3A_170 = vector.load %arg2[%get3A_168, %get3A_169] : memref<32x2560xf32, #tpu.memory_space<vmem>>, vector<1x2560xf32>
    %add3A_171 = arith.addf %add3A_160, %get3A_170 : vector<1x2560xf32>
    %get3A_172 = arith.constant 16 : index
    %get3A_173 = arith.constant 0 : index
    %get3A_174 = arith.constant 0 : index
    %get3A_175 = arith.constant 0 : index
    %get3A_176 = vector.load %arg1[%get3A_172, %get3A_173, %get3A_174, %get3A_175] : memref<32x1x10x2560xf32, #tpu.memory_space<vmem>>, vector<1x1x10x2560xf32>
    %get3A_177 = vector.shape_cast %get3A_176 : vector<1x1x10x2560xf32> to vector<10x2560xf32>
    %add3A_178 = arith.addf %add3A_167, %get3A_177 : vector<10x2560xf32>
    %get3A_179 = arith.constant 16 : index
    %get3A_180 = arith.constant 0 : index
    %get3A_181 = vector.load %arg2[%get3A_179, %get3A_180] : memref<32x2560xf32, #tpu.memory_space<vmem>>, vector<1x2560xf32>
    %add3A_182 = arith.addf %add3A_171, %get3A_181 : vector<1x2560xf32>
    %get3A_183 = arith.constant 17 : index
    %get3A_184 = arith.constant 0 : index
    %get3A_185 = arith.constant 0 : index
    %get3A_186 = arith.constant 0 : index
    %get3A_187 = vector.load %arg1[%get3A_183, %get3A_184, %get3A_185, %get3A_186] : memref<32x1x10x2560xf32, #tpu.memory_space<vmem>>, vector<1x1x10x2560xf32>
    %get3A_188 = vector.shape_cast %get3A_187 : vector<1x1x10x2560xf32> to vector<10x2560xf32>
    %add3A_189 = arith.addf %add3A_178, %get3A_188 : vector<10x2560xf32>
    %get3A_190 = arith.constant 17 : index
    %get3A_191 = arith.constant 0 : index
    %get3A_192 = vector.load %arg2[%get3A_190, %get3A_191] : memref<32x2560xf32, #tpu.memory_space<vmem>>, vector<1x2560xf32>
    %add3A_193 = arith.addf %add3A_182, %get3A_192 : vector<1x2560xf32>
    %get3A_194 = arith.constant 18 : index
    %get3A_195 = arith.constant 0 : index
    %get3A_196 = arith.constant 0 : index
    %get3A_197 = arith.constant 0 : index
    %get3A_198 = vector.load %arg1[%get3A_194, %get3A_195, %get3A_196, %get3A_197] : memref<32x1x10x2560xf32, #tpu.memory_space<vmem>>, vector<1x1x10x2560xf32>
    %get3A_199 = vector.shape_cast %get3A_198 : vector<1x1x10x2560xf32> to vector<10x2560xf32>
    %add3A_200 = arith.addf %add3A_189, %get3A_199 : vector<10x2560xf32>
    %get3A_201 = arith.constant 18 : index
    %get3A_202 = arith.constant 0 : index
    %get3A_203 = vector.load %arg2[%get3A_201, %get3A_202] : memref<32x2560xf32, #tpu.memory_space<vmem>>, vector<1x2560xf32>
    %add3A_204 = arith.addf %add3A_193, %get3A_203 : vector<1x2560xf32>
    %get3A_205 = arith.constant 19 : index
    %get3A_206 = arith.constant 0 : index
    %get3A_207 = arith.constant 0 : index
    %get3A_208 = arith.constant 0 : index
    %get3A_209 = vector.load %arg1[%get3A_205, %get3A_206, %get3A_207, %get3A_208] : memref<32x1x10x2560xf32, #tpu.memory_space<vmem>>, vector<1x1x10x2560xf32>
    %get3A_210 = vector.shape_cast %get3A_209 : vector<1x1x10x2560xf32> to vector<10x2560xf32>
    %add3A_211 = arith.addf %add3A_200, %get3A_210 : vector<10x2560xf32>
    %get3A_212 = arith.constant 19 : index
    %get3A_213 = arith.constant 0 : index
    %get3A_214 = vector.load %arg2[%get3A_212, %get3A_213] : memref<32x2560xf32, #tpu.memory_space<vmem>>, vector<1x2560xf32>
    %add3A_215 = arith.addf %add3A_204, %get3A_214 : vector<1x2560xf32>
    %get3A_216 = arith.constant 20 : index
    %get3A_217 = arith.constant 0 : index
    %get3A_218 = arith.constant 0 : index
    %get3A_219 = arith.constant 0 : index
    %get3A_220 = vector.load %arg1[%get3A_216, %get3A_217, %get3A_218, %get3A_219] : memref<32x1x10x2560xf32, #tpu.memory_space<vmem>>, vector<1x1x10x2560xf32>
    %get3A_221 = vector.shape_cast %get3A_220 : vector<1x1x10x2560xf32> to vector<10x2560xf32>
    %add3A_222 = arith.addf %add3A_211, %get3A_221 : vector<10x2560xf32>
    %get3A_223 = arith.constant 20 : index
    %get3A_224 = arith.constant 0 : index
    %get3A_225 = vector.load %arg2[%get3A_223, %get3A_224] : memref<32x2560xf32, #tpu.memory_space<vmem>>, vector<1x2560xf32>
    %add3A_226 = arith.addf %add3A_215, %get3A_225 : vector<1x2560xf32>
    %get3A_227 = arith.constant 21 : index
    %get3A_228 = arith.constant 0 : index
    %get3A_229 = arith.constant 0 : index
    %get3A_230 = arith.constant 0 : index
    %get3A_231 = vector.load %arg1[%get3A_227, %get3A_228, %get3A_229, %get3A_230] : memref<32x1x10x2560xf32, #tpu.memory_space<vmem>>, vector<1x1x10x2560xf32>
    %get3A_232 = vector.shape_cast %get3A_231 : vector<1x1x10x2560xf32> to vector<10x2560xf32>
    %add3A_233 = arith.addf %add3A_222, %get3A_232 : vector<10x2560xf32>
    %get3A_234 = arith.constant 21 : index
    %get3A_235 = arith.constant 0 : index
    %get3A_236 = vector.load %arg2[%get3A_234, %get3A_235] : memref<32x2560xf32, #tpu.memory_space<vmem>>, vector<1x2560xf32>
    %add3A_237 = arith.addf %add3A_226, %get3A_236 : vector<1x2560xf32>
    %get3A_238 = arith.constant 22 : index
    %get3A_239 = arith.constant 0 : index
    %get3A_240 = arith.constant 0 : index
    %get3A_241 = arith.constant 0 : index
    %get3A_242 = vector.load %arg1[%get3A_238, %get3A_239, %get3A_240, %get3A_241] : memref<32x1x10x2560xf32, #tpu.memory_space<vmem>>, vector<1x1x10x2560xf32>
    %get3A_243 = vector.shape_cast %get3A_242 : vector<1x1x10x2560xf32> to vector<10x2560xf32>
    %add3A_244 = arith.addf %add3A_233, %get3A_243 : vector<10x2560xf32>
    %get3A_245 = arith.constant 22 : index
    %get3A_246 = arith.constant 0 : index
    %get3A_247 = vector.load %arg2[%get3A_245, %get3A_246] : memref<32x2560xf32, #tpu.memory_space<vmem>>, vector<1x2560xf32>
    %add3A_248 = arith.addf %add3A_237, %get3A_247 : vector<1x2560xf32>
    %get3A_249 = arith.constant 23 : index
    %get3A_250 = arith.constant 0 : index
    %get3A_251 = arith.constant 0 : index
    %get3A_252 = arith.constant 0 : index
    %get3A_253 = vector.load %arg1[%get3A_249, %get3A_250, %get3A_251, %get3A_252] : memref<32x1x10x2560xf32, #tpu.memory_space<vmem>>, vector<1x1x10x2560xf32>
    %get3A_254 = vector.shape_cast %get3A_253 : vector<1x1x10x2560xf32> to vector<10x2560xf32>
    %add3A_255 = arith.addf %add3A_244, %get3A_254 : vector<10x2560xf32>
    %get3A_256 = arith.constant 23 : index
    %get3A_257 = arith.constant 0 : index
    %get3A_258 = vector.load %arg2[%get3A_256, %get3A_257] : memref<32x2560xf32, #tpu.memory_space<vmem>>, vector<1x2560xf32>
    %add3A_259 = arith.addf %add3A_248, %get3A_258 : vector<1x2560xf32>
    %get3A_260 = arith.constant 24 : index
    %get3A_261 = arith.constant 0 : index
    %get3A_262 = arith.constant 0 : index
    %get3A_263 = arith.constant 0 : index
    %get3A_264 = vector.load %arg1[%get3A_260, %get3A_261, %get3A_262, %get3A_263] : memref<32x1x10x2560xf32, #tpu.memory_space<vmem>>, vector<1x1x10x2560xf32>
    %get3A_265 = vector.shape_cast %get3A_264 : vector<1x1x10x2560xf32> to vector<10x2560xf32>
    %add3A_266 = arith.addf %add3A_255, %get3A_265 : vector<10x2560xf32>
    %get3A_267 = arith.constant 24 : index
    %get3A_268 = arith.constant 0 : index
    %get3A_269 = vector.load %arg2[%get3A_267, %get3A_268] : memref<32x2560xf32, #tpu.memory_space<vmem>>, vector<1x2560xf32>
    %add3A_270 = arith.addf %add3A_259, %get3A_269 : vector<1x2560xf32>
    %get3A_271 = arith.constant 25 : index
    %get3A_272 = arith.constant 0 : index
    %get3A_273 = arith.constant 0 : index
    %get3A_274 = arith.constant 0 : index
    %get3A_275 = vector.load %arg1[%get3A_271, %get3A_272, %get3A_273, %get3A_274] : memref<32x1x10x2560xf32, #tpu.memory_space<vmem>>, vector<1x1x10x2560xf32>
    %get3A_276 = vector.shape_cast %get3A_275 : vector<1x1x10x2560xf32> to vector<10x2560xf32>
    %add3A_277 = arith.addf %add3A_266, %get3A_276 : vector<10x2560xf32>
    %get3A_278 = arith.constant 25 : index
    %get3A_279 = arith.constant 0 : index
    %get3A_280 = vector.load %arg2[%get3A_278, %get3A_279] : memref<32x2560xf32, #tpu.memory_space<vmem>>, vector<1x2560xf32>
    %add3A_281 = arith.addf %add3A_270, %get3A_280 : vector<1x2560xf32>
    %get3A_282 = arith.constant 26 : index
    %get3A_283 = arith.constant 0 : index
    %get3A_284 = arith.constant 0 : index
    %get3A_285 = arith.constant 0 : index
    %get3A_286 = vector.load %arg1[%get3A_282, %get3A_283, %get3A_284, %get3A_285] : memref<32x1x10x2560xf32, #tpu.memory_space<vmem>>, vector<1x1x10x2560xf32>
    %get3A_287 = vector.shape_cast %get3A_286 : vector<1x1x10x2560xf32> to vector<10x2560xf32>
    %add3A_288 = arith.addf %add3A_277, %get3A_287 : vector<10x2560xf32>
    %get3A_289 = arith.constant 26 : index
    %get3A_290 = arith.constant 0 : index
    %get3A_291 = vector.load %arg2[%get3A_289, %get3A_290] : memref<32x2560xf32, #tpu.memory_space<vmem>>, vector<1x2560xf32>
    %add3A_292 = arith.addf %add3A_281, %get3A_291 : vector<1x2560xf32>
    %get3A_293 = arith.constant 27 : index
    %get3A_294 = arith.constant 0 : index
    %get3A_295 = arith.constant 0 : index
    %get3A_296 = arith.constant 0 : index
    %get3A_297 = vector.load %arg1[%get3A_293, %get3A_294, %get3A_295, %get3A_296] : memref<32x1x10x2560xf32, #tpu.memory_space<vmem>>, vector<1x1x10x2560xf32>
    %get3A_298 = vector.shape_cast %get3A_297 : vector<1x1x10x2560xf32> to vector<10x2560xf32>
    %add3A_299 = arith.addf %add3A_288, %get3A_298 : vector<10x2560xf32>
    %get3A_300 = arith.constant 27 : index
    %get3A_301 = arith.constant 0 : index
    %get3A_302 = vector.load %arg2[%get3A_300, %get3A_301] : memref<32x2560xf32, #tpu.memory_space<vmem>>, vector<1x2560xf32>
    %add3A_303 = arith.addf %add3A_292, %get3A_302 : vector<1x2560xf32>
    %get3A_304 = arith.constant 28 : index
    %get3A_305 = arith.constant 0 : index
    %get3A_306 = arith.constant 0 : index
    %get3A_307 = arith.constant 0 : index
    %get3A_308 = vector.load %arg1[%get3A_304, %get3A_305, %get3A_306, %get3A_307] : memref<32x1x10x2560xf32, #tpu.memory_space<vmem>>, vector<1x1x10x2560xf32>
    %get3A_309 = vector.shape_cast %get3A_308 : vector<1x1x10x2560xf32> to vector<10x2560xf32>
    %add3A_310 = arith.addf %add3A_299, %get3A_309 : vector<10x2560xf32>
    %get3A_311 = arith.constant 28 : index
    %get3A_312 = arith.constant 0 : index
    %get3A_313 = vector.load %arg2[%get3A_311, %get3A_312] : memref<32x2560xf32, #tpu.memory_space<vmem>>, vector<1x2560xf32>
    %add3A_314 = arith.addf %add3A_303, %get3A_313 : vector<1x2560xf32>
    %get3A_315 = arith.constant 29 : index
    %get3A_316 = arith.constant 0 : index
    %get3A_317 = arith.constant 0 : index
    %get3A_318 = arith.constant 0 : index
    %get3A_319 = vector.load %arg1[%get3A_315, %get3A_316, %get3A_317, %get3A_318] : memref<32x1x10x2560xf32, #tpu.memory_space<vmem>>, vector<1x1x10x2560xf32>
    %get3A_320 = vector.shape_cast %get3A_319 : vector<1x1x10x2560xf32> to vector<10x2560xf32>
    %add3A_321 = arith.addf %add3A_310, %get3A_320 : vector<10x2560xf32>
    %get3A_322 = arith.constant 29 : index
    %get3A_323 = arith.constant 0 : index
    %get3A_324 = vector.load %arg2[%get3A_322, %get3A_323] : memref<32x2560xf32, #tpu.memory_space<vmem>>, vector<1x2560xf32>
    %add3A_325 = arith.addf %add3A_314, %get3A_324 : vector<1x2560xf32>
    %get3A_326 = arith.constant 30 : index
    %get3A_327 = arith.constant 0 : index
    %get3A_328 = arith.constant 0 : index
    %get3A_329 = arith.constant 0 : index
    %get3A_330 = vector.load %arg1[%get3A_326, %get3A_327, %get3A_328, %get3A_329] : memref<32x1x10x2560xf32, #tpu.memory_space<vmem>>, vector<1x1x10x2560xf32>
    %get3A_331 = vector.shape_cast %get3A_330 : vector<1x1x10x2560xf32> to vector<10x2560xf32>
    %add3A_332 = arith.addf %add3A_321, %get3A_331 : vector<10x2560xf32>
    %get3A_333 = arith.constant 30 : index
    %get3A_334 = arith.constant 0 : index
    %get3A_335 = vector.load %arg2[%get3A_333, %get3A_334] : memref<32x2560xf32, #tpu.memory_space<vmem>>, vector<1x2560xf32>
    %add3A_336 = arith.addf %add3A_325, %get3A_335 : vector<1x2560xf32>
    %get3A_337 = arith.constant 31 : index
    %get3A_338 = arith.constant 0 : index
    %get3A_339 = arith.constant 0 : index
    %get3A_340 = arith.constant 0 : index
    %get3A_341 = vector.load %arg1[%get3A_337, %get3A_338, %get3A_339, %get3A_340] : memref<32x1x10x2560xf32, #tpu.memory_space<vmem>>, vector<1x1x10x2560xf32>
    %get3A_342 = vector.shape_cast %get3A_341 : vector<1x1x10x2560xf32> to vector<10x2560xf32>
    %add3A_343 = arith.addf %add3A_332, %get3A_342 : vector<10x2560xf32>
    %get3A_344 = arith.constant 31 : index
    %get3A_345 = arith.constant 0 : index
    %get3A_346 = vector.load %arg2[%get3A_344, %get3A_345] : memref<32x2560xf32, #tpu.memory_space<vmem>>, vector<1x2560xf32>
    %add3A_347 = arith.addf %add3A_336, %get3A_346 : vector<1x2560xf32>
    %broadcast_in_dim3A = arith.constant 0.000000e+00 : f32
    %broadcast_in_dim3A_348 = vector.broadcast %broadcast_in_dim3A : f32 to vector<6x2560xf32>
    %concatenate3A = tpu.concatenate %add3A_343, %broadcast_in_dim3A_348 in 0 : vector<10x2560xf32>, vector<6x2560xf32> -> vector<16x2560xf32>
    %get3A_349 = arith.constant 0 : index
    %get3A_350 = arith.constant 0 : index
    %get3A_351 = vector.load %arg4[%get3A_349, %get3A_350] : memref<128x16xf32, #tpu.memory_space<vmem>>, vector<128x16xf32>
    %dot_general3A = arith.constant dense<0.000000e+00> : vector<128x2560xf32>
    %dot_general3A_352 = tpu.matmul %get3A_351, %concatenate3A, %dot_general3A {dimension_numbers = #tpu.dot_dimension_numbers<[1], [0], [0], [1], [0, 0, 1, 1], [], []>, precision = #tpu.contract_precision<fp32>, transpose_lhs_hint = false} : vector<128x16xf32>, vector<16x2560xf32>, vector<128x2560xf32> -> vector<128x2560xf32>
    %iota3A = tpu.iota {dimensions = array<i32: 0>} : vector<16x2560xi32>
    %get3A_353 = arith.constant 0 : index
    %get3A_354 = arith.constant 0 : index
    %get3A_355 = arith.constant 0 : index
    %get3A_356 = vector.load %arg3[%get3A_353, %get3A_354, %get3A_355] : memref<1x1x2560xi32, #tpu.memory_space<vmem>>, vector<1x1x2560xi32>
    %get3A_357 = vector.shape_cast %get3A_356 : vector<1x1x2560xi32> to vector<1x2560xi32>
    %eq3A = vector.broadcast %get3A_357 : vector<1x2560xi32> to vector<16x2560xi32>
    %eq3A_358 = arith.cmpi eq, %iota3A, %eq3A : vector<16x2560xi32>
    %convert_element_type3A = arith.extui %eq3A_358 : vector<16x2560xi1> to vector<16x2560xi32>
    %convert_element_type3A_359 = arith.sitofp %convert_element_type3A : vector<16x2560xi32> to vector<16x2560xf32>
    %dot_general3A_360 = arith.constant dense<0.000000e+00> : vector<128x2560xf32>
    %dot_general3A_361 = tpu.matmul %get3A_351, %convert_element_type3A_359, %dot_general3A_360 {dimension_numbers = #tpu.dot_dimension_numbers<[1], [0], [0], [1], [0, 0, 1, 1], [], []>, precision = #tpu.contract_precision<fp32>, transpose_lhs_hint = false} : vector<128x16xf32>, vector<16x2560xf32>, vector<128x2560xf32> -> vector<128x2560xf32>
    %get3A_362 = arith.constant 0 : index
    %get3A_363 = arith.constant 0 : index
    %get3A_364 = vector.load %arg5[%get3A_362, %get3A_363] : memref<128x128xf32, #tpu.memory_space<vmem>>, vector<128x128xf32>
    %dot_general3A_365 = arith.constant dense<0.000000e+00> : vector<128x2560xf32>
    %dot_general3A_366 = tpu.matmul %get3A_364, %dot_general3A_352, %dot_general3A_365 {dimension_numbers = #tpu.dot_dimension_numbers<[1], [0], [0], [1], [0, 0, 1, 1], [], []>, transpose_lhs_hint = false} : vector<128x128xf32>, vector<128x2560xf32>, vector<128x2560xf32> -> vector<128x2560xf32>
    %mul3A = arith.mulf %dot_general3A_361, %dot_general3A_366 : vector<128x2560xf32>
    %reduce_sum3A = vector.shape_cast %mul3A : vector<128x2560xf32> to vector<1x128x2560xf32>
    %reduce_sum3A_367 = arith.constant dense<0.000000e+00> : vector<1xf32>
    %reduce_sum3A_368 = vector.multi_reduction <add>, %reduce_sum3A, %reduce_sum3A_367 [1, 2] : vector<1x128x2560xf32> to vector<1xf32>
    %reduce_sum3A_369 = vector.shape_cast %reduce_sum3A_368 : vector<1xf32> to vector<1x1x1xf32>
    %reduce_sum3A_370 = vector.extract %reduce_sum3A_369[0, 0, 0] : f32 from vector<1x1x1xf32>
    %div3A = arith.constant 27.2113857 : f32
    %div3A_371 = arith.divf %reduce_sum3A_370, %div3A : f32
    %eq3A_372 = arith.constant 0 : i32
    %eq3A_373 = arith.cmpi eq, %arg0, %eq3A_372 : i32
    %convert_element_type3A_374 = arith.extui %eq3A_373 : i1 to i32
    %cond3A = arith.constant 0 : i32
    %cond3A_375 = arith.cmpi ne, %convert_element_type3A_374, %cond3A : i32
    scf.if %cond3A_375 {
      %swap3A_394 = arith.constant 0.000000e+00 : f32
      %swap3A_395 = arith.constant 0 : index
      %swap3A_396 = arith.constant 0 : index
      %swap3A_397 = memref.load %arg7[%swap3A_395, %swap3A_396] : memref<1x1xf32, #tpu.memory_space<smem>>
      memref.store %swap3A_394, %arg7[%swap3A_395, %swap3A_396] : memref<1x1xf32, #tpu.memory_space<smem>>
    } else {
    }
    %get3A_376 = arith.constant 0 : index
    %get3A_377 = arith.constant 0 : index
    %get3A_378 = memref.load %arg7[%get3A_376, %get3A_377] : memref<1x1xf32, #tpu.memory_space<smem>>
    %add3A_379 = arith.addf %get3A_378, %div3A_371 : f32
    %swap3A = arith.constant 0 : index
    %swap3A_380 = arith.constant 0 : index
    %swap3A_381 = memref.load %arg7[%swap3A, %swap3A_380] : memref<1x1xf32, #tpu.memory_space<smem>>
    memref.store %add3A_379, %arg7[%swap3A, %swap3A_380] : memref<1x1xf32, #tpu.memory_space<smem>>
    %get3A_382 = arith.constant 0 : index
    %get3A_383 = arith.constant 0 : index
    %get3A_384 = vector.load %arg6[%get3A_382, %get3A_383] : memref<8x128xf32, #tpu.memory_space<vmem>>, vector<8x128xf32>
    %dot_general3A_385 = arith.constant dense<0.000000e+00> : vector<8x2560xf32>
    %dot_general3A_386 = tpu.matmul %get3A_384, %dot_general3A_361, %dot_general3A_385 {dimension_numbers = #tpu.dot_dimension_numbers<[1], [0], [0], [1], [0, 0, 1, 1], [], []>, transpose_lhs_hint = false} : vector<8x128xf32>, vector<128x2560xf32>, vector<8x2560xf32> -> vector<8x2560xf32>
    %slice3A = vector.extract_strided_slice %dot_general3A_386 {offsets = [0, 0], sizes = [1, 2560], strides = [1, 1]} : vector<8x2560xf32> to vector<1x2560xf32>
    %tanh3A = math.tanh %add3A_347 : vector<1x2560xf32>
    %mul3A_387 = arith.mulf %slice3A, %tanh3A : vector<1x2560xf32>
    %swap3A_388 = arith.constant 0 : index
    %swap3A_389 = arith.constant 0 : index
    %swap3A_390 = arith.constant 0 : index
    %swap3A_391 = vector.load %arg8[%swap3A_388, %swap3A_389, %swap3A_390] : memref<1x1x2560xf32, #tpu.memory_space<vmem>>, vector<1x1x2560xf32>
    %swap3A_392 = vector.shape_cast %swap3A_391 : vector<1x1x2560xf32> to vector<1x2560xf32>
    %swap3A_393 = vector.shape_cast %mul3A_387 : vector<1x2560xf32> to vector<1x1x2560xf32>
    tpu.vector_store %arg8[%swap3A_388, %swap3A_389, %swap3A_390], %swap3A_393 {strides = array<i32>} : memref<1x1x2560xf32, #tpu.memory_space<vmem>>, vector<1x1x2560xf32>,
    return
  }
  func.func @transform_0(%arg0: i32) -> (i32, i32, i32, i32) {
    %jit3A = arith.constant 1 : i32
    %div3A = arith.divsi %arg0, %jit3A : i32
    %sign3A = arith.constant 0 : i32
    %sign3A_0 = arith.cmpi sgt, %arg0, %sign3A : i32
    %sign3A_1 = arith.extui %sign3A_0 : i1 to i32
    %sign3A_2 = arith.constant 0 : i32
    %sign3A_3 = arith.cmpi slt, %arg0, %sign3A_2 : i32
    %sign3A_4 = arith.extui %sign3A_3 : i1 to i32
    %sign3A_5 = arith.subi %sign3A_1, %sign3A_4 : i32
    %sign3A_6 = arith.constant 0 : i32
    %sign3A_7 = arith.cmpi sgt, %jit3A, %sign3A_6 : i32
    %sign3A_8 = arith.extui %sign3A_7 : i1 to i32
    %sign3A_9 = arith.constant 0 : i32
    %sign3A_10 = arith.cmpi slt, %jit3A, %sign3A_9 : i32
    %sign3A_11 = arith.extui %sign3A_10 : i1 to i32
    %sign3A_12 = arith.subi %sign3A_8, %sign3A_11 : i32
    %ne3A = arith.cmpi ne, %sign3A_5, %sign3A_12 : i32
    %rem3A = arith.remsi %arg0, %jit3A : i32
    %ne3A_13 = arith.constant 0 : i32
    %ne3A_14 = arith.cmpi ne, %rem3A, %ne3A_13 : i32
    %and3A = arith.andi %ne3A, %ne3A_14 : i1
    %sub3A = arith.constant 1 : i32
    %sub3A_15 = arith.subi %div3A, %sub3A : i32
    %select_n3A = arith.select %and3A, %sub3A_15, %div3A : i32
    %jit3A_16 = arith.constant 1 : i32
    %eq3A = arith.constant 0 : i32
    %eq3A_17 = arith.cmpi eq, %jit3A_16, %eq3A : i32
    %jit3A_18 = arith.constant 1 : i32
    %select_n3A_19 = arith.select %eq3A_17, %jit3A_18, %jit3A_16 : i32
    %rem3A_20 = arith.remsi %arg0, %select_n3A_19 : i32
    %ne3A_21 = arith.constant 0 : i32
    %ne3A_22 = arith.cmpi ne, %rem3A_20, %ne3A_21 : i32
    %lt3A = arith.constant 0 : i32
    %lt3A_23 = arith.cmpi slt, %rem3A_20, %lt3A : i32
    %lt3A_24 = arith.constant 0 : i32
    %lt3A_25 = arith.cmpi slt, %select_n3A_19, %lt3A_24 : i32
    %ne3A_26 = arith.xori %lt3A_23, %lt3A_25 : i1
    %and3A_27 = arith.andi %ne3A_26, %ne3A_22 : i1
    %add3A = arith.addi %rem3A_20, %select_n3A_19 : i32
    %select_n3A_28 = arith.select %and3A_27, %add3A, %rem3A_20 : i32
    %c0_i32 = arith.constant 0 : i32
    %c0_i32_29 = arith.constant 0 : i32
    %c0_i32_30 = arith.constant 0 : i32
    return %c0_i32, %select_n3A, %c0_i32_29, %select_n3A_28 : i32, i32, i32, i32
  }
  func.func @transform_1(%arg0: i32) -> (i32, i32) {
    %c0_i32 = arith.constant 0 : i32
    %c0_i32_0 = arith.constant 0 : i32
    return %c0_i32, %arg0 : i32, i32
  }
  func.func @transform_2(%arg0: i32) -> (i32, i32, i32) {
    %c0_i32 = arith.constant 0 : i32
    %c0_i32_0 = arith.constant 0 : i32
    %c0_i32_1 = arith.constant 0 : i32
    return %arg0, %c0_i32, %c0_i32_0 : i32, i32, i32
  }
  func.func @transform_3(%arg0: i32) -> (i32, i32) {
    %c0_i32 = arith.constant 0 : i32
    %c0_i32_0 = arith.constant 0 : i32
    %c0_i32_1 = arith.constant 0 : i32
    return %c0_i32, %c0_i32_0 : i32, i32
  }
  func.func @transform_4(%arg0: i32) -> (i32, i32) {
    %c0_i32 = arith.constant 0 : i32
    %c0_i32_0 = arith.constant 0 : i32
    %c0_i32_1 = arith.constant 0 : i32
    return %c0_i32, %c0_i32_0 : i32, i32
  }
  func.func @transform_5(%arg0: i32) -> (i32, i32) {
    %c0_i32 = arith.constant 0 : i32
    %c0_i32_0 = arith.constant 0 : i32
    %c0_i32_1 = arith.constant 0 : i32
    return %c0_i32, %c0_i32_0 : i32, i32
  }
  func.func @transform_6(%arg0: i32) -> (i32, i32) {
    %c0_i32 = arith.constant 0 : i32
    %c0_i32_0 = arith.constant 0 : i32
    %c0_i32_1 = arith.constant 0 : i32
    return %c0_i32, %c0_i32_0 : i32, i32
  }
  func.func @transform_7(%arg0: i32) -> (i32, i32, i32) {
    %c0_i32 = arith.constant 0 : i32
    %c0_i32_0 = arith.constant 0 : i32
    %c0_i32_1 = arith.constant 0 : i32
    return %arg0, %c0_i32, %c0_i32_0 : i32, i32, i32
  }
}

</mosaic_0001>

<sc_bundles>
// kernel: kernel.4.cloned.1.call-start
scs
__scs_entry_jumppad:
0x0: {  	(pc) =	sbr.rel $0x88, $3  }
0x1: {  	(tag) =	ssettag $0x0;
	lr =	simm.s32 $0x1  }
0x2: {  	[smem:$0x3F9B] =	sst lr;
	_ =	strace $0xD0000000  }
0x3: {  	_ = 	snop  }
0x4: {  	_ = 	snop  }
0x5: {  	_ = 	snop  }
0x6: {  	_ = 	snop  }
0x7: {  	_ = 	snop  }
__scs_overlays_trampoline_lowered:
0x8: {  	[smem:$0x3FAA] =	sst s0  }
0x9: {  	[smem:$0x3FAB] =	sst s1  }
0xa: {  	[smem:$0x3FAC] =	sst s2  }
0xb: {  	[smem:$0x3FAD] =	sst s3  }
0xc: {  	[smem:$0x3FAE] =	sst s4  }
0xd: {  	[smem:$0x3FAF] =	sst s5  }
0xe: {  	[smem:$0x3FB0] =	sst s6  }
0xf: {  	[smem:$0x3FB1] =	sst s7  }
0x10: {  	[smem:$0x3FB2] =	sst s8  }
0x11: {  	[smem:$0x3FB3] =	sst s9;
	s0 =	simm.s32 @!p0 $0x0  }
0x12: {  	s1 =	sld [smem:$0x3F99];
	s0 =	simm.s32 @p0 $0x1  }
0x13: {  	[smem:$0x3FB4] =	sst s0;
	s0 =	simm.s32 @!p1 $0x0  }
0x14: {  	s2 =	sld [smem:$0x3F98];
	s0 =	simm.s32 @p1 $0x1  }
0x15: {  	[smem:$0x3FB5] =	sst s0;
	s0 =	simm.s32 @!p2 $0x0  }
0x16: {  	s3 =	sld [smem:$0x3FDB];
	s0 =	simm.s32 @p2 $0x1  }
0x17: {  	s4 =	simm.s32 $0x1BF5;
	[smem:$0x3FB7] =	sst s0  }
0x18: {  	s0 =	sld [smem:$0x3F9A];
	_ =	swait.ge [sflag:s4], $0x0  }
0x19: {  	s7 =	sld [smem:$0x3F9B]  }
0x1a: {  	s8 =	sadd.s32 $0xFFFFE003, lr  }
0x1b: {  	s9 =	sadd.s32 $0xFFFFFEF7, lr;
	s5 =	simm.s32 $0xFFFFFFFF;
	p2 =	slt.u32 s8, $0xFFFFF086  }
0x1c: {  	p1 =	slt.u32 s9, $0xF7A;
	s5 =	simm.s32 @!p2 $0x0  }
0x1d: {  	s5 =	simm.s32 @p1 $0x1;
	p0 =	seq.s32 s7, s2  }
0x1e: {  	s7 =	smul.u32 @!p0 $0xF7A, s2;
	p2 =	seq.s32 @!p0 s5, $0x0  }
0x1f: {  	s9 =	smul.u32 $0xF7A, s1;
	s8 =	simm.s32 @!p0 $0x1BF5;
	p2 =	por !p2, p0  }
0x20: {  	[sflag:s8] =	ssyncset.s32 @!p0 $0xFFFFF086;
	s6 =	sadd.s32 @!p0 s3, s7;
	s7 =	simm.s32 @!p0 $0x108  }
0x21: {  	s3 =	sadd.s32 s3, s9;
	s6 =	sadd.s32 @!p0 $0x88, s6;
	s7 =	simm.s32 @p2 $0x1082  }
0x22: {  	[simem:s7], [sflag:s8] =	dma.local @!p0 [hbm:s6], $0xF7A  }
0x23: {  	s9 =	sor.u32 $0xD0000000, s2;
	s6 =	simm.s32 $0x108;
	_ =	swait.ge @!p0 [sflag:s8], $0x0  }
0x24: {  	s3 =	sadd.s32 $0x88, s3;
	s6 =	simm.s32 @!p1 $0x1082;
	[sflag:s4] =	ssyncset.s32 $0xFFFFF086  }
0x25: {  	[simem:s6], [sflag:s4] =	dma.local [hbm:s3], $0xF7A  }
0x26: {  	[smem:$0x3F9B] =	sst s1;
	(tag) =	ssettag s2;
	_ =	strace s9  }
0x27: {  	s1 =	sld [smem:$0x3FAB]  }
0x28: {  	s2 =	sld [smem:$0x3FAC]  }
0x29: {  	s4 =	sld [smem:$0x3FAE]  }
0x2a: {  	p0 =	seq.s32 s5, $0x0;
	s5 =	sld [smem:$0x3FAF]  }
0x2b: {  	s6 =	sld [smem:$0x3FB0]  }
0x2c: {  	s7 =	sld [smem:$0x3FB1]  }
0x2d: {  	s3 =	simm.s32 $0x108;
	s8 =	sld [smem:$0x3FB2]  }
0x2e: {  	s3 =	simm.s32 @!p0 $0x1082;
	s9 =	sld [smem:$0x3FB3]  }
0x2f: {  	lr =	sadd.s32 s0, s3;
	s0 =	sld [smem:$0x3FAA]  }
0x30: {  	s3 =	sld [smem:$0x3FAD]  }
0x31: {  	[smem:$0x3FB6] =	sst s10  }
0x32: {  	s10 =	sld [smem:$0x3FB4];
	_ =	sdelay $0x3  }
0x33: {  	p0 =	seq.s32 s10, $0x1;
	s10 =	sld [smem:$0x3FB6];
	_ =	sdelay $0x3  }
0x34: {  	[smem:$0x3FB6] =	sst s10  }
0x35: {  	s10 =	sld [smem:$0x3FB5];
	_ =	sdelay $0x3  }
0x36: {  	p1 =	seq.s32 s10, $0x1;
	s10 =	sld [smem:$0x3FB6];
	_ =	sdelay $0x3  }
0x37: {  	[smem:$0x3FB6] =	sst s10  }
0x38: {  	s10 =	sld [smem:$0x3FB7]  }
0x39: {  	_ = 	snop;
	(pc) =	sbr.ind lr, $3  }
0x3a: {  	_ = 	snop  }
0x3b: {  	_ = 	snop  }
0x3c: {  	p2 =	seq.s32 s10, $0x1;
	s10 =	sld [smem:$0x3FB6]  }
0x3d: {  	_ =	shalt  }
0x3e: {  	_ =	shalt  }
0x3f: {  	_ =	shalt  }
0x40: {  	_ =	shalt  }
0x41: {  	_ =	shalt  }
0x42: {  	_ =	shalt  }
0x43: {  	_ =	shalt  }
0x44: {  	_ =	shalt  }
0x45: {  	_ =	shalt  }
0x46: {  	_ =	shalt  }
0x47: {  	_ =	shalt  }
0x48: {  	_ =	shalt  }
0x49: {  	_ =	shalt  }
0x4a: {  	_ =	shalt  }
0x4b: {  	_ =	shalt  }
0x4c: {  	_ =	shalt  }
0x4d: {  	_ =	shalt  }
0x4e: {  	_ =	shalt  }
0x4f: {  	_ =	shalt  }
0x50: {  	_ =	shalt  }
0x51: {  	_ =	shalt  }
0x52: {  	_ =	shalt  }
0x53: {  	_ =	shalt  }
0x54: {  	_ =	shalt  }
0x55: {  	_ =	shalt  }
0x56: {  	_ =	shalt  }
0x57: {  	_ =	shalt  }
0x58: {  	_ =	shalt  }
0x59: {  	_ =	shalt  }
0x5a: {  	_ =	shalt  }
0x5b: {  	_ =	shalt  }
0x5c: {  	_ =	shalt  }
0x5d: {  	_ =	shalt  }
0x5e: {  	_ =	shalt  }
0x5f: {  	_ =	shalt  }
0x60: {  	_ =	shalt  }
0x61: {  	_ =	shalt  }
0x62: {  	_ =	shalt  }
0x63: {  	_ =	shalt  }
0x64: {  	_ =	shalt  }
0x65: {  	_ =	shalt  }
0x66: {  	_ =	shalt  }
0x67: {  	_ =	shalt  }
0x68: {  	_ =	shalt  }
0x69: {  	_ =	shalt  }
0x6a: {  	_ =	shalt  }
0x6b: {  	_ =	shalt  }
0x6c: {  	_ =	shalt  }
0x6d: {  	_ =	shalt  }
0x6e: {  	_ =	shalt  }
0x6f: {  	_ =	shalt  }
0x70: {  	_ =	shalt  }
0x71: {  	_ =	shalt  }
0x72: {  	_ =	shalt  }
0x73: {  	_ =	shalt  }
0x74: {  	_ =	shalt  }
0x75: {  	_ =	shalt  }
0x76: {  	_ =	shalt  }
0x77: {  	_ =	shalt  }
0x78: {  	_ =	shalt  }
0x79: {  	_ =	shalt  }
0x7a: {  	_ =	shalt  }
0x7b: {  	_ =	shalt  }
0x7c: {  	_ =	shalt  }
0x7d: {  	_ =	shalt  }
0x7e: {  	_ =	shalt  }
0x7f: {  	_ =	shalt  }
0x80: {  	_ =	shalt  }
0x81: {  	_ =	shalt  }
0x82: {  	_ =	shalt  }
0x83: {  	_ =	shalt  }
0x84: {  	_ =	shalt  }
0x85: {  	_ =	shalt  }
0x86: {  	_ =	shalt  }
0x87: {  	_ =	shalt  }
.Lfunc_end0:
.L_simem_size_0:
called_computation_lowered:
.L_overlay_start_0:
0x88: {  	s2 =	sld [smem:$0x3FD9]  }
0x89: {  	s3 =	sld [smem:$0x3FFE];
	_ =	sdelay $0x1  }
0x8a: {  	s1 =	srdreg.scid  }
0x8b: {  	s0 =	sand.u32 $0x1, s1  }
0x8c: {  	s14 =	sshll.u32 s0, $0xA;
	s2 =	sadd.s32 s3, s2  }
0x8d: {  	s2 =	sadd.s32 s2, s14  }
0x8e: {  	[smem:$0x3FC2] =	sst s2  }
0x8f: {  	_ = 	snop  }
0x90: {  	s2 =	sld [smem:$0x3FD0];
	_ =	sdelay $0x2  }
0x91: {  	s15 =	simm.s32 $0xA;
	s4 =	simm.s32 $0x10  }
0x92: {  	[smem:s4], [sflag:s15] =	dma.local [hbm:s2], $0x1  }
0x93: {  	_ =	swait.eq [sflag:s15], $0x1  }
0x94: {  	[sflag:s15] =	ssyncset.done $0x0  }
0x95: {  	[sflag:s15] =	ssyncadd.s32 $0xFFFFFFFF  }
0x96: {  	s16 =	sld [smem:$0x11];
	(tm) =	ssettm $0x1  }
0x97: {  	s17 =	sld [smem:$0x3FFB];
	_ =	sdelay $0x3  }
0x98: {  	_ =	strace s17  }
0x99: {  	s3 =	sld [smem:$0x3FFC];
	_ =	sdelay $0x3  }
0x9a: {  	_ =	strace s3  }
0x9b: {  	s3 =	sld [smem:$0x3FFD];
	_ =	sdelay $0x3  }
0x9c: {  	_ =	strace s3  }
0x9d: {  	_ =	strace $0x8FFFFFFF  }
0x9e: {  	s18 =	sld [smem:$0x3FDB];
	_ =	sdelay $0x1  }
0x9f: {  	s19 =	simm.s32 $_scs_section_size  }
0xa0: {  	s5 =	simm.s32 $_size__tile_overlayer_lowered;
	s6 =	simm.s32 $_tile_overlayer_lowered  }
0xa1: {  	s22 =	simm.s32 $0x1BFF;
	s21 =	sshll.u32 s6, $0x1;
	s3 =	sadd.s32 s19, s18  }
0xa2: {  	s7 =	simm.s32 $0x0;
	s20 =	sshll.u32 s5, $0x1;
	s5 =	sadd.s32 s21, s3  }
0xa3: {  	[timem:s7], [sflag:s22] =	dma.local [hbm:s5], s20  }
0xa4: {  	_ =	swait.ge [sflag:s22], s20  }
0xa5: {  	s4 =	ssub.s32 $0x0, s20;
	[sflag:s22] =	ssyncset.done $0x0  }
0xa6: {  	[sflag:s22] =	ssyncadd.s32 s4;
	_ =	sdelay $0x1  }
0xa7: {  	s23 =	simm.s32 $0x1B8B  }
0xa8: {  	_ =	swait.ge [sflag:s23], $0x1  }
0xa9: {  	[sflag:s23] =	ssyncset.done $0x0  }
0xaa: {  	s25 =	simm.s32 $0x1B8E;
	s24 =	sld [smem:$0x3FFE];
	[sflag:s23] =	ssyncadd.s32 $0xFFFFFFFF  }
0xab: {  	s26 =	simm.s32 $execute0_lowered;
	[smem:$0x3FD2] =	sst s25  }
0xac: {  	s5 =	sshll.u32 s26, $0x1;
	_ =	strace $0x80000046;
	[dreg:$0x1] =	wrdreg $0xFFFFFFFF  }
0xad: {  	s28 =	simm.s32 $_size_execute0_lowered;
	s3 =	sadd.s32 s3, s5;
	[dreg:$0x0] =	wrdreg $0x0  }
0xae: {  	s5 =	sshll.u32 s28, $0x1;
	[dreg:$0x2] =	wrdreg s3  }
0xaf: {  	[dreg:$0x3] =	wrdreg s5  }
0xb0: {  	[dreg:$0x4] =	wrdreg $0xC0  }
0xb1: {  	_ =	task [dreg:s7], $0x5FFFF  }
0xb2: {  	[dreg:$0x1] =	wrdreg $0xFFFFFFFF  }
0xb3: {  	[dreg:$0x0] =	wrdreg $0x60  }
0xb4: {  	[dreg:$0x2] =	wrdreg s16  }
0xb5: {  	[dreg:$0x3] =	wrdreg s24  }
0xb6: {  	[dreg:$0x4] =	wrdreg $0x9  }
0xb7: {  	_ =	task.clear_ibuf [dreg:s7], $0x5FFFF;
	_ =	strace $0x90000046  }
0xb8: {  	s29 =	simm.s32 $0x9;
	_ =	strace $0x80000048  }
0xb9: {  	_ =	swait.ge [sflag:s29], $0x1  }
0xba: {  	[sflag:s29] =	ssyncadd.s32 $0xFFFFFFFF  }
0xbb: {  	_ =	strace $0x90000048  }
0xbc: {  	_ =	sfence  }
0xbd: {  	s30 =	sld [smem:$0x0];
	_ =	sdelay $0x2  }
0xbe: {  	s31 =	sshll.u32 s1, $0xD;
	s1 =	sshrl.u32 s1, $0x2  }
0xbf: {  	s3 =	sand.u32 $0x4000, s31;
	s1 =	sadd.s32 s1, s30  }
0xc0: {  	s0 =	sor.u32 s3, s0;
	s1 =	sshll.u32 s1, $0x11  }
0xc1: {  	s0 =	sor.u32 s1, s0  }
0xc2: {  	s0 =	sadd.s32 $0x8F2B, s0  }
0xc3: {  	[sflag:s0] =	ssyncadd.remote.s32 $0x1  }
0xc4: {  	_ =	sfence.sel $0xFFFF  }
0xc5: {  	[dreg:$0x0] =	wrdreg $0xFFFFFFFF;
	(pc) =	sbr.abs _section_cstart, $3  }
0xc6: {  	[dreg:$0x1] =	wrdreg $0xFFFFFFFF  }
0xc7: {  	_ =	task.clear_ibuf [dreg:s7], $0x2FFFF;
	_ =	strace $0x9FFFFFFF  }
0xc8: {  	(tm) =	ssettm $0x7FFFFFFF  }
0xc9: {  	_ =	shalt  }
tec
execute0_lowered:
.L_overlay_start_1:
0x0: {  	(tag) =	ssettag $0x1  }
0x1: {  	s2 =	rddreg [dreg:$0x0]  }
0x2: {  	s3 =	rddreg [dreg:$0x1]  }
0x3: {  	s0 =	rddreg [dreg:$0x2]  }
0x4: {  	s5 =	srdreg.scid;
	s1 =	stileid.u32  }
0x5: {  	s4 =	simm.s32 $0x0;
	s15 =	simm.s32 $0x1;
	s16 =	simm.s32 $0x2800  }
0x6: {  	s17 =	simm.s32 $0x5000;
	s18 =	simm.s32 $0x7800;
	s19 =	simm.s32 $0xA000  }
0x7: {  	s20 =	simm.s32 $0xB400;
	s21 =	simm.s32 $0xC800;
	s22 =	simm.s32 $0x10400  }
0x8: {  	s23 =	simm.s32 $0x80;
	s24 =	simm.s32 $0x400;
	s25 =	simm.s32 $0x0  }
0x9: {  	s7 =	sand.u32 $0x1, s5;
	s29 =	sshll.u32 s1, $0x1;
	s30 =	sshrl.u32 s1, $0x2  }
0xa: {  	[smem:$0x7FF] =	sst s4;
	s8 =	sor.u32 s7, s29;
	s9 =	smul.u32 $0x14000, s30  }
0xb: {  	s5 =	sadd.s32 $0x600, s3;
	_ =	strace $0x80000047;
	s10 =	smul.u32 $0x272, s8  }
0xc: {  	s7 =	ssub.s32 $0x2, s7;
	s6 =	sshll.u32 s8, $0x7;
	s8 =	smul.u32 $0x28000, s8  }
0xd: {  	s31 =	sshrl.u32 s7, $0x1;
	s11 =	sand.u32 $0x380, s6;
	s6 =	sadd.s32 $0xC00, s3  }
0xe: {  	s14 =	ssub.s32 s7, s31;
	s9 =	sor.u32 s9, s11;
	s10 =	sadd.s32 s10, s3  }
0xf: {  	s8 =	sshrl.u32 s8, $0x3;
	s14 =	smax.u32 s14, $0x1;
	s9 =	sshrl.u32 s9, $0x3  }
0x10: {  	s13 =	sadd.s32 s8, s3;
	s7 =	sadd.s32 $0x1200, s10;
	s8 =	sadd.s32 $0x6200, s10  }
0x11: {  	s9 =	sadd.s32 s9, s3;
	s10 =	sadd.s32 $0xB200, s13;
	s11 =	sadd.s32 $0xC600, s13  }
0x12: {  	v0 =	vimm.f32 $0.0e+00;
	v16 =	vimm.s32 $0x0;
	s12 =	sadd.s32 $0xDA00, s13;
	s13 =	sadd.s32 $0xEE00, s13;
	s9 =	sadd.s32 $0xAB200, s9  }
.LBB2_1:
0x13: {  	[tilespmem:s4], [sflag:$0x1] =	stream.linear.gather [hbm4b:s2+s4], $0x2800, $0x38;
	[tilespmem:$0x1A400] =	vst v63  }
0x14: {  	_ =	swait.ge [sflag:s15], $0x2800  }
0x15: {  	[sflag:s15] =	ssyncset.done $0x0  }
0x16: {  	[sflag:s15] =	ssyncadd.s32 $0xFFFFD800  }
0x17: {  	[tilespmem:s16], [sflag:$0x1] =	stream.linear.gather [hbm4b:s3+s4], $0x2800, $0x38;
	[tilespmem:$0x1A400] =	vst v63  }
0x18: {  	_ =	swait.ge [sflag:s15], $0x2800  }
0x19: {  	[sflag:s15] =	ssyncset.done $0x0  }
0x1a: {  	[sflag:s15] =	ssyncadd.s32 $0xFFFFD800  }
0x1b: {  	[tilespmem:s17], [sflag:$0x1] =	stream.linear.gather [hbm4b:s5+s4], $0x2800, $0x38;
	[tilespmem:$0x1A400] =	vst v63  }
0x1c: {  	_ =	swait.ge [sflag:s15], $0x2800  }
0x1d: {  	[sflag:s15] =	ssyncset.done $0x0  }
0x1e: {  	[sflag:s15] =	ssyncadd.s32 $0xFFFFD800  }
0x1f: {  	[tilespmem:s18], [sflag:$0x1] =	stream.linear.gather [hbm4b:s6+s4], $0x2800, $0x38;
	[tilespmem:$0x1A400] =	vst v63  }
0x20: {  	_ =	swait.ge [sflag:s15], $0x2800  }
0x21: {  	[sflag:s15] =	ssyncset.done $0x0  }
0x22: {  	[sflag:s15] =	ssyncadd.s32 $0xFFFFD800  }
0x23: {  	[tilespmem:s19], [sflag:$0x1] =	stream.linear.gather [hbm4b:s7+s4], $0x1390, $0x38;
	[tilespmem:$0x1A400] =	vst v63  }
0x24: {  	_ =	swait.ge [sflag:s15], $0x1390  }
0x25: {  	[sflag:s15] =	ssyncset.done $0x0  }
0x26: {  	[sflag:s15] =	ssyncadd.s32 $0xFFFFEC70  }
0x27: {  	[tilespmem:s20], [sflag:$0x1] =	stream.linear.gather [hbm4b:s8+s4], $0x1390, $0x38;
	[tilespmem:$0x1A400] =	vst v63  }
0x28: {  	_ =	swait.ge [sflag:s15], $0x1390  }
0x29: {  	[sflag:s15] =	ssyncset.done $0x0  }
0x2a: {  	s26 =	simm.s32 $0xC840;
	[sflag:s15] =	ssyncadd.s32 $0xFFFFEC70  }
0x2b: {  	[tilespmem:s26+$0xFFFFFFC0] =	vst v0  }
0x2c: {  	[tilespmem:s26+$0x30] =	vst v0  }
0x2d: {  	[tilespmem:s26+$0x20] =	vst v0  }
0x2e: {  	[tilespmem:s26+$0x10] =	vst v0  }
0x2f: {  	[tilespmem:s26+$0x0] =	vst v0  }
0x30: {  	[tilespmem:s26+$0xFFFFFFF0] =	vst v0  }
0x31: {  	s29 =	simm.s32 $0x0;
	[tilespmem:s26+$0xFFFFFFE0] =	vst v0  }
.LBB2_2:
0x32: {  	s29 =	sadd.s32 $0x80, s29;
	[tilespmem:s26+$0xFFFFFFD0] =	vst v0;
	s26 =	sadd.s32 $0x80, s26;
	s28 =	simm.s32 $0x10440  }
0x33: {  	[tilespmem:s26+$0xFFFFFFC0] =	vst v0;
	p0 =	slt.u32 s29, $0x2780  }
0x34: {  	[tilespmem:s26+$0x30] =	vst v0  }
.Ltmp0:
0x35: {  	[tilespmem:s26+$0x20] =	vst v0;
	(pc) =	sbr.rel @p0 .LBB2_2-.Ltmp0, $4  }
0x36: {  	[tilespmem:s26+$0x10] =	vst v0  }
0x37: {  	[tilespmem:s26+$0x0] =	vst v0  }
0x38: {  	[tilespmem:s26+$0xFFFFFFF0] =	vst v0  }
0x39: {  	[tilespmem:s26+$0xFFFFFFE0] =	vst v0  }
0x3a: {  	[tilespmem:s26+$0xFFFFFFD0] =	vst v0  }
0x3b: {  	[tilespmem:s28+$0xFFFFFFC0] =	vst v0  }
0x3c: {  	[tilespmem:s28+$0x30] =	vst v0  }
0x3d: {  	[tilespmem:s28+$0x20] =	vst v0  }
0x3e: {  	[tilespmem:s28+$0x10] =	vst v0  }
0x3f: {  	[tilespmem:s28+$0x0] =	vst v0  }
0x40: {  	[tilespmem:s28+$0xFFFFFFF0] =	vst v0  }
0x41: {  	s29 =	simm.s32 $0x0;
	s26 =	simm.s32 $0x104F0;
	[tilespmem:s28+$0xFFFFFFE0] =	vst v0  }
.LBB2_4:
0x42: {  	s29 =	sadd.s32 $0x80, s29;
	[tilespmem:s28+$0xFFFFFFD0] =	vst v0;
	s28 =	sadd.s32 $0x400, s28  }
0x43: {  	[tilespmem:s28+$0xFFFFFFC0] =	vst v0;
	p0 =	slt.u32 s29, $0x980  }
0x44: {  	[tilespmem:s28+$0x30] =	vst v0  }
.Ltmp1:
0x45: {  	[tilespmem:s28+$0x20] =	vst v0;
	(pc) =	sbr.rel @p0 .LBB2_4-.Ltmp1, $4  }
0x46: {  	[tilespmem:s28+$0x10] =	vst v0  }
0x47: {  	[tilespmem:s28+$0x0] =	vst v0  }
0x48: {  	[tilespmem:s28+$0xFFFFFFF0] =	vst v0  }
0x49: {  	[tilespmem:s28+$0xFFFFFFE0] =	vst v0  }
0x4a: {  	[tilespmem:s28+$0xFFFFFFD0] =	vst v0  }
0x4b: {  	[tilespmem:s26+$0xFFFFFF90] =	vst v0  }
0x4c: {  	[tilespmem:s26+$0x0] =	vst v0  }
0x4d: {  	[tilespmem:s26+$0xFFFFFFF0] =	vst v0  }
0x4e: {  	[tilespmem:s26+$0xFFFFFFE0] =	vst v0  }
0x4f: {  	[tilespmem:s26+$0xFFFFFFD0] =	vst v0  }
0x50: {  	[tilespmem:s26+$0xFFFFFFC0] =	vst v0  }
0x51: {  	s29 =	simm.s32 $0x0;
	[tilespmem:s26+$0xFFFFFFB0] =	vst v0  }
.LBB2_6:
0x52: {  	s29 =	sadd.s32 $0x80, s29;
	[tilespmem:s26+$0xFFFFFFA0] =	vst v0;
	s26 =	sadd.s32 $0x400, s26;
	s28 =	simm.s32 $0x10570  }
0x53: {  	[tilespmem:s26+$0xFFFFFF90] =	vst v0;
	p0 =	slt.u32 s29, $0x980  }
0x54: {  	[tilespmem:s26+$0x0] =	vst v0  }
.Ltmp2:
0x55: {  	[tilespmem:s26+$0xFFFFFFF0] =	vst v0;
	(pc) =	sbr.rel @p0 .LBB2_6-.Ltmp2, $4  }
0x56: {  	[tilespmem:s26+$0xFFFFFFE0] =	vst v0  }
0x57: {  	[tilespmem:s26+$0xFFFFFFD0] =	vst v0  }
0x58: {  	[tilespmem:s26+$0xFFFFFFC0] =	vst v0  }
0x59: {  	[tilespmem:s26+$0xFFFFFFB0] =	vst v0  }
0x5a: {  	[tilespmem:s26+$0xFFFFFFA0] =	vst v0  }
0x5b: {  	[tilespmem:s28+$0xFFFFFF90] =	vst v0  }
0x5c: {  	[tilespmem:s28+$0x0] =	vst v0  }
0x5d: {  	[tilespmem:s28+$0xFFFFFFF0] =	vst v0  }
0x5e: {  	[tilespmem:s28+$0xFFFFFFE0] =	vst v0  }
0x5f: {  	[tilespmem:s28+$0xFFFFFFD0] =	vst v0  }
0x60: {  	[tilespmem:s28+$0xFFFFFFC0] =	vst v0  }
0x61: {  	s29 =	simm.s32 $0x0;
	s26 =	simm.s32 $0x105F0;
	[tilespmem:s28+$0xFFFFFFB0] =	vst v0  }
.LBB2_8:
0x62: {  	s29 =	sadd.s32 $0x80, s29;
	[tilespmem:s28+$0xFFFFFFA0] =	vst v0;
	s28 =	sadd.s32 $0x400, s28  }
0x63: {  	[tilespmem:s28+$0xFFFFFF90] =	vst v0;
	p0 =	slt.u32 s29, $0x980  }
0x64: {  	[tilespmem:s28+$0x0] =	vst v0  }
.Ltmp3:
0x65: {  	[tilespmem:s28+$0xFFFFFFF0] =	vst v0;
	(pc) =	sbr.rel @p0 .LBB2_8-.Ltmp3, $4  }
0x66: {  	[tilespmem:s28+$0xFFFFFFE0] =	vst v0  }
0x67: {  	[tilespmem:s28+$0xFFFFFFD0] =	vst v0  }
0x68: {  	[tilespmem:s28+$0xFFFFFFC0] =	vst v0  }
0x69: {  	[tilespmem:s28+$0xFFFFFFB0] =	vst v0  }
0x6a: {  	[tilespmem:s28+$0xFFFFFFA0] =	vst v0  }
0x6b: {  	[tilespmem:s26+$0xFFFFFF90] =	vst v0  }
0x6c: {  	[tilespmem:s26+$0x0] =	vst v0  }
0x6d: {  	[tilespmem:s26+$0xFFFFFFF0] =	vst v0  }
0x6e: {  	[tilespmem:s26+$0xFFFFFFE0] =	vst v0  }
0x6f: {  	[tilespmem:s26+$0xFFFFFFD0] =	vst v0  }
0x70: {  	[tilespmem:s26+$0xFFFFFFC0] =	vst v0  }
0x71: {  	s29 =	simm.s32 $0x0;
	[tilespmem:s26+$0xFFFFFFB0] =	vst v0  }
.LBB2_10:
0x72: {  	s29 =	sadd.s32 $0x80, s29;
	[tilespmem:s26+$0xFFFFFFA0] =	vst v0;
	s26 =	sadd.s32 $0x400, s26;
	s28 =	simm.s32 $0x10670  }
0x73: {  	[tilespmem:s26+$0xFFFFFF90] =	vst v0;
	p0 =	slt.u32 s29, $0x980  }
0x74: {  	[tilespmem:s26+$0x0] =	vst v0  }
.Ltmp4:
0x75: {  	[tilespmem:s26+$0xFFFFFFF0] =	vst v0;
	(pc) =	sbr.rel @p0 .LBB2_10-.Ltmp4, $4  }
0x76: {  	[tilespmem:s26+$0xFFFFFFE0] =	vst v0  }
0x77: {  	[tilespmem:s26+$0xFFFFFFD0] =	vst v0  }
0x78: {  	[tilespmem:s26+$0xFFFFFFC0] =	vst v0  }
0x79: {  	[tilespmem:s26+$0xFFFFFFB0] =	vst v0  }
0x7a: {  	[tilespmem:s26+$0xFFFFFFA0] =	vst v0  }
0x7b: {  	[tilespmem:s28+$0xFFFFFF90] =	vst v0  }
0x7c: {  	[tilespmem:s28+$0x0] =	vst v0  }
0x7d: {  	[tilespmem:s28+$0xFFFFFFF0] =	vst v0  }
0x7e: {  	[tilespmem:s28+$0xFFFFFFE0] =	vst v0  }
0x7f: {  	[tilespmem:s28+$0xFFFFFFD0] =	vst v0  }
0x80: {  	[tilespmem:s28+$0xFFFFFFC0] =	vst v0  }
0x81: {  	s29 =	simm.s32 $0x0;
	s26 =	simm.s32 $0x106F0;
	[tilespmem:s28+$0xFFFFFFB0] =	vst v0  }
.LBB2_12:
0x82: {  	s29 =	sadd.s32 $0x80, s29;
	[tilespmem:s28+$0xFFFFFFA0] =	vst v0;
	s28 =	sadd.s32 $0x400, s28  }
0x83: {  	[tilespmem:s28+$0xFFFFFF90] =	vst v0;
	p0 =	slt.u32 s29, $0x980  }
0x84: {  	[tilespmem:s28+$0x0] =	vst v0  }
.Ltmp5:
0x85: {  	[tilespmem:s28+$0xFFFFFFF0] =	vst v0;
	(pc) =	sbr.rel @p0 .LBB2_12-.Ltmp5, $4  }
0x86: {  	[tilespmem:s28+$0xFFFFFFE0] =	vst v0  }
0x87: {  	[tilespmem:s28+$0xFFFFFFD0] =	vst v0  }
0x88: {  	[tilespmem:s28+$0xFFFFFFC0] =	vst v0  }
0x89: {  	[tilespmem:s28+$0xFFFFFFB0] =	vst v0  }
0x8a: {  	[tilespmem:s28+$0xFFFFFFA0] =	vst v0  }
0x8b: {  	[tilespmem:s26+$0xFFFFFF90] =	vst v0  }
0x8c: {  	[tilespmem:s26+$0x0] =	vst v0  }
0x8d: {  	[tilespmem:s26+$0xFFFFFFF0] =	vst v0  }
0x8e: {  	[tilespmem:s26+$0xFFFFFFE0] =	vst v0  }
0x8f: {  	[tilespmem:s26+$0xFFFFFFD0] =	vst v0  }
0x90: {  	[tilespmem:s26+$0xFFFFFFC0] =	vst v0  }
0x91: {  	s29 =	simm.s32 $0x0;
	[tilespmem:s26+$0xFFFFFFB0] =	vst v0  }
.LBB2_14:
0x92: {  	s29 =	sadd.s32 $0x80, s29;
	[tilespmem:s26+$0xFFFFFFA0] =	vst v0;
	s26 =	sadd.s32 $0x400, s26;
	s28 =	simm.s32 $0x10770  }
0x93: {  	[tilespmem:s26+$0xFFFFFF90] =	vst v0;
	p0 =	slt.u32 s29, $0x980  }
0x94: {  	[tilespmem:s26+$0x0] =	vst v0  }
.Ltmp6:
0x95: {  	[tilespmem:s26+$0xFFFFFFF0] =	vst v0;
	(pc) =	sbr.rel @p0 .LBB2_14-.Ltmp6, $4  }
0x96: {  	[tilespmem:s26+$0xFFFFFFE0] =	vst v0  }
0x97: {  	[tilespmem:s26+$0xFFFFFFD0] =	vst v0  }
0x98: {  	[tilespmem:s26+$0xFFFFFFC0] =	vst v0  }
0x99: {  	[tilespmem:s26+$0xFFFFFFB0] =	vst v0  }
0x9a: {  	[tilespmem:s26+$0xFFFFFFA0] =	vst v0  }
0x9b: {  	[tilespmem:s28+$0xFFFFFF90] =	vst v0  }
0x9c: {  	[tilespmem:s28+$0x0] =	vst v0  }
0x9d: {  	[tilespmem:s28+$0xFFFFFFF0] =	vst v0  }
0x9e: {  	[tilespmem:s28+$0xFFFFFFE0] =	vst v0  }
0x9f: {  	[tilespmem:s28+$0xFFFFFFD0] =	vst v0  }
0xa0: {  	[tilespmem:s28+$0xFFFFFFC0] =	vst v0  }
0xa1: {  	s29 =	simm.s32 $0x0;
	s26 =	simm.s32 $0x107F0;
	[tilespmem:s28+$0xFFFFFFB0] =	vst v0  }
.LBB2_16:
0xa2: {  	s29 =	sadd.s32 $0x80, s29;
	[tilespmem:s28+$0xFFFFFFA0] =	vst v0;
	s28 =	sadd.s32 $0x400, s28  }
0xa3: {  	[tilespmem:s28+$0xFFFFFF90] =	vst v0;
	p0 =	slt.u32 s29, $0x980  }
0xa4: {  	[tilespmem:s28+$0x0] =	vst v0  }
.Ltmp7:
0xa5: {  	[tilespmem:s28+$0xFFFFFFF0] =	vst v0;
	(pc) =	sbr.rel @p0 .LBB2_16-.Ltmp7, $4  }
0xa6: {  	[tilespmem:s28+$0xFFFFFFE0] =	vst v0  }
0xa7: {  	[tilespmem:s28+$0xFFFFFFD0] =	vst v0  }
0xa8: {  	[tilespmem:s28+$0xFFFFFFC0] =	vst v0  }
0xa9: {  	[tilespmem:s28+$0xFFFFFFB0] =	vst v0  }
0xaa: {  	[tilespmem:s28+$0xFFFFFFA0] =	vst v0  }
0xab: {  	[tilespmem:s26+$0xFFFFFF90] =	vst v0  }
0xac: {  	[tilespmem:s26+$0x0] =	vst v0  }
0xad: {  	[tilespmem:s26+$0xFFFFFFF0] =	vst v0  }
0xae: {  	[tilespmem:s26+$0xFFFFFFE0] =	vst v0  }
0xaf: {  	[tilespmem:s26+$0xFFFFFFD0] =	vst v0  }
0xb0: {  	[tilespmem:s26+$0xFFFFFFC0] =	vst v0  }
0xb1: {  	s29 =	simm.s32 $0x0;
	[tilespmem:s26+$0xFFFFFFB0] =	vst v0  }
.LBB2_18:
0xb2: {  	s29 =	sadd.s32 $0x80, s29;
	[tilespmem:s26+$0xFFFFFFA0] =	vst v0;
	s26 =	sadd.s32 $0x400, s26;
	s28 =	simm.s32 $0x15470  }
0xb3: {  	[tilespmem:s26+$0xFFFFFF90] =	vst v0;
	p0 =	slt.u32 s29, $0x980  }
0xb4: {  	[tilespmem:s26+$0x0] =	vst v0  }
.Ltmp8:
0xb5: {  	[tilespmem:s26+$0xFFFFFFF0] =	vst v0;
	(pc) =	sbr.rel @p0 .LBB2_18-.Ltmp8, $4  }
0xb6: {  	[tilespmem:s26+$0xFFFFFFE0] =	vst v0  }
0xb7: {  	[tilespmem:s26+$0xFFFFFFD0] =	vst v0  }
0xb8: {  	[tilespmem:s26+$0xFFFFFFC0] =	vst v0  }
0xb9: {  	[tilespmem:s26+$0xFFFFFFB0] =	vst v0  }
0xba: {  	[tilespmem:s26+$0xFFFFFFA0] =	vst v0  }
0xbb: {  	[tilespmem:s28+$0xFFFFFF90] =	vst v0  }
0xbc: {  	[tilespmem:s28+$0x0] =	vst v0  }
0xbd: {  	[tilespmem:s28+$0xFFFFFFF0] =	vst v0  }
0xbe: {  	[tilespmem:s28+$0xFFFFFFE0] =	vst v0  }
0xbf: {  	[tilespmem:s28+$0xFFFFFFD0] =	vst v0  }
0xc0: {  	[tilespmem:s28+$0xFFFFFFC0] =	vst v0  }
0xc1: {  	s26 =	simm.s32 $0x0;
	s30 =	simm.s32 $0x154F0;
	[tilespmem:s28+$0xFFFFFFB0] =	vst v0  }
.LBB2_20:
0xc2: {  	s26 =	sadd.s32 $0x80, s26;
	[tilespmem:s28+$0xFFFFFFA0] =	vst v0;
	s28 =	sadd.s32 $0x400, s28  }
0xc3: {  	[tilespmem:s28+$0xFFFFFF90] =	vst v0;
	p0 =	slt.u32 s26, $0x980  }
0xc4: {  	[tilespmem:s28+$0x0] =	vst v0  }
.Ltmp9:
0xc5: {  	[tilespmem:s28+$0xFFFFFFF0] =	vst v0;
	(pc) =	sbr.rel @p0 .LBB2_20-.Ltmp9, $4  }
0xc6: {  	[tilespmem:s28+$0xFFFFFFE0] =	vst v0  }
0xc7: {  	[tilespmem:s28+$0xFFFFFFD0] =	vst v0  }
0xc8: {  	[tilespmem:s28+$0xFFFFFFC0] =	vst v0  }
0xc9: {  	[tilespmem:s28+$0xFFFFFFB0] =	vst v0  }
0xca: {  	[tilespmem:s28+$0xFFFFFFA0] =	vst v0  }
0xcb: {  	[tilespmem:s30+$0xFFFFFF90] =	vst v0  }
0xcc: {  	[tilespmem:s30+$0x0] =	vst v0  }
0xcd: {  	[tilespmem:s30+$0xFFFFFFF0] =	vst v0  }
0xce: {  	[tilespmem:s30+$0xFFFFFFE0] =	vst v0  }
0xcf: {  	[tilespmem:s30+$0xFFFFFFD0] =	vst v0  }
0xd0: {  	s31 =	simm.s32 $0x0;
	[tilespmem:s30+$0xFFFFFFC0] =	vst v0  }
0xd1: {  	s28 =	simm.s32 $0xA030;
	s29 =	simm.s32 $0xB430;
	s26 =	simm.s32 $0xF030;
	[tilespmem:s30+$0xFFFFFFB0] =	vst v0  }
.LBB2_22:
0xd2: {  	s31 =	sadd.s32 $0x80, s31;
	[tilespmem:s30+$0xFFFFFFA0] =	vst v0;
	s30 =	sadd.s32 $0x400, s30  }
0xd3: {  	[tilespmem:s30+$0xFFFFFF90] =	vst v0;
	p0 =	slt.u32 s31, $0x980  }
0xd4: {  	[tilespmem:s30+$0x0] =	vst v0  }
.Ltmp10:
0xd5: {  	[tilespmem:s30+$0xFFFFFFF0] =	vst v0;
	(pc) =	sbr.rel @p0 .LBB2_22-.Ltmp10, $4  }
0xd6: {  	[tilespmem:s30+$0xFFFFFFE0] =	vst v0  }
0xd7: {  	[tilespmem:s30+$0xFFFFFFD0] =	vst v0  }
0xd8: {  	[tilespmem:s30+$0xFFFFFFC0] =	vst v0  }
0xd9: {  	[tilespmem:s30+$0xFFFFFFB0] =	vst v0  }
0xda: {  	[tilespmem:s30+$0xFFFFFFA0] =	vst v0  }
0xdb: {  	v7 =	vld [tilespmem:s29+$0x20]  }
0xdc: {  	v8 =	vld [tilespmem:s28+$0x20]  }
0xdd: {  	v56 =	vld [tilespmem:s29+$0xFFFFFFD0]  }
0xde: {  	v15 =	vld [tilespmem:s28+$0xFFFFFFE0]  }
0xdf: {  	v59 =	vld [tilespmem:s29+$0xFFFFFFE0]  }
0xe0: {  	v63 =	vld [tilespmem:s28+$0xFFFFFFF0]  }
0xe1: {  	v17 =	vld [tilespmem:s29+$0xFFFFFFF0]  }
0xe2: {  	v60 =	vld [tilespmem:s28+$0x0]  }
0xe3: {  	v62 =	vld [tilespmem:s29+$0x0]  }
0xe4: {  	v34 =	vld.idx.msk [tilespmem:v7+s18+$0x0], $0xffff  }
0xe5: {  	v30 =	vld.idx.msk [tilespmem:v8+s18+$0x0], $0xffff  }
0xe6: {  	v61 =	vld [tilespmem:s28+$0x10]  }
0xe7: {  	v27 =	vld [tilespmem:s29+$0x10];
	vm6 =	vlt.s32 v56, $0xA00  }
0xe8: {  	vm7 =	vlt.s32 v15, $0xA00;
	v3 =	vnsel vm6, $0x0, v56  }
0xe9: {  	vm8 =	vlt.s32 v59, $0xA00;
	vm13 =	vlt.s32 v63, $0xA00;
	[tilespmem:$0x1FFD0] =	vst v3;
	v1 =	vshll.u32 v34, $0x14  }
0xea: {  	vm4 =	vlt.s32 v17, $0xA00;
	v14 =	vld [tilespmem:s28+$0xFFFFFFD0];
	v2 =	vshll.u32 v30, $0x14;
	v1 =	vor.u32 v8, v1  }
0xeb: {  	vm5 =	vlt.s32 v60, $0xA00;
	vm9 =	vlt.s32 v62, $0xA00;
	v18 =	vld.idx.msk [tilespmem:v56+s18+$0x0], $0xffff;
	[tilespmem:s28+$0x20] =	vst v1;
	v1 =	vor.u32 v7, v2  }
0xec: {  	vm0 =	vlt.s32 v61, $0xA00;
	vm1 =	vlt.s32 v27, $0xA00;
	v20 =	vld.idx.msk [tilespmem:v15+s18+$0x0], $0xffff;
	[tilespmem:s29+$0x20] =	vst v1;
	v1 =	vnsel vm13, $0x0, v63  }
0xed: {  	vm2 =	vlt.s32 v8, $0xA00;
	v19 =	vld.idx.msk [tilespmem:v59+s18+$0x0], $0xffff;
	[tilespmem:$0x1FFE0] =	vst v1;
	v6 =	vshll.u32 v1, $0x3;
	v1 =	vnsel vm4, $0x0, v17  }
0xee: {  	vm3 =	vlt.s32 v7, $0xA00;
	v21 =	vnsel vm7, $0x0, v15;
	v28 =	vnsel vm8, $0x0, v59;
	v4 =	vld.idx.msk [tilespmem:v8+s4+$0x0], $0xffff;
	[tilespmem:$0x1FFF0] =	vst v1  }
0xef: {  	v24 =	vnsel vm5, $0x0, v60;
	v57 =	vnsel vm9, $0x0, v62;
	v2 =	vshll.u32 v21, $0x3;
	v9 =	vld.idx.msk [tilespmem:v8+s16+$0x0], $0xffff  }
0xf0: {  	v58 =	vnsel vm0, $0x0, v61;
	v13 =	vand.u32 $0xFFFFFC00, v2;
	v2 =	vimm.s32 $0x0;
	v12 =	vld.idx.msk [tilespmem:v7+s4+$0x0], $0xffff  }
0xf1: {  	v22 =	vnsel vm1, $0x0, v27;
	v3 =	vshll.u32 v3, $0x3;
	v2 =	vsel vm0, $0xFFFFFFFF, v2;
	v25 =	vld.idx.msk [tilespmem:v7+s16+$0x0], $0xffff  }
0xf2: {  	v5 =	vshll.u32 v28, $0x3;
	v10 =	vand.u32 $0xFFFFFC00, v3;
	v3 =	vimm.s32 $0x0;
	v32 =	vld.idx.msk [tilespmem:v8+s17+$0x0], $0xffff;
	[tilespmem:$0x1FF20] =	vst v2  }
0xf3: {  	v35 =	vshll.u32 v24, $0x3;
	v5 =	vand.u32 $0xFFFFFC00, v5;
	v3 =	vsel vm1, $0xFFFFFFFF, v3;
	v33 =	vld.idx.msk [tilespmem:v7+s17+$0x0], $0xffff  }
0xf4: {  	v35 =	vand.u32 $0xFFFFFC00, v35;
	vm0 =	vlt.s32 v14, $0xA00;
	v23 =	vld.idx.msk [tilespmem:v63+s18+$0x0], $0xffff;
	[tilespmem:$0x1FF30] =	vst v3;
	v3 =	vimm.s32 $0x0  }
0xf5: {  	v31 =	vshll.u32 v19, $0x14;
	v36 =	vshll.u32 v20, $0x14;
	v3 =	vsel vm0, $0xFFFFFFFF, v3  }
0xf6: {  	v39 =	vshrl.u32 v18, $0x3;
	v52 =	vshrl.u32 v20, $0x3;
	v53 =	vshrl.u32 v19, $0x3;
	[tilespmem:$0x1FF40] =	vst v3  }
0xf7: {  	v37 =	vor.u32 v15, v31;
	v50 =	vor.u32 v59, v36;
	v21 =	vand.u32 $0x7F, v21;
	v42 =	vld.idx.msk [tilespmem:v14+s18+$0x0], $0xffff  }
0xf8: {  	v11 =	vshll.u32 v1, $0x3;
	v1 =	vshll.u32 v57, $0x3;
	v29 =	vnsel vm0, $0x0, v14;
	v26 =	vld.idx.msk [tilespmem:v17+s18+$0x0], $0xffff  }
0xf9: {  	v6 =	vand.u32 $0xFFFFFC00, v6;
	v31 =	vld.idx.msk [tilespmem:v60+s18+$0x0], $0xffff;
	[tilespmem:s28+$0xFFFFFFE0] =	vst v37;
	v4 =	vsub.f32 v4, v12;
	v9 =	vsub.f32 v9, v25  }
0xfa: {  	v2 =	vshll.u32 v58, $0x3;
	v51 =	vshll.u32 v29, $0x3;
	v12 =	vshll.u32 v18, $0x14;
	v25 =	vld.idx.msk [tilespmem:v62+s18+$0x0], $0xffff;
	[tilespmem:s29+$0xFFFFFFE0] =	vst v50  }
0xfb: {  	v38 =	vsub.f32 v32, v33;
	v33 =	vld.idx.msk [tilespmem:v27+s18+$0x0], $0xffff;
	v4 =	vmul.f32 v4, v4;
	v9 =	vmul.f32 v9, v9  }
0xfc: {  	v11 =	vand.u32 $0xFFFFFC00, v11;
	v36 =	vand.u32 $0xFFFFFC00, v51;
	v12 =	vor.u32 v14, v12;
	v41 =	vld.idx.msk [tilespmem:v15+s4+$0x0], $0xffff  }
0xfd: {  	v45 =	vld.idx.msk [tilespmem:v15+s16+$0x0], $0xffff;
	v4 =	vadd.f32 v9, v4;
	v9 =	vmul.f32 v38, v38;
	v44 =	vshll.u32 v42, $0x14  }
0xfe: {  	v2 =	vand.u32 $0xFFFFFC00, v2;
	v3 =	vshll.u32 v22, $0x3;
	[tilespmem:s28+$0xFFFFFFD0] =	vst v12;
	v38 =	vld.idx.msk [tilespmem:v59+s16+$0x0], $0xffff;
	v54 =	vor.u32 v56, v44  }
0xff: {  	v37 =	vmul.u32 $0x5000, v52;
	v4 =	vadd.f32 v9, v4;
	v9 =	vmul.u32 $0x5000, v39;
	v39 =	vld.idx.msk [tilespmem:v59+s4+$0x0], $0xffff;
	[tilespmem:s29+$0xFFFFFFD0] =	vst v54  }
0x100: {  	v3 =	vand.u32 $0xFFFFFC00, v3;
	v18 =	vshll.u32 v18, $0x7;
	v55 =	vshll.u32 v26, $0x14;
	v46 =	vld.idx.msk [tilespmem:v14+s4+$0x0], $0xffff  }
0x101: {  	v40 =	vshll.u32 v23, $0x14;
	v44 =	vor.u32 v63, v55;
	v47 =	vld.idx.msk [tilespmem:v14+s16+$0x0], $0xffff;
	v4 =	vadd.f32 $9.999999970e-07, v4  }
0x102: {  	v43 =	vshrl.u32 v23, $0x3;
	v5 =	vadd.s32 v37, v5;
	v40 =	vor.u32 v17, v40;
	[tilespmem:s28+$0xFFFFFFF0] =	vst v44;
	v44 =	vld.idx.msk [tilespmem:v56+s4+$0x0], $0xffff  }
0x103: {  	v12 =	vmul.u32 $0x5000, v53;
	[tilespmem:s29+$0xFFFFFFF0] =	vst v40;
	v40 =	vld.idx.msk [tilespmem:v56+s16+$0x0], $0xffff;
	v48 =	vshra.s32 v4, $0x1;
	v49 =	vmul.f32 $5.000000000e-01, v4  }
0x104: {  	v32 =	vld.idx.msk [tilespmem:v61+s18+$0x0], $0xffff;
	v50 =	vshll.u32 v31, $0x14;
	v53 =	vshll.u32 v25, $0x14;
	v48 =	vsub.s32 $0x5F3759DF, v48  }
0x105: {  	v53 =	vor.u32 v60, v53;
	v54 =	vld.idx.msk [tilespmem:v63+s4+$0x0], $0xffff;
	v38 =	vsub.f32 v45, v38;
	v51 =	vmul.f32 v48, v49  }
0x106: {  	v43 =	vmul.u32 $0x5000, v43;
	v50 =	vor.u32 v62, v50;
	[tilespmem:s28+$0x0] =	vst v53;
	v55 =	vld.idx.msk [tilespmem:v17+s4+$0x0], $0xffff;
	v39 =	vsub.f32 v41, v39  }
0x107: {  	[tilespmem:s29+$0x0] =	vst v50;
	v45 =	vshll.u32 v33, $0x14;
	v41 =	vld.idx.msk [tilespmem:v63+s16+$0x0], $0xffff;
	v38 =	vmul.f32 v38, v38;
	v51 =	vmul.f32 v48, v51  }
0x108: {  	v44 =	vsub.f32 v46, v44;
	v46 =	vld.idx.msk [tilespmem:v17+s16+$0x0], $0xffff;
	v40 =	vsub.f32 v47, v40;
	v39 =	vmul.f32 v39, v39  }
0x109: {  	v53 =	vshll.u32 v32, $0x14;
	v45 =	vor.u32 v61, v45;
	v47 =	vld.idx.msk [tilespmem:v60+s4+$0x0], $0xffff;
	v50 =	vsub.f32 $1.500000000e+00, v51  }
0x10a: {  	v40 =	vmul.f32 v40, v40;
	v51 =	vor.u32 v27, v53;
	v53 =	vadd.f32 v38, v39;
	v38 =	vld.idx.msk [tilespmem:v60+s16+$0x0], $0xffff  }
0x10b: {  	v52 =	vshrl.u32 v42, $0x3;
	[tilespmem:s28+$0x10] =	vst v45;
	v39 =	vmul.f32 v44, v44;
	v48 =	vmul.f32 v48, v50;
	v50 =	vld.idx.msk [tilespmem:v62+s4+$0x0], $0xffff  }
0x10c: {  	v12 =	vadd.s32 v13, v12;
	[tilespmem:s29+$0x10] =	vst v51;
	v51 =	vmul.u32 $0x5000, v52;
	v52 =	vsub.f32 v54, v55;
	v54 =	vld.idx.msk [tilespmem:v62+s16+$0x0], $0xffff  }
0x10d: {  	v37 =	vshrl.u32 v32, $0x3;
	v55 =	vadd.f32 v40, v39;
	v40 =	vsub.f32 v41, v46;
	v41 =	vld.idx.msk [tilespmem:v61+s4+$0x0], $0xffff  }
0x10e: {  	v37 =	vmul.u32 $0x5000, v37;
	v9 =	vadd.s32 v36, v9;
	v36 =	vld.idx.msk [tilespmem:v61+s16+$0x0], $0xffff;
	v46 =	vmul.f32 v48, v49  }
0x10f: {  	v13 =	vld.idx.msk [tilespmem:v27+s16+$0x0], $0xffff;
	v10 =	vadd.s32 v51, v10;
	v51 =	vmul.f32 v52, v52;
	v40 =	vmul.f32 v40, v40  }
0x110: {  	v45 =	vshrl.u32 v26, $0x3;
	v46 =	vmul.f32 v46, v48;
	v47 =	vsub.f32 v47, v50;
	v50 =	vld.idx.msk [tilespmem:v27+s4+$0x0], $0xffff;
	[tilespmem:$0x1FF50] =	vst v14  }
0x111: {  	v37 =	vadd.s32 v37, v3;
	v45 =	vmul.u32 $0x5000, v45;
	v52 =	vsub.f32 v38, v54;
	v54 =	vld.idx.msk [tilespmem:v14+s17+$0x0], $0xffff;
	[tilespmem:$0x1FF60] =	vst v56  }
0x112: {  	v44 =	vshrl.u32 v25, $0x3;
	v51 =	vadd.f32 v40, v51;
	v40 =	vsub.f32 $1.500000000e+00, v46;
	v56 =	vld.idx.msk [tilespmem:v56+s17+$0x0], $0xffff;
	[tilespmem:$0x1FF70] =	vst v15  }
0x113: {  	v44 =	vmul.u32 $0x5000, v44;
	v39 =	vshrl.u32 v31, $0x3;
	v38 =	vadd.s32 v6, v45;
	v6 =	vld.idx.msk [tilespmem:v15+s17+$0x0], $0xffff;
	[tilespmem:$0x1FF80] =	vst v59  }
0x114: {  	v49 =	vshrl.u32 v33, $0x3;
	v46 =	vmul.u32 $0x5000, v39;
	v39 =	vmul.f32 v40, v48;
	v48 =	vld.idx.msk [tilespmem:v59+s17+$0x0], $0xffff;
	[tilespmem:$0x1FF90] =	vst v63  }
0x115: {  	v45 =	vmul.u32 $0x5000, v49;
	v13 =	vsub.f32 v36, v13;
	v40 =	vadd.s32 v43, v11;
	v11 =	vld.idx.msk [tilespmem:v63+s17+$0x0], $0xffff;
	[tilespmem:$0x1FFA0] =	vst v17  }
0x116: {  	v49 =	vand.u32 $0xFFFFFC00, v1;
	v47 =	vmul.f32 v47, v47;
	v1 =	vmul.f32 v39, v4;
	v4 =	vld.idx.msk [tilespmem:v17+s17+$0x0], $0xffff  }
0x117: {  	v13 =	vmul.f32 v13, v13;
	v59 =	vmul.f32 v52, v52;
	v41 =	vsub.f32 v41, v50;
	v50 =	vld.idx.msk [tilespmem:v60+s17+$0x0], $0xffff  }
0x118: {  	v39 =	vadd.s32 v35, v44;
	v35 =	vadd.s32 v2, v45;
	v63 =	vld.idx.msk [tilespmem:v62+s17+$0x0], $0xffff;
	[tilespmem:$0x1FFB0] =	vst v61;
	v52 =	vmul.f32 $-1.000000010e-01, v1  }
0x119: {  	v18 =	vand.u32 $0x380, v18;
	v41 =	vmul.f32 v41, v41;
	v54 =	vsub.f32 v54, v56;
	v56 =	vld.idx.msk [tilespmem:v61+s17+$0x0], $0xffff;
	[tilespmem:$0x1FFC0] =	vst v27  }
0x11a: {  	v43 =	vadd.f32 v59, v47;
	v2 =	vld.idx.msk [tilespmem:v27+s17+$0x0], $0xffff;
	v6 =	vsub.f32 v6, v48;
	v59 =	vmul.f32 $1.442695020e+00, v52  }
0x11b: {  	v26 =	vshll.u32 v26, $0x7;
	v13 =	vadd.f32 v13, v41;
	v61 =	vmul.f32 v54, v54  }
0x11c: {  	v6 =	vmul.f32 v6, v6;
	v4 =	vsub.f32 v11, v4;
	v11 =	vadd.f32 $5.000000000e-01, v59  }
0x11d: {  	v36 =	vadd.s32 v46, v49;
	v3 =	vadd.f32 v61, v55;
	v63 =	vsub.f32 v50, v63  }
0x11e: {  	v4 =	vmul.f32 v4, v4;
	v49 =	vtrunc.f32 v11;
	v6 =	vadd.f32 v6, v53  }
0x11f: {  	v2 =	vsub.f32 v56, v2;
	v3 =	vadd.f32 $9.999999970e-07, v3;
	vm0 =	vlt.f32 v11, v49  }
0x120: {  	v50 =	vcvt.f32.s32 v49;
	v11 =	vmul.f32 v63, v63;
	v52 =	vsel vm0, $0xFFFFFFFF, v16  }
0x121: {  	v4 =	vadd.f32 v4, v51;
	v2 =	vmul.f32 v2, v2;
	v53 =	vshra.s32 v3, $0x1  }
0x122: {  	v6 =	vadd.f32 $9.999999970e-07, v6;
	v45 =	vmul.f32 $5.000000000e-01, v3;
	v44 =	vadd.s32 v50, v52  }
0x123: {  	v11 =	vadd.f32 v11, v43;
	v41 =	vcvt.s32.f32 v44;
	v4 =	vadd.f32 $9.999999970e-07, v4  }
0x124: {  	v2 =	vadd.f32 v2, v13;
	v54 =	vshra.s32 v6, $0x1;
	v46 =	vmul.f32 $5.000000000e-01, v6  }
0x125: {  	vm0 =	vgt.s32 v44, $0xFFFFFF81;
	v11 =	vadd.f32 $9.999999970e-07, v11;
	v43 =	vsub.s32 $0x5F3759DF, v54  }
0x126: {  	v13 =	vsub.f32 v59, v41;
	v41 =	vsub.s32 $0x5F3759DF, v53;
	v56 =	vshra.s32 v4, $0x1  }
0x127: {  	v59 =	vmul.f32 v43, v46;
	v2 =	vadd.f32 $9.999999970e-07, v2;
	v50 =	vmul.f32 $5.000000000e-01, v4  }
0x128: {  	v55 =	vmul.f32 v41, v45;
	v48 =	vsub.s32 $0x5F3759DF, v56;
	v54 =	vmul.f32 $5.000000000e-01, v11  }
0x129: {  	v63 =	vshra.s32 v11, $0x1;
	v13 =	vmul.f32 $6.931471820e-01, v13;
	v49 =	vmul.f32 v43, v59  }
0x12a: {  	v56 =	vnsel vm0, $0xFFFFFF81, v44;
	vm0 =	vle.f32 v1, $5.000000000e+00;
	v59 =	vmul.f32 v48, v50  }
0x12b: {  	v47 =	vmul.f32 v41, v55;
	v61 =	vmul.f32 $8.333333770e-03, v13;
	v49 =	vsub.f32 $1.500000000e+00, v49  }
0x12c: {  	v53 =	vmul.f32 v48, v59;
	v59 =	vshll.u32 v19, $0x7;
	v19 =	vshll.u32 v42, $0x7  }
0x12d: {  	v52 =	vsub.s32 $0x5F3759DF, v63;
	v47 =	vsub.f32 $1.500000000e+00, v47;
	v19 =	vand.u32 $0x380, v19  }
0x12e: {  	v51 =	vadd.f32 $4.166666790e-02, v61;
	v61 =	vshra.s32 v2, $0x1;
	v43 =	vmul.f32 v43, v49  }
0x12f: {  	v49 =	vmul.f32 $5.000000000e-01, v2;
	v63 =	vsub.f32 $1.500000000e+00, v53;
	v53 =	vmul.f32 v52, v54  }
0x130: {  	v27 =	vor.u32 v19, v10;
	v47 =	vmul.f32 v41, v47;
	v51 =	vmul.f32 v51, v13  }
0x131: {  	v10 =	vand.u32 $0x380, v59;
	v55 =	vsub.s32 $0x5F3759DF, v61;
	v46 =	vmul.f32 v43, v46  }
0x132: {  	v61 =	vmul.f32 v55, v49;
	v45 =	vmul.f32 v47, v45;
	v41 =	vadd.f32 $1.666666720e-01, v51  }
0x133: {  	v59 =	vnsel vm2, $0x0, v8;
	v48 =	vmul.f32 v48, v63;
	v46 =	vmul.f32 v46, v43  }
0x134: {  	v45 =	vmul.f32 v45, v47;
	v63 =	vmul.f32 v41, v13;
	v41 =	vor.u32 v18, v9  }
0x135: {  	v9 =	vmul.f32 v52, v53;
	v18 =	vmul.f32 v55, v61;
	v46 =	vsub.f32 $1.500000000e+00, v46  }
0x136: {  	v50 =	vmul.f32 v48, v50;
	v45 =	vsub.f32 $1.500000000e+00, v45;
	v61 =	vadd.f32 $5.000000000e-01, v63  }
0x137: {  	v9 =	vsub.f32 $1.500000000e+00, v9;
	v63 =	vsub.f32 $1.500000000e+00, v18;
	v43 =	vmul.f32 v46, v43  }
0x138: {  	v44 =	vand.u32 $0x7F, v59;
	v45 =	vmul.f32 v45, v47;
	v42 =	vmul.f32 v61, v13  }
0x139: {  	v9 =	vmul.f32 v52, v9;
	v52 =	vor.u32 v10, v12;
	v10 =	vmul.f32 v55, v63  }
0x13a: {  	v12 =	vshll.u32 v20, $0x7;
	v61 =	vshrl.u32 v34, $0x3;
	v63 =	vmul.f32 v50, v48  }
0x13b: {  	v34 =	vshll.u32 v34, $0x7;
	v6 =	vmul.f32 v43, v6;
	v12 =	vand.u32 $0x380, v12  }
0x13c: {  	v34 =	vand.u32 $0x380, v34;
	v3 =	vmul.f32 v45, v3;
	v42 =	vadd.f32 $1.000000000e+00, v42  }
0x13d: {  	v19 =	vor.u32 v12, v5;
	v12 =	vmul.f32 v9, v54;
	v54 =	vnsel vm3, $0x0, v7  }
0x13e: {  	vm12 =	vle.f32 v6, $5.000000000e+00;
	v55 =	vshll.u32 v54, $0x3;
	v5 =	vmul.f32 v42, v13  }
0x13f: {  	v47 =	vand.u32 $0x7F, v54;
	vm10 =	vle.f32 v3, $5.000000000e+00;
	v13 =	vmul.f32 v10, v49  }
0x140: {  	v42 =	vshll.u32 v56, $0x17;
	v49 =	vmul.u32 $0x5000, v61;
	v5 =	vadd.f32 $1.000000000e+00, v5  }
0x141: {  	v12 =	vmul.f32 v12, v9;
	v46 =	vand.u32 $0xFFFFFC00, v55;
	v42 =	vadd.s32 $0x3F800000, v42  }
0x142: {  	v56 =	vshrl.u32 v30, $0x3;
	v13 =	vmul.f32 v13, v10;
	v17 =	vmul.f32 v42, v5  }
0x143: {  	v30 =	vshll.u32 v30, $0x7;
	v12 =	vsub.f32 $1.500000000e+00, v12;
	v5 =	vshll.u32 v59, $0x3  }
0x144: {  	v13 =	vsub.f32 $1.500000000e+00, v13;
	v5 =	vand.u32 $0xFFFFFC00, v5;
	v53 =	vmul.f32 v17, v17  }
0x145: {  	v9 =	vmul.f32 v12, v9;
	v5 =	vadd.s32 v5, v49;
	v49 =	vsub.f32 $1.500000000e+00, v63  }
0x146: {  	v10 =	vmul.f32 v13, v10;
	v5 =	vor.u32 v34, v5;
	v34 =	vmul.f32 v53, v53  }
0x147: {  	v48 =	vmul.f32 v49, v48;
	v43 =	vor.u32 v44, v5;
	v5 =	vmul.f32 v9, v11  }
0x148: {  	v49 =	vmul.u32 $0x5000, v56;
	v9 =	vmul.f32 $-1.000000010e-01, v3;
	v18 =	vmul.f32 v10, v2  }
0x149: {  	v30 =	vand.u32 $0x380, v30;
	v2 =	vmul.f32 $-1.000000010e-01, v6;
	v34 =	vmul.f32 v34, v17  }
0x14a: {  	v12 =	vadd.s32 v49, v46;
	v4 =	vmul.f32 v48, v4;
	v11 =	vmul.f32 $-1.000000010e-01, v5  }
0x14b: {  	v9 =	vmul.f32 $1.442695020e+00, v9;
	v2 =	vmul.f32 $1.442695020e+00, v2;
	vm1 =	vle.f32 v18, $5.000000000e+00  }
0x14c: {  	v1 =	vor.u32 v30, v12;
	v12 =	vmul.f32 $-1.000000010e-01, v18;
	v59 =	vmul.f32 v34, v34  }
0x14d: {  	v10 =	vmul.f32 $-1.000000010e-01, v4;
	v1 =	vor.u32 v47, v1;
	v6 =	vmul.f32 $1.442695020e+00, v11  }
0x14e: {  	v11 =	vadd.f32 $5.000000000e-01, v2;
	vm11 =	vle.f32 v4, $5.000000000e+00;
	v12 =	vmul.f32 $1.442695020e+00, v12  }
0x14f: {  	v42 =	vnsel vm0, $0x0, v59;
	v3 =	vmul.f32 $1.442695020e+00, v10;
	v10 =	vadd.f32 $5.000000000e-01, v9  }
0x150: {  	v4 =	vadd.f32 $5.000000000e-01, v6;
	v61 =	vtrunc.f32 v11;
	v63 =	vadd.f32 $5.000000000e-01, v12  }
0x151: {  	v45 =	vcvt.f32.s32 v61;
	v13 =	vadd.f32 $5.000000000e-01, v3;
	v30 =	vtrunc.f32 v10  }
0x152: {  	vm0 =	vlt.f32 v10, v30;
	v10 =	vtrunc.f32 v4;
	v30 =	vcvt.f32.s32 v30  }
0x153: {  	v34 =	vtrunc.f32 v13;
	v53 =	vsel vm0, $0xFFFFFFFF, v16;
	vm0 =	vlt.f32 v11, v61  }
0x154: {  	v11 =	vtrunc.f32 v63;
	v54 =	vsel vm0, $0xFFFFFFFF, v16;
	vm0 =	vlt.f32 v13, v34  }
0x155: {  	v13 =	vcvt.f32.s32 v34;
	v30 =	vadd.s32 v30, v53;
	v55 =	vsel vm0, $0xFFFFFFFF, v16  }
0x156: {  	vm0 =	vlt.f32 v4, v10;
	v4 =	vcvt.f32.s32 v10;
	v45 =	vadd.s32 v45, v54  }
0x157: {  	v56 =	vcvt.s32.f32 v30;
	v10 =	vsel vm0, $0xFFFFFFFF, v16;
	vm0 =	vlt.f32 v63, v11  }
0x158: {  	v11 =	vcvt.f32.s32 v11;
	v13 =	vadd.s32 v13, v55;
	v46 =	vsel vm0, $0xFFFFFFFF, v16  }
0x159: {  	v4 =	vadd.s32 v4, v10;
	v10 =	vcvt.s32.f32 v45;
	v59 =	vcvt.s32.f32 v13  }
0x15a: {  	v9 =	vsub.f32 v9, v56;
	vm0 =	vgt.s32 v30, $0xFFFFFF81;
	v11 =	vadd.s32 v11, v46  }
0x15b: {  	v61 =	vcvt.s32.f32 v4;
	v30 =	vnsel vm0, $0xFFFFFF81, v30;
	vm0 =	vgt.s32 v45, $0xFFFFFF81  }
0x15c: {  	v63 =	vcvt.s32.f32 v11;
	v2 =	vsub.f32 v2, v10;
	v3 =	vsub.f32 v3, v59  }
0x15d: {  	v9 =	vmul.f32 $6.931471820e-01, v9;
	v45 =	vnsel vm0, $0xFFFFFF81, v45;
	vm0 =	vgt.s32 v13, $0xFFFFFF81  }
0x15e: {  	v6 =	vsub.f32 v6, v61;
	v10 =	vsub.f32 v12, v63;
	v2 =	vmul.f32 $6.931471820e-01, v2  }
0x15f: {  	v13 =	vnsel vm0, $0xFFFFFF81, v13;
	v3 =	vmul.f32 $6.931471820e-01, v3;
	v12 =	vmul.f32 $8.333333770e-03, v9  }
0x160: {  	vm0 =	vgt.s32 v4, $0xFFFFFF81;
	v6 =	vmul.f32 $6.931471820e-01, v6;
	v10 =	vmul.f32 $6.931471820e-01, v10  }
0x161: {  	v34 =	vmul.f32 $8.333333770e-03, v2;
	v53 =	vmul.f32 $8.333333770e-03, v3;
	v12 =	vadd.f32 $4.166666790e-02, v12  }
0x162: {  	v4 =	vnsel vm0, $0xFFFFFF81, v4;
	v54 =	vmul.f32 $8.333333770e-03, v6;
	v55 =	vmul.f32 $8.333333770e-03, v10  }
0x163: {  	v46 =	vadd.f32 $4.166666790e-02, v34;
	v47 =	vadd.f32 $4.166666790e-02, v53;
	v12 =	vmul.f32 v12, v9  }
0x164: {  	vm0 =	vgt.s32 v11, $0xFFFFFF81;
	v48 =	vadd.f32 $4.166666790e-02, v54;
	v49 =	vadd.f32 $4.166666790e-02, v55  }
0x165: {  	v46 =	vmul.f32 v46, v2;
	v47 =	vmul.f32 v47, v3;
	v12 =	vadd.f32 $1.666666720e-01, v12  }
0x166: {  	v11 =	vnsel vm0, $0xFFFFFF81, v11;
	v48 =	vmul.f32 v48, v6;
	v49 =	vmul.f32 v49, v10  }
0x167: {  	v46 =	vadd.f32 $1.666666720e-01, v46;
	v47 =	vadd.f32 $1.666666720e-01, v47;
	v12 =	vmul.f32 v12, v9  }
0x168: {  	vm0 =	vle.f32 v5, $5.000000000e+00;
	v48 =	vadd.f32 $1.666666720e-01, v48;
	v49 =	vadd.f32 $1.666666720e-01, v49  }
0x169: {  	v46 =	vmul.f32 v46, v2;
	v47 =	vmul.f32 v47, v3;
	v12 =	vadd.f32 $5.000000000e-01, v12  }
0x16a: {  	v4 =	vshll.u32 v4, $0x17;
	v48 =	vmul.f32 v48, v6;
	v49 =	vmul.f32 v49, v10  }
0x16b: {  	v46 =	vadd.f32 $5.000000000e-01, v46;
	v47 =	vadd.f32 $5.000000000e-01, v47;
	v12 =	vmul.f32 v12, v9  }
0x16c: {  	v4 =	vadd.s32 $0x3F800000, v4;
	v48 =	vadd.f32 $5.000000000e-01, v48;
	v49 =	vadd.f32 $5.000000000e-01, v49  }
0x16d: {  	v46 =	vmul.f32 v46, v2;
	v47 =	vmul.f32 v47, v3;
	v12 =	vadd.f32 $1.000000000e+00, v12  }
0x16e: {  	v11 =	vshll.u32 v11, $0x17;
	v5 =	vmul.f32 v48, v6;
	v56 =	vmul.f32 v49, v10  }
0x16f: {  	v9 =	vmul.f32 v12, v9;
	v12 =	vadd.f32 $1.000000000e+00, v46;
	v59 =	vadd.f32 $1.000000000e+00, v47  }
0x170: {  	v11 =	vadd.s32 $0x3F800000, v11;
	v5 =	vadd.f32 $1.000000000e+00, v5;
	v61 =	vadd.f32 $1.000000000e+00, v56  }
0x171: {  	v2 =	vmul.f32 v12, v2;
	v3 =	vmul.f32 v59, v3;
	v12 =	vand.u32 $0x380, v26  }
0x172: {  	v9 =	vadd.f32 $1.000000000e+00, v9;
	v34 =	vor.u32 v12, v38;
	v5 =	vmul.f32 v5, v6  }
0x173: {  	v12 =	vshll.u32 v30, $0x17;
	v6 =	vmul.f32 v61, v10;
	v10 =	vshll.u32 v23, $0x7  }
0x174: {  	v23 =	vshll.u32 v45, $0x17;
	v2 =	vadd.f32 $1.000000000e+00, v2;
	v12 =	vadd.s32 $0x3F800000, v12  }
0x175: {  	v30 =	vmul.f32 v12, v9;
	v9 =	vand.u32 $0x380, v10;
	v10 =	vadd.s32 $0x3F800000, v23  }
0x176: {  	v3 =	vadd.f32 $1.000000000e+00, v3;
	v5 =	vadd.f32 $1.000000000e+00, v5;
	v26 =	vmul.f32 v10, v2  }
0x177: {  	v2 =	vor.u32 v9, v40;
	v9 =	vshll.u32 v13, $0x17;
	v10 =	vshll.u32 v25, $0x7  }
0x178: {  	v6 =	vadd.f32 $1.000000000e+00, v6;
	v9 =	vadd.s32 $0x3F800000, v9;
	v23 =	vmul.f32 v4, v5  }
0x179: {  	v12 =	vld [tilespmem:$0x1FFD0];
	v4 =	vshll.u32 v31, $0x7;
	v5 =	vshll.u32 v33, $0x7;
	v31 =	vand.u32 $0x7F, v28  }
0x17a: {  	v25 =	vmul.f32 v9, v3;
	v3 =	vand.u32 $0x380, v10;
	v9 =	vshll.u32 v32, $0x7  }
0x17b: {  	v4 =	vand.u32 $0x380, v4;
	v5 =	vand.u32 $0x380, v5;
	v10 =	vand.u32 $0x7F, v29  }
0x17c: {  	v28 =	vmul.f32 v11, v6;
	v11 =	vmul.f32 v26, v26;
	v3 =	vor.u32 v3, v39  }
0x17d: {  	v9 =	vand.u32 $0x380, v9;
	v4 =	vor.u32 v4, v36;
	v5 =	vor.u32 v5, v35  }
0x17e: {  	v14 =	vmul.f32 v23, v23;
	v29 =	vand.u32 $0x7F, v12;
	v12 =	vmul.f32 v30, v30  }
0x17f: {  	v32 =	vor.u32 v10, v41;
	v10 =	vld [tilespmem:$0x1FFF0];
	v13 =	vmul.f32 v25, v25;
	v20 =	vmul.f32 v28, v28  }
0x180: {  	v6 =	vor.u32 v9, v37;
	v63 =	vmul.f32 v11, v11;
	v15 =	vmul.f32 v14, v14  }
0x181: {  	v9 =	vld [tilespmem:$0x1FFE0];
	[tilespmem:s26+$0x20] =	vst v42;
	v11 =	vand.u32 $0x7F, v24;
	v12 =	vmul.f32 v12, v12;
	v13 =	vmul.f32 v13, v13  }
0x182: {  	[tilespmem:v8+s21+$0x0] =	vst.idx.add.f32.msk $0xffff, v17;
	v8 =	vand.u32 $0x7F, v57;
	v24 =	vmul.f32 v63, v26;
	v14 =	vmul.f32 v15, v23  }
0x183: {  	[tilespmem:v7+s21+$0x0] =	vst.idx.add.f32.msk $0xffff, v17;
	v7 =	vand.u32 $0x7F, v58;
	v16 =	vmul.f32 v12, v30;
	v12 =	vmul.f32 v20, v20  }
0x184: {  	[tilespmem:v43+s22+$0x0] =	vst.idx.add.f32.msk vm2, v42;
	v10 =	vand.u32 $0x7F, v10;
	v13 =	vmul.f32 v13, v25;
	v24 =	vmul.f32 v24, v24  }
0x185: {  	[tilespmem:v1+s22+$0x0] =	vst.idx.add.f32.msk vm3, v42;
	v1 =	vand.u32 $0x7F, v22;
	v12 =	vmul.f32 v12, v28;
	v16 =	vmul.f32 v16, v16  }
0x186: {  	s30 =	simm.s32 $0xB490;
	s29 =	simm.s32 $0x0;
	v9 =	vand.u32 $0x7F, v9;
	v15 =	vmul.f32 v13, v13;
	v13 =	vmul.f32 v14, v14  }
.LBB2_24:
0x187: {  	v1 =	vor.u32 v1, v6  }
0x188: {  	[tilespmem:$0x1FE10] =	vst v1;
	v1 =	vld [tilespmem:$0x1FF20]  }
0x189: {  	[tilespmem:$0x1FDB0] =	vst v60;
	v16 =	vnsel vm10, $0x0, v16  }
0x18a: {  	v22 =	vld [tilespmem:s30+$0x20];
	s28 =	sadd.s32 $0x60, s28;
	v14 =	vor.u32 v29, v27;
	[tilespmem:s26+$0xFFFFFFD0] =	vst v16  }
0x18b: {  	v9 =	vor.u32 v9, v34;
	v48 =	vnsel vm12, $0x0, v24;
	v24 =	vld [tilespmem:s28+$0x20];
	[tilespmem:$0x1FD60] =	vst v14  }
0x18c: {  	v2 =	vor.u32 v10, v2;
	[tilespmem:$0x1FD90] =	vst v9;
	v60 =	vld [tilespmem:s30+$0xFFFFFFD0]  }
0x18d: {  	v13 =	vnsel vm0, $0x0, v13;
	[tilespmem:$0x1FDA0] =	vst v2;
	vm3 =	vnez.u8 v1;
	v1 =	vld [tilespmem:$0x1FF30]  }
0x18e: {  	[tilespmem:$0x1FDC0] =	vst v13  }
0x18f: {  	v12 =	vmul.f32 v12, v12;
	v15 =	vnsel vm11, $0x0, v15;
	[tilespmem:s26+$0xFFFFFFE0] =	vst v48  }
0x190: {  	v2 =	vor.u32 v11, v3;
	[tilespmem:s26+$0xFFFFFFF0] =	vst v15;
	v39 =	vld [tilespmem:s28+$0xFFFFFFD0]  }
0x191: {  	[tilespmem:$0x1FDD0] =	vst v2;
	v2 =	vor.u32 v8, v4;
	v12 =	vnsel vm1, $0x0, v12;
	v54 =	vld [tilespmem:s30+$0xFFFFFFE0]  }
0x192: {  	[tilespmem:s26+$0x0] =	vst v13;
	vm1 =	vlt.s32 v60, $0xA00;
	v8 =	vld.idx.msk [tilespmem:v22+s18+$0x0], $0xffff;
	vm0 =	vnez.u8 v1;
	v1 =	vimm.s32 $0x0  }
0x193: {  	[tilespmem:$0x1FDE0] =	vst v2;
	v11 =	vld.idx.msk [tilespmem:v24+s18+$0x0], $0xffff;
	v1 =	vsel vm1, $0xFFFFFFFF, v1  }
0x194: {  	[tilespmem:$0x1FE90] =	vst v1;
	v1 =	vld [tilespmem:$0x1FF40]  }
0x195: {  	v50 =	vld [tilespmem:s28+$0xFFFFFFE0];
	v2 =	vor.u32 v7, v5;
	[tilespmem:$0x1FDF0] =	vst v12  }
0x196: {  	vm2 =	vmmov vm6;
	vm15 =	vmmov vm7;
	v51 =	vld [tilespmem:s28+$0xFFFFFFF0];
	[tilespmem:$0x1FE00] =	vst v2  }
0x197: {  	vm14 =	vmmov vm8;
	vm6 =	vmmov vm13;
	v14 =	vor.u32 v21, v52;
	[tilespmem:s26+$0x10] =	vst v12  }
0x198: {  	v55 =	vld [tilespmem:s30+$0xFFFFFFF0];
	v2 =	vimm.s32 $0x0;
	vm11 =	vmmov vm3;
	vm10 =	vmmov vm0;
	[tilespmem:$0x1FE30] =	vst v8  }
0x199: {  	v52 =	vld [tilespmem:s28+$0x0];
	[tilespmem:$0x1FE40] =	vst v11;
	vm0 =	vnez.u8 v1;
	v1 =	vnsel vm1, $0x0, v60;
	vm1 =	vlt.s32 v54, $0xA00  }
0x19a: {  	vm3 =	vmmov vm0;
	[tilespmem:$0x1FE60] =	vst v1;
	vm0 =	vlt.s32 v50, $0xA00;
	v3 =	vnsel vm1, $0x0, v54  }
0x19b: {  	vm7 =	vmmov vm4;
	vm8 =	vlt.s32 v51, $0xA00;
	v2 =	vsel vm0, $0xFFFFFFFF, v2;
	[tilespmem:$0x1FE80] =	vst v3  }
0x19c: {  	v58 =	vld [tilespmem:s30+$0x0];
	v1 =	vshll.u32 v1, $0x3;
	v4 =	vshll.u32 v3, $0x3;
	v3 =	vnsel vm8, $0x0, v51;
	[tilespmem:$0x1FEB0] =	vst v2  }
0x19d: {  	vm13 =	vmmov vm5;
	vm4 =	vlt.s32 v55, $0xA00;
	v57 =	vld.idx.msk [tilespmem:v39+s18+$0x0], $0xffff;
	v1 =	vand.u32 $0xFFFFFC00, v1;
	[tilespmem:$0x1FEC0] =	vst v3  }
0x19e: {  	vm5 =	vlt.s32 v52, $0xA00;
	v6 =	vshll.u32 v3, $0x3;
	v3 =	vnsel vm4, $0x0, v55;
	[tilespmem:$0x1FD00] =	vst v1  }
0x19f: {  	v1 =	vnsel vm5, $0x0, v52;
	[tilespmem:$0x1FED0] =	vst v3  }
0x1a0: {  	v12 =	vld.idx.msk [tilespmem:v51+s18+$0x0], $0xffff;
	v2 =	vimm.s32 $0x0;
	v4 =	vand.u32 $0xFFFFFC00, v4;
	[tilespmem:$0x1FEE0] =	vst v1  }
0x1a1: {  	vm12 =	vmmov vm9;
	v5 =	vld.idx.msk [tilespmem:v60+s18+$0x0], $0xffff;
	v2 =	vsel vm1, $0xFFFFFFFF, v2;
	[tilespmem:$0x1FD20] =	vst v4  }
0x1a2: {  	vm9 =	vlt.s32 v58, $0xA00;
	v38 =	vshll.u32 v57, $0x14;
	[tilespmem:$0x1FEA0] =	vst v2;
	v2 =	vnsel vm0, $0x0, v50  }
0x1a3: {  	v45 =	vld [tilespmem:s28+$0x10];
	v7 =	vshll.u32 v3, $0x3;
	v3 =	vnsel vm9, $0x0, v58;
	[tilespmem:$0x1FE70] =	vst v2;
	v2 =	vshll.u32 v2, $0x3  }
0x1a4: {  	v9 =	vshll.u32 v1, $0x3;
	v1 =	vshll.u32 v8, $0x14;
	[tilespmem:$0x1FEF0] =	vst v3;
	v2 =	vand.u32 $0xFFFFFC00, v2  }
0x1a5: {  	v47 =	vld [tilespmem:s30+$0x10];
	v34 =	vshll.u32 v12, $0x14;
	v1 =	vor.u32 v24, v1;
	[tilespmem:$0x1FD10] =	vst v2;
	v2 =	vshll.u32 v11, $0x14  }
0x1a6: {  	v10 =	vld.idx.msk [tilespmem:v50+s18+$0x0], $0xffff;
	v59 =	vor.u32 v55, v34;
	v4 =	vshll.u32 v5, $0x14;
	[tilespmem:s28+$0x20] =	vst v1;
	v1 =	vor.u32 v22, v2  }
0x1a7: {  	v34 =	vor.u32 v60, v38;
	v4 =	vor.u32 v39, v4;
	v11 =	vld.idx.msk [tilespmem:v54+s18+$0x0], $0xffff;
	[tilespmem:s30+$0x20] =	vst v1  }
0x1a8: {  	vm1 =	vlt.s32 v45, $0xA00;
	[tilespmem:s28+$0xFFFFFFD0] =	vst v4;
	v2 =	vshll.u32 v3, $0x3;
	v3 =	vimm.s32 $0x0;
	v13 =	vld.idx.msk [tilespmem:v24+s4+$0x0], $0xffff  }
0x1a9: {  	v8 =	vimm.s32 $0x0;
	[tilespmem:s30+$0xFFFFFFD0] =	vst v34;
	v3 =	vsel vm1, $0xFFFFFFFF, v3;
	v41 =	vld.idx.msk [tilespmem:v24+s16+$0x0], $0xffff  }
0x1aa: {  	vm0 =	vlt.s32 v47, $0xA00;
	[tilespmem:$0x1FF20] =	vst v3;
	v3 =	vnsel vm1, $0x0, v45;
	vm1 =	vlt.s32 v39, $0xA00;
	v17 =	vld.idx.msk [tilespmem:v22+s4+$0x0], $0xffff  }
0x1ab: {  	v42 =	vld.idx.msk [tilespmem:v22+s16+$0x0], $0xffff;
	[tilespmem:$0x1FF00] =	vst v3;
	v1 =	vshll.u32 v3, $0x3;
	v3 =	vimm.s32 $0x0;
	v8 =	vsel vm1, $0xFFFFFFFF, v8  }
0x1ac: {  	v43 =	vld.idx.msk [tilespmem:v24+s17+$0x0], $0xffff;
	v3 =	vsel vm0, $0xFFFFFFFF, v3;
	[tilespmem:$0x1FF40] =	vst v8  }
0x1ad: {  	v53 =	vld.idx.msk [tilespmem:v22+s17+$0x0], $0xffff;
	v37 =	vshll.u32 v11, $0x14;
	[tilespmem:$0x1FF30] =	vst v3;
	v3 =	vnsel vm0, $0x0, v47  }
0x1ae: {  	v36 =	vshll.u32 v10, $0x14;
	v46 =	vor.u32 v50, v37;
	[tilespmem:$0x1FF10] =	vst v3  }
0x1af: {  	v33 =	vshrl.u32 v11, $0x3;
	v8 =	vshll.u32 v3, $0x3;
	[tilespmem:s28+$0xFFFFFFE0] =	vst v46;
	v3 =	vshll.u32 v11, $0x7  }
0x1b0: {  	[tilespmem:$0x1FD30] =	vst v3;
	v3 =	vshll.u32 v10, $0x7;
	v11 =	vsub.f32 v13, v17;
	v17 =	vsub.f32 v41, v42  }
0x1b1: {  	v49 =	vshrl.u32 v12, $0x3;
	[tilespmem:$0x1FD40] =	vst v3;
	v3 =	vshll.u32 v12, $0x7;
	v12 =	vand.u32 $0xFFFFFC00, v9  }
0x1b2: {  	v46 =	vld.idx.msk [tilespmem:v55+s18+$0x0], $0xffff;
	v9 =	vsub.f32 v43, v53;
	v37 =	vmul.f32 v11, v11;
	v17 =	vmul.f32 v17, v17  }
0x1b3: {  	v63 =	vor.u32 v54, v36;
	v34 =	vld.idx.msk [tilespmem:v39+s16+$0x0], $0xffff  }
0x1b4: {  	v41 =	vand.u32 $0xFFFFFC00, v7;
	v7 =	vld.idx.msk [tilespmem:v47+s18+$0x0], $0xffff;
	v9 =	vmul.f32 v9, v9;
	v17 =	vadd.f32 v17, v37  }
0x1b5: {  	[tilespmem:s30+$0xFFFFFFE0] =	vst v63;
	v13 =	vand.u32 $0xFFFFFC00, v6;
	v6 =	vld.idx.msk [tilespmem:v45+s18+$0x0], $0xffff  }
0x1b6: {  	v63 =	vld.idx.msk [tilespmem:v50+s4+$0x0], $0xffff;
	v9 =	vadd.f32 v9, v17  }
0x1b7: {  	v29 =	vshll.u32 v46, $0x14;
	v37 =	vld.idx.msk [tilespmem:v54+s4+$0x0], $0xffff  }
0x1b8: {  	v35 =	vshrl.u32 v5, $0x3;
	v21 =	vld.idx.msk [tilespmem:v60+s16+$0x0], $0xffff;
	v29 =	vor.u32 v51, v29;
	v18 =	vadd.f32 $9.999999970e-07, v9  }
0x1b9: {  	v4 =	vmul.u32 $0x5000, v35;
	v44 =	vshll.u32 v7, $0x14;
	v17 =	vld.idx.msk [tilespmem:v39+s4+$0x0], $0xffff;
	[tilespmem:s28+$0xFFFFFFF0] =	vst v29  }
0x1ba: {  	[tilespmem:s30+$0xFFFFFFF0] =	vst v59;
	v59 =	vor.u32 v45, v44;
	v9 =	vld.idx.msk [tilespmem:v60+s4+$0x0], $0xffff;
	v44 =	vshra.s32 v18, $0x1;
	v56 =	vmul.f32 $5.000000000e-01, v18  }
0x1bb: {  	v35 =	vmul.u32 $0x5000, v49;
	v49 =	vld.idx.msk [tilespmem:v58+s18+$0x0], $0xffff;
	v36 =	vmul.u32 $0x5000, v33;
	v44 =	vsub.s32 $0x5F3759DF, v44  }
0x1bc: {  	[tilespmem:$0x1FD70] =	vst v14;
	v33 =	vshll.u32 v6, $0x14;
	v43 =	vsub.f32 v63, v37;
	v63 =	vmul.f32 v44, v56  }
0x1bd: {  	v61 =	vshrl.u32 v10, $0x3;
	v10 =	vld.idx.msk [tilespmem:v52+s18+$0x0], $0xffff;
	v33 =	vor.u32 v47, v33;
	[tilespmem:s28+$0x10] =	vst v59  }
0x1be: {  	v42 =	vld.idx.msk [tilespmem:v51+s16+$0x0], $0xffff;
	[tilespmem:s30+$0x10] =	vst v33;
	v33 =	vmul.f32 v44, v63  }
0x1bf: {  	v14 =	vor.u32 v31, v19;
	v21 =	vsub.f32 v34, v21;
	v31 =	vld.idx.msk [tilespmem:v55+s16+$0x0], $0xffff;
	v9 =	vsub.f32 v17, v9  }
0x1c0: {  	[tilespmem:$0x1FD80] =	vst v14;
	v20 =	vshll.u32 v49, $0x14;
	v14 =	vnsel vm1, $0x0, v39;
	v27 =	vld.idx.msk [tilespmem:v50+s16+$0x0], $0xffff;
	v33 =	vsub.f32 $1.500000000e+00, v33  }
0x1c1: {  	[tilespmem:$0x1FE50] =	vst v14;
	v14 =	vshll.u32 v14, $0x3;
	v21 =	vmul.f32 v21, v21;
	v38 =	vld.idx.msk [tilespmem:v54+s16+$0x0], $0xffff;
	v9 =	vmul.f32 v9, v9  }
0x1c2: {  	v20 =	vor.u32 v52, v20;
	v14 =	vand.u32 $0xFFFFFC00, v14;
	v33 =	vmul.f32 v44, v33  }
0x1c3: {  	v53 =	vshrl.u32 v57, $0x3;
	v19 =	vshll.u32 v10, $0x14;
	v9 =	vadd.f32 v21, v9  }
0x1c4: {  	v21 =	vsub.f32 v42, v31;
	v42 =	vmul.f32 v33, v56;
	v56 =	vand.u32 $0xFFFFFC00, v2  }
0x1c5: {  	v2 =	vand.u32 $0xFFFFFC00, v1;
	v1 =	vand.u32 $0xFFFFFC00, v8;
	v8 =	vadd.s32 v14, v4;
	v4 =	vld [tilespmem:$0x1FD00]  }
0x1c6: {  	[tilespmem:s28+$0x0] =	vst v20;
	v11 =	vshll.u32 v57, $0x7;
	v19 =	vor.u32 v58, v19;
	v27 =	vsub.f32 v27, v38;
	v57 =	vld.idx.msk [tilespmem:v51+s4+$0x0], $0xffff  }
0x1c7: {  	v53 =	vmul.u32 $0x5000, v53;
	v34 =	vshll.u32 v46, $0x7;
	[tilespmem:s30+$0x0] =	vst v19;
	v38 =	vld.idx.msk [tilespmem:v55+s4+$0x0], $0xffff  }
0x1c8: {  	v29 =	vshrl.u32 v46, $0x3;
	v27 =	vmul.f32 v27, v27;
	v46 =	vld.idx.msk [tilespmem:v52+s16+$0x0], $0xffff;
	v43 =	vmul.f32 v43, v43  }
0x1c9: {  	v17 =	vld.idx.msk [tilespmem:v52+s4+$0x0], $0xffff  }
0x1ca: {  	v43 =	vadd.f32 v27, v43;
	v27 =	vld.idx.msk [tilespmem:v58+s4+$0x0], $0xffff;
	v4 =	vadd.s32 v53, v4  }
0x1cb: {  	[tilespmem:$0x1FE20] =	vst v4;
	v4 =	vld [tilespmem:$0x1FD10]  }
0x1cc: {  	[tilespmem:$0x1FD50] =	vst v3;
	v3 =	vmov v23;
	v23 =	vmov v32;
	v32 =	vld.idx.msk [tilespmem:v58+s16+$0x0], $0xffff  }
0x1cd: {  	v38 =	vsub.f32 v57, v38;
	v57 =	vld.idx.msk [tilespmem:v47+s4+$0x0], $0xffff  }
0x1ce: {  	v59 =	vshrl.u32 v6, $0x3;
	v63 =	vshll.u32 v6, $0x7;
	v6 =	vmov v28;
	v28 =	vld.idx.msk [tilespmem:v47+s16+$0x0], $0xffff  }
0x1cf: {  	v31 =	vld.idx.msk [tilespmem:v45+s16+$0x0], $0xffff  }
0x1d0: {  	v14 =	vsub.f32 v17, v27;
	v17 =	vadd.s32 v4, v36;
	v4 =	vld [tilespmem:$0x1FD20]  }
0x1d1: {  	v20 =	vshrl.u32 v49, $0x3;
	v19 =	vshrl.u32 v7, $0x3;
	v44 =	vld.idx.msk [tilespmem:v45+s4+$0x0], $0xffff  }
0x1d2: {  	v37 =	vshll.u32 v7, $0x7;
	v7 =	vmovc v62;
	v62 =	vld.idx.msk [tilespmem:v39+s17+$0x0], $0xffff;
	v38 =	vmul.f32 v38, v38;
	v21 =	vmul.f32 v21, v21  }
0x1d3: {  	v61 =	vmul.u32 $0x5000, v61;
	v20 =	vmul.u32 $0x5000, v20;
	v27 =	vld.idx.msk [tilespmem:v60+s17+$0x0], $0xffff  }
0x1d4: {  	v29 =	vmul.u32 $0x5000, v29;
	v19 =	vmul.u32 $0x5000, v19;
	v21 =	vadd.f32 v21, v38  }
0x1d5: {  	v28 =	vsub.f32 v31, v28;
	v36 =	vsub.f32 v46, v32;
	v32 =	vadd.s32 v61, v4;
	v4 =	vld [tilespmem:$0x1FD30]  }
0x1d6: {  	v61 =	vadd.s32 v13, v29;
	v13 =	vadd.s32 v12, v20;
	v12 =	vsub.f32 v44, v57  }
0x1d7: {  	v38 =	vmul.f32 v14, v14;
	v14 =	vadd.s32 v35, v41;
	v35 =	vadd.s32 v2, v19  }
0x1d8: {  	v2 =	vsub.f32 v62, v27;
	v27 =	vmul.f32 v28, v28;
	v12 =	vmul.f32 v12, v12;
	_ =	sdelay $0x1  }
0x1d9: {  	v27 =	vadd.f32 v27, v12;
	v12 =	vand.u32 $0x380, v4;
	v4 =	vld [tilespmem:$0x1FD40];
	_ =	sdelay $0x3  }
0x1da: {  	v42 =	vmul.f32 v42, v33  }
0x1db: {  	v41 =	vand.u32 $0x380, v11;
	v11 =	vand.u32 $0x380, v4;
	v4 =	vld [tilespmem:$0x1FF50]  }
0x1dc: {  	v42 =	vsub.f32 $1.500000000e+00, v42;
	_ =	sdelay $0x1  }
0x1dd: {  	v33 =	vmul.f32 v42, v33;
	v42 =	vld.idx.msk [tilespmem:v51+s17+$0x0], $0xffff  }
0x1de: {  	v20 =	vld.idx.msk [tilespmem:v55+s17+$0x0], $0xffff;
	_ =	sdelay $0x3  }
0x1df: {  	[tilespmem:v4+s21+$0x0] =	vst.idx.add.f32.msk $0xffff, v30;
	v4 =	vmov v39  }
0x1e0: {  	[tilespmem:$0x1FF50] =	vst v4;
	v4 =	vsub.f32 v42, v20;
	v20 =	vld [tilespmem:$0x1FF60];
	_ =	sdelay $0x4  }
0x1e1: {  	v2 =	vmul.f32 v2, v2;
	_ =	sdelay $0x1  }
0x1e2: {  	v2 =	vadd.f32 v2, v9;
	v9 =	vld [tilespmem:$0x1FD50]  }
0x1e3: {  	[tilespmem:v20+s21+$0x0] =	vst.idx.add.f32.msk $0xffff, v30  }
0x1e4: {  	v18 =	vmul.f32 v33, v18;
	v20 =	vld [tilespmem:$0x1FD60];
	_ =	sdelay $0x1  }
0x1e5: {  	v31 =	vld.idx.msk [tilespmem:v52+s17+$0x0], $0xffff;
	v28 =	vmul.f32 $-1.000000010e-01, v18  }
0x1e6: {  	v19 =	vld.idx.msk [tilespmem:v58+s17+$0x0], $0xffff  }
0x1e7: {  	v28 =	vmul.f32 $1.442695020e+00, v28  }
0x1e8: {  	v5 =	vshll.u32 v5, $0x7;
	v53 =	vld.idx.msk [tilespmem:v54+s17+$0x0], $0xffff;
	v39 =	vand.u32 $0x380, v9;
	v9 =	vmov v60  }
0x1e9: {  	v33 =	vand.u32 $0x380, v5;
	v46 =	vld.idx.msk [tilespmem:v50+s17+$0x0], $0xffff;
	v5 =	vadd.f32 $5.000000000e-01, v28;
	[tilespmem:$0x1FF60] =	vst v9  }
0x1ea: {  	[tilespmem:v23+s22+$0x0] =	vst.idx.add.f32.msk vm3, v16  }
0x1eb: {  	v9 =	vsub.f32 v31, v19;
	v19 =	vtrunc.f32 v5;
	[tilespmem:v20+s22+$0x0] =	vst.idx.add.f32.msk vm2, v16  }
0x1ec: {  	vm2 =	vlt.f32 v5, v19;
	v5 =	vld [tilespmem:$0x1FF70]  }
0x1ed: {  	v59 =	vmul.u32 $0x5000, v59;
	_ =	sdelay $0x1  }
0x1ee: {  	v44 =	vld.idx.msk [tilespmem:v45+s17+$0x0], $0xffff;
	v57 =	vadd.s32 v59, v1;
	v1 =	vsub.f32 v46, v53  }
0x1ef: {  	v53 =	vld.idx.msk [tilespmem:v47+s17+$0x0], $0xffff  }
0x1f0: {  	v1 =	vmul.f32 v1, v1;
	_ =	sdelay $0x1  }
0x1f1: {  	v1 =	vadd.f32 v1, v43;
	v20 =	vld [tilespmem:$0x1FF80]  }
0x1f2: {  	[tilespmem:v5+s21+$0x0] =	vst.idx.add.f32.msk $0xffff, v26  }
0x1f3: {  	v23 =	vmovc v51;
	v5 =	vmul.f32 v9, v9;
	v9 =	vsub.f32 v44, v53;
	v53 =	vadd.f32 $9.999999970e-07, v1;
	v1 =	vld [tilespmem:$0x1FF90]  }
0x1f4: {  	[tilespmem:$0x1FF90] =	vst v23;
	v23 =	vld [tilespmem:$0x1FDB0];
	_ =	sdelay $0x3  }
0x1f5: {  	v4 =	vmul.f32 v4, v4  }
0x1f6: {  	[tilespmem:v20+s21+$0x0] =	vst.idx.add.f32.msk $0xffff, v26  }
0x1f7: {  	v20 =	vadd.f32 v4, v21;
	v4 =	vld [tilespmem:$0x1FD70];
	_ =	sdelay $0x1  }
0x1f8: {  	[tilespmem:v23+s21+$0x0] =	vst.idx.add.f32.msk $0xffff, v3  }
0x1f9: {  	[tilespmem:v7+s21+$0x0] =	vst.idx.add.f32.msk $0xffff, v3  }
0x1fa: {  	v29 =	vmul.f32 v36, v36;
	v7 =	vld [tilespmem:$0x1FDD0];
	_ =	sdelay $0x1  }
0x1fb: {  	v29 =	vadd.f32 v29, v38  }
0x1fc: {  	v3 =	vld [tilespmem:$0x1FDC0]  }
0x1fd: {  	[tilespmem:v4+s22+$0x0] =	vst.idx.add.f32.msk vm15, v48;
	v4 =	vadd.f32 v5, v29;
	v5 =	vmul.f32 v9, v9  }
0x1fe: {  	v26 =	vadd.f32 $9.999999970e-07, v2;
	v2 =	vmov v50  }
0x1ff: {  	[tilespmem:$0x1FF70] =	vst v2;
	v2 =	vadd.f32 v5, v27;
	v5 =	vld [tilespmem:$0x1FFA0];
	_ =	sdelay $0x1  }
0x200: {  	[tilespmem:v7+s22+$0x0] =	vst.idx.add.f32.msk vm13, v3  }
0x201: {  	v7 =	vld [tilespmem:$0x1FDE0];
	_ =	sdelay $0x3  }
0x202: {  	[tilespmem:v1+s21+$0x0] =	vst.idx.add.f32.msk $0xffff, v25  }
0x203: {  	v40 =	vshrl.u32 v10, $0x3;
	[tilespmem:v5+s21+$0x0] =	vst.idx.add.f32.msk $0xffff, v25  }
0x204: {  	v40 =	vmul.u32 $0x5000, v40;
	v5 =	vld [tilespmem:$0x1FD90];
	_ =	sdelay $0x1  }
0x205: {  	v36 =	vadd.s32 v40, v56;
	v56 =	vimm.s32 $0x0;
	v16 =	vcvt.f32.s32 v19;
	[tilespmem:v7+s22+$0x0] =	vst.idx.add.f32.msk vm12, v3  }
0x206: {  	v19 =	vsel vm2, $0xFFFFFFFF, v56;
	v3 =	vld [tilespmem:$0x1FFB0]  }
0x207: {  	v16 =	vadd.s32 v16, v19  }
0x208: {  	v9 =	vcvt.s32.f32 v16;
	_ =	sdelay $0x1  }
0x209: {  	v9 =	vsub.f32 v28, v9  }
0x20a: {  	[tilespmem:v5+s22+$0x0] =	vst.idx.add.f32.msk vm6, v15;
	v5 =	vmov v55  }
0x20b: {  	[tilespmem:$0x1FFA0] =	vst v5;
	v5 =	vadd.f32 $9.999999970e-07, v2;
	v2 =	vmul.f32 $6.931471820e-01, v9  }
0x20c: {  	v19 =	vld [tilespmem:$0x1FD80]  }
0x20d: {  	v31 =	vmul.f32 $8.333333770e-03, v2;
	[tilespmem:v3+s21+$0x0] =	vst.idx.add.f32.msk $0xffff, v6  }
0x20e: {  	v27 =	vshra.s32 v5, $0x1;
	v3 =	vld [tilespmem:$0x1FFC0]  }
0x20f: {  	v30 =	vand.u32 $0x380, v34;
	v34 =	vsub.s32 $0x5F3759DF, v27;
	v27 =	vadd.f32 $4.166666790e-02, v31  }
0x210: {  	v10 =	vshll.u32 v10, $0x7  }
0x211: {  	v42 =	vand.u32 $0x380, v10;
	v9 =	vld [tilespmem:$0x1FDA0];
	v10 =	vmul.f32 v27, v2;
	_ =	sdelay $0x1  }
0x212: {  	v1 =	vmov v54;
	v10 =	vadd.f32 $1.666666720e-01, v10  }
0x213: {  	v60 =	vmov v52;
	[tilespmem:$0x1FF80] =	vst v1  }
0x214: {  	v52 =	vor.u32 v12, v17;
	vm0 =	vgt.s32 v16, $0xFFFFFF81;
	[tilespmem:v19+s22+$0x0] =	vst.idx.add.f32.msk vm14, v48;
	v10 =	vmul.f32 v10, v2  }
0x215: {  	v21 =	vmul.f32 $5.000000000e-01, v53;
	v1 =	vmul.f32 $5.000000000e-01, v26;
	v19 =	vshra.s32 v26, $0x1;
	[tilespmem:v3+s21+$0x0] =	vst.idx.add.f32.msk $0xffff, v6  }
0x216: {  	v48 =	vadd.f32 $9.999999970e-07, v20;
	v20 =	vshra.s32 v53, $0x1;
	v10 =	vadd.f32 $5.000000000e-01, v10;
	v6 =	vld [tilespmem:$0x1FE00]  }
0x217: {  	v19 =	vsub.s32 $0x5F3759DF, v19;
	v20 =	vsub.s32 $0x5F3759DF, v20;
	v29 =	vmul.f32 $5.000000000e-01, v5  }
0x218: {  	v25 =	vshra.s32 v48, $0x1;
	[tilespmem:v9+s22+$0x0] =	vst.idx.add.f32.msk vm7, v15;
	v15 =	vmul.f32 $5.000000000e-01, v48;
	v10 =	vmul.f32 v10, v2  }
0x219: {  	v54 =	vmul.f32 v20, v21;
	v23 =	vsub.s32 $0x5F3759DF, v25;
	v31 =	vmul.f32 v19, v1;
	v3 =	vld [tilespmem:$0x1FDF0]  }
0x21a: {  	v62 =	vmovc v58;
	v58 =	vmul.f32 v34, v29;
	v55 =	vmul.f32 v23, v15;
	v10 =	vadd.f32 $1.000000000e+00, v10  }
0x21b: {  	v50 =	vor.u32 v33, v8;
	v7 =	vmul.f32 v19, v31;
	v31 =	vmul.f32 v20, v54  }
0x21c: {  	v16 =	vnsel vm0, $0xFFFFFF81, v16;
	v59 =	vmul.f32 v23, v55;
	v2 =	vmul.f32 v10, v2  }
0x21d: {  	v16 =	vshll.u32 v16, $0x17;
	v4 =	vadd.f32 $9.999999970e-07, v4;
	v8 =	vsub.f32 $1.500000000e+00, v31  }
0x21e: {  	v44 =	vmul.f32 v34, v58;
	v31 =	vsub.f32 $1.500000000e+00, v59;
	v2 =	vadd.f32 $1.000000000e+00, v2;
	[tilespmem:v6+s22+$0x0] =	vst.idx.add.f32.msk vm11, v3  }
0x21f: {  	v16 =	vadd.s32 $0x3F800000, v16;
	v7 =	vsub.f32 $1.500000000e+00, v7;
	v8 =	vmul.f32 v20, v8;
	v6 =	vld [tilespmem:$0x1FE10]  }
0x220: {  	v20 =	vmul.f32 v23, v31;
	v23 =	vsub.f32 $1.500000000e+00, v44;
	v2 =	vmul.f32 v16, v2  }
0x221: {  	v28 =	vmul.f32 $5.000000000e-01, v4;
	v9 =	vshra.s32 v4, $0x1;
	v7 =	vmul.f32 v19, v7  }
0x222: {  	v58 =	vld [tilespmem:$0x1FE40];
	v25 =	vsub.s32 $0x5F3759DF, v9;
	v12 =	vmul.f32 v34, v23;
	v23 =	vmul.f32 v2, v2  }
0x223: {  	v27 =	vmul.f32 v25, v28  }
0x224: {  	v1 =	vmul.f32 v7, v1;
	v23 =	vmul.f32 v23, v23  }
0x225: {  	vm1 =	vlt.s32 v24, $0xA00;
	v27 =	vmul.f32 v25, v27;
	v17 =	vmul.f32 v8, v21  }
0x226: {  	vm2 =	vle.f32 v18, $5.000000000e+00;
	v1 =	vmul.f32 v1, v7;
	v31 =	vld [tilespmem:$0x1FE30];
	v23 =	vmul.f32 v23, v2  }
0x227: {  	vm0 =	vlt.s32 v22, $0xA00;
	v33 =	vshll.u32 v58, $0x7;
	v19 =	vsub.f32 $1.500000000e+00, v27;
	[tilespmem:v6+s22+$0x0] =	vst.idx.add.f32.msk vm10, v3;
	v3 =	vmovc v47  }
0x228: {  	v1 =	vsub.f32 $1.500000000e+00, v1;
	v10 =	vmul.f32 v17, v8;
	[tilespmem:$0x1FFC0] =	vst v3;
	v3 =	vld [tilespmem:$0x1FE20];
	v23 =	vmul.f32 v23, v23  }
0x229: {  	v59 =	vshrl.u32 v58, $0x3;
	v15 =	vmul.f32 v20, v15;
	v21 =	vmul.f32 v12, v29  }
0x22a: {  	s26 =	sadd.s32 $0x60, s26;
	v1 =	vmul.f32 v1, v7;
	v10 =	vsub.f32 $1.500000000e+00, v10;
	v23 =	vnsel vm2, $0x0, v23  }
0x22b: {  	v15 =	vmul.f32 v15, v20;
	v29 =	vshrl.u32 v31, $0x3;
	v17 =	vmul.f32 v21, v12;
	[tilespmem:s26+$0x20] =	vst v23  }
0x22c: {  	v16 =	vnsel vm1, $0x0, v24;
	v21 =	vnsel vm0, $0x0, v22;
	v8 =	vmul.f32 v10, v8;
	[tilespmem:v24+s21+$0x0] =	vst.idx.add.f32.msk $0xffff, v2  }
0x22d: {  	v29 =	vmul.u32 $0x5000, v29;
	v27 =	vor.u32 v41, v3;
	v3 =	vmul.f32 v25, v19;
	[tilespmem:v22+s21+$0x0] =	vst.idx.add.f32.msk $0xffff, v2  }
0x22e: {  	v25 =	vand.u32 $0x7F, v16;
	v16 =	vshll.u32 v16, $0x3;
	v2 =	vmul.f32 v8, v53;
	v8 =	vld [tilespmem:$0x1FE70]  }
0x22f: {  	v19 =	vor.u32 v11, v32;
	v32 =	vmul.u32 $0x5000, v59;
	v16 =	vand.u32 $0xFFFFFC00, v16  }
0x230: {  	v11 =	vmul.f32 v3, v28;
	v28 =	vand.u32 $0x7F, v21;
	v21 =	vshll.u32 v21, $0x3  }
0x231: {  	v31 =	vshll.u32 v31, $0x7;
	v16 =	vadd.s32 v16, v29;
	v21 =	vand.u32 $0xFFFFFC00, v21  }
0x232: {  	v29 =	vand.u32 $0x380, v31;
	v31 =	vand.u32 $0x380, v33;
	v21 =	vadd.s32 v32, v21  }
0x233: {  	v11 =	vmul.f32 v11, v3;
	v18 =	vor.u32 v31, v21;
	v21 =	vand.u32 $0x7F, v8;
	v8 =	vld [tilespmem:$0x1FE80]  }
0x234: {  	v15 =	vsub.f32 $1.500000000e+00, v15  }
0x235: {  	v1 =	vmul.f32 v1, v26;
	v7 =	vsub.f32 $1.500000000e+00, v11  }
0x236: {  	v10 =	vmul.f32 v15, v20;
	v16 =	vor.u32 v29, v16;
	v11 =	vsub.f32 $1.500000000e+00, v17  }
0x237: {  	v16 =	vor.u32 v25, v16;
	v18 =	vor.u32 v28, v18;
	v3 =	vmul.f32 v7, v3  }
0x238: {  	v7 =	vmul.f32 v11, v12;
	v31 =	vand.u32 $0x7F, v8;
	v8 =	vmul.f32 v10, v48  }
0x239: {  	v6 =	vand.u32 $0x380, v63;
	v3 =	vmul.f32 v3, v4;
	v4 =	vmul.f32 $-1.000000010e-01, v1  }
0x23a: {  	v15 =	vld [tilespmem:$0x1FE60];
	vm10 =	vle.f32 v1, $5.000000000e+00;
	v1 =	vmul.f32 v7, v5;
	v5 =	vmul.f32 $-1.000000010e-01, v2  }
0x23b: {  	vm12 =	vle.f32 v2, $5.000000000e+00;
	v2 =	vmul.f32 $-1.000000010e-01, v8;
	v7 =	vmul.f32 $-1.000000010e-01, v3  }
0x23c: {  	[tilespmem:v16+s22+$0x0] =	vst.idx.add.f32.msk vm1, v23;
	vm11 =	vle.f32 v8, $5.000000000e+00;
	v8 =	vmul.f32 $-1.000000010e-01, v1;
	v4 =	vmul.f32 $1.442695020e+00, v4  }
0x23d: {  	[tilespmem:v18+s22+$0x0] =	vst.idx.add.f32.msk vm0, v23;
	v5 =	vmul.f32 $1.442695020e+00, v5;
	vm0 =	vle.f32 v3, $5.000000000e+00;
	vm1 =	vle.f32 v1, $5.000000000e+00  }
0x23e: {  	v17 =	vld [tilespmem:$0x1FE50];
	v2 =	vmul.f32 $1.442695020e+00, v2;
	v3 =	vmul.f32 $1.442695020e+00, v7;
	v1 =	vadd.f32 $5.000000000e-01, v4  }
0x23f: {  	v29 =	vand.u32 $0x7F, v15;
	v7 =	vadd.f32 $5.000000000e-01, v5;
	v8 =	vmul.f32 $1.442695020e+00, v8  }
0x240: {  	v10 =	vadd.f32 $5.000000000e-01, v2;
	v11 =	vadd.f32 $5.000000000e-01, v3;
	v12 =	vtrunc.f32 v1  }
0x241: {  	v15 =	vtrunc.f32 v7;
	v16 =	vadd.f32 $5.000000000e-01, v8;
	vm2 =	vlt.f32 v1, v12  }
0x242: {  	v12 =	vcvt.f32.s32 v12;
	vm3 =	vlt.f32 v7, v15;
	v15 =	vcvt.f32.s32 v15  }
0x243: {  	v63 =	vand.u32 $0x7F, v17;
	v1 =	vtrunc.f32 v10;
	v17 =	vtrunc.f32 v11  }
0x244: {  	v7 =	vtrunc.f32 v16;
	v18 =	vcvt.f32.s32 v1  }
0x245: {  	vm13 =	vlt.f32 v10, v1;
	vm14 =	vlt.f32 v11, v17;
	v10 =	vcvt.f32.s32 v7  }
0x246: {  	v11 =	vsel vm2, $0xFFFFFFFF, v56;
	vm2 =	vlt.f32 v16, v7;
	v7 =	vsel vm13, $0xFFFFFFFF, v56  }
0x247: {  	v1 =	vcvt.f32.s32 v17;
	v17 =	vsel vm3, $0xFFFFFFFF, v56;
	v7 =	vadd.s32 v18, v7  }
0x248: {  	v11 =	vadd.s32 v12, v11;
	v12 =	vadd.s32 v15, v17;
	v17 =	vcvt.s32.f32 v7;
	_ =	sdelay $0x1  }
0x249: {  	v2 =	vsub.f32 v2, v17;
	v17 =	vld [tilespmem:$0x1FE90];
	_ =	sdelay $0x4  }
0x24a: {  	vm6 =	vnez.u8 v17;
	v17 =	vld [tilespmem:$0x1FEA0]  }
0x24b: {  	v16 =	vsel vm14, $0xFFFFFFFF, v56;
	v20 =	vsel vm2, $0xFFFFFFFF, v56  }
0x24c: {  	v15 =	vcvt.s32.f32 v11;
	v1 =	vadd.s32 v1, v16;
	v10 =	vadd.s32 v10, v20  }
0x24d: {  	vm13 =	vgt.s32 v11, $0xFFFFFF81;
	v16 =	vcvt.s32.f32 v12;
	v18 =	vcvt.s32.f32 v10  }
0x24e: {  	v11 =	vnsel vm13, $0xFFFFFF81, v11;
	vm13 =	vmmov vm8;
	v4 =	vsub.f32 v4, v15  }
0x24f: {  	v15 =	vcvt.s32.f32 v1;
	v5 =	vsub.f32 v5, v16;
	vm8 =	vnez.u8 v17;
	v17 =	vld [tilespmem:$0x1FEB0]  }
0x250: {  	v8 =	vsub.f32 v8, v18  }
0x251: {  	v4 =	vmul.f32 $6.931471820e-01, v4;
	v3 =	vsub.f32 v3, v15;
	v5 =	vmul.f32 $6.931471820e-01, v5  }
0x252: {  	v34 =	vor.u32 v30, v61;
	v2 =	vmul.f32 $6.931471820e-01, v2;
	v8 =	vmul.f32 $6.931471820e-01, v8  }
0x253: {  	vm14 =	vgt.s32 v12, $0xFFFFFF81;
	v3 =	vmul.f32 $6.931471820e-01, v3;
	v15 =	vmul.f32 $8.333333770e-03, v4  }
0x254: {  	v16 =	vmul.f32 $8.333333770e-03, v5;
	vm7 =	vnez.u8 v17;
	v17 =	vmul.f32 $8.333333770e-03, v2  }
0x255: {  	vm15 =	vgt.s32 v7, $0xFFFFFF81;
	v18 =	vmul.f32 $8.333333770e-03, v3;
	v15 =	vadd.f32 $4.166666790e-02, v15  }
0x256: {  	v20 =	vmul.f32 $8.333333770e-03, v8;
	v16 =	vadd.f32 $4.166666790e-02, v16;
	v17 =	vadd.f32 $4.166666790e-02, v17  }
0x257: {  	vm3 =	vgt.s32 v1, $0xFFFFFF81;
	v18 =	vadd.f32 $4.166666790e-02, v18;
	v15 =	vmul.f32 v15, v4  }
0x258: {  	v20 =	vadd.f32 $4.166666790e-02, v20;
	v16 =	vmul.f32 v16, v5;
	v17 =	vmul.f32 v17, v2  }
0x259: {  	vm2 =	vgt.s32 v10, $0xFFFFFF81;
	v18 =	vmul.f32 v18, v3;
	v15 =	vadd.f32 $1.666666720e-01, v15  }
0x25a: {  	v20 =	vmul.f32 v20, v8;
	v16 =	vadd.f32 $1.666666720e-01, v16;
	v17 =	vadd.f32 $1.666666720e-01, v17  }
0x25b: {  	v12 =	vnsel vm14, $0xFFFFFF81, v12;
	v18 =	vadd.f32 $1.666666720e-01, v18;
	v15 =	vmul.f32 v15, v4  }
0x25c: {  	v20 =	vadd.f32 $1.666666720e-01, v20;
	v16 =	vmul.f32 v16, v5;
	v17 =	vmul.f32 v17, v2  }
0x25d: {  	v7 =	vnsel vm15, $0xFFFFFF81, v7;
	v18 =	vmul.f32 v18, v3;
	v15 =	vadd.f32 $5.000000000e-01, v15  }
0x25e: {  	v20 =	vmul.f32 v20, v8;
	v16 =	vadd.f32 $5.000000000e-01, v16;
	v17 =	vadd.f32 $5.000000000e-01, v17  }
0x25f: {  	v1 =	vnsel vm3, $0xFFFFFF81, v1;
	v18 =	vadd.f32 $5.000000000e-01, v18;
	v15 =	vmul.f32 v15, v4  }
0x260: {  	v20 =	vadd.f32 $5.000000000e-01, v20;
	v16 =	vmul.f32 v16, v5;
	v17 =	vmul.f32 v17, v2  }
0x261: {  	v10 =	vnsel vm2, $0xFFFFFF81, v10;
	v18 =	vmul.f32 v18, v3;
	v15 =	vadd.f32 $1.000000000e+00, v15  }
0x262: {  	v20 =	vmul.f32 v20, v8;
	v16 =	vadd.f32 $1.000000000e+00, v16;
	v17 =	vadd.f32 $1.000000000e+00, v17  }
0x263: {  	v11 =	vshll.u32 v11, $0x17;
	v18 =	vadd.f32 $1.000000000e+00, v18;
	v4 =	vmul.f32 v15, v4  }
0x264: {  	v5 =	vmul.f32 v16, v5;
	v15 =	vadd.f32 $1.000000000e+00, v20;
	v2 =	vmul.f32 v17, v2  }
0x265: {  	v12 =	vshll.u32 v12, $0x17;
	v3 =	vmul.f32 v18, v3;
	v4 =	vadd.f32 $1.000000000e+00, v4  }
0x266: {  	v5 =	vadd.f32 $1.000000000e+00, v5;
	v8 =	vmul.f32 v15, v8;
	v15 =	vadd.f32 $1.000000000e+00, v2  }
0x267: {  	v2 =	vshll.u32 v10, $0x17;
	v10 =	vadd.s32 $0x3F800000, v11;
	v11 =	vadd.s32 $0x3F800000, v12  }
0x268: {  	v7 =	vshll.u32 v7, $0x17;
	v1 =	vshll.u32 v1, $0x17;
	v26 =	vmul.f32 v11, v5  }
0x269: {  	v7 =	vadd.s32 $0x3F800000, v7;
	v3 =	vadd.f32 $1.000000000e+00, v3;
	v30 =	vmul.f32 v10, v4  }
0x26a: {  	v1 =	vadd.s32 $0x3F800000, v1;
	v25 =	vmul.f32 v7, v15;
	v7 =	vmul.f32 v26, v26  }
0x26b: {  	v49 =	vshll.u32 v49, $0x7;
	v23 =	vmul.f32 v1, v3  }
0x26c: {  	v9 =	vand.u32 $0x380, v49;
	v1 =	vmul.f32 v30, v30;
	v7 =	vmul.f32 v7, v7  }
0x26d: {  	v8 =	vadd.f32 $1.000000000e+00, v8;
	v12 =	vadd.s32 $0x3F800000, v2;
	v11 =	vmul.f32 v23, v23  }
0x26e: {  	v2 =	vor.u32 v39, v14;
	v1 =	vmul.f32 v1, v1;
	v14 =	vmul.f32 v7, v26;
	v7 =	vld [tilespmem:$0x1FEF0]  }
0x26f: {  	v3 =	vor.u32 v9, v13;
	v9 =	vld [tilespmem:$0x1FEC0];
	v28 =	vmul.f32 v12, v8;
	v8 =	vmul.f32 v25, v25  }
0x270: {  	v10 =	vld [tilespmem:$0x1FED0];
	v1 =	vmul.f32 v1, v30  }
0x271: {  	v13 =	vmul.f32 v11, v11;
	v11 =	vld [tilespmem:$0x1FEE0];
	v8 =	vmul.f32 v8, v8  }
0x272: {  	s29 =	sadd.s32 $0x60, s29;
	v43 =	vand.u32 $0x380, v37;
	v16 =	vmul.f32 v1, v1;
	v1 =	vld [tilespmem:$0x1FF10]  }
0x273: {  	p0 =	slt.u32 s29, $0x1320;
	v12 =	vmul.f32 v28, v28;
	v15 =	vmul.f32 v8, v25;
	v8 =	vand.u32 $0x7F, v7;
	v7 =	vld [tilespmem:$0x1FF00]  }
.Ltmp11:
0x274: {  	v6 =	vor.u32 v6, v57;
	v32 =	vor.u32 v63, v50;
	v13 =	vmul.f32 v13, v23;
	(pc) =	sbr.rel @p0 .LBB2_24-.Ltmp11, $4  }
0x275: {  	v9 =	vand.u32 $0x7F, v9;
	v4 =	vor.u32 v42, v36;
	v12 =	vmul.f32 v12, v12  }
0x276: {  	v5 =	vor.u32 v43, v35;
	v10 =	vand.u32 $0x7F, v10;
	v13 =	vmul.f32 v13, v13  }
0x277: {  	v49 =	vmovc v45;
	v11 =	vand.u32 $0x7F, v11;
	v12 =	vmul.f32 v12, v28;
	v24 =	vmul.f32 v14, v14  }
0x278: {  	s30 =	sadd.s32 $0x60, s30;
	[tilespmem:$0x1FFB0] =	vst v49;
	v15 =	vmul.f32 v15, v15;
	v1 =	vand.u32 $0x7F, v1;
	v7 =	vand.u32 $0x7F, v7  }
0x279: {  	v14 =	vnsel vm10, $0x0, v16  }
0x27a: {  	v35 =	vnsel vm12, $0x0, v24;
	[tilespmem:s26+$0xFFFFFFD0] =	vst v14  }
0x27b: {  	v12 =	vmul.f32 v12, v12;
	v15 =	vnsel vm11, $0x0, v15;
	[tilespmem:s26+$0xFFFFFFE0] =	vst v35  }
0x27c: {  	v13 =	vnsel vm0, $0x0, v13;
	v17 =	vld [tilespmem:$0x1FF40];
	[tilespmem:s26+$0xFFFFFFF0] =	vst v15  }
0x27d: {  	v12 =	vnsel vm1, $0x0, v12;
	[tilespmem:s26+$0x0] =	vst v13  }
0x27e: {  	[tilespmem:s26+$0x10] =	vst v12  }
0x27f: {  	v18 =	vld [tilespmem:$0x1FF50];
	_ =	sdelay $0x7  }
0x280: {  	[tilespmem:v18+s21+$0x0] =	vst.idx.add.f32.msk $0xffff, v30  }
0x281: {  	v20 =	vld [tilespmem:$0x1FF60];
	_ =	sdelay $0x1  }
0x282: {  	vm2 =	vnez.u8 v17  }
0x283: {  	vm2 =	vmmov vm2;
	_ =	sdelay $0x1  }
0x284: {  	v36 =	vor.u32 v29, v27;
	_ =	sdelay $0x2  }
0x285: {  	[tilespmem:v20+s21+$0x0] =	vst.idx.add.f32.msk $0xffff, v30  }
0x286: {  	[tilespmem:v32+s22+$0x0] =	vst.idx.add.f32.msk vm2, v14  }
0x287: {  	[tilespmem:v36+s22+$0x0] =	vst.idx.add.f32.msk vm6, v14  }
0x288: {  	v14 =	vld [tilespmem:$0x1FF70];
	_ =	sdelay $0x7  }
0x289: {  	[tilespmem:v14+s21+$0x0] =	vst.idx.add.f32.msk $0xffff, v26  }
0x28a: {  	v14 =	vld [tilespmem:$0x1FF80];
	_ =	sdelay $0x3  }
0x28b: {  	v37 =	vor.u32 v21, v52  }
0x28c: {  	v19 =	vor.u32 v31, v19;
	_ =	sdelay $0x2  }
0x28d: {  	[tilespmem:v14+s21+$0x0] =	vst.idx.add.f32.msk $0xffff, v26  }
0x28e: {  	[tilespmem:v37+s22+$0x0] =	vst.idx.add.f32.msk vm7, v35  }
0x28f: {  	[tilespmem:v19+s22+$0x0] =	vst.idx.add.f32.msk vm8, v35  }
0x290: {  	v38 =	vld [tilespmem:$0x1FF90];
	_ =	sdelay $0x7  }
0x291: {  	[tilespmem:v38+s21+$0x0] =	vst.idx.add.f32.msk $0xffff, v25  }
0x292: {  	v2 =	vor.u32 v10, v2;
	v10 =	vld [tilespmem:$0x1FFA0];
	_ =	sdelay $0x3  }
0x293: {  	v9 =	vor.u32 v9, v34;
	_ =	sdelay $0x3  }
0x294: {  	[tilespmem:v10+s21+$0x0] =	vst.idx.add.f32.msk $0xffff, v25  }
0x295: {  	[tilespmem:v9+s22+$0x0] =	vst.idx.add.f32.msk vm13, v15  }
0x296: {  	v3 =	vor.u32 v11, v3;
	[tilespmem:v2+s22+$0x0] =	vst.idx.add.f32.msk vm4, v15  }
0x297: {  	v4 =	vor.u32 v8, v4;
	v2 =	vld [tilespmem:$0x1FF20]  }
0x298: {  	[tilespmem:v60+s21+$0x0] =	vst.idx.add.f32.msk $0xffff, v23  }
0x299: {  	v39 =	vld [tilespmem:$0x1FF30]  }
0x29a: {  	[tilespmem:v62+s21+$0x0] =	vst.idx.add.f32.msk $0xffff, v23  }
0x29b: {  	[tilespmem:v3+s22+$0x0] =	vst.idx.add.f32.msk vm5, v13  }
0x29c: {  	[tilespmem:v4+s22+$0x0] =	vst.idx.add.f32.msk vm9, v13  }
0x29d: {  	v3 =	vld [tilespmem:$0x1FFB0];
	_ =	sdelay $0x7  }
0x29e: {  	[tilespmem:v3+s21+$0x0] =	vst.idx.add.f32.msk $0xffff, v28  }
0x29f: {  	v3 =	vld [tilespmem:$0x1FFC0]  }
0x2a0: {  	vm3 =	vmmov vm6  }
0x2a1: {  	vm3 =	vmmov vm4;
	vm2 =	vnez.u8 v2  }
0x2a2: {  	vm2 =	vmmov vm2;
	vm3 =	vnez.u8 v39  }
0x2a3: {  	v2 =	vor.u32 v7, v5;
	vm3 =	vmmov vm3  }
0x2a4: {  	v1 =	vor.u32 v1, v6;
	_ =	sdelay $0x2  }
0x2a5: {  	[tilespmem:v3+s21+$0x0] =	vst.idx.add.f32.msk $0xffff, v28  }
0x2a6: {  	[tilespmem:v2+s22+$0x0] =	vst.idx.add.f32.msk vm2, v12  }
0x2a7: {  	[tilespmem:v1+s22+$0x0] =	vst.idx.add.f32.msk vm3, v12  }
0x2a8: {  	v1 =	vld [tilespmem:$0xC780]  }
0x2a9: {  	v2 =	vld [tilespmem:$0xB380];
	_ =	sdelay $0x6  }
0x2aa: {  	v3 =	vld.idx.msk [tilespmem:v1+s18+$0x0], $0xffff  }
0x2ab: {  	v4 =	vld.idx.msk [tilespmem:v2+s18+$0x0], $0xffff;
	_ =	sdelay $0x3  }
0x2ac: {  	v40 =	vshll.u32 v3, $0x14  }
0x2ad: {  	v41 =	vshll.u32 v4, $0x14;
	v5 =	vor.u32 v2, v40  }
0x2ae: {  	v42 =	vor.u32 v1, v41;
	[tilespmem:$0xB380] =	vst v5  }
0x2af: {  	[tilespmem:$0xC780] =	vst v42  }
0x2b0: {  	v5 =	vld.idx.msk [tilespmem:v2+s4+$0x0], $0xffff  }
0x2b1: {  	v43 =	vld.idx.msk [tilespmem:v2+s16+$0x0], $0xffff  }
0x2b2: {  	v44 =	vld.idx.msk [tilespmem:v1+s4+$0x0], $0xffff  }
0x2b3: {  	v45 =	vld.idx.msk [tilespmem:v1+s16+$0x0], $0xffff  }
0x2b4: {  	v9 =	vld.idx.msk [tilespmem:v2+s17+$0x0], $0xffff  }
0x2b5: {  	v10 =	vld.idx.msk [tilespmem:v1+s17+$0x0], $0xffff;
	_ =	sdelay $0x2  }
0x2b6: {  	v5 =	vsub.f32 v5, v44;
	v6 =	vsub.f32 v43, v45;
	_ =	sdelay $0x1  }
0x2b7: {  	v46 =	vsub.f32 v9, v10;
	v5 =	vmul.f32 v5, v5;
	v6 =	vmul.f32 v6, v6;
	_ =	sdelay $0x1  }
0x2b8: {  	v47 =	vmul.f32 v46, v46;
	v5 =	vadd.f32 v6, v5;
	_ =	sdelay $0x1  }
0x2b9: {  	v5 =	vadd.f32 v47, v5;
	_ =	sdelay $0x1  }
0x2ba: {  	v5 =	vadd.f32 $9.999999970e-07, v5;
	_ =	sdelay $0x1  }
0x2bb: {  	v48 =	vshra.s32 v5, $0x1;
	v49 =	vmul.f32 $5.000000000e-01, v5  }
0x2bc: {  	v6 =	vsub.s32 $0x5F3759DF, v48  }
0x2bd: {  	v50 =	vmul.f32 v6, v49;
	_ =	sdelay $0x1  }
0x2be: {  	v8 =	vmul.f32 v6, v50;
	_ =	sdelay $0x1  }
0x2bf: {  	v8 =	vsub.f32 $1.500000000e+00, v8;
	_ =	sdelay $0x1  }
0x2c0: {  	v6 =	vmul.f32 v6, v8;
	_ =	sdelay $0x1  }
0x2c1: {  	v7 =	vmul.f32 v6, v49;
	_ =	sdelay $0x1  }
0x2c2: {  	v7 =	vmul.f32 v7, v6;
	_ =	sdelay $0x1  }
0x2c3: {  	v7 =	vsub.f32 $1.500000000e+00, v7;
	_ =	sdelay $0x1  }
0x2c4: {  	v6 =	vmul.f32 v7, v6;
	_ =	sdelay $0x1  }
0x2c5: {  	v5 =	vmul.f32 v6, v5;
	_ =	sdelay $0x1  }
0x2c6: {  	v6 =	vmul.f32 $-1.000000010e-01, v5;
	_ =	sdelay $0x1  }
0x2c7: {  	v6 =	vmul.f32 $1.442695020e+00, v6;
	_ =	sdelay $0x1  }
0x2c8: {  	v51 =	vadd.f32 $5.000000000e-01, v6;
	_ =	sdelay $0x1  }
0x2c9: {  	vm0 =	vmmov vm5;
	v52 =	vtrunc.f32 v51  }
0x2ca: {  	v53 =	vcvt.f32.s32 v52;
	vm0 =	vlt.f32 v51, v52  }
0x2cb: {  	v7 =	vsel vm0, $0xFFFFFFFF, v56  }
0x2cc: {  	v7 =	vadd.s32 v53, v7  }
0x2cd: {  	v54 =	vcvt.s32.f32 v7;
	_ =	sdelay $0x1  }
0x2ce: {  	v6 =	vsub.f32 v6, v54;
	_ =	sdelay $0x1  }
0x2cf: {  	v6 =	vmul.f32 $6.931471820e-01, v6;
	_ =	sdelay $0x1  }
0x2d0: {  	v55 =	vmul.f32 $8.333333770e-03, v6;
	_ =	sdelay $0x1  }
0x2d1: {  	v8 =	vadd.f32 $4.166666790e-02, v55;
	_ =	sdelay $0x1  }
0x2d2: {  	v8 =	vmul.f32 v8, v6;
	_ =	sdelay $0x1  }
0x2d3: {  	v8 =	vadd.f32 $1.666666720e-01, v8;
	_ =	sdelay $0x1  }
0x2d4: {  	v8 =	vmul.f32 v8, v6;
	_ =	sdelay $0x1  }
0x2d5: {  	v8 =	vadd.f32 $5.000000000e-01, v8;
	_ =	sdelay $0x1  }
0x2d6: {  	v8 =	vmul.f32 v8, v6;
	_ =	sdelay $0x1  }
0x2d7: {  	v8 =	vadd.f32 $1.000000000e+00, v8;
	_ =	sdelay $0x1  }
0x2d8: {  	vm12 =	vmmov vm13;
	vm13 =	vgt.s32 v7, $0xFFFFFF81;
	v6 =	vmul.f32 v8, v6  }
0x2d9: {  	v7 =	vnsel vm13, $0xFFFFFF81, v7  }
0x2da: {  	v7 =	vshll.u32 v7, $0x17;
	v6 =	vadd.f32 $1.000000000e+00, v6  }
0x2db: {  	vm15 =	vlt.s32 v1, $0xA00;
	v7 =	vadd.s32 $0x3F800000, v7  }
0x2dc: {  	v59 =	vnsel vm15, $0x0, v1;
	v6 =	vmul.f32 v7, v6  }
0x2dd: {  	vm1 =	vmmov vm9;
	vm14 =	vlt.s32 v2, $0xA00;
	v61 =	vshll.u32 v59, $0x3  }
0x2de: {  	v11 =	vand.u32 $0xFFFFFC00, v61;
	v57 =	vshrl.u32 v3, $0x3;
	v7 =	vmul.f32 v6, v6  }
0x2df: {  	v60 =	vshrl.u32 v4, $0x3;
	v3 =	vshll.u32 v3, $0x7;
	v4 =	vshll.u32 v4, $0x7  }
0x2e0: {  	v3 =	vand.u32 $0x380, v3;
	v56 =	vnsel vm14, $0x0, v2;
	v7 =	vmul.f32 v7, v7  }
0x2e1: {  	v10 =	vmul.u32 $0x5000, v60;
	v58 =	vshll.u32 v56, $0x3;
	v8 =	vmul.u32 $0x5000, v57  }
0x2e2: {  	v4 =	vand.u32 $0x380, v4;
	v9 =	vand.u32 $0xFFFFFC00, v58;
	v7 =	vmul.f32 v7, v6  }
0x2e3: {  	v62 =	vadd.s32 v10, v11;
	vm1 =	vle.f32 v5, $5.000000000e+00;
	v8 =	vadd.s32 v9, v8  }
0x2e4: {  	v5 =	vand.u32 $0x7F, v56;
	v3 =	vor.u32 v3, v8;
	v7 =	vmul.f32 v7, v7  }
0x2e5: {  	v63 =	vand.u32 $0x7F, v59;
	v4 =	vor.u32 v4, v62;
	v3 =	vor.u32 v5, v3  }
0x2e6: {  	v4 =	vor.u32 v63, v4;
	v7 =	vnsel vm1, $0x0, v7  }
0x2e7: {  	[tilespmem:$0x10380] =	vst v7  }
0x2e8: {  	[tilespmem:v2+s21+$0x0] =	vst.idx.add.f32.msk $0xffff, v6  }
0x2e9: {  	[tilespmem:v1+s21+$0x0] =	vst.idx.add.f32.msk $0xffff, v6  }
0x2ea: {  	[tilespmem:v3+s22+$0x0] =	vst.idx.add.f32.msk vm14, v7  }
0x2eb: {  	[tilespmem:v4+s22+$0x0] =	vst.idx.add.f32.msk vm15, v7  }
0x2ec: {  	[hbm4b:s9+s23] =	stream.strided.scatter [tilespmem:s21], [sflag:$0x1], $0x2800, s24, s23, $0x38;
	[tilespmem:$0x1A400] =	vst v63  }
0x2ed: {  	_ =	swait.ge [sflag:s15], $0x2800  }
0x2ee: {  	[sflag:s15] =	ssyncset.done $0x0  }
0x2ef: {  	[sflag:s15] =	ssyncadd.s32 $0xFFFFD800  }
0x2f0: {  	[hbm4b:s10+s4] =	stream.linear.scatter [tilespmem:s22], [sflag:$0x1], $0xA000, $0x38;
	[tilespmem:$0x1A400] =	vst v63  }
0x2f1: {  	_ =	swait.ge [sflag:s15], $0xA000  }
0x2f2: {  	[sflag:s15] =	ssyncset.done $0x0  }
0x2f3: {  	s26 =	simm.s32 $0x10440;
	[sflag:s15] =	ssyncadd.s32 $0xFFFF6000  }
0x2f4: {  	[tilespmem:s26+$0xFFFFFFC0] =	vst v0  }
0x2f5: {  	[tilespmem:s26+$0x30] =	vst v0  }
0x2f6: {  	[tilespmem:s26+$0x20] =	vst v0  }
0x2f7: {  	[tilespmem:s26+$0x10] =	vst v0  }
0x2f8: {  	[tilespmem:s26+$0x0] =	vst v0  }
0x2f9: {  	[tilespmem:s26+$0xFFFFFFF0] =	vst v0  }
0x2fa: {  	vm10 =	vmmov vm7;
	s28 =	simm.s32 $0x0;
	vm11 =	vmmov vm8;
	[tilespmem:s26+$0xFFFFFFE0] =	vst v0  }
.LBB2_26:
0x2fb: {  	s28 =	sadd.s32 $0x80, s28;
	[tilespmem:s26+$0xFFFFFFD0] =	vst v0;
	s26 =	sadd.s32 $0x400, s26  }
0x2fc: {  	[tilespmem:s26+$0xFFFFFFC0] =	vst v0;
	p0 =	slt.u32 s28, $0x980  }
0x2fd: {  	[tilespmem:s26+$0x30] =	vst v0  }
.Ltmp12:
0x2fe: {  	[tilespmem:s26+$0x20] =	vst v0;
	(pc) =	sbr.rel @p0 .LBB2_26-.Ltmp12, $4  }
0x2ff: {  	[tilespmem:s26+$0x10] =	vst v0  }
0x300: {  	[tilespmem:s26+$0x0] =	vst v0  }
0x301: {  	[tilespmem:s26+$0xFFFFFFF0] =	vst v0  }
0x302: {  	[tilespmem:s26+$0xFFFFFFE0] =	vst v0  }
0x303: {  	[tilespmem:s26+$0xFFFFFFD0] =	vst v0;
	s28 =	simm.s32 $0x104F0  }
0x304: {  	[tilespmem:s28+$0xFFFFFF90] =	vst v0  }
0x305: {  	[tilespmem:s28+$0x0] =	vst v0  }
0x306: {  	[tilespmem:s28+$0xFFFFFFF0] =	vst v0  }
0x307: {  	[tilespmem:s28+$0xFFFFFFE0] =	vst v0  }
0x308: {  	[tilespmem:s28+$0xFFFFFFD0] =	vst v0  }
0x309: {  	[tilespmem:s28+$0xFFFFFFC0] =	vst v0  }
0x30a: {  	s29 =	simm.s32 $0x0;
	[tilespmem:s28+$0xFFFFFFB0] =	vst v0  }
.LBB2_28:
0x30b: {  	s29 =	sadd.s32 $0x80, s29;
	[tilespmem:s28+$0xFFFFFFA0] =	vst v0;
	s28 =	sadd.s32 $0x400, s28  }
0x30c: {  	[tilespmem:s28+$0xFFFFFF90] =	vst v0;
	p0 =	slt.u32 s29, $0x980  }
0x30d: {  	[tilespmem:s28+$0x0] =	vst v0  }
.Ltmp13:
0x30e: {  	[tilespmem:s28+$0xFFFFFFF0] =	vst v0;
	(pc) =	sbr.rel @p0 .LBB2_28-.Ltmp13, $4  }
0x30f: {  	[tilespmem:s28+$0xFFFFFFE0] =	vst v0  }
0x310: {  	[tilespmem:s28+$0xFFFFFFD0] =	vst v0  }
0x311: {  	[tilespmem:s28+$0xFFFFFFC0] =	vst v0  }
0x312: {  	s26 =	simm.s32 $0x10570;
	[tilespmem:s28+$0xFFFFFFB0] =	vst v0  }
0x313: {  	[tilespmem:s28+$0xFFFFFFA0] =	vst v0  }
0x314: {  	[tilespmem:s26+$0xFFFFFF90] =	vst v0  }
0x315: {  	[tilespmem:s26+$0x0] =	vst v0  }
0x316: {  	[tilespmem:s26+$0xFFFFFFF0] =	vst v0  }
0x317: {  	[tilespmem:s26+$0xFFFFFFE0] =	vst v0  }
0x318: {  	[tilespmem:s26+$0xFFFFFFD0] =	vst v0  }
0x319: {  	[tilespmem:s26+$0xFFFFFFC0] =	vst v0  }
0x31a: {  	s28 =	simm.s32 $0x0;
	[tilespmem:s26+$0xFFFFFFB0] =	vst v0  }
.LBB2_30:
0x31b: {  	s28 =	sadd.s32 $0x80, s28;
	[tilespmem:s26+$0xFFFFFFA0] =	vst v0;
	s26 =	sadd.s32 $0x400, s26  }
0x31c: {  	[tilespmem:s26+$0xFFFFFF90] =	vst v0;
	p0 =	slt.u32 s28, $0x980  }
0x31d: {  	[tilespmem:s26+$0x0] =	vst v0  }
.Ltmp14:
0x31e: {  	[tilespmem:s26+$0xFFFFFFF0] =	vst v0;
	(pc) =	sbr.rel @p0 .LBB2_30-.Ltmp14, $4  }
0x31f: {  	[tilespmem:s26+$0xFFFFFFE0] =	vst v0  }
0x320: {  	[tilespmem:s26+$0xFFFFFFD0] =	vst v0  }
0x321: {  	[tilespmem:s26+$0xFFFFFFC0] =	vst v0  }
0x322: {  	[tilespmem:s26+$0xFFFFFFB0] =	vst v0  }
0x323: {  	[tilespmem:s26+$0xFFFFFFA0] =	vst v0;
	s28 =	simm.s32 $0x105F0  }
0x324: {  	[tilespmem:s28+$0xFFFFFF90] =	vst v0  }
0x325: {  	[tilespmem:s28+$0x0] =	vst v0  }
0x326: {  	[tilespmem:s28+$0xFFFFFFF0] =	vst v0  }
0x327: {  	[tilespmem:s28+$0xFFFFFFE0] =	vst v0  }
0x328: {  	[tilespmem:s28+$0xFFFFFFD0] =	vst v0  }
0x329: {  	[tilespmem:s28+$0xFFFFFFC0] =	vst v0  }
0x32a: {  	s29 =	simm.s32 $0x0;
	[tilespmem:s28+$0xFFFFFFB0] =	vst v0  }
.LBB2_32:
0x32b: {  	s29 =	sadd.s32 $0x80, s29;
	[tilespmem:s28+$0xFFFFFFA0] =	vst v0;
	s28 =	sadd.s32 $0x400, s28  }
0x32c: {  	[tilespmem:s28+$0xFFFFFF90] =	vst v0;
	p0 =	slt.u32 s29, $0x980  }
0x32d: {  	[tilespmem:s28+$0x0] =	vst v0  }
.Ltmp15:
0x32e: {  	[tilespmem:s28+$0xFFFFFFF0] =	vst v0;
	(pc) =	sbr.rel @p0 .LBB2_32-.Ltmp15, $4  }
0x32f: {  	[tilespmem:s28+$0xFFFFFFE0] =	vst v0  }
0x330: {  	[tilespmem:s28+$0xFFFFFFD0] =	vst v0  }
0x331: {  	[tilespmem:s28+$0xFFFFFFC0] =	vst v0  }
0x332: {  	s26 =	simm.s32 $0x10670;
	[tilespmem:s28+$0xFFFFFFB0] =	vst v0  }
0x333: {  	[tilespmem:s28+$0xFFFFFFA0] =	vst v0  }
0x334: {  	[tilespmem:s26+$0xFFFFFF90] =	vst v0  }
0x335: {  	[tilespmem:s26+$0x0] =	vst v0  }
0x336: {  	[tilespmem:s26+$0xFFFFFFF0] =	vst v0  }
0x337: {  	[tilespmem:s26+$0xFFFFFFE0] =	vst v0  }
0x338: {  	[tilespmem:s26+$0xFFFFFFD0] =	vst v0  }
0x339: {  	[tilespmem:s26+$0xFFFFFFC0] =	vst v0  }
0x33a: {  	s28 =	simm.s32 $0x0;
	[tilespmem:s26+$0xFFFFFFB0] =	vst v0  }
.LBB2_34:
0x33b: {  	s28 =	sadd.s32 $0x80, s28;
	[tilespmem:s26+$0xFFFFFFA0] =	vst v0;
	s26 =	sadd.s32 $0x400, s26  }
0x33c: {  	[tilespmem:s26+$0xFFFFFF90] =	vst v0;
	p0 =	slt.u32 s28, $0x980  }
0x33d: {  	[tilespmem:s26+$0x0] =	vst v0  }
.Ltmp16:
0x33e: {  	[tilespmem:s26+$0xFFFFFFF0] =	vst v0;
	(pc) =	sbr.rel @p0 .LBB2_34-.Ltmp16, $4  }
0x33f: {  	[tilespmem:s26+$0xFFFFFFE0] =	vst v0  }
0x340: {  	[tilespmem:s26+$0xFFFFFFD0] =	vst v0  }
0x341: {  	[tilespmem:s26+$0xFFFFFFC0] =	vst v0  }
0x342: {  	[tilespmem:s26+$0xFFFFFFB0] =	vst v0  }
0x343: {  	[tilespmem:s26+$0xFFFFFFA0] =	vst v0;
	s28 =	simm.s32 $0x106F0  }
0x344: {  	[tilespmem:s28+$0xFFFFFF90] =	vst v0  }
0x345: {  	[tilespmem:s28+$0x0] =	vst v0  }
0x346: {  	[tilespmem:s28+$0xFFFFFFF0] =	vst v0  }
0x347: {  	[tilespmem:s28+$0xFFFFFFE0] =	vst v0  }
0x348: {  	[tilespmem:s28+$0xFFFFFFD0] =	vst v0  }
0x349: {  	[tilespmem:s28+$0xFFFFFFC0] =	vst v0  }
0x34a: {  	s29 =	simm.s32 $0x0;
	[tilespmem:s28+$0xFFFFFFB0] =	vst v0  }
.LBB2_36:
0x34b: {  	s29 =	sadd.s32 $0x80, s29;
	[tilespmem:s28+$0xFFFFFFA0] =	vst v0;
	s28 =	sadd.s32 $0x400, s28  }
0x34c: {  	[tilespmem:s28+$0xFFFFFF90] =	vst v0;
	p0 =	slt.u32 s29, $0x980  }
0x34d: {  	[tilespmem:s28+$0x0] =	vst v0  }
.Ltmp17:
0x34e: {  	[tilespmem:s28+$0xFFFFFFF0] =	vst v0;
	(pc) =	sbr.rel @p0 .LBB2_36-.Ltmp17, $4  }
0x34f: {  	[tilespmem:s28+$0xFFFFFFE0] =	vst v0  }
0x350: {  	[tilespmem:s28+$0xFFFFFFD0] =	vst v0  }
0x351: {  	[tilespmem:s28+$0xFFFFFFC0] =	vst v0  }
0x352: {  	s26 =	simm.s32 $0x10770;
	[tilespmem:s28+$0xFFFFFFB0] =	vst v0  }
0x353: {  	[tilespmem:s28+$0xFFFFFFA0] =	vst v0  }
0x354: {  	[tilespmem:s26+$0xFFFFFF90] =	vst v0  }
0x355: {  	[tilespmem:s26+$0x0] =	vst v0  }
0x356: {  	[tilespmem:s26+$0xFFFFFFF0] =	vst v0  }
0x357: {  	[tilespmem:s26+$0xFFFFFFE0] =	vst v0  }
0x358: {  	[tilespmem:s26+$0xFFFFFFD0] =	vst v0  }
0x359: {  	[tilespmem:s26+$0xFFFFFFC0] =	vst v0  }
0x35a: {  	s28 =	simm.s32 $0x0;
	[tilespmem:s26+$0xFFFFFFB0] =	vst v0  }
.LBB2_38:
0x35b: {  	s28 =	sadd.s32 $0x80, s28;
	[tilespmem:s26+$0xFFFFFFA0] =	vst v0;
	s26 =	sadd.s32 $0x400, s26  }
0x35c: {  	[tilespmem:s26+$0xFFFFFF90] =	vst v0;
	p0 =	slt.u32 s28, $0x980  }
0x35d: {  	[tilespmem:s26+$0x0] =	vst v0  }
.Ltmp18:
0x35e: {  	[tilespmem:s26+$0xFFFFFFF0] =	vst v0;
	(pc) =	sbr.rel @p0 .LBB2_38-.Ltmp18, $4  }
0x35f: {  	[tilespmem:s26+$0xFFFFFFE0] =	vst v0  }
0x360: {  	[tilespmem:s26+$0xFFFFFFD0] =	vst v0  }
0x361: {  	[tilespmem:s26+$0xFFFFFFC0] =	vst v0  }
0x362: {  	[tilespmem:s26+$0xFFFFFFB0] =	vst v0  }
0x363: {  	[tilespmem:s26+$0xFFFFFFA0] =	vst v0;
	s28 =	simm.s32 $0x107F0  }
0x364: {  	[tilespmem:s28+$0xFFFFFF90] =	vst v0  }
0x365: {  	[tilespmem:s28+$0x0] =	vst v0  }
0x366: {  	[tilespmem:s28+$0xFFFFFFF0] =	vst v0  }
0x367: {  	[tilespmem:s28+$0xFFFFFFE0] =	vst v0  }
0x368: {  	[tilespmem:s28+$0xFFFFFFD0] =	vst v0  }
0x369: {  	[tilespmem:s28+$0xFFFFFFC0] =	vst v0  }
0x36a: {  	s29 =	simm.s32 $0x0;
	[tilespmem:s28+$0xFFFFFFB0] =	vst v0  }
.LBB2_40:
0x36b: {  	s29 =	sadd.s32 $0x80, s29;
	[tilespmem:s28+$0xFFFFFFA0] =	vst v0;
	s28 =	sadd.s32 $0x400, s28  }
0x36c: {  	[tilespmem:s28+$0xFFFFFF90] =	vst v0;
	p0 =	slt.u32 s29, $0x980  }
0x36d: {  	[tilespmem:s28+$0x0] =	vst v0  }
.Ltmp19:
0x36e: {  	[tilespmem:s28+$0xFFFFFFF0] =	vst v0;
	(pc) =	sbr.rel @p0 .LBB2_40-.Ltmp19, $4  }
0x36f: {  	[tilespmem:s28+$0xFFFFFFE0] =	vst v0  }
0x370: {  	[tilespmem:s28+$0xFFFFFFD0] =	vst v0  }
0x371: {  	[tilespmem:s28+$0xFFFFFFC0] =	vst v0  }
0x372: {  	s26 =	simm.s32 $0x15470;
	[tilespmem:s28+$0xFFFFFFB0] =	vst v0  }
0x373: {  	[tilespmem:s28+$0xFFFFFFA0] =	vst v0  }
0x374: {  	[tilespmem:s26+$0xFFFFFF90] =	vst v0  }
0x375: {  	[tilespmem:s26+$0x0] =	vst v0  }
0x376: {  	[tilespmem:s26+$0xFFFFFFF0] =	vst v0  }
0x377: {  	[tilespmem:s26+$0xFFFFFFE0] =	vst v0  }
0x378: {  	[tilespmem:s26+$0xFFFFFFD0] =	vst v0  }
0x379: {  	[tilespmem:s26+$0xFFFFFFC0] =	vst v0  }
0x37a: {  	s28 =	simm.s32 $0x0;
	[tilespmem:s26+$0xFFFFFFB0] =	vst v0  }
.LBB2_42:
0x37b: {  	s28 =	sadd.s32 $0x80, s28;
	[tilespmem:s26+$0xFFFFFFA0] =	vst v0;
	s26 =	sadd.s32 $0x400, s26  }
0x37c: {  	[tilespmem:s26+$0xFFFFFF90] =	vst v0;
	p0 =	slt.u32 s28, $0x980  }
0x37d: {  	[tilespmem:s26+$0x0] =	vst v0  }
.Ltmp20:
0x37e: {  	[tilespmem:s26+$0xFFFFFFF0] =	vst v0;
	(pc) =	sbr.rel @p0 .LBB2_42-.Ltmp20, $4  }
0x37f: {  	[tilespmem:s26+$0xFFFFFFE0] =	vst v0  }
0x380: {  	[tilespmem:s26+$0xFFFFFFD0] =	vst v0  }
0x381: {  	[tilespmem:s26+$0xFFFFFFC0] =	vst v0  }
0x382: {  	[tilespmem:s26+$0xFFFFFFB0] =	vst v0  }
0x383: {  	[tilespmem:s26+$0xFFFFFFA0] =	vst v0;
	s30 =	simm.s32 $0x154F0  }
0x384: {  	[tilespmem:s30+$0xFFFFFF90] =	vst v0  }
0x385: {  	[tilespmem:s30+$0x0] =	vst v0  }
0x386: {  	[tilespmem:s30+$0xFFFFFFF0] =	vst v0  }
0x387: {  	[tilespmem:s30+$0xFFFFFFE0] =	vst v0  }
0x388: {  	[tilespmem:s30+$0xFFFFFFD0] =	vst v0  }
0x389: {  	s31 =	simm.s32 $0x0;
	[tilespmem:s30+$0xFFFFFFC0] =	vst v0  }
0x38a: {  	s29 =	simm.s32 $0xA040;
	s26 =	simm.s32 $0xB440;
	s28 =	simm.s32 $0xF040;
	[tilespmem:s30+$0xFFFFFFB0] =	vst v0  }
.LBB2_44:
0x38b: {  	s31 =	sadd.s32 $0x80, s31;
	[tilespmem:s30+$0xFFFFFFA0] =	vst v0;
	s30 =	sadd.s32 $0x400, s30  }
0x38c: {  	[tilespmem:s30+$0xFFFFFF90] =	vst v0;
	p0 =	slt.u32 s31, $0x980  }
0x38d: {  	[tilespmem:s30+$0x0] =	vst v0  }
.Ltmp21:
0x38e: {  	[tilespmem:s30+$0xFFFFFFF0] =	vst v0;
	(pc) =	sbr.rel @p0 .LBB2_44-.Ltmp21, $4  }
0x38f: {  	[tilespmem:s30+$0xFFFFFFE0] =	vst v0  }
0x390: {  	[tilespmem:s30+$0xFFFFFFD0] =	vst v0  }
0x391: {  	[tilespmem:s30+$0xFFFFFFC0] =	vst v0  }
0x392: {  	[tilespmem:s30+$0xFFFFFFB0] =	vst v0  }
0x393: {  	[tilespmem:s30+$0xFFFFFFA0] =	vst v0  }
0x394: {  	v1 =	vld [tilespmem:s29+$0x30]  }
0x395: {  	v2 =	vld [tilespmem:s26+$0x30]  }
0x396: {  	v3 =	vld [tilespmem:s26+$0xFFFFFFC0]  }
0x397: {  	v4 =	vld [tilespmem:s29+$0xFFFFFFD0]  }
0x398: {  	v6 =	vld [tilespmem:s29+$0xFFFFFFE0]  }
0x399: {  	v9 =	vld [tilespmem:s26+$0xFFFFFFE0]  }
0x39a: {  	v11 =	vld [tilespmem:s29+$0xFFFFFFF0]  }
0x39b: {  	v13 =	vld [tilespmem:s26+$0xFFFFFFF0]  }
0x39c: {  	v14 =	vld [tilespmem:s29+$0x0]  }
0x39d: {  	v15 =	vld [tilespmem:s26+$0x0]  }
0x39e: {  	v17 =	vld [tilespmem:s29+$0x10]  }
0x39f: {  	v19 =	vld [tilespmem:s26+$0x10]  }
0x3a0: {  	v5 =	vld [tilespmem:s26+$0xFFFFFFD0]  }
0x3a1: {  	v7 =	vshra.s32 v1, $0x14;
	v8 =	vshra.s32 v2, $0x14;
	v1 =	vand.u32 $0xFFFFF, v1  }
0x3a2: {  	v2 =	vand.u32 $0xFFFFF, v2;
	v20 =	vand.u32 $0xFFFFF, v6;
	v21 =	vand.u32 $0xFFFFF, v9  }
0x3a3: {  	v22 =	vand.u32 $0xFFFFF, v11;
	v23 =	vand.u32 $0xFFFFF, v13;
	v24 =	vand.u32 $0xFFFFF, v14  }
0x3a4: {  	v25 =	vand.u32 $0xFFFFF, v15;
	v26 =	vand.u32 $0xFFFFF, v17;
	v27 =	vand.u32 $0xFFFFF, v19  }
0x3a5: {  	v32 =	vshra.s32 v3, $0x14;
	v33 =	vshra.s32 v4, $0x14;
	v34 =	vshra.s32 v5, $0x14  }
0x3a6: {  	v35 =	vshra.s32 v6, $0x14;
	v36 =	vshra.s32 v9, $0x14;
	v37 =	vshra.s32 v11, $0x14  }
0x3a7: {  	v38 =	vshra.s32 v13, $0x14;
	v39 =	vshra.s32 v14, $0x14;
	v40 =	vshra.s32 v15, $0x14  }
0x3a8: {  	v41 =	vshra.s32 v17, $0x14;
	v19 =	vshra.s32 v19, $0x14;
	v10 =	vshll.u32 v7, $0x7  }
0x3a9: {  	v1 =	vadd.s32 $0xFFFFF600, v1;
	v7 =	vshrl.u32 v7, $0x3;
	v12 =	vshll.u32 v8, $0x7  }
0x3aa: {  	v2 =	vadd.s32 $0xFFFFF600, v2;
	v8 =	vshrl.u32 v8, $0x3;
	v20 =	vadd.s32 $0xFFFFF600, v20  }
0x3ab: {  	v21 =	vadd.s32 $0xFFFFF600, v21;
	v22 =	vadd.s32 $0xFFFFF600, v22;
	v23 =	vadd.s32 $0xFFFFF600, v23  }
0x3ac: {  	v24 =	vadd.s32 $0xFFFFF600, v24;
	v25 =	vadd.s32 $0xFFFFF600, v25;
	v26 =	vadd.s32 $0xFFFFF600, v26  }
0x3ad: {  	v27 =	vadd.s32 $0xFFFFF600, v27;
	vm1 =	vlt.u32 v1, $0xA00;
	vm0 =	vlt.u32 v2, $0xA00  }
0x3ae: {  	v10 =	vand.u32 $0x380, v10;
	v7 =	vmul.u32 $0x5000, v7;
	v8 =	vmul.u32 $0x5000, v8  }
0x3af: {  	v12 =	vand.u32 $0x380, v12;
	vm14 =	vlt.u32 v20, $0xA00;
	vm13 =	vlt.u32 v21, $0xA00  }
0x3b0: {  	vm15 =	vlt.u32 v22, $0xA00;
	vm5 =	vlt.u32 v23, $0xA00;
	vm3 =	vlt.u32 v24, $0xA00  }
0x3b1: {  	vm11 =	vlt.u32 v25, $0xA00;
	vm2 =	vlt.u32 v26, $0xA00;
	vm9 =	vlt.u32 v27, $0xA00  }
0x3b2: {  	v1 =	vnsel vm1, $0x0, v1;
	v2 =	vnsel vm0, $0x0, v2;
	v14 =	vnsel vm14, $0x0, v20  }
0x3b3: {  	v15 =	vnsel vm13, $0x0, v21;
	v11 =	vnsel vm15, $0x0, v22;
	v13 =	vnsel vm3, $0x0, v24  }
0x3b4: {  	v9 =	vnsel vm2, $0x0, v26;
	v20 =	vshrl.u32 v32, $0x3;
	v21 =	vshrl.u32 v33, $0x3  }
0x3b5: {  	v22 =	vshrl.u32 v34, $0x3;
	v24 =	vshrl.u32 v36, $0x3;
	v26 =	vshrl.u32 v38, $0x3  }
0x3b6: {  	v32 =	vshll.u32 v32, $0x7;
	v33 =	vshll.u32 v33, $0x7;
	v34 =	vshll.u32 v34, $0x7  }
0x3b7: {  	v36 =	vshll.u32 v36, $0x7;
	v38 =	vshll.u32 v38, $0x7;
	v16 =	vshll.u32 v1, $0x3  }
0x3b8: {  	v18 =	vshll.u32 v2, $0x3;
	v1 =	vand.u32 $0x7F, v1;
	v2 =	vand.u32 $0x7F, v2  }
0x3b9: {  	v49 =	vshll.u32 v14, $0x3;
	v50 =	vshll.u32 v15, $0x3;
	v51 =	vshll.u32 v11, $0x3  }
0x3ba: {  	v53 =	vshll.u32 v13, $0x3;
	v55 =	vshll.u32 v9, $0x3;
	v20 =	vmul.u32 $0x5000, v20  }
0x3bb: {  	v21 =	vmul.u32 $0x5000, v21;
	v22 =	vmul.u32 $0x5000, v22;
	v24 =	vmul.u32 $0x5000, v24  }
0x3bc: {  	v26 =	vmul.u32 $0x5000, v26;
	v16 =	vand.u32 $0xFFFFFC00, v16;
	v49 =	vand.u32 $0xFFFFFC00, v49  }
0x3bd: {  	v50 =	vand.u32 $0xFFFFFC00, v50;
	v51 =	vand.u32 $0xFFFFFC00, v51;
	v53 =	vand.u32 $0xFFFFFC00, v53  }
0x3be: {  	v55 =	vand.u32 $0xFFFFFC00, v55;
	v7 =	vadd.s32 v7, v16;
	v16 =	vand.u32 $0xFFFFFC00, v18  }
0x3bf: {  	v24 =	vadd.s32 v24, v50;
	v50 =	vand.u32 $0x380, v36;
	v7 =	vor.u32 v10, v7  }
0x3c0: {  	v8 =	vadd.s32 v8, v16;
	v16 =	vand.u32 $0xFFFFF, v4;
	v1 =	vor.u32 v1, v7  }
0x3c1: {  	v7 =	vor.u32 v12, v8;
	v12 =	vand.u32 $0xFFFFF, v3;
	v31 =	vadd.s32 $0xFFFFF600, v16  }
0x3c2: {  	v18 =	vld [tilespmem:s29+$0x20];
	v3 =	vimm.s32 $0x0;
	v2 =	vor.u32 v2, v7;
	v7 =	vand.u32 $0xFFFFF, v5  }
0x3c3: {  	v12 =	vadd.s32 $0xFFFFF600, v12;
	vm10 =	vlt.u32 v31, $0xA00;
	v3 =	vsel vm5, $0xFFFFFFFF, v3  }
0x3c4: {  	v10 =	vld [tilespmem:s26+$0x20];
	v5 =	vimm.s32 $0x0;
	v7 =	vadd.s32 $0xFFFFF600, v7;
	vm12 =	vlt.u32 v12, $0xA00  }
0x3c5: {  	v8 =	vld [tilespmem:s29+$0xFFFFFFC0];
	v17 =	vnsel vm10, $0x0, v31;
	[tilespmem:$0x1FCE0] =	vst v3;
	v3 =	vnsel vm11, $0x0, v25;
	v5 =	vsel vm2, $0xFFFFFFFF, v5  }
0x3c6: {  	v25 =	vshrl.u32 v37, $0x3;
	v31 =	vshrl.u32 v19, $0x3;
	v37 =	vshll.u32 v37, $0x7  }
0x3c7: {  	v19 =	vshll.u32 v19, $0x7;
	v28 =	vand.u32 $0xFFFFF, v18;
	vm4 =	vlt.u32 v7, $0xA00  }
0x3c8: {  	v18 =	vshra.s32 v18, $0x14;
	v47 =	vshll.u32 v17, $0x3;
	v54 =	vshll.u32 v3, $0x3  }
0x3c9: {  	v25 =	vmul.u32 $0x5000, v25;
	v31 =	vmul.u32 $0x5000, v31;
	v19 =	vand.u32 $0x380, v19  }
0x3ca: {  	v29 =	vand.u32 $0xFFFFF, v10;
	v28 =	vadd.s32 $0xFFFFF600, v28;
	v42 =	vshra.s32 v10, $0x14  }
0x3cb: {  	v4 =	vnsel vm4, $0x0, v7;
	v10 =	vnsel vm9, $0x0, v27;
	v27 =	vshrl.u32 v39, $0x3  }
0x3cc: {  	v43 =	vshrl.u32 v18, $0x3;
	v47 =	vand.u32 $0xFFFFFC00, v47;
	v54 =	vand.u32 $0xFFFFFC00, v54  }
0x3cd: {  	v39 =	vshll.u32 v39, $0x7;
	v18 =	vshll.u32 v18, $0x7;
	v30 =	vand.u32 $0xFFFFF, v8  }
0x3ce: {  	v29 =	vadd.s32 $0xFFFFF600, v29;
	vm8 =	vlt.u32 v28, $0xA00;
	v46 =	vshrl.u32 v42, $0x3  }
0x3cf: {  	v48 =	vshll.u32 v4, $0x3;
	v56 =	vshll.u32 v10, $0x3;
	v27 =	vmul.u32 $0x5000, v27  }
0x3d0: {  	v43 =	vmul.u32 $0x5000, v43;
	v42 =	vshll.u32 v42, $0x7;
	v21 =	vadd.s32 v21, v47  }
0x3d1: {  	v25 =	vadd.s32 v25, v51;
	v51 =	vand.u32 $0x380, v37;
	v18 =	vand.u32 $0x380, v18  }
0x3d2: {  	v16 =	vadd.s32 $0xFFFFF600, v30;
	v30 =	vshra.s32 v8, $0x14;
	vm7 =	vlt.u32 v29, $0xA00  }
0x3d3: {  	[tilespmem:$0x1FCF0] =	vst v5;
	v5 =	vnsel vm8, $0x0, v28;
	v28 =	vshrl.u32 v40, $0x3;
	v46 =	vmul.u32 $0x5000, v46  }
0x3d4: {  	v48 =	vand.u32 $0xFFFFFC00, v48;
	v56 =	vand.u32 $0xFFFFFC00, v56;
	v40 =	vshll.u32 v40, $0x7  }
0x3d5: {  	v59 =	vor.u32 v51, v25;
	vm6 =	vlt.u32 v16, $0xA00;
	v7 =	vshrl.u32 v30, $0x3  }
0x3d6: {  	v8 =	vnsel vm7, $0x0, v29;
	v29 =	vshrl.u32 v41, $0x3;
	v57 =	vshll.u32 v5, $0x3  }
0x3d7: {  	v28 =	vmul.u32 $0x5000, v28;
	v30 =	vshll.u32 v30, $0x7;
	v41 =	vshll.u32 v41, $0x7  }
0x3d8: {  	v22 =	vadd.s32 v22, v48;
	v27 =	vadd.s32 v27, v53;
	v31 =	vadd.s32 v31, v56  }
0x3d9: {  	v48 =	vand.u32 $0x380, v34;
	v53 =	vand.u32 $0x380, v39;
	v6 =	vnsel vm6, $0x0, v16  }
0x3da: {  	v16 =	vnsel vm12, $0x0, v12;
	v12 =	vnsel vm5, $0x0, v23;
	vm2 =	vmmov vm6  }
0x3db: {  	v23 =	vshrl.u32 v35, $0x3;
	v58 =	vshll.u32 v8, $0x3;
	v7 =	vmul.u32 $0x5000, v7  }
0x3dc: {  	v60 =	vld [tilespmem:s28+$0x30];
	v29 =	vmul.u32 $0x5000, v29;
	v57 =	vand.u32 $0xFFFFFC00, v57;
	v35 =	vshll.u32 v35, $0x7  }
0x3dd: {  	v22 =	vor.u32 v48, v22;
	v25 =	vor.u32 v19, v31;
	v31 =	vand.u32 $0x7F, v17  }
0x3de: {  	v17 =	vand.u32 $0x7F, v9;
	v44 =	vshll.u32 v6, $0x3;
	v45 =	vshll.u32 v16, $0x3  }
0x3df: {  	v52 =	vshll.u32 v12, $0x3;
	v23 =	vmul.u32 $0x5000, v23;
	v58 =	vand.u32 $0xFFFFFC00, v58  }
0x3e0: {  	v61 =	vadd.s32 v28, v54;
	v28 =	vand.u32 $0x380, v30;
	v30 =	vadd.s32 v43, v57  }
0x3e1: {  	v54 =	vand.u32 $0x380, v40;
	[tilespmem:v1+s22+$0x0] =	vst.idx.add.f32.msk vm1, v60;
	vm1 =	vmmov vm3;
	vm3 =	vmmov vm10  }
0x3e2: {  	v1 =	vand.u32 $0x380, v41;
	v19 =	vand.u32 $0x7F, v16;
	v16 =	vand.u32 $0x7F, v3  }
0x3e3: {  	v44 =	vand.u32 $0xFFFFFC00, v44;
	v45 =	vand.u32 $0xFFFFFC00, v45;
	v52 =	vand.u32 $0xFFFFFC00, v52  }
0x3e4: {  	v62 =	vadd.s32 v29, v55;
	v63 =	vadd.s32 v46, v58;
	v29 =	vand.u32 $0x380, v32  }
0x3e5: {  	v46 =	vand.u32 $0x380, v33;
	[tilespmem:v2+s22+$0x0] =	vst.idx.add.f32.msk vm0, v60;
	v2 =	vand.u32 $0x380, v42;
	v58 =	vor.u32 v50, v24  }
0x3e6: {  	v24 =	vor.u32 v18, v30;
	v18 =	vand.u32 $0x7F, v6;
	v60 =	vand.u32 $0x7F, v4  }
0x3e7: {  	v30 =	vand.u32 $0x7F, v12;
	v12 =	vand.u32 $0x7F, v5;
	v7 =	vadd.s32 v7, v44  }
0x3e8: {  	v20 =	vadd.s32 v20, v45;
	v23 =	vadd.s32 v23, v49;
	v26 =	vadd.s32 v26, v52  }
0x3e9: {  	v49 =	vand.u32 $0x380, v35;
	v52 =	vand.u32 $0x380, v38;
	v32 =	vor.u32 v46, v21  }
0x3ea: {  	v3 =	vld [tilespmem:s28+$0x0];
	v55 =	vor.u32 v28, v7;
	v56 =	vor.u32 v29, v20;
	v57 =	vor.u32 v49, v23  }
0x3eb: {  	v6 =	vld [tilespmem:s28+$0xFFFFFFD0];
	v29 =	vor.u32 v52, v26;
	v28 =	vor.u32 v53, v27;
	v27 =	vor.u32 v54, v61  }
0x3ec: {  	v4 =	vld [tilespmem:s28+$0xFFFFFFE0];
	v26 =	vor.u32 v1, v62;
	v23 =	vor.u32 v2, v63;
	v61 =	vand.u32 $0x7F, v14  }
0x3ed: {  	v5 =	vld [tilespmem:s28+$0x10];
	v62 =	vand.u32 $0x7F, v15;
	v63 =	vand.u32 $0x7F, v11;
	v1 =	vand.u32 $0x7F, v13  }
0x3ee: {  	v7 =	vld [tilespmem:s28+$0xFFFFFFC0];
	v14 =	vand.u32 $0x7F, v10;
	v11 =	vand.u32 $0x7F, v8;
	v15 =	vor.u32 v60, v22  }
0x3ef: {  	v2 =	vld [tilespmem:s28+$0xFFFFFFF0];
	v20 =	vor.u32 v18, v55;
	v21 =	vor.u32 v19, v56;
	v18 =	vor.u32 v31, v32  }
0x3f0: {  	s30 =	simm.s32 $0xA0C0;
	s29 =	simm.s32 $0x0;
	v8 =	vld [tilespmem:s28+$0x20];
	v13 =	vor.u32 v61, v57;
	v10 =	vor.u32 v62, v58;
	v9 =	vor.u32 v63, v59  }
.LBB2_46:
0x3f1: {  	v31 =	vld [tilespmem:s30+$0x30];
	vm0 =	vmmov vm2;
	v12 =	vor.u32 v12, v24  }
0x3f2: {  	v11 =	vor.u32 v11, v23;
	v23 =	vld [tilespmem:s30+$0xFFFFFFD0];
	vm2 =	vmmov vm15;
	v24 =	vimm.s32 $0x0  }
0x3f3: {  	v16 =	vor.u32 v16, v27;
	v27 =	vld [tilespmem:s30+$0xFFFFFFF0];
	v24 =	vsel vm2, $0xFFFFFFFF, v24  }
0x3f4: {  	v19 =	vor.u32 v30, v29;
	v1 =	vor.u32 v1, v28;
	[tilespmem:$0x1FC60] =	vst v24;
	v24 =	vld [tilespmem:$0x1FCE0]  }
0x3f5: {  	vm10 =	vmmov vm8;
	vm8 =	vmmov vm12;
	vm6 =	vmmov vm3;
	v35 =	vld [tilespmem:s30+$0x0]  }
0x3f6: {  	v17 =	vor.u32 v17, v26;
	v14 =	vor.u32 v14, v25;
	vm12 =	vmmov vm7;
	v37 =	vld [tilespmem:s30+$0x10]  }
0x3f7: {  	vm7 =	vmmov vm4;
	vm5 =	vmmov vm14;
	vm14 =	vmmov vm13;
	v41 =	vld [tilespmem:s30+$0x20]  }
0x3f8: {  	s26 =	sadd.s32 $0x80, s26;
	v25 =	vimm.s32 $0x0;
	v26 =	vimm.s32 $0x0;
	v29 =	vshra.s32 v31, $0x14  }
0x3f9: {  	v28 =	vld [tilespmem:s26+$0x30];
	v31 =	vand.u32 $0xFFFFF, v31;
	v59 =	vand.u32 $0xFFFFF, v23;
	vm4 =	vnez.u8 v24  }
0x3fa: {  	v22 =	vld [tilespmem:s26+$0xFFFFFFC0];
	v46 =	vand.u32 $0xFFFFF, v27;
	v24 =	vimm.s32 $0x0;
	vm2 =	vmmov vm4  }
0x3fb: {  	v33 =	vld [tilespmem:s26+$0xFFFFFFF0];
	v48 =	vand.u32 $0xFFFFF, v35;
	v24 =	vsel vm2, $0xFFFFFFFF, v24;
	vm2 =	vmmov vm1  }
0x3fc: {  	v36 =	vld [tilespmem:s26+$0x0];
	v51 =	vand.u32 $0xFFFFF, v37;
	v53 =	vand.u32 $0xFFFFF, v41;
	v25 =	vsel vm2, $0xFFFFFFFF, v25  }
0x3fd: {  	v39 =	vld [tilespmem:s26+$0x10];
	v23 =	vshra.s32 v23, $0x14;
	vm1 =	vmmov vm11;
	[tilespmem:$0x1FC80] =	vst v25;
	v25 =	vimm.s32 $0x0  }
0x3fe: {  	v27 =	vshra.s32 v27, $0x14;
	v35 =	vshra.s32 v35, $0x14;
	v25 =	vsel vm1, $0xFFFFFFFF, v25  }
0x3ff: {  	v37 =	vshra.s32 v37, $0x14;
	v41 =	vshra.s32 v41, $0x14;
	v30 =	vshra.s32 v28, $0x14;
	[tilespmem:$0x1FC90] =	vst v25;
	v25 =	vld [tilespmem:$0x1FCF0]  }
0x400: {  	v28 =	vand.u32 $0xFFFFF, v28;
	v32 =	vshll.u32 v29, $0x7;
	v31 =	vadd.s32 $0xFFFFF600, v31  }
0x401: {  	v29 =	vshrl.u32 v29, $0x3;
	v58 =	vand.u32 $0xFFFFF, v22;
	v47 =	vand.u32 $0xFFFFF, v33  }
0x402: {  	v50 =	vand.u32 $0xFFFFF, v36;
	v52 =	vand.u32 $0xFFFFF, v39;
	v61 =	vadd.s32 $0xFFFFF600, v46  }
0x403: {  	v48 =	vadd.s32 $0xFFFFF600, v48;
	v51 =	vadd.s32 $0xFFFFF600, v51;
	v53 =	vadd.s32 $0xFFFFF600, v53  }
0x404: {  	s28 =	sadd.s32 $0x80, s28;
	v33 =	vshra.s32 v33, $0x14;
	v36 =	vshra.s32 v36, $0x14;
	vm11 =	vnez.u8 v25  }
0x405: {  	v45 =	vld [tilespmem:s28+$0xFFFFFFD0];
	v39 =	vshra.s32 v39, $0x14;
	v25 =	vimm.s32 $0x0;
	vm1 =	vmmov vm11  }
0x406: {  	v46 =	vshrl.u32 v37, $0x3;
	[tilespmem:$0x1FC70] =	vst v24;
	v24 =	vld [tilespmem:s26+$0xFFFFFFD0];
	v25 =	vsel vm1, $0xFFFFFFFF, v25;
	vm1 =	vmmov vm9  }
0x407: {  	v37 =	vshll.u32 v37, $0x7;
	v34 =	vshll.u32 v30, $0x7;
	[tilespmem:v18+s22+$0x0] =	vst.idx.add.f32.msk vm6, v6;
	v26 =	vsel vm1, $0xFFFFFFFF, v26  }
0x408: {  	v28 =	vadd.s32 $0xFFFFF600, v28;
	vm1 =	vmmov vm10;
	[tilespmem:$0x1FCB0] =	vst v26;
	v26 =	vimm.s32 $0x0  }
0x409: {  	v30 =	vshrl.u32 v30, $0x3;
	v32 =	vand.u32 $0x380, v32;
	[tilespmem:v15+s22+$0x0] =	vst.idx.add.f32.msk vm7, v6;
	v26 =	vsel vm1, $0xFFFFFFFF, v26  }
0x40a: {  	v49 =	vld [tilespmem:s28+$0xFFFFFFE0];
	v29 =	vmul.u32 $0x5000, v29;
	vm1 =	vmmov vm12;
	[tilespmem:$0x1FCC0] =	vst v26;
	v26 =	vimm.s32 $0x0  }
0x40b: {  	v62 =	vadd.s32 $0xFFFFF600, v47;
	v50 =	vadd.s32 $0xFFFFF600, v50;
	[tilespmem:$0x1FCA0] =	vst v25;
	v25 =	vld [tilespmem:s30+$0xFFFFFFE0];
	v26 =	vsel vm1, $0xFFFFFFFF, v26  }
0x40c: {  	v52 =	vadd.s32 $0xFFFFF600, v52;
	vm15 =	vlt.u32 v61, $0xA00;
	v47 =	vshrl.u32 v39, $0x3;
	[tilespmem:$0x1FCD0] =	vst v26;
	v26 =	vld [tilespmem:s26+$0xFFFFFFE0]  }
0x40d: {  	v46 =	vmul.u32 $0x5000, v46;
	v39 =	vshll.u32 v39, $0x7;
	v37 =	vand.u32 $0x380, v37;
	[tilespmem:v13+s22+$0x0] =	vst.idx.add.f32.msk vm5, v4  }
0x40e: {  	v30 =	vmul.u32 $0x5000, v30;
	v34 =	vand.u32 $0x380, v34;
	v47 =	vmul.u32 $0x5000, v47;
	[tilespmem:v10+s22+$0x0] =	vst.idx.add.f32.msk vm14, v4  }
0x40f: {  	v39 =	vand.u32 $0x380, v39;
	vm6 =	vlt.u32 v51, $0xA00;
	v6 =	vmovc v45;
	v45 =	vshrl.u32 v36, $0x3;
	v10 =	vld [tilespmem:$0x1FC60]  }
0x410: {  	v36 =	vshll.u32 v36, $0x7;
	v45 =	vmul.u32 $0x5000, v45;
	vm11 =	vlt.u32 v31, $0xA00  }
0x411: {  	v36 =	vand.u32 $0x380, v36;
	v31 =	vnsel vm11, $0x0, v31;
	vm10 =	vlt.u32 v28, $0xA00  }
0x412: {  	v42 =	vand.u32 $0xFFFFF, v24;
	v38 =	vshll.u32 v31, $0x3;
	v28 =	vnsel vm10, $0x0, v28  }
0x413: {  	v57 =	vld [tilespmem:s28+$0x30];
	v24 =	vshra.s32 v24, $0x14;
	v38 =	vand.u32 $0xFFFFFC00, v38;
	v40 =	vshll.u32 v28, $0x3  }
0x414: {  	v60 =	vld [tilespmem:s28+$0xFFFFFFF0];
	v29 =	vadd.s32 v29, v38;
	v56 =	vand.u32 $0xFFFFFC00, v40;
	vm5 =	vnez.u8 v10  }
0x415: {  	v31 =	vand.u32 $0x7F, v31;
	v40 =	vld [tilespmem:s26+$0x20];
	v29 =	vor.u32 v32, v29;
	v30 =	vadd.s32 v30, v56  }
0x416: {  	v28 =	vand.u32 $0x7F, v28;
	v29 =	vor.u32 v31, v29;
	v31 =	vld [tilespmem:s30+$0xFFFFFFC0];
	v30 =	vor.u32 v34, v30  }
0x417: {  	v42 =	vadd.s32 $0xFFFFF600, v42;
	v38 =	vadd.s32 $0xFFFFF600, v59;
	v28 =	vor.u32 v28, v30;
	v30 =	vld [tilespmem:s28+$0xFFFFFFC0]  }
0x418: {  	vm4 =	vlt.u32 v42, $0xA00;
	vm9 =	vlt.u32 v52, $0xA00;
	vm3 =	vlt.u32 v38, $0xA00;
	[tilespmem:v20+s22+$0x0] =	vst.idx.add.f32.msk vm0, v7  }
0x419: {  	vm1 =	vlt.u32 v48, $0xA00;
	v43 =	vand.u32 $0xFFFFF, v25;
	v34 =	vadd.s32 $0xFFFFF600, v58;
	[tilespmem:v21+s22+$0x0] =	vst.idx.add.f32.msk vm8, v7  }
0x41a: {  	v25 =	vshra.s32 v25, $0x14;
	vm12 =	vlt.u32 v34, $0xA00;
	vm0 =	vlt.u32 v50, $0xA00;
	[tilespmem:v9+s22+$0x0] =	vst.idx.add.f32.msk vm5, v2  }
0x41b: {  	vm8 =	vlt.u32 v53, $0xA00;
	v21 =	vnsel vm9, $0x0, v52;
	v54 =	vand.u32 $0xFFFFF, v40;
	v9 =	vld [tilespmem:$0x1FC70]  }
0x41c: {  	v40 =	vshra.s32 v40, $0x14;
	[tilespmem:v29+s22+$0x0] =	vst.idx.add.f32.msk vm11, v57;
	v29 =	vand.u32 $0xFFFFF, v31;
	v54 =	vadd.s32 $0xFFFFF600, v54  }
0x41d: {  	v44 =	vand.u32 $0xFFFFF, v26;
	vm7 =	vlt.u32 v54, $0xA00;
	v26 =	vshra.s32 v26, $0x14  }
0x41e: {  	[tilespmem:v28+s22+$0x0] =	vst.idx.add.f32.msk vm10, v57;
	v28 =	vadd.s32 $0xFFFFF600, v29;
	v29 =	vadd.s32 $0xFFFFF600, v43;
	v32 =	vadd.s32 $0xFFFFF600, v44  }
0x41f: {  	v7 =	vmovc v30;
	vm10 =	vlt.u32 v62, $0xA00;
	v30 =	vshra.s32 v31, $0x14;
	v31 =	vshra.s32 v22, $0x14  }
0x420: {  	v10 =	vnsel vm3, $0x0, v38;
	v38 =	vshrl.u32 v26, $0x3;
	vm5 =	vnez.u8 v9  }
0x421: {  	v43 =	vshrl.u32 v33, $0x3;
	v44 =	vshrl.u32 v35, $0x3;
	v26 =	vshll.u32 v26, $0x7;
	v9 =	vld [tilespmem:$0x1FC80]  }
0x422: {  	v20 =	vld [tilespmem:$0x1FCB0];
	v33 =	vshll.u32 v33, $0x7;
	v35 =	vshll.u32 v35, $0x7;
	vm2 =	vlt.u32 v28, $0xA00  }
0x423: {  	vm11 =	vlt.u32 v29, $0xA00;
	vm13 =	vlt.u32 v32, $0xA00;
	v52 =	vshll.u32 v10, $0x3  }
0x424: {  	v38 =	vmul.u32 $0x5000, v38;
	v43 =	vmul.u32 $0x5000, v43;
	v44 =	vmul.u32 $0x5000, v44  }
0x425: {  	v26 =	vand.u32 $0x380, v26;
	v33 =	vand.u32 $0x380, v33;
	v35 =	vand.u32 $0x380, v35  }
0x426: {  	vm14 =	vmmov vm11;
	v15 =	vnsel vm11, $0x0, v29;
	[tilespmem:v19+s22+$0x0] =	vst.idx.add.f32.msk vm5, v2;
	vm5 =	vnez.u8 v9  }
0x427: {  	v13 =	vld [tilespmem:$0x1FC90];
	vm11 =	vmmov vm0;
	vm0 =	vnez.u8 v20;
	v20 =	vimm.s32 $0x0  }
0x428: {  	v10 =	vand.u32 $0x7F, v10;
	v52 =	vand.u32 $0xFFFFFC00, v52;
	v20 =	vsel vm6, $0xFFFFFFFF, v20  }
0x429: {  	[tilespmem:$0x1FCF0] =	vst v20;
	v20 =	vnsel vm6, $0x0, v51;
	v51 =	vshrl.u32 v40, $0x3;
	v40 =	vshll.u32 v40, $0x7  }
0x42a: {  	v51 =	vmul.u32 $0x5000, v51;
	v9 =	vnsel vm12, $0x0, v34;
	v19 =	vnsel vm1, $0x0, v48  }
0x42b: {  	v63 =	vld [tilespmem:s28+$0x0];
	v2 =	vmovc v60;
	v34 =	vshrl.u32 v25, $0x3;
	v48 =	vshrl.u32 v41, $0x3;
	v60 =	vshll.u32 v20, $0x3  }
0x42c: {  	v25 =	vshll.u32 v25, $0x7;
	v41 =	vshll.u32 v41, $0x7;
	[tilespmem:v1+s22+$0x0] =	vst.idx.add.f32.msk vm5, v3;
	vm5 =	vnez.u8 v13  }
0x42d: {  	v18 =	vld [tilespmem:$0x1FCA0];
	v58 =	vshll.u32 v19, $0x3;
	v34 =	vmul.u32 $0x5000, v34;
	v48 =	vmul.u32 $0x5000, v48  }
0x42e: {  	v60 =	vand.u32 $0xFFFFFC00, v60;
	v25 =	vand.u32 $0x380, v25;
	v58 =	vand.u32 $0xFFFFFC00, v58  }
0x42f: {  	v41 =	vand.u32 $0x380, v41;
	v46 =	vadd.s32 v46, v60;
	v44 =	vadd.s32 v44, v58  }
0x430: {  	v1 =	vnsel vm2, $0x0, v28;
	v13 =	vnsel vm4, $0x0, v42;
	v28 =	vshrl.u32 v30, $0x3  }
0x431: {  	v42 =	vshrl.u32 v27, $0x3;
	v30 =	vshll.u32 v30, $0x7;
	v27 =	vshll.u32 v27, $0x7  }
0x432: {  	v4 =	vmovc v49;
	v49 =	vshll.u32 v1, $0x3;
	v28 =	vmul.u32 $0x5000, v28;
	[tilespmem:v16+s22+$0x0] =	vst.idx.add.f32.msk vm5, v3;
	vm5 =	vnez.u8 v18  }
0x433: {  	v42 =	vmul.u32 $0x5000, v42;
	v30 =	vand.u32 $0x380, v30;
	v18 =	vimm.s32 $0x0  }
0x434: {  	v22 =	vld [tilespmem:$0x1FCC0];
	v27 =	vand.u32 $0x380, v27;
	v49 =	vand.u32 $0xFFFFFC00, v49;
	v18 =	vsel vm10, $0xFFFFFFFF, v18  }
0x435: {  	v55 =	vld [tilespmem:s28+$0x10];
	v28 =	vadd.s32 v28, v49;
	v16 =	vnsel vm13, $0x0, v32;
	[tilespmem:$0x1FCE0] =	vst v18;
	v18 =	vnsel vm10, $0x0, v62  }
0x436: {  	v32 =	vshrl.u32 v24, $0x3;
	v24 =	vshll.u32 v24, $0x7;
	v57 =	vshll.u32 v18, $0x3  }
0x437: {  	v32 =	vmul.u32 $0x5000, v32;
	v24 =	vand.u32 $0x380, v24;
	v57 =	vand.u32 $0xFFFFFC00, v57  }
0x438: {  	v43 =	vadd.s32 v43, v57;
	[tilespmem:v17+s22+$0x0] =	vst.idx.add.f32.msk vm5, v5;
	v17 =	vnsel vm15, $0x0, v61;
	v61 =	vshll.u32 v21, $0x3  }
0x439: {  	[tilespmem:v14+s22+$0x0] =	vst.idx.add.f32.msk vm0, v5;
	v14 =	vnsel vm11, $0x0, v50;
	vm0 =	vnez.u8 v22;
	v22 =	vnsel vm7, $0x0, v54  }
0x43a: {  	v5 =	vmovc v55;
	v50 =	vshll.u32 v9, $0x3;
	v54 =	vshll.u32 v15, $0x3;
	v55 =	vshll.u32 v16, $0x3  }
0x43b: {  	v61 =	vand.u32 $0xFFFFFC00, v61;
	v9 =	vand.u32 $0x7F, v9;
	v59 =	vshll.u32 v14, $0x3  }
0x43c: {  	v3 =	vmovc v63;
	v63 =	vshll.u32 v22, $0x3;
	v50 =	vand.u32 $0xFFFFFC00, v50;
	v54 =	vand.u32 $0xFFFFFC00, v54  }
0x43d: {  	v55 =	vand.u32 $0xFFFFFC00, v55;
	v47 =	vadd.s32 v47, v61;
	v61 =	vand.u32 $0x7F, v15  }
0x43e: {  	v29 =	vld [tilespmem:$0x1FCD0];
	v59 =	vand.u32 $0xFFFFFC00, v59;
	v63 =	vand.u32 $0xFFFFFC00, v63;
	v34 =	vadd.s32 v34, v54  }
0x43f: {  	v38 =	vadd.s32 v38, v55;
	v45 =	vadd.s32 v45, v59;
	v58 =	vadd.s32 v51, v63  }
0x440: {  	v59 =	vor.u32 v30, v28;
	v34 =	vor.u32 v25, v34;
	v38 =	vor.u32 v26, v38  }
0x441: {  	v56 =	vld [tilespmem:s28+$0x20];
	v28 =	vor.u32 v35, v44;
	v26 =	vor.u32 v37, v46;
	v25 =	vor.u32 v39, v47  }
0x442: {  	v63 =	vand.u32 $0x7F, v17;
	v30 =	vand.u32 $0x7F, v18;
	[tilespmem:v12+s22+$0x0] =	vst.idx.add.f32.msk vm0, v8;
	v12 =	vnsel vm8, $0x0, v53  }
0x443: {  	vm0 =	vnez.u8 v29;
	v29 =	vshrl.u32 v23, $0x3;
	v53 =	vshll.u32 v13, $0x3  }
0x444: {  	v23 =	vshll.u32 v23, $0x7;
	v13 =	vand.u32 $0x7F, v13;
	v62 =	vshll.u32 v12, $0x3  }
0x445: {  	v29 =	vmul.u32 $0x5000, v29;
	v53 =	vand.u32 $0xFFFFFC00, v53;
	v23 =	vand.u32 $0x380, v23  }
0x446: {  	v12 =	vand.u32 $0x7F, v12;
	v62 =	vand.u32 $0xFFFFFC00, v62;
	v32 =	vadd.s32 v32, v53  }
0x447: {  	v29 =	vadd.s32 v29, v52;
	v48 =	vadd.s32 v48, v62;
	v32 =	vor.u32 v24, v32  }
0x448: {  	v62 =	vand.u32 $0x7F, v16;
	v16 =	vand.u32 $0x7F, v14;
	v14 =	vand.u32 $0x7F, v21  }
0x449: {  	v60 =	vor.u32 v23, v29;
	v29 =	vor.u32 v33, v43;
	v24 =	vor.u32 v41, v48  }
0x44a: {  	v15 =	vor.u32 v13, v32;
	v13 =	vor.u32 v61, v34;
	[tilespmem:v11+s22+$0x0] =	vst.idx.add.f32.msk vm0, v8;
	v11 =	vshrl.u32 v31, $0x3  }
0x44b: {  	s29 =	sadd.s32 $0x80, s29;
	v18 =	vor.u32 v10, v60;
	v10 =	vor.u32 v62, v38;
	v11 =	vmul.u32 $0x5000, v11  }
0x44c: {  	p0 =	slt.u32 s29, $0x1300;
	v8 =	vmovc v56;
	v56 =	vshll.u32 v17, $0x3;
	v31 =	vshll.u32 v31, $0x7;
	v17 =	vand.u32 $0x7F, v20  }
.Ltmp22:
0x44d: {  	v56 =	vand.u32 $0xFFFFFC00, v56;
	v31 =	vand.u32 $0x380, v31;
	v11 =	vadd.s32 v11, v50;
	(pc) =	sbr.rel @p0 .LBB2_46-.Ltmp22, $4  }
0x44e: {  	v42 =	vadd.s32 v42, v56;
	v31 =	vor.u32 v31, v11;
	v11 =	vand.u32 $0x380, v40  }
0x44f: {  	v42 =	vor.u32 v27, v42;
	v27 =	vor.u32 v36, v45;
	v23 =	vor.u32 v11, v58  }
0x450: {  	v11 =	vand.u32 $0x7F, v1;
	v1 =	vand.u32 $0x7F, v19;
	v21 =	vor.u32 v9, v31  }
0x451: {  	s30 =	sadd.s32 $0x80, s30;
	v9 =	vor.u32 v63, v42;
	v20 =	vor.u32 v11, v59;
	v11 =	vand.u32 $0x7F, v22  }
0x452: {  	vm0 =	vmmov vm2;
	_ =	sdelay $0x2  }
0x453: {  	vm2 =	vmmov vm3  }
0x454: {  	vm3 =	vmmov vm4;
	_ =	sdelay $0x1  }
0x455: {  	[tilespmem:v20+s22+$0x0] =	vst.idx.add.f32.msk vm0, v7  }
0x456: {  	v19 =	vld [tilespmem:$0x1FCE0]  }
0x457: {  	[tilespmem:v21+s22+$0x0] =	vst.idx.add.f32.msk vm12, v7  }
0x458: {  	[tilespmem:v18+s22+$0x0] =	vst.idx.add.f32.msk vm2, v6  }
0x459: {  	[tilespmem:v15+s22+$0x0] =	vst.idx.add.f32.msk vm3, v6  }
0x45a: {  	v15 =	vld [tilespmem:$0x1FCF0]  }
0x45b: {  	vm10 =	vmmov vm1;
	vm5 =	vmmov vm13  }
0x45c: {  	v1 =	vor.u32 v1, v28;
	vm5 =	vnez.u8 v19  }
0x45d: {  	v56 =	vor.u32 v12, v24;
	vm0 =	vmmov vm5  }
0x45e: {  	v52 =	vor.u32 v30, v29  }
0x45f: {  	vm6 =	vmmov vm12;
	[tilespmem:v13+s22+$0x0] =	vst.idx.add.f32.msk vm14, v4;
	vm12 =	vnez.u8 v15  }
0x460: {  	v53 =	vor.u32 v16, v27;
	[tilespmem:v9+s22+$0x0] =	vst.idx.add.f32.msk vm15, v2;
	vm3 =	vmmov vm12  }
0x461: {  	v54 =	vor.u32 v17, v26;
	[tilespmem:v1+s22+$0x0] =	vst.idx.add.f32.msk vm10, v3  }
0x462: {  	v55 =	vor.u32 v14, v25;
	[tilespmem:v56+s22+$0x0] =	vst.idx.add.f32.msk vm8, v8  }
0x463: {  	[tilespmem:v52+s22+$0x0] =	vst.idx.add.f32.msk vm0, v2;
	v2 =	vor.u32 v11, v23  }
0x464: {  	[tilespmem:v10+s22+$0x0] =	vst.idx.add.f32.msk vm13, v4  }
0x465: {  	[tilespmem:v53+s22+$0x0] =	vst.idx.add.f32.msk vm11, v3  }
0x466: {  	[tilespmem:v54+s22+$0x0] =	vst.idx.add.f32.msk vm3, v5  }
0x467: {  	[tilespmem:v55+s22+$0x0] =	vst.idx.add.f32.msk vm9, v5  }
0x468: {  	[tilespmem:v2+s22+$0x0] =	vst.idx.add.f32.msk vm7, v8  }
0x469: {  	v1 =	vld [tilespmem:$0xB380]  }
0x46a: {  	v2 =	vld [tilespmem:$0xC780];
	_ =	sdelay $0x3  }
0x46b: {  	vm1 =	vmmov vm14;
	vm6 =	vmmov vm15  }
0x46c: {  	vm1 =	vmmov vm10;
	v3 =	vand.u32 $0xFFFFF, v1;
	v57 =	vand.u32 $0xFFFFF, v2  }
0x46d: {  	v1 =	vshra.s32 v1, $0x14;
	v2 =	vshra.s32 v2, $0x14;
	v3 =	vadd.s32 $0xFFFFF600, v3  }
0x46e: {  	v4 =	vadd.s32 $0xFFFFF600, v57;
	v58 =	vshrl.u32 v1, $0x3;
	vm15 =	vlt.u32 v3, $0xA00  }
0x46f: {  	v60 =	vshrl.u32 v2, $0x3;
	v1 =	vshll.u32 v1, $0x7;
	v3 =	vnsel vm15, $0x0, v3  }
0x470: {  	v5 =	vmul.u32 $0x5000, v58;
	vm1 =	vlt.u32 v4, $0xA00;
	v59 =	vshll.u32 v3, $0x3  }
0x471: {  	v2 =	vshll.u32 v2, $0x7;
	v4 =	vnsel vm1, $0x0, v4;
	v6 =	vand.u32 $0xFFFFFC00, v59  }
0x472: {  	v61 =	vshll.u32 v4, $0x3;
	v5 =	vadd.s32 v5, v6;
	v6 =	vmul.u32 $0x5000, v60  }
0x473: {  	v1 =	vand.u32 $0x380, v1;
	v2 =	vand.u32 $0x380, v2;
	v7 =	vand.u32 $0xFFFFFC00, v61  }
0x474: {  	v3 =	vand.u32 $0x7F, v3;
	v1 =	vor.u32 v1, v5;
	v62 =	vadd.s32 v6, v7  }
0x475: {  	v63 =	vld [tilespmem:$0x10380];
	v1 =	vor.u32 v3, v1;
	v3 =	vand.u32 $0x7F, v4;
	v2 =	vor.u32 v2, v62  }
0x476: {  	v2 =	vor.u32 v3, v2;
	_ =	sdelay $0x3  }
0x477: {  	[tilespmem:v1+s22+$0x0] =	vst.idx.add.f32.msk vm15, v63  }
0x478: {  	[tilespmem:v2+s22+$0x0] =	vst.idx.add.f32.msk vm1, v63  }
0x479: {  	[hbm4b:s11+s4] =	stream.linear.scatter [tilespmem:s22], [sflag:$0x1], $0xA000, $0x38;
	[tilespmem:$0x1A400] =	vst v63  }
0x47a: {  	_ =	swait.ge [sflag:s15], $0xA000  }
0x47b: {  	[sflag:s15] =	ssyncset.done $0x0  }
0x47c: {  	s26 =	simm.s32 $0x10440;
	[sflag:s15] =	ssyncadd.s32 $0xFFFF6000  }
0x47d: {  	[tilespmem:s26+$0xFFFFFFC0] =	vst v0  }
0x47e: {  	[tilespmem:s26+$0x30] =	vst v0  }
0x47f: {  	[tilespmem:s26+$0x20] =	vst v0  }
0x480: {  	[tilespmem:s26+$0x10] =	vst v0  }
0x481: {  	[tilespmem:s26+$0x0] =	vst v0  }
0x482: {  	vm6 =	vmmov vm11;
	[tilespmem:s26+$0xFFFFFFF0] =	vst v0  }
0x483: {  	vm4 =	vmmov vm9;
	s28 =	simm.s32 $0x0;
	vm6 =	vmmov vm7;
	vm5 =	vmmov vm8;
	[tilespmem:s26+$0xFFFFFFE0] =	vst v0  }
.LBB2_48:
0x484: {  	s28 =	sadd.s32 $0x80, s28;
	[tilespmem:s26+$0xFFFFFFD0] =	vst v0;
	s26 =	sadd.s32 $0x400, s26  }
0x485: {  	[tilespmem:s26+$0xFFFFFFC0] =	vst v0;
	p0 =	slt.u32 s28, $0x980  }
0x486: {  	[tilespmem:s26+$0x30] =	vst v0  }
.Ltmp23:
0x487: {  	[tilespmem:s26+$0x20] =	vst v0;
	(pc) =	sbr.rel @p0 .LBB2_48-.Ltmp23, $4  }
0x488: {  	[tilespmem:s26+$0x10] =	vst v0  }
0x489: {  	[tilespmem:s26+$0x0] =	vst v0  }
0x48a: {  	[tilespmem:s26+$0xFFFFFFF0] =	vst v0  }
0x48b: {  	[tilespmem:s26+$0xFFFFFFE0] =	vst v0  }
0x48c: {  	[tilespmem:s26+$0xFFFFFFD0] =	vst v0;
	s28 =	simm.s32 $0x104F0  }
0x48d: {  	[tilespmem:s28+$0xFFFFFF90] =	vst v0  }
0x48e: {  	[tilespmem:s28+$0x0] =	vst v0  }
0x48f: {  	[tilespmem:s28+$0xFFFFFFF0] =	vst v0  }
0x490: {  	[tilespmem:s28+$0xFFFFFFE0] =	vst v0  }
0x491: {  	[tilespmem:s28+$0xFFFFFFD0] =	vst v0  }
0x492: {  	[tilespmem:s28+$0xFFFFFFC0] =	vst v0  }
0x493: {  	s29 =	simm.s32 $0x0;
	[tilespmem:s28+$0xFFFFFFB0] =	vst v0  }
.LBB2_50:
0x494: {  	s29 =	sadd.s32 $0x80, s29;
	[tilespmem:s28+$0xFFFFFFA0] =	vst v0;
	s28 =	sadd.s32 $0x400, s28  }
0x495: {  	[tilespmem:s28+$0xFFFFFF90] =	vst v0;
	p0 =	slt.u32 s29, $0x980  }
0x496: {  	[tilespmem:s28+$0x0] =	vst v0  }
.Ltmp24:
0x497: {  	[tilespmem:s28+$0xFFFFFFF0] =	vst v0;
	(pc) =	sbr.rel @p0 .LBB2_50-.Ltmp24, $4  }
0x498: {  	[tilespmem:s28+$0xFFFFFFE0] =	vst v0  }
0x499: {  	[tilespmem:s28+$0xFFFFFFD0] =	vst v0  }
0x49a: {  	[tilespmem:s28+$0xFFFFFFC0] =	vst v0  }
0x49b: {  	s26 =	simm.s32 $0x10570;
	[tilespmem:s28+$0xFFFFFFB0] =	vst v0  }
0x49c: {  	[tilespmem:s28+$0xFFFFFFA0] =	vst v0  }
0x49d: {  	[tilespmem:s26+$0xFFFFFF90] =	vst v0  }
0x49e: {  	[tilespmem:s26+$0x0] =	vst v0  }
0x49f: {  	[tilespmem:s26+$0xFFFFFFF0] =	vst v0  }
0x4a0: {  	[tilespmem:s26+$0xFFFFFFE0] =	vst v0  }
0x4a1: {  	[tilespmem:s26+$0xFFFFFFD0] =	vst v0  }
0x4a2: {  	[tilespmem:s26+$0xFFFFFFC0] =	vst v0  }
0x4a3: {  	s28 =	simm.s32 $0x0;
	[tilespmem:s26+$0xFFFFFFB0] =	vst v0  }
.LBB2_52:
0x4a4: {  	s28 =	sadd.s32 $0x80, s28;
	[tilespmem:s26+$0xFFFFFFA0] =	vst v0;
	s26 =	sadd.s32 $0x400, s26  }
0x4a5: {  	[tilespmem:s26+$0xFFFFFF90] =	vst v0;
	p0 =	slt.u32 s28, $0x980  }
0x4a6: {  	[tilespmem:s26+$0x0] =	vst v0  }
.Ltmp25:
0x4a7: {  	[tilespmem:s26+$0xFFFFFFF0] =	vst v0;
	(pc) =	sbr.rel @p0 .LBB2_52-.Ltmp25, $4  }
0x4a8: {  	[tilespmem:s26+$0xFFFFFFE0] =	vst v0  }
0x4a9: {  	[tilespmem:s26+$0xFFFFFFD0] =	vst v0  }
0x4aa: {  	[tilespmem:s26+$0xFFFFFFC0] =	vst v0  }
0x4ab: {  	[tilespmem:s26+$0xFFFFFFB0] =	vst v0  }
0x4ac: {  	[tilespmem:s26+$0xFFFFFFA0] =	vst v0;
	s28 =	simm.s32 $0x105F0  }
0x4ad: {  	[tilespmem:s28+$0xFFFFFF90] =	vst v0  }
0x4ae: {  	[tilespmem:s28+$0x0] =	vst v0  }
0x4af: {  	[tilespmem:s28+$0xFFFFFFF0] =	vst v0  }
0x4b0: {  	[tilespmem:s28+$0xFFFFFFE0] =	vst v0  }
0x4b1: {  	[tilespmem:s28+$0xFFFFFFD0] =	vst v0  }
0x4b2: {  	[tilespmem:s28+$0xFFFFFFC0] =	vst v0  }
0x4b3: {  	s29 =	simm.s32 $0x0;
	[tilespmem:s28+$0xFFFFFFB0] =	vst v0  }
.LBB2_54:
0x4b4: {  	s29 =	sadd.s32 $0x80, s29;
	[tilespmem:s28+$0xFFFFFFA0] =	vst v0;
	s28 =	sadd.s32 $0x400, s28  }
0x4b5: {  	[tilespmem:s28+$0xFFFFFF90] =	vst v0;
	p0 =	slt.u32 s29, $0x980  }
0x4b6: {  	[tilespmem:s28+$0x0] =	vst v0  }
.Ltmp26:
0x4b7: {  	[tilespmem:s28+$0xFFFFFFF0] =	vst v0;
	(pc) =	sbr.rel @p0 .LBB2_54-.Ltmp26, $4  }
0x4b8: {  	[tilespmem:s28+$0xFFFFFFE0] =	vst v0  }
0x4b9: {  	[tilespmem:s28+$0xFFFFFFD0] =	vst v0  }
0x4ba: {  	[tilespmem:s28+$0xFFFFFFC0] =	vst v0  }
0x4bb: {  	s26 =	simm.s32 $0x10670;
	[tilespmem:s28+$0xFFFFFFB0] =	vst v0  }
0x4bc: {  	[tilespmem:s28+$0xFFFFFFA0] =	vst v0  }
0x4bd: {  	[tilespmem:s26+$0xFFFFFF90] =	vst v0  }
0x4be: {  	[tilespmem:s26+$0x0] =	vst v0  }
0x4bf: {  	[tilespmem:s26+$0xFFFFFFF0] =	vst v0  }
0x4c0: {  	[tilespmem:s26+$0xFFFFFFE0] =	vst v0  }
0x4c1: {  	[tilespmem:s26+$0xFFFFFFD0] =	vst v0  }
0x4c2: {  	[tilespmem:s26+$0xFFFFFFC0] =	vst v0  }
0x4c3: {  	s28 =	simm.s32 $0x0;
	[tilespmem:s26+$0xFFFFFFB0] =	vst v0  }
.LBB2_56:
0x4c4: {  	s28 =	sadd.s32 $0x80, s28;
	[tilespmem:s26+$0xFFFFFFA0] =	vst v0;
	s26 =	sadd.s32 $0x400, s26  }
0x4c5: {  	[tilespmem:s26+$0xFFFFFF90] =	vst v0;
	p0 =	slt.u32 s28, $0x980  }
0x4c6: {  	[tilespmem:s26+$0x0] =	vst v0  }
.Ltmp27:
0x4c7: {  	[tilespmem:s26+$0xFFFFFFF0] =	vst v0;
	(pc) =	sbr.rel @p0 .LBB2_56-.Ltmp27, $4  }
0x4c8: {  	[tilespmem:s26+$0xFFFFFFE0] =	vst v0  }
0x4c9: {  	[tilespmem:s26+$0xFFFFFFD0] =	vst v0  }
0x4ca: {  	[tilespmem:s26+$0xFFFFFFC0] =	vst v0  }
0x4cb: {  	[tilespmem:s26+$0xFFFFFFB0] =	vst v0  }
0x4cc: {  	[tilespmem:s26+$0xFFFFFFA0] =	vst v0;
	s28 =	simm.s32 $0x106F0  }
0x4cd: {  	[tilespmem:s28+$0xFFFFFF90] =	vst v0  }
0x4ce: {  	[tilespmem:s28+$0x0] =	vst v0  }
0x4cf: {  	[tilespmem:s28+$0xFFFFFFF0] =	vst v0  }
0x4d0: {  	[tilespmem:s28+$0xFFFFFFE0] =	vst v0  }
0x4d1: {  	[tilespmem:s28+$0xFFFFFFD0] =	vst v0  }
0x4d2: {  	[tilespmem:s28+$0xFFFFFFC0] =	vst v0  }
0x4d3: {  	s29 =	simm.s32 $0x0;
	[tilespmem:s28+$0xFFFFFFB0] =	vst v0  }
.LBB2_58:
0x4d4: {  	s29 =	sadd.s32 $0x80, s29;
	[tilespmem:s28+$0xFFFFFFA0] =	vst v0;
	s28 =	sadd.s32 $0x400, s28  }
0x4d5: {  	[tilespmem:s28+$0xFFFFFF90] =	vst v0;
	p0 =	slt.u32 s29, $0x980  }
0x4d6: {  	[tilespmem:s28+$0x0] =	vst v0  }
.Ltmp28:
0x4d7: {  	[tilespmem:s28+$0xFFFFFFF0] =	vst v0;
	(pc) =	sbr.rel @p0 .LBB2_58-.Ltmp28, $4  }
0x4d8: {  	[tilespmem:s28+$0xFFFFFFE0] =	vst v0  }
0x4d9: {  	[tilespmem:s28+$0xFFFFFFD0] =	vst v0  }
0x4da: {  	[tilespmem:s28+$0xFFFFFFC0] =	vst v0  }
0x4db: {  	s26 =	simm.s32 $0x10770;
	[tilespmem:s28+$0xFFFFFFB0] =	vst v0  }
0x4dc: {  	[tilespmem:s28+$0xFFFFFFA0] =	vst v0  }
0x4dd: {  	[tilespmem:s26+$0xFFFFFF90] =	vst v0  }
0x4de: {  	[tilespmem:s26+$0x0] =	vst v0  }
0x4df: {  	[tilespmem:s26+$0xFFFFFFF0] =	vst v0  }
0x4e0: {  	[tilespmem:s26+$0xFFFFFFE0] =	vst v0  }
0x4e1: {  	[tilespmem:s26+$0xFFFFFFD0] =	vst v0  }
0x4e2: {  	[tilespmem:s26+$0xFFFFFFC0] =	vst v0  }
0x4e3: {  	s28 =	simm.s32 $0x0;
	[tilespmem:s26+$0xFFFFFFB0] =	vst v0  }
.LBB2_60:
0x4e4: {  	s28 =	sadd.s32 $0x80, s28;
	[tilespmem:s26+$0xFFFFFFA0] =	vst v0;
	s26 =	sadd.s32 $0x400, s26  }
0x4e5: {  	[tilespmem:s26+$0xFFFFFF90] =	vst v0;
	p0 =	slt.u32 s28, $0x980  }
0x4e6: {  	[tilespmem:s26+$0x0] =	vst v0  }
.Ltmp29:
0x4e7: {  	[tilespmem:s26+$0xFFFFFFF0] =	vst v0;
	(pc) =	sbr.rel @p0 .LBB2_60-.Ltmp29, $4  }
0x4e8: {  	[tilespmem:s26+$0xFFFFFFE0] =	vst v0  }
0x4e9: {  	[tilespmem:s26+$0xFFFFFFD0] =	vst v0  }
0x4ea: {  	[tilespmem:s26+$0xFFFFFFC0] =	vst v0  }
0x4eb: {  	[tilespmem:s26+$0xFFFFFFB0] =	vst v0  }
0x4ec: {  	[tilespmem:s26+$0xFFFFFFA0] =	vst v0;
	s28 =	simm.s32 $0x107F0  }
0x4ed: {  	[tilespmem:s28+$0xFFFFFF90] =	vst v0  }
0x4ee: {  	[tilespmem:s28+$0x0] =	vst v0  }
0x4ef: {  	[tilespmem:s28+$0xFFFFFFF0] =	vst v0  }
0x4f0: {  	[tilespmem:s28+$0xFFFFFFE0] =	vst v0  }
0x4f1: {  	[tilespmem:s28+$0xFFFFFFD0] =	vst v0  }
0x4f2: {  	[tilespmem:s28+$0xFFFFFFC0] =	vst v0  }
0x4f3: {  	s29 =	simm.s32 $0x0;
	[tilespmem:s28+$0xFFFFFFB0] =	vst v0  }
.LBB2_62:
0x4f4: {  	s29 =	sadd.s32 $0x80, s29;
	[tilespmem:s28+$0xFFFFFFA0] =	vst v0;
	s28 =	sadd.s32 $0x400, s28  }
0x4f5: {  	[tilespmem:s28+$0xFFFFFF90] =	vst v0;
	p0 =	slt.u32 s29, $0x980  }
0x4f6: {  	[tilespmem:s28+$0x0] =	vst v0  }
.Ltmp30:
0x4f7: {  	[tilespmem:s28+$0xFFFFFFF0] =	vst v0;
	(pc) =	sbr.rel @p0 .LBB2_62-.Ltmp30, $4  }
0x4f8: {  	[tilespmem:s28+$0xFFFFFFE0] =	vst v0  }
0x4f9: {  	[tilespmem:s28+$0xFFFFFFD0] =	vst v0  }
0x4fa: {  	[tilespmem:s28+$0xFFFFFFC0] =	vst v0  }
0x4fb: {  	s26 =	simm.s32 $0x15470;
	[tilespmem:s28+$0xFFFFFFB0] =	vst v0  }
0x4fc: {  	[tilespmem:s28+$0xFFFFFFA0] =	vst v0  }
0x4fd: {  	[tilespmem:s26+$0xFFFFFF90] =	vst v0  }
0x4fe: {  	[tilespmem:s26+$0x0] =	vst v0  }
0x4ff: {  	[tilespmem:s26+$0xFFFFFFF0] =	vst v0  }
0x500: {  	[tilespmem:s26+$0xFFFFFFE0] =	vst v0  }
0x501: {  	[tilespmem:s26+$0xFFFFFFD0] =	vst v0  }
0x502: {  	[tilespmem:s26+$0xFFFFFFC0] =	vst v0  }
0x503: {  	s28 =	simm.s32 $0x0;
	[tilespmem:s26+$0xFFFFFFB0] =	vst v0  }
.LBB2_64:
0x504: {  	s28 =	sadd.s32 $0x80, s28;
	[tilespmem:s26+$0xFFFFFFA0] =	vst v0;
	s26 =	sadd.s32 $0x400, s26  }
0x505: {  	[tilespmem:s26+$0xFFFFFF90] =	vst v0;
	p0 =	slt.u32 s28, $0x980  }
0x506: {  	[tilespmem:s26+$0x0] =	vst v0  }
.Ltmp31:
0x507: {  	[tilespmem:s26+$0xFFFFFFF0] =	vst v0;
	(pc) =	sbr.rel @p0 .LBB2_64-.Ltmp31, $4  }
0x508: {  	[tilespmem:s26+$0xFFFFFFE0] =	vst v0  }
0x509: {  	[tilespmem:s26+$0xFFFFFFD0] =	vst v0  }
0x50a: {  	[tilespmem:s26+$0xFFFFFFC0] =	vst v0  }
0x50b: {  	[tilespmem:s26+$0xFFFFFFB0] =	vst v0  }
0x50c: {  	[tilespmem:s26+$0xFFFFFFA0] =	vst v0;
	s30 =	simm.s32 $0x154F0  }
0x50d: {  	[tilespmem:s30+$0xFFFFFF90] =	vst v0  }
0x50e: {  	[tilespmem:s30+$0x0] =	vst v0  }
0x50f: {  	[tilespmem:s30+$0xFFFFFFF0] =	vst v0  }
0x510: {  	[tilespmem:s30+$0xFFFFFFE0] =	vst v0  }
0x511: {  	[tilespmem:s30+$0xFFFFFFD0] =	vst v0  }
0x512: {  	[tilespmem:s30+$0xFFFFFFC0] =	vst v0  }
0x513: {  	s31 =	simm.s32 $0x0;
	[tilespmem:s30+$0xFFFFFFB0] =	vst v0  }
.LBB2_66:
0x514: {  	s31 =	sadd.s32 $0x80, s31;
	[tilespmem:s30+$0xFFFFFFA0] =	vst v0;
	s30 =	sadd.s32 $0x400, s30  }
0x515: {  	[tilespmem:s30+$0xFFFFFF90] =	vst v0;
	p0 =	slt.u32 s31, $0x980  }
0x516: {  	[tilespmem:s30+$0x0] =	vst v0  }
.Ltmp32:
0x517: {  	[tilespmem:s30+$0xFFFFFFF0] =	vst v0;
	(pc) =	sbr.rel @p0 .LBB2_66-.Ltmp32, $4  }
0x518: {  	[tilespmem:s30+$0xFFFFFFE0] =	vst v0  }
0x519: {  	[tilespmem:s30+$0xFFFFFFD0] =	vst v0  }
0x51a: {  	[tilespmem:s30+$0xFFFFFFC0] =	vst v0  }
0x51b: {  	s29 =	simm.s32 $0xA040;
	s26 =	simm.s32 $0xB440;
	s28 =	simm.s32 $0xF040;
	[tilespmem:s30+$0xFFFFFFB0] =	vst v0  }
0x51c: {  	[tilespmem:s30+$0xFFFFFFA0] =	vst v0  }
0x51d: {  	v1 =	vld [tilespmem:s29+$0x30]  }
0x51e: {  	v2 =	vld [tilespmem:s26+$0x30]  }
0x51f: {  	v3 =	vld [tilespmem:s26+$0xFFFFFFC0]  }
0x520: {  	v4 =	vld [tilespmem:s29+$0xFFFFFFD0]  }
0x521: {  	v6 =	vld [tilespmem:s29+$0xFFFFFFE0]  }
0x522: {  	v9 =	vld [tilespmem:s26+$0xFFFFFFE0]  }
0x523: {  	v11 =	vld [tilespmem:s29+$0xFFFFFFF0]  }
0x524: {  	v13 =	vld [tilespmem:s26+$0xFFFFFFF0]  }
0x525: {  	v14 =	vld [tilespmem:s29+$0x0]  }
0x526: {  	v15 =	vld [tilespmem:s26+$0x0]  }
0x527: {  	v17 =	vld [tilespmem:s29+$0x10]  }
0x528: {  	v19 =	vld [tilespmem:s26+$0x10]  }
0x529: {  	v5 =	vld [tilespmem:s26+$0xFFFFFFD0]  }
0x52a: {  	v7 =	vshra.s32 v1, $0x14;
	v8 =	vshra.s32 v2, $0x14;
	v1 =	vand.u32 $0xFFFFF, v1  }
0x52b: {  	v2 =	vand.u32 $0xFFFFF, v2;
	v20 =	vand.u32 $0xFFFFF, v6;
	v21 =	vand.u32 $0xFFFFF, v9  }
0x52c: {  	v22 =	vand.u32 $0xFFFFF, v11;
	v23 =	vand.u32 $0xFFFFF, v13;
	v24 =	vand.u32 $0xFFFFF, v14  }
0x52d: {  	v25 =	vand.u32 $0xFFFFF, v15;
	v26 =	vand.u32 $0xFFFFF, v17;
	v27 =	vand.u32 $0xFFFFF, v19  }
0x52e: {  	v32 =	vshra.s32 v3, $0x14;
	v33 =	vshra.s32 v4, $0x14;
	v34 =	vshra.s32 v5, $0x14  }
0x52f: {  	v35 =	vshra.s32 v6, $0x14;
	v36 =	vshra.s32 v9, $0x14;
	v37 =	vshra.s32 v11, $0x14  }
0x530: {  	v38 =	vshra.s32 v13, $0x14;
	v39 =	vshra.s32 v14, $0x14;
	v40 =	vshra.s32 v15, $0x14  }
0x531: {  	v41 =	vshra.s32 v17, $0x14;
	v19 =	vshra.s32 v19, $0x14;
	v10 =	vshll.u32 v7, $0x7  }
0x532: {  	v1 =	vadd.s32 $0xFFFFEC00, v1;
	v7 =	vshrl.u32 v7, $0x3;
	v12 =	vshll.u32 v8, $0x7  }
0x533: {  	v2 =	vadd.s32 $0xFFFFEC00, v2;
	v8 =	vshrl.u32 v8, $0x3;
	v20 =	vadd.s32 $0xFFFFEC00, v20  }
0x534: {  	v21 =	vadd.s32 $0xFFFFEC00, v21;
	v22 =	vadd.s32 $0xFFFFEC00, v22;
	v23 =	vadd.s32 $0xFFFFEC00, v23  }
0x535: {  	v24 =	vadd.s32 $0xFFFFEC00, v24;
	v25 =	vadd.s32 $0xFFFFEC00, v25;
	v26 =	vadd.s32 $0xFFFFEC00, v26  }
0x536: {  	v27 =	vadd.s32 $0xFFFFEC00, v27;
	vm1 =	vlt.u32 v1, $0xA00;
	vm0 =	vlt.u32 v2, $0xA00  }
0x537: {  	v10 =	vand.u32 $0x380, v10;
	v7 =	vmul.u32 $0x5000, v7;
	v8 =	vmul.u32 $0x5000, v8  }
0x538: {  	v12 =	vand.u32 $0x380, v12;
	vm14 =	vlt.u32 v20, $0xA00;
	vm13 =	vlt.u32 v21, $0xA00  }
0x539: {  	vm15 =	vlt.u32 v22, $0xA00;
	vm5 =	vlt.u32 v23, $0xA00;
	vm3 =	vlt.u32 v24, $0xA00  }
0x53a: {  	vm11 =	vlt.u32 v25, $0xA00;
	vm2 =	vlt.u32 v26, $0xA00;
	vm9 =	vlt.u32 v27, $0xA00  }
0x53b: {  	v1 =	vnsel vm1, $0x0, v1;
	v2 =	vnsel vm0, $0x0, v2;
	v14 =	vnsel vm14, $0x0, v20  }
0x53c: {  	v15 =	vnsel vm13, $0x0, v21;
	v11 =	vnsel vm15, $0x0, v22;
	v13 =	vnsel vm3, $0x0, v24  }
0x53d: {  	v9 =	vnsel vm2, $0x0, v26;
	v20 =	vshrl.u32 v32, $0x3;
	v21 =	vshrl.u32 v33, $0x3  }
0x53e: {  	v22 =	vshrl.u32 v34, $0x3;
	v24 =	vshrl.u32 v36, $0x3;
	v26 =	vshrl.u32 v38, $0x3  }
0x53f: {  	v32 =	vshll.u32 v32, $0x7;
	v33 =	vshll.u32 v33, $0x7;
	v34 =	vshll.u32 v34, $0x7  }
0x540: {  	v36 =	vshll.u32 v36, $0x7;
	v38 =	vshll.u32 v38, $0x7;
	v16 =	vshll.u32 v1, $0x3  }
0x541: {  	v18 =	vshll.u32 v2, $0x3;
	v1 =	vand.u32 $0x7F, v1;
	v2 =	vand.u32 $0x7F, v2  }
0x542: {  	v49 =	vshll.u32 v14, $0x3;
	v50 =	vshll.u32 v15, $0x3;
	v51 =	vshll.u32 v11, $0x3  }
0x543: {  	v53 =	vshll.u32 v13, $0x3;
	v55 =	vshll.u32 v9, $0x3;
	v20 =	vmul.u32 $0x5000, v20  }
0x544: {  	v21 =	vmul.u32 $0x5000, v21;
	v22 =	vmul.u32 $0x5000, v22;
	v24 =	vmul.u32 $0x5000, v24  }
0x545: {  	v26 =	vmul.u32 $0x5000, v26;
	v16 =	vand.u32 $0xFFFFFC00, v16;
	v49 =	vand.u32 $0xFFFFFC00, v49  }
0x546: {  	v50 =	vand.u32 $0xFFFFFC00, v50;
	v51 =	vand.u32 $0xFFFFFC00, v51;
	v53 =	vand.u32 $0xFFFFFC00, v53  }
0x547: {  	v55 =	vand.u32 $0xFFFFFC00, v55;
	v7 =	vadd.s32 v7, v16;
	v16 =	vand.u32 $0xFFFFFC00, v18  }
0x548: {  	v24 =	vadd.s32 v24, v50;
	v50 =	vand.u32 $0x380, v36;
	v7 =	vor.u32 v10, v7  }
0x549: {  	v8 =	vadd.s32 v8, v16;
	v16 =	vand.u32 $0xFFFFF, v4;
	v1 =	vor.u32 v1, v7  }
0x54a: {  	v7 =	vor.u32 v12, v8;
	v12 =	vand.u32 $0xFFFFF, v3;
	v31 =	vadd.s32 $0xFFFFEC00, v16  }
0x54b: {  	v18 =	vld [tilespmem:s29+$0x20];
	v3 =	vimm.s32 $0x0;
	v2 =	vor.u32 v2, v7;
	v7 =	vand.u32 $0xFFFFF, v5  }
0x54c: {  	v12 =	vadd.s32 $0xFFFFEC00, v12;
	vm10 =	vlt.u32 v31, $0xA00;
	v3 =	vsel vm5, $0xFFFFFFFF, v3  }
0x54d: {  	v10 =	vld [tilespmem:s26+$0x20];
	v5 =	vimm.s32 $0x0;
	v7 =	vadd.s32 $0xFFFFEC00, v7;
	vm12 =	vlt.u32 v12, $0xA00  }
0x54e: {  	v8 =	vld [tilespmem:s29+$0xFFFFFFC0];
	v17 =	vnsel vm10, $0x0, v31;
	[tilespmem:$0x1FC40] =	vst v3;
	v3 =	vnsel vm11, $0x0, v25;
	v5 =	vsel vm2, $0xFFFFFFFF, v5  }
0x54f: {  	v25 =	vshrl.u32 v37, $0x3;
	v31 =	vshrl.u32 v19, $0x3;
	v37 =	vshll.u32 v37, $0x7  }
0x550: {  	v19 =	vshll.u32 v19, $0x7;
	v28 =	vand.u32 $0xFFFFF, v18;
	vm4 =	vlt.u32 v7, $0xA00  }
0x551: {  	v18 =	vshra.s32 v18, $0x14;
	v47 =	vshll.u32 v17, $0x3;
	v54 =	vshll.u32 v3, $0x3  }
0x552: {  	v25 =	vmul.u32 $0x5000, v25;
	v31 =	vmul.u32 $0x5000, v31;
	v19 =	vand.u32 $0x380, v19  }
0x553: {  	v29 =	vand.u32 $0xFFFFF, v10;
	v28 =	vadd.s32 $0xFFFFEC00, v28;
	v42 =	vshra.s32 v10, $0x14  }
0x554: {  	v4 =	vnsel vm4, $0x0, v7;
	v10 =	vnsel vm9, $0x0, v27;
	v27 =	vshrl.u32 v39, $0x3  }
0x555: {  	v43 =	vshrl.u32 v18, $0x3;
	v47 =	vand.u32 $0xFFFFFC00, v47;
	v54 =	vand.u32 $0xFFFFFC00, v54  }
0x556: {  	v39 =	vshll.u32 v39, $0x7;
	v18 =	vshll.u32 v18, $0x7;
	v30 =	vand.u32 $0xFFFFF, v8  }
0x557: {  	v29 =	vadd.s32 $0xFFFFEC00, v29;
	vm8 =	vlt.u32 v28, $0xA00;
	v46 =	vshrl.u32 v42, $0x3  }
0x558: {  	v48 =	vshll.u32 v4, $0x3;
	v56 =	vshll.u32 v10, $0x3;
	v27 =	vmul.u32 $0x5000, v27  }
0x559: {  	v43 =	vmul.u32 $0x5000, v43;
	v42 =	vshll.u32 v42, $0x7;
	v21 =	vadd.s32 v21, v47  }
0x55a: {  	v25 =	vadd.s32 v25, v51;
	v51 =	vand.u32 $0x380, v37;
	v18 =	vand.u32 $0x380, v18  }
0x55b: {  	v16 =	vadd.s32 $0xFFFFEC00, v30;
	v30 =	vshra.s32 v8, $0x14;
	vm7 =	vlt.u32 v29, $0xA00  }
0x55c: {  	[tilespmem:$0x1FC50] =	vst v5;
	v5 =	vnsel vm8, $0x0, v28;
	v28 =	vshrl.u32 v40, $0x3;
	v46 =	vmul.u32 $0x5000, v46  }
0x55d: {  	v48 =	vand.u32 $0xFFFFFC00, v48;
	v56 =	vand.u32 $0xFFFFFC00, v56;
	v40 =	vshll.u32 v40, $0x7  }
0x55e: {  	v59 =	vor.u32 v51, v25;
	vm6 =	vlt.u32 v16, $0xA00;
	v7 =	vshrl.u32 v30, $0x3  }
0x55f: {  	v8 =	vnsel vm7, $0x0, v29;
	v29 =	vshrl.u32 v41, $0x3;
	v57 =	vshll.u32 v5, $0x3  }
0x560: {  	v28 =	vmul.u32 $0x5000, v28;
	v30 =	vshll.u32 v30, $0x7;
	v41 =	vshll.u32 v41, $0x7  }
0x561: {  	v22 =	vadd.s32 v22, v48;
	v27 =	vadd.s32 v27, v53;
	v31 =	vadd.s32 v31, v56  }
0x562: {  	v48 =	vand.u32 $0x380, v34;
	v53 =	vand.u32 $0x380, v39;
	v6 =	vnsel vm6, $0x0, v16  }
0x563: {  	v16 =	vnsel vm12, $0x0, v12;
	v12 =	vnsel vm5, $0x0, v23;
	vm2 =	vmmov vm6  }
0x564: {  	v23 =	vshrl.u32 v35, $0x3;
	v58 =	vshll.u32 v8, $0x3;
	v7 =	vmul.u32 $0x5000, v7  }
0x565: {  	v60 =	vld [tilespmem:s28+$0x30];
	v29 =	vmul.u32 $0x5000, v29;
	v57 =	vand.u32 $0xFFFFFC00, v57;
	v35 =	vshll.u32 v35, $0x7  }
0x566: {  	v22 =	vor.u32 v48, v22;
	v25 =	vor.u32 v19, v31;
	v31 =	vand.u32 $0x7F, v17  }
0x567: {  	v17 =	vand.u32 $0x7F, v9;
	v44 =	vshll.u32 v6, $0x3;
	v45 =	vshll.u32 v16, $0x3  }
0x568: {  	v52 =	vshll.u32 v12, $0x3;
	v23 =	vmul.u32 $0x5000, v23;
	v58 =	vand.u32 $0xFFFFFC00, v58  }
0x569: {  	v61 =	vadd.s32 v28, v54;
	v28 =	vand.u32 $0x380, v30;
	v30 =	vadd.s32 v43, v57  }
0x56a: {  	v54 =	vand.u32 $0x380, v40;
	[tilespmem:v1+s22+$0x0] =	vst.idx.add.f32.msk vm1, v60;
	vm1 =	vmmov vm3;
	vm3 =	vmmov vm10  }
0x56b: {  	v1 =	vand.u32 $0x380, v41;
	v19 =	vand.u32 $0x7F, v16;
	v16 =	vand.u32 $0x7F, v3  }
0x56c: {  	v44 =	vand.u32 $0xFFFFFC00, v44;
	v45 =	vand.u32 $0xFFFFFC00, v45;
	v52 =	vand.u32 $0xFFFFFC00, v52  }
0x56d: {  	v62 =	vadd.s32 v29, v55;
	v63 =	vadd.s32 v46, v58;
	v29 =	vand.u32 $0x380, v32  }
0x56e: {  	v46 =	vand.u32 $0x380, v33;
	[tilespmem:v2+s22+$0x0] =	vst.idx.add.f32.msk vm0, v60;
	v2 =	vand.u32 $0x380, v42;
	v58 =	vor.u32 v50, v24  }
0x56f: {  	v24 =	vor.u32 v18, v30;
	v18 =	vand.u32 $0x7F, v6;
	v60 =	vand.u32 $0x7F, v4  }
0x570: {  	v30 =	vand.u32 $0x7F, v12;
	v12 =	vand.u32 $0x7F, v5;
	v7 =	vadd.s32 v7, v44  }
0x571: {  	v20 =	vadd.s32 v20, v45;
	v23 =	vadd.s32 v23, v49;
	v26 =	vadd.s32 v26, v52  }
0x572: {  	v49 =	vand.u32 $0x380, v35;
	v52 =	vand.u32 $0x380, v38;
	v32 =	vor.u32 v46, v21  }
0x573: {  	v3 =	vld [tilespmem:s28+$0x0];
	v55 =	vor.u32 v28, v7;
	v56 =	vor.u32 v29, v20;
	v57 =	vor.u32 v49, v23  }
0x574: {  	v6 =	vld [tilespmem:s28+$0xFFFFFFD0];
	v29 =	vor.u32 v52, v26;
	v28 =	vor.u32 v53, v27;
	v27 =	vor.u32 v54, v61  }
0x575: {  	v4 =	vld [tilespmem:s28+$0xFFFFFFE0];
	v26 =	vor.u32 v1, v62;
	v23 =	vor.u32 v2, v63;
	v61 =	vand.u32 $0x7F, v14  }
0x576: {  	v5 =	vld [tilespmem:s28+$0x10];
	v62 =	vand.u32 $0x7F, v15;
	v63 =	vand.u32 $0x7F, v11;
	v1 =	vand.u32 $0x7F, v13  }
0x577: {  	v7 =	vld [tilespmem:s28+$0xFFFFFFC0];
	v14 =	vand.u32 $0x7F, v10;
	v11 =	vand.u32 $0x7F, v8;
	v15 =	vor.u32 v60, v22  }
0x578: {  	v2 =	vld [tilespmem:s28+$0xFFFFFFF0];
	v20 =	vor.u32 v18, v55;
	v21 =	vor.u32 v19, v56;
	v18 =	vor.u32 v31, v32  }
0x579: {  	s30 =	simm.s32 $0xA0C0;
	s29 =	simm.s32 $0x0;
	v8 =	vld [tilespmem:s28+$0x20];
	v13 =	vor.u32 v61, v57;
	v10 =	vor.u32 v62, v58;
	v9 =	vor.u32 v63, v59  }
.LBB2_68:
0x57a: {  	v31 =	vld [tilespmem:s30+$0x30];
	vm0 =	vmmov vm2;
	v12 =	vor.u32 v12, v24  }
0x57b: {  	v11 =	vor.u32 v11, v23;
	v23 =	vld [tilespmem:s30+$0xFFFFFFD0];
	vm2 =	vmmov vm15;
	v24 =	vimm.s32 $0x0  }
0x57c: {  	v16 =	vor.u32 v16, v27;
	v27 =	vld [tilespmem:s30+$0xFFFFFFF0];
	v24 =	vsel vm2, $0xFFFFFFFF, v24  }
0x57d: {  	v19 =	vor.u32 v30, v29;
	v1 =	vor.u32 v1, v28;
	[tilespmem:$0x1FBC0] =	vst v24;
	v24 =	vld [tilespmem:$0x1FC40]  }
0x57e: {  	vm10 =	vmmov vm8;
	vm8 =	vmmov vm12;
	vm6 =	vmmov vm3;
	v35 =	vld [tilespmem:s30+$0x0]  }
0x57f: {  	v17 =	vor.u32 v17, v26;
	v14 =	vor.u32 v14, v25;
	vm12 =	vmmov vm7;
	v37 =	vld [tilespmem:s30+$0x10]  }
0x580: {  	vm7 =	vmmov vm4;
	vm5 =	vmmov vm14;
	vm14 =	vmmov vm13;
	v41 =	vld [tilespmem:s30+$0x20]  }
0x581: {  	s26 =	sadd.s32 $0x80, s26;
	v25 =	vimm.s32 $0x0;
	v26 =	vimm.s32 $0x0;
	v29 =	vshra.s32 v31, $0x14  }
0x582: {  	v28 =	vld [tilespmem:s26+$0x30];
	v31 =	vand.u32 $0xFFFFF, v31;
	v59 =	vand.u32 $0xFFFFF, v23;
	vm4 =	vnez.u8 v24  }
0x583: {  	v22 =	vld [tilespmem:s26+$0xFFFFFFC0];
	v46 =	vand.u32 $0xFFFFF, v27;
	v24 =	vimm.s32 $0x0;
	vm2 =	vmmov vm4  }
0x584: {  	v33 =	vld [tilespmem:s26+$0xFFFFFFF0];
	v48 =	vand.u32 $0xFFFFF, v35;
	v24 =	vsel vm2, $0xFFFFFFFF, v24;
	vm2 =	vmmov vm1  }
0x585: {  	v36 =	vld [tilespmem:s26+$0x0];
	v51 =	vand.u32 $0xFFFFF, v37;
	v53 =	vand.u32 $0xFFFFF, v41;
	v25 =	vsel vm2, $0xFFFFFFFF, v25  }
0x586: {  	v39 =	vld [tilespmem:s26+$0x10];
	v23 =	vshra.s32 v23, $0x14;
	vm1 =	vmmov vm11;
	[tilespmem:$0x1FBE0] =	vst v25;
	v25 =	vimm.s32 $0x0  }
0x587: {  	v27 =	vshra.s32 v27, $0x14;
	v35 =	vshra.s32 v35, $0x14;
	v25 =	vsel vm1, $0xFFFFFFFF, v25  }
0x588: {  	v37 =	vshra.s32 v37, $0x14;
	v41 =	vshra.s32 v41, $0x14;
	v30 =	vshra.s32 v28, $0x14;
	[tilespmem:$0x1FBF0] =	vst v25;
	v25 =	vld [tilespmem:$0x1FC50]  }
0x589: {  	v28 =	vand.u32 $0xFFFFF, v28;
	v32 =	vshll.u32 v29, $0x7;
	v31 =	vadd.s32 $0xFFFFEC00, v31  }
0x58a: {  	v29 =	vshrl.u32 v29, $0x3;
	v58 =	vand.u32 $0xFFFFF, v22;
	v47 =	vand.u32 $0xFFFFF, v33  }
0x58b: {  	v50 =	vand.u32 $0xFFFFF, v36;
	v52 =	vand.u32 $0xFFFFF, v39;
	v61 =	vadd.s32 $0xFFFFEC00, v46  }
0x58c: {  	v48 =	vadd.s32 $0xFFFFEC00, v48;
	v51 =	vadd.s32 $0xFFFFEC00, v51;
	v53 =	vadd.s32 $0xFFFFEC00, v53  }
0x58d: {  	s28 =	sadd.s32 $0x80, s28;
	v33 =	vshra.s32 v33, $0x14;
	v36 =	vshra.s32 v36, $0x14;
	vm11 =	vnez.u8 v25  }
0x58e: {  	v45 =	vld [tilespmem:s28+$0xFFFFFFD0];
	v39 =	vshra.s32 v39, $0x14;
	v25 =	vimm.s32 $0x0;
	vm1 =	vmmov vm11  }
0x58f: {  	v46 =	vshrl.u32 v37, $0x3;
	[tilespmem:$0x1FBD0] =	vst v24;
	v24 =	vld [tilespmem:s26+$0xFFFFFFD0];
	v25 =	vsel vm1, $0xFFFFFFFF, v25;
	vm1 =	vmmov vm9  }
0x590: {  	v37 =	vshll.u32 v37, $0x7;
	v34 =	vshll.u32 v30, $0x7;
	[tilespmem:v18+s22+$0x0] =	vst.idx.add.f32.msk vm6, v6;
	v26 =	vsel vm1, $0xFFFFFFFF, v26  }
0x591: {  	v28 =	vadd.s32 $0xFFFFEC00, v28;
	vm1 =	vmmov vm10;
	[tilespmem:$0x1FC10] =	vst v26;
	v26 =	vimm.s32 $0x0  }
0x592: {  	v30 =	vshrl.u32 v30, $0x3;
	v32 =	vand.u32 $0x380, v32;
	[tilespmem:v15+s22+$0x0] =	vst.idx.add.f32.msk vm7, v6;
	v26 =	vsel vm1, $0xFFFFFFFF, v26  }
0x593: {  	v49 =	vld [tilespmem:s28+$0xFFFFFFE0];
	v29 =	vmul.u32 $0x5000, v29;
	vm1 =	vmmov vm12;
	[tilespmem:$0x1FC20] =	vst v26;
	v26 =	vimm.s32 $0x0  }
0x594: {  	v62 =	vadd.s32 $0xFFFFEC00, v47;
	v50 =	vadd.s32 $0xFFFFEC00, v50;
	[tilespmem:$0x1FC00] =	vst v25;
	v25 =	vld [tilespmem:s30+$0xFFFFFFE0];
	v26 =	vsel vm1, $0xFFFFFFFF, v26  }
0x595: {  	v52 =	vadd.s32 $0xFFFFEC00, v52;
	vm15 =	vlt.u32 v61, $0xA00;
	v47 =	vshrl.u32 v39, $0x3;
	[tilespmem:$0x1FC30] =	vst v26;
	v26 =	vld [tilespmem:s26+$0xFFFFFFE0]  }
0x596: {  	v46 =	vmul.u32 $0x5000, v46;
	v39 =	vshll.u32 v39, $0x7;
	v37 =	vand.u32 $0x380, v37;
	[tilespmem:v13+s22+$0x0] =	vst.idx.add.f32.msk vm5, v4  }
0x597: {  	v30 =	vmul.u32 $0x5000, v30;
	v34 =	vand.u32 $0x380, v34;
	v47 =	vmul.u32 $0x5000, v47;
	[tilespmem:v10+s22+$0x0] =	vst.idx.add.f32.msk vm14, v4  }
0x598: {  	v39 =	vand.u32 $0x380, v39;
	vm6 =	vlt.u32 v51, $0xA00;
	v6 =	vmovc v45;
	v45 =	vshrl.u32 v36, $0x3;
	v10 =	vld [tilespmem:$0x1FBC0]  }
0x599: {  	v36 =	vshll.u32 v36, $0x7;
	v45 =	vmul.u32 $0x5000, v45;
	vm11 =	vlt.u32 v31, $0xA00  }
0x59a: {  	v36 =	vand.u32 $0x380, v36;
	v31 =	vnsel vm11, $0x0, v31;
	vm10 =	vlt.u32 v28, $0xA00  }
0x59b: {  	v42 =	vand.u32 $0xFFFFF, v24;
	v38 =	vshll.u32 v31, $0x3;
	v28 =	vnsel vm10, $0x0, v28  }
0x59c: {  	v57 =	vld [tilespmem:s28+$0x30];
	v24 =	vshra.s32 v24, $0x14;
	v38 =	vand.u32 $0xFFFFFC00, v38;
	v40 =	vshll.u32 v28, $0x3  }
0x59d: {  	v60 =	vld [tilespmem:s28+$0xFFFFFFF0];
	v29 =	vadd.s32 v29, v38;
	v56 =	vand.u32 $0xFFFFFC00, v40;
	vm5 =	vnez.u8 v10  }
0x59e: {  	v31 =	vand.u32 $0x7F, v31;
	v40 =	vld [tilespmem:s26+$0x20];
	v29 =	vor.u32 v32, v29;
	v30 =	vadd.s32 v30, v56  }
0x59f: {  	v28 =	vand.u32 $0x7F, v28;
	v29 =	vor.u32 v31, v29;
	v31 =	vld [tilespmem:s30+$0xFFFFFFC0];
	v30 =	vor.u32 v34, v30  }
0x5a0: {  	v42 =	vadd.s32 $0xFFFFEC00, v42;
	v38 =	vadd.s32 $0xFFFFEC00, v59;
	v28 =	vor.u32 v28, v30;
	v30 =	vld [tilespmem:s28+$0xFFFFFFC0]  }
0x5a1: {  	vm4 =	vlt.u32 v42, $0xA00;
	vm9 =	vlt.u32 v52, $0xA00;
	vm3 =	vlt.u32 v38, $0xA00;
	[tilespmem:v20+s22+$0x0] =	vst.idx.add.f32.msk vm0, v7  }
0x5a2: {  	vm1 =	vlt.u32 v48, $0xA00;
	v43 =	vand.u32 $0xFFFFF, v25;
	v34 =	vadd.s32 $0xFFFFEC00, v58;
	[tilespmem:v21+s22+$0x0] =	vst.idx.add.f32.msk vm8, v7  }
0x5a3: {  	v25 =	vshra.s32 v25, $0x14;
	vm12 =	vlt.u32 v34, $0xA00;
	vm0 =	vlt.u32 v50, $0xA00;
	[tilespmem:v9+s22+$0x0] =	vst.idx.add.f32.msk vm5, v2  }
0x5a4: {  	vm8 =	vlt.u32 v53, $0xA00;
	v21 =	vnsel vm9, $0x0, v52;
	v54 =	vand.u32 $0xFFFFF, v40;
	v9 =	vld [tilespmem:$0x1FBD0]  }
0x5a5: {  	v40 =	vshra.s32 v40, $0x14;
	[tilespmem:v29+s22+$0x0] =	vst.idx.add.f32.msk vm11, v57;
	v29 =	vand.u32 $0xFFFFF, v31;
	v54 =	vadd.s32 $0xFFFFEC00, v54  }
0x5a6: {  	v44 =	vand.u32 $0xFFFFF, v26;
	vm7 =	vlt.u32 v54, $0xA00;
	v26 =	vshra.s32 v26, $0x14  }
0x5a7: {  	[tilespmem:v28+s22+$0x0] =	vst.idx.add.f32.msk vm10, v57;
	v28 =	vadd.s32 $0xFFFFEC00, v29;
	v29 =	vadd.s32 $0xFFFFEC00, v43;
	v32 =	vadd.s32 $0xFFFFEC00, v44  }
0x5a8: {  	v7 =	vmovc v30;
	vm10 =	vlt.u32 v62, $0xA00;
	v30 =	vshra.s32 v31, $0x14;
	v31 =	vshra.s32 v22, $0x14  }
0x5a9: {  	v10 =	vnsel vm3, $0x0, v38;
	v38 =	vshrl.u32 v26, $0x3;
	vm5 =	vnez.u8 v9  }
0x5aa: {  	v43 =	vshrl.u32 v33, $0x3;
	v44 =	vshrl.u32 v35, $0x3;
	v26 =	vshll.u32 v26, $0x7;
	v9 =	vld [tilespmem:$0x1FBE0]  }
0x5ab: {  	v20 =	vld [tilespmem:$0x1FC10];
	v33 =	vshll.u32 v33, $0x7;
	v35 =	vshll.u32 v35, $0x7;
	vm2 =	vlt.u32 v28, $0xA00  }
0x5ac: {  	vm11 =	vlt.u32 v29, $0xA00;
	vm13 =	vlt.u32 v32, $0xA00;
	v52 =	vshll.u32 v10, $0x3  }
0x5ad: {  	v38 =	vmul.u32 $0x5000, v38;
	v43 =	vmul.u32 $0x5000, v43;
	v44 =	vmul.u32 $0x5000, v44  }
0x5ae: {  	v26 =	vand.u32 $0x380, v26;
	v33 =	vand.u32 $0x380, v33;
	v35 =	vand.u32 $0x380, v35  }
0x5af: {  	vm14 =	vmmov vm11;
	v15 =	vnsel vm11, $0x0, v29;
	[tilespmem:v19+s22+$0x0] =	vst.idx.add.f32.msk vm5, v2;
	vm5 =	vnez.u8 v9  }
0x5b0: {  	v13 =	vld [tilespmem:$0x1FBF0];
	vm11 =	vmmov vm0;
	vm0 =	vnez.u8 v20;
	v20 =	vimm.s32 $0x0  }
0x5b1: {  	v10 =	vand.u32 $0x7F, v10;
	v52 =	vand.u32 $0xFFFFFC00, v52;
	v20 =	vsel vm6, $0xFFFFFFFF, v20  }
0x5b2: {  	[tilespmem:$0x1FC50] =	vst v20;
	v20 =	vnsel vm6, $0x0, v51;
	v51 =	vshrl.u32 v40, $0x3;
	v40 =	vshll.u32 v40, $0x7  }
0x5b3: {  	v51 =	vmul.u32 $0x5000, v51;
	v9 =	vnsel vm12, $0x0, v34;
	v19 =	vnsel vm1, $0x0, v48  }
0x5b4: {  	v63 =	vld [tilespmem:s28+$0x0];
	v2 =	vmovc v60;
	v34 =	vshrl.u32 v25, $0x3;
	v48 =	vshrl.u32 v41, $0x3;
	v60 =	vshll.u32 v20, $0x3  }
0x5b5: {  	v25 =	vshll.u32 v25, $0x7;
	v41 =	vshll.u32 v41, $0x7;
	[tilespmem:v1+s22+$0x0] =	vst.idx.add.f32.msk vm5, v3;
	vm5 =	vnez.u8 v13  }
0x5b6: {  	v18 =	vld [tilespmem:$0x1FC00];
	v58 =	vshll.u32 v19, $0x3;
	v34 =	vmul.u32 $0x5000, v34;
	v48 =	vmul.u32 $0x5000, v48  }
0x5b7: {  	v60 =	vand.u32 $0xFFFFFC00, v60;
	v25 =	vand.u32 $0x380, v25;
	v58 =	vand.u32 $0xFFFFFC00, v58  }
0x5b8: {  	v41 =	vand.u32 $0x380, v41;
	v46 =	vadd.s32 v46, v60;
	v44 =	vadd.s32 v44, v58  }
0x5b9: {  	v1 =	vnsel vm2, $0x0, v28;
	v13 =	vnsel vm4, $0x0, v42;
	v28 =	vshrl.u32 v30, $0x3  }
0x5ba: {  	v42 =	vshrl.u32 v27, $0x3;
	v30 =	vshll.u32 v30, $0x7;
	v27 =	vshll.u32 v27, $0x7  }
0x5bb: {  	v4 =	vmovc v49;
	v49 =	vshll.u32 v1, $0x3;
	v28 =	vmul.u32 $0x5000, v28;
	[tilespmem:v16+s22+$0x0] =	vst.idx.add.f32.msk vm5, v3;
	vm5 =	vnez.u8 v18  }
0x5bc: {  	v42 =	vmul.u32 $0x5000, v42;
	v30 =	vand.u32 $0x380, v30;
	v18 =	vimm.s32 $0x0  }
0x5bd: {  	v22 =	vld [tilespmem:$0x1FC20];
	v27 =	vand.u32 $0x380, v27;
	v49 =	vand.u32 $0xFFFFFC00, v49;
	v18 =	vsel vm10, $0xFFFFFFFF, v18  }
0x5be: {  	v55 =	vld [tilespmem:s28+$0x10];
	v28 =	vadd.s32 v28, v49;
	v16 =	vnsel vm13, $0x0, v32;
	[tilespmem:$0x1FC40] =	vst v18;
	v18 =	vnsel vm10, $0x0, v62  }
0x5bf: {  	v32 =	vshrl.u32 v24, $0x3;
	v24 =	vshll.u32 v24, $0x7;
	v57 =	vshll.u32 v18, $0x3  }
0x5c0: {  	v32 =	vmul.u32 $0x5000, v32;
	v24 =	vand.u32 $0x380, v24;
	v57 =	vand.u32 $0xFFFFFC00, v57  }
0x5c1: {  	v43 =	vadd.s32 v43, v57;
	[tilespmem:v17+s22+$0x0] =	vst.idx.add.f32.msk vm5, v5;
	v17 =	vnsel vm15, $0x0, v61;
	v61 =	vshll.u32 v21, $0x3  }
0x5c2: {  	[tilespmem:v14+s22+$0x0] =	vst.idx.add.f32.msk vm0, v5;
	v14 =	vnsel vm11, $0x0, v50;
	vm0 =	vnez.u8 v22;
	v22 =	vnsel vm7, $0x0, v54  }
0x5c3: {  	v5 =	vmovc v55;
	v50 =	vshll.u32 v9, $0x3;
	v54 =	vshll.u32 v15, $0x3;
	v55 =	vshll.u32 v16, $0x3  }
0x5c4: {  	v61 =	vand.u32 $0xFFFFFC00, v61;
	v9 =	vand.u32 $0x7F, v9;
	v59 =	vshll.u32 v14, $0x3  }
0x5c5: {  	v3 =	vmovc v63;
	v63 =	vshll.u32 v22, $0x3;
	v50 =	vand.u32 $0xFFFFFC00, v50;
	v54 =	vand.u32 $0xFFFFFC00, v54  }
0x5c6: {  	v55 =	vand.u32 $0xFFFFFC00, v55;
	v47 =	vadd.s32 v47, v61;
	v61 =	vand.u32 $0x7F, v15  }
0x5c7: {  	v29 =	vld [tilespmem:$0x1FC30];
	v59 =	vand.u32 $0xFFFFFC00, v59;
	v63 =	vand.u32 $0xFFFFFC00, v63;
	v34 =	vadd.s32 v34, v54  }
0x5c8: {  	v38 =	vadd.s32 v38, v55;
	v45 =	vadd.s32 v45, v59;
	v58 =	vadd.s32 v51, v63  }
0x5c9: {  	v59 =	vor.u32 v30, v28;
	v34 =	vor.u32 v25, v34;
	v38 =	vor.u32 v26, v38  }
0x5ca: {  	v56 =	vld [tilespmem:s28+$0x20];
	v28 =	vor.u32 v35, v44;
	v26 =	vor.u32 v37, v46;
	v25 =	vor.u32 v39, v47  }
0x5cb: {  	v63 =	vand.u32 $0x7F, v17;
	v30 =	vand.u32 $0x7F, v18;
	[tilespmem:v12+s22+$0x0] =	vst.idx.add.f32.msk vm0, v8;
	v12 =	vnsel vm8, $0x0, v53  }
0x5cc: {  	vm0 =	vnez.u8 v29;
	v29 =	vshrl.u32 v23, $0x3;
	v53 =	vshll.u32 v13, $0x3  }
0x5cd: {  	v23 =	vshll.u32 v23, $0x7;
	v13 =	vand.u32 $0x7F, v13;
	v62 =	vshll.u32 v12, $0x3  }
0x5ce: {  	v29 =	vmul.u32 $0x5000, v29;
	v53 =	vand.u32 $0xFFFFFC00, v53;
	v23 =	vand.u32 $0x380, v23  }
0x5cf: {  	v12 =	vand.u32 $0x7F, v12;
	v62 =	vand.u32 $0xFFFFFC00, v62;
	v32 =	vadd.s32 v32, v53  }
0x5d0: {  	v29 =	vadd.s32 v29, v52;
	v48 =	vadd.s32 v48, v62;
	v32 =	vor.u32 v24, v32  }
0x5d1: {  	v62 =	vand.u32 $0x7F, v16;
	v16 =	vand.u32 $0x7F, v14;
	v14 =	vand.u32 $0x7F, v21  }
0x5d2: {  	v60 =	vor.u32 v23, v29;
	v29 =	vor.u32 v33, v43;
	v24 =	vor.u32 v41, v48  }
0x5d3: {  	v15 =	vor.u32 v13, v32;
	v13 =	vor.u32 v61, v34;
	[tilespmem:v11+s22+$0x0] =	vst.idx.add.f32.msk vm0, v8;
	v11 =	vshrl.u32 v31, $0x3  }
0x5d4: {  	s29 =	sadd.s32 $0x80, s29;
	v18 =	vor.u32 v10, v60;
	v10 =	vor.u32 v62, v38;
	v11 =	vmul.u32 $0x5000, v11  }
0x5d5: {  	p0 =	slt.u32 s29, $0x1300;
	v8 =	vmovc v56;
	v56 =	vshll.u32 v17, $0x3;
	v31 =	vshll.u32 v31, $0x7;
	v17 =	vand.u32 $0x7F, v20  }
.Ltmp33:
0x5d6: {  	v56 =	vand.u32 $0xFFFFFC00, v56;
	v31 =	vand.u32 $0x380, v31;
	v11 =	vadd.s32 v11, v50;
	(pc) =	sbr.rel @p0 .LBB2_68-.Ltmp33, $4  }
0x5d7: {  	v42 =	vadd.s32 v42, v56;
	v31 =	vor.u32 v31, v11;
	v11 =	vand.u32 $0x380, v40  }
0x5d8: {  	v42 =	vor.u32 v27, v42;
	v27 =	vor.u32 v36, v45;
	v23 =	vor.u32 v11, v58  }
0x5d9: {  	v11 =	vand.u32 $0x7F, v1;
	v1 =	vand.u32 $0x7F, v19;
	v21 =	vor.u32 v9, v31  }
0x5da: {  	s30 =	sadd.s32 $0x80, s30;
	v9 =	vor.u32 v63, v42;
	v20 =	vor.u32 v11, v59;
	v11 =	vand.u32 $0x7F, v22  }
0x5db: {  	vm0 =	vmmov vm2;
	_ =	sdelay $0x2  }
0x5dc: {  	vm2 =	vmmov vm3  }
0x5dd: {  	vm3 =	vmmov vm4;
	_ =	sdelay $0x1  }
0x5de: {  	[tilespmem:v20+s22+$0x0] =	vst.idx.add.f32.msk vm0, v7  }
0x5df: {  	v19 =	vld [tilespmem:$0x1FC40]  }
0x5e0: {  	[tilespmem:v21+s22+$0x0] =	vst.idx.add.f32.msk vm12, v7  }
0x5e1: {  	[tilespmem:v18+s22+$0x0] =	vst.idx.add.f32.msk vm2, v6  }
0x5e2: {  	[tilespmem:v15+s22+$0x0] =	vst.idx.add.f32.msk vm3, v6  }
0x5e3: {  	v15 =	vld [tilespmem:$0x1FC50]  }
0x5e4: {  	vm10 =	vmmov vm1;
	vm5 =	vmmov vm13  }
0x5e5: {  	v1 =	vor.u32 v1, v28;
	vm5 =	vnez.u8 v19  }
0x5e6: {  	v56 =	vor.u32 v12, v24;
	vm0 =	vmmov vm5  }
0x5e7: {  	v52 =	vor.u32 v30, v29  }
0x5e8: {  	vm6 =	vmmov vm12;
	[tilespmem:v13+s22+$0x0] =	vst.idx.add.f32.msk vm14, v4;
	vm12 =	vnez.u8 v15  }
0x5e9: {  	v53 =	vor.u32 v16, v27;
	[tilespmem:v9+s22+$0x0] =	vst.idx.add.f32.msk vm15, v2;
	vm3 =	vmmov vm12  }
0x5ea: {  	v54 =	vor.u32 v17, v26;
	[tilespmem:v1+s22+$0x0] =	vst.idx.add.f32.msk vm10, v3  }
0x5eb: {  	v55 =	vor.u32 v14, v25;
	[tilespmem:v56+s22+$0x0] =	vst.idx.add.f32.msk vm8, v8  }
0x5ec: {  	[tilespmem:v52+s22+$0x0] =	vst.idx.add.f32.msk vm0, v2;
	v2 =	vor.u32 v11, v23  }
0x5ed: {  	[tilespmem:v10+s22+$0x0] =	vst.idx.add.f32.msk vm13, v4  }
0x5ee: {  	[tilespmem:v53+s22+$0x0] =	vst.idx.add.f32.msk vm11, v3  }
0x5ef: {  	[tilespmem:v54+s22+$0x0] =	vst.idx.add.f32.msk vm3, v5  }
0x5f0: {  	[tilespmem:v55+s22+$0x0] =	vst.idx.add.f32.msk vm9, v5  }
0x5f1: {  	[tilespmem:v2+s22+$0x0] =	vst.idx.add.f32.msk vm7, v8  }
0x5f2: {  	v1 =	vld [tilespmem:$0xB380]  }
0x5f3: {  	v2 =	vld [tilespmem:$0xC780];
	_ =	sdelay $0x3  }
0x5f4: {  	vm1 =	vmmov vm14;
	vm6 =	vmmov vm15  }
0x5f5: {  	vm1 =	vmmov vm10;
	v3 =	vand.u32 $0xFFFFF, v1;
	v57 =	vand.u32 $0xFFFFF, v2  }
0x5f6: {  	v1 =	vshra.s32 v1, $0x14;
	v2 =	vshra.s32 v2, $0x14;
	v3 =	vadd.s32 $0xFFFFEC00, v3  }
0x5f7: {  	v4 =	vadd.s32 $0xFFFFEC00, v57;
	v58 =	vshrl.u32 v1, $0x3;
	vm15 =	vlt.u32 v3, $0xA00  }
0x5f8: {  	v60 =	vshrl.u32 v2, $0x3;
	v1 =	vshll.u32 v1, $0x7;
	v3 =	vnsel vm15, $0x0, v3  }
0x5f9: {  	v5 =	vmul.u32 $0x5000, v58;
	vm1 =	vlt.u32 v4, $0xA00;
	v59 =	vshll.u32 v3, $0x3  }
0x5fa: {  	v2 =	vshll.u32 v2, $0x7;
	v4 =	vnsel vm1, $0x0, v4;
	v6 =	vand.u32 $0xFFFFFC00, v59  }
0x5fb: {  	v61 =	vshll.u32 v4, $0x3;
	v5 =	vadd.s32 v5, v6;
	v6 =	vmul.u32 $0x5000, v60  }
0x5fc: {  	v1 =	vand.u32 $0x380, v1;
	v2 =	vand.u32 $0x380, v2;
	v7 =	vand.u32 $0xFFFFFC00, v61  }
0x5fd: {  	v3 =	vand.u32 $0x7F, v3;
	v1 =	vor.u32 v1, v5;
	v62 =	vadd.s32 v6, v7  }
0x5fe: {  	v63 =	vld [tilespmem:$0x10380];
	v1 =	vor.u32 v3, v1;
	v3 =	vand.u32 $0x7F, v4;
	v2 =	vor.u32 v2, v62  }
0x5ff: {  	v2 =	vor.u32 v3, v2;
	_ =	sdelay $0x3  }
0x600: {  	[tilespmem:v1+s22+$0x0] =	vst.idx.add.f32.msk vm15, v63  }
0x601: {  	[tilespmem:v2+s22+$0x0] =	vst.idx.add.f32.msk vm1, v63  }
0x602: {  	[hbm4b:s12+s4] =	stream.linear.scatter [tilespmem:s22], [sflag:$0x1], $0xA000, $0x38;
	[tilespmem:$0x1A400] =	vst v63  }
0x603: {  	_ =	swait.ge [sflag:s15], $0xA000  }
0x604: {  	[sflag:s15] =	ssyncset.done $0x0  }
0x605: {  	s26 =	simm.s32 $0x10440;
	[sflag:s15] =	ssyncadd.s32 $0xFFFF6000  }
0x606: {  	[tilespmem:s26+$0xFFFFFFC0] =	vst v0  }
0x607: {  	[tilespmem:s26+$0x30] =	vst v0  }
0x608: {  	[tilespmem:s26+$0x20] =	vst v0  }
0x609: {  	[tilespmem:s26+$0x10] =	vst v0  }
0x60a: {  	[tilespmem:s26+$0x0] =	vst v0  }
0x60b: {  	vm6 =	vmmov vm11;
	[tilespmem:s26+$0xFFFFFFF0] =	vst v0  }
0x60c: {  	vm4 =	vmmov vm9;
	s28 =	simm.s32 $0x0;
	vm6 =	vmmov vm7;
	vm5 =	vmmov vm8;
	[tilespmem:s26+$0xFFFFFFE0] =	vst v0  }
.LBB2_70:
0x60d: {  	s28 =	sadd.s32 $0x80, s28;
	[tilespmem:s26+$0xFFFFFFD0] =	vst v0;
	s26 =	sadd.s32 $0x400, s26  }
0x60e: {  	[tilespmem:s26+$0xFFFFFFC0] =	vst v0;
	p0 =	slt.u32 s28, $0x980  }
0x60f: {  	[tilespmem:s26+$0x30] =	vst v0  }
.Ltmp34:
0x610: {  	[tilespmem:s26+$0x20] =	vst v0;
	(pc) =	sbr.rel @p0 .LBB2_70-.Ltmp34, $4  }
0x611: {  	[tilespmem:s26+$0x10] =	vst v0  }
0x612: {  	[tilespmem:s26+$0x0] =	vst v0  }
0x613: {  	[tilespmem:s26+$0xFFFFFFF0] =	vst v0  }
0x614: {  	[tilespmem:s26+$0xFFFFFFE0] =	vst v0  }
0x615: {  	[tilespmem:s26+$0xFFFFFFD0] =	vst v0;
	s28 =	simm.s32 $0x104F0  }
0x616: {  	[tilespmem:s28+$0xFFFFFF90] =	vst v0  }
0x617: {  	[tilespmem:s28+$0x0] =	vst v0  }
0x618: {  	[tilespmem:s28+$0xFFFFFFF0] =	vst v0  }
0x619: {  	[tilespmem:s28+$0xFFFFFFE0] =	vst v0  }
0x61a: {  	[tilespmem:s28+$0xFFFFFFD0] =	vst v0  }
0x61b: {  	[tilespmem:s28+$0xFFFFFFC0] =	vst v0  }
0x61c: {  	s29 =	simm.s32 $0x0;
	[tilespmem:s28+$0xFFFFFFB0] =	vst v0  }
.LBB2_72:
0x61d: {  	s29 =	sadd.s32 $0x80, s29;
	[tilespmem:s28+$0xFFFFFFA0] =	vst v0;
	s28 =	sadd.s32 $0x400, s28  }
0x61e: {  	[tilespmem:s28+$0xFFFFFF90] =	vst v0;
	p0 =	slt.u32 s29, $0x980  }
0x61f: {  	[tilespmem:s28+$0x0] =	vst v0  }
.Ltmp35:
0x620: {  	[tilespmem:s28+$0xFFFFFFF0] =	vst v0;
	(pc) =	sbr.rel @p0 .LBB2_72-.Ltmp35, $4  }
0x621: {  	[tilespmem:s28+$0xFFFFFFE0] =	vst v0  }
0x622: {  	[tilespmem:s28+$0xFFFFFFD0] =	vst v0  }
0x623: {  	[tilespmem:s28+$0xFFFFFFC0] =	vst v0  }
0x624: {  	s26 =	simm.s32 $0x10570;
	[tilespmem:s28+$0xFFFFFFB0] =	vst v0  }
0x625: {  	[tilespmem:s28+$0xFFFFFFA0] =	vst v0  }
0x626: {  	[tilespmem:s26+$0xFFFFFF90] =	vst v0  }
0x627: {  	[tilespmem:s26+$0x0] =	vst v0  }
0x628: {  	[tilespmem:s26+$0xFFFFFFF0] =	vst v0  }
0x629: {  	[tilespmem:s26+$0xFFFFFFE0] =	vst v0  }
0x62a: {  	[tilespmem:s26+$0xFFFFFFD0] =	vst v0  }
0x62b: {  	[tilespmem:s26+$0xFFFFFFC0] =	vst v0  }
0x62c: {  	s28 =	simm.s32 $0x0;
	[tilespmem:s26+$0xFFFFFFB0] =	vst v0  }
.LBB2_74:
0x62d: {  	s28 =	sadd.s32 $0x80, s28;
	[tilespmem:s26+$0xFFFFFFA0] =	vst v0;
	s26 =	sadd.s32 $0x400, s26  }
0x62e: {  	[tilespmem:s26+$0xFFFFFF90] =	vst v0;
	p0 =	slt.u32 s28, $0x980  }
0x62f: {  	[tilespmem:s26+$0x0] =	vst v0  }
.Ltmp36:
0x630: {  	[tilespmem:s26+$0xFFFFFFF0] =	vst v0;
	(pc) =	sbr.rel @p0 .LBB2_74-.Ltmp36, $4  }
0x631: {  	[tilespmem:s26+$0xFFFFFFE0] =	vst v0  }
0x632: {  	[tilespmem:s26+$0xFFFFFFD0] =	vst v0  }
0x633: {  	[tilespmem:s26+$0xFFFFFFC0] =	vst v0  }
0x634: {  	[tilespmem:s26+$0xFFFFFFB0] =	vst v0  }
0x635: {  	[tilespmem:s26+$0xFFFFFFA0] =	vst v0;
	s28 =	simm.s32 $0x105F0  }
0x636: {  	[tilespmem:s28+$0xFFFFFF90] =	vst v0  }
0x637: {  	[tilespmem:s28+$0x0] =	vst v0  }
0x638: {  	[tilespmem:s28+$0xFFFFFFF0] =	vst v0  }
0x639: {  	[tilespmem:s28+$0xFFFFFFE0] =	vst v0  }
0x63a: {  	[tilespmem:s28+$0xFFFFFFD0] =	vst v0  }
0x63b: {  	[tilespmem:s28+$0xFFFFFFC0] =	vst v0  }
0x63c: {  	s29 =	simm.s32 $0x0;
	[tilespmem:s28+$0xFFFFFFB0] =	vst v0  }
.LBB2_76:
0x63d: {  	s29 =	sadd.s32 $0x80, s29;
	[tilespmem:s28+$0xFFFFFFA0] =	vst v0;
	s28 =	sadd.s32 $0x400, s28  }
0x63e: {  	[tilespmem:s28+$0xFFFFFF90] =	vst v0;
	p0 =	slt.u32 s29, $0x980  }
0x63f: {  	[tilespmem:s28+$0x0] =	vst v0  }
.Ltmp37:
0x640: {  	[tilespmem:s28+$0xFFFFFFF0] =	vst v0;
	(pc) =	sbr.rel @p0 .LBB2_76-.Ltmp37, $4  }
0x641: {  	[tilespmem:s28+$0xFFFFFFE0] =	vst v0  }
0x642: {  	[tilespmem:s28+$0xFFFFFFD0] =	vst v0  }
0x643: {  	[tilespmem:s28+$0xFFFFFFC0] =	vst v0  }
0x644: {  	s26 =	simm.s32 $0x10670;
	[tilespmem:s28+$0xFFFFFFB0] =	vst v0  }
0x645: {  	[tilespmem:s28+$0xFFFFFFA0] =	vst v0  }
0x646: {  	[tilespmem:s26+$0xFFFFFF90] =	vst v0  }
0x647: {  	[tilespmem:s26+$0x0] =	vst v0  }
0x648: {  	[tilespmem:s26+$0xFFFFFFF0] =	vst v0  }
0x649: {  	[tilespmem:s26+$0xFFFFFFE0] =	vst v0  }
0x64a: {  	[tilespmem:s26+$0xFFFFFFD0] =	vst v0  }
0x64b: {  	[tilespmem:s26+$0xFFFFFFC0] =	vst v0  }
0x64c: {  	s28 =	simm.s32 $0x0;
	[tilespmem:s26+$0xFFFFFFB0] =	vst v0  }
.LBB2_78:
0x64d: {  	s28 =	sadd.s32 $0x80, s28;
	[tilespmem:s26+$0xFFFFFFA0] =	vst v0;
	s26 =	sadd.s32 $0x400, s26  }
0x64e: {  	[tilespmem:s26+$0xFFFFFF90] =	vst v0;
	p0 =	slt.u32 s28, $0x980  }
0x64f: {  	[tilespmem:s26+$0x0] =	vst v0  }
.Ltmp38:
0x650: {  	[tilespmem:s26+$0xFFFFFFF0] =	vst v0;
	(pc) =	sbr.rel @p0 .LBB2_78-.Ltmp38, $4  }
0x651: {  	[tilespmem:s26+$0xFFFFFFE0] =	vst v0  }
0x652: {  	[tilespmem:s26+$0xFFFFFFD0] =	vst v0  }
0x653: {  	[tilespmem:s26+$0xFFFFFFC0] =	vst v0  }
0x654: {  	[tilespmem:s26+$0xFFFFFFB0] =	vst v0  }
0x655: {  	[tilespmem:s26+$0xFFFFFFA0] =	vst v0;
	s28 =	simm.s32 $0x106F0  }
0x656: {  	[tilespmem:s28+$0xFFFFFF90] =	vst v0  }
0x657: {  	[tilespmem:s28+$0x0] =	vst v0  }
0x658: {  	[tilespmem:s28+$0xFFFFFFF0] =	vst v0  }
0x659: {  	[tilespmem:s28+$0xFFFFFFE0] =	vst v0  }
0x65a: {  	[tilespmem:s28+$0xFFFFFFD0] =	vst v0  }
0x65b: {  	[tilespmem:s28+$0xFFFFFFC0] =	vst v0  }
0x65c: {  	s29 =	simm.s32 $0x0;
	[tilespmem:s28+$0xFFFFFFB0] =	vst v0  }
.LBB2_80:
0x65d: {  	s29 =	sadd.s32 $0x80, s29;
	[tilespmem:s28+$0xFFFFFFA0] =	vst v0;
	s28 =	sadd.s32 $0x400, s28  }
0x65e: {  	[tilespmem:s28+$0xFFFFFF90] =	vst v0;
	p0 =	slt.u32 s29, $0x980  }
0x65f: {  	[tilespmem:s28+$0x0] =	vst v0  }
.Ltmp39:
0x660: {  	[tilespmem:s28+$0xFFFFFFF0] =	vst v0;
	(pc) =	sbr.rel @p0 .LBB2_80-.Ltmp39, $4  }
0x661: {  	[tilespmem:s28+$0xFFFFFFE0] =	vst v0  }
0x662: {  	[tilespmem:s28+$0xFFFFFFD0] =	vst v0  }
0x663: {  	[tilespmem:s28+$0xFFFFFFC0] =	vst v0  }
0x664: {  	s26 =	simm.s32 $0x10770;
	[tilespmem:s28+$0xFFFFFFB0] =	vst v0  }
0x665: {  	[tilespmem:s28+$0xFFFFFFA0] =	vst v0  }
0x666: {  	[tilespmem:s26+$0xFFFFFF90] =	vst v0  }
0x667: {  	[tilespmem:s26+$0x0] =	vst v0  }
0x668: {  	[tilespmem:s26+$0xFFFFFFF0] =	vst v0  }
0x669: {  	[tilespmem:s26+$0xFFFFFFE0] =	vst v0  }
0x66a: {  	[tilespmem:s26+$0xFFFFFFD0] =	vst v0  }
0x66b: {  	[tilespmem:s26+$0xFFFFFFC0] =	vst v0  }
0x66c: {  	s28 =	simm.s32 $0x0;
	[tilespmem:s26+$0xFFFFFFB0] =	vst v0  }
.LBB2_82:
0x66d: {  	s28 =	sadd.s32 $0x80, s28;
	[tilespmem:s26+$0xFFFFFFA0] =	vst v0;
	s26 =	sadd.s32 $0x400, s26  }
0x66e: {  	[tilespmem:s26+$0xFFFFFF90] =	vst v0;
	p0 =	slt.u32 s28, $0x980  }
0x66f: {  	[tilespmem:s26+$0x0] =	vst v0  }
.Ltmp40:
0x670: {  	[tilespmem:s26+$0xFFFFFFF0] =	vst v0;
	(pc) =	sbr.rel @p0 .LBB2_82-.Ltmp40, $4  }
0x671: {  	[tilespmem:s26+$0xFFFFFFE0] =	vst v0  }
0x672: {  	[tilespmem:s26+$0xFFFFFFD0] =	vst v0  }
0x673: {  	[tilespmem:s26+$0xFFFFFFC0] =	vst v0  }
0x674: {  	[tilespmem:s26+$0xFFFFFFB0] =	vst v0  }
0x675: {  	[tilespmem:s26+$0xFFFFFFA0] =	vst v0;
	s28 =	simm.s32 $0x107F0  }
0x676: {  	[tilespmem:s28+$0xFFFFFF90] =	vst v0  }
0x677: {  	[tilespmem:s28+$0x0] =	vst v0  }
0x678: {  	[tilespmem:s28+$0xFFFFFFF0] =	vst v0  }
0x679: {  	[tilespmem:s28+$0xFFFFFFE0] =	vst v0  }
0x67a: {  	[tilespmem:s28+$0xFFFFFFD0] =	vst v0  }
0x67b: {  	[tilespmem:s28+$0xFFFFFFC0] =	vst v0  }
0x67c: {  	s29 =	simm.s32 $0x0;
	[tilespmem:s28+$0xFFFFFFB0] =	vst v0  }
.LBB2_84:
0x67d: {  	s29 =	sadd.s32 $0x80, s29;
	[tilespmem:s28+$0xFFFFFFA0] =	vst v0;
	s28 =	sadd.s32 $0x400, s28  }
0x67e: {  	[tilespmem:s28+$0xFFFFFF90] =	vst v0;
	p0 =	slt.u32 s29, $0x980  }
0x67f: {  	[tilespmem:s28+$0x0] =	vst v0  }
.Ltmp41:
0x680: {  	[tilespmem:s28+$0xFFFFFFF0] =	vst v0;
	(pc) =	sbr.rel @p0 .LBB2_84-.Ltmp41, $4  }
0x681: {  	[tilespmem:s28+$0xFFFFFFE0] =	vst v0  }
0x682: {  	[tilespmem:s28+$0xFFFFFFD0] =	vst v0  }
0x683: {  	[tilespmem:s28+$0xFFFFFFC0] =	vst v0  }
0x684: {  	s26 =	simm.s32 $0x15470;
	[tilespmem:s28+$0xFFFFFFB0] =	vst v0  }
0x685: {  	[tilespmem:s28+$0xFFFFFFA0] =	vst v0  }
0x686: {  	[tilespmem:s26+$0xFFFFFF90] =	vst v0  }
0x687: {  	[tilespmem:s26+$0x0] =	vst v0  }
0x688: {  	[tilespmem:s26+$0xFFFFFFF0] =	vst v0  }
0x689: {  	[tilespmem:s26+$0xFFFFFFE0] =	vst v0  }
0x68a: {  	[tilespmem:s26+$0xFFFFFFD0] =	vst v0  }
0x68b: {  	[tilespmem:s26+$0xFFFFFFC0] =	vst v0  }
0x68c: {  	s28 =	simm.s32 $0x0;
	[tilespmem:s26+$0xFFFFFFB0] =	vst v0  }
.LBB2_86:
0x68d: {  	s28 =	sadd.s32 $0x80, s28;
	[tilespmem:s26+$0xFFFFFFA0] =	vst v0;
	s26 =	sadd.s32 $0x400, s26  }
0x68e: {  	[tilespmem:s26+$0xFFFFFF90] =	vst v0;
	p0 =	slt.u32 s28, $0x980  }
0x68f: {  	[tilespmem:s26+$0x0] =	vst v0  }
.Ltmp42:
0x690: {  	[tilespmem:s26+$0xFFFFFFF0] =	vst v0;
	(pc) =	sbr.rel @p0 .LBB2_86-.Ltmp42, $4  }
0x691: {  	[tilespmem:s26+$0xFFFFFFE0] =	vst v0  }
0x692: {  	[tilespmem:s26+$0xFFFFFFD0] =	vst v0  }
0x693: {  	[tilespmem:s26+$0xFFFFFFC0] =	vst v0  }
0x694: {  	[tilespmem:s26+$0xFFFFFFB0] =	vst v0  }
0x695: {  	[tilespmem:s26+$0xFFFFFFA0] =	vst v0;
	s30 =	simm.s32 $0x154F0  }
0x696: {  	[tilespmem:s30+$0xFFFFFF90] =	vst v0  }
0x697: {  	[tilespmem:s30+$0x0] =	vst v0  }
0x698: {  	[tilespmem:s30+$0xFFFFFFF0] =	vst v0  }
0x699: {  	[tilespmem:s30+$0xFFFFFFE0] =	vst v0  }
0x69a: {  	[tilespmem:s30+$0xFFFFFFD0] =	vst v0  }
0x69b: {  	[tilespmem:s30+$0xFFFFFFC0] =	vst v0  }
0x69c: {  	s31 =	simm.s32 $0x0;
	[tilespmem:s30+$0xFFFFFFB0] =	vst v0  }
.LBB2_88:
0x69d: {  	s31 =	sadd.s32 $0x80, s31;
	[tilespmem:s30+$0xFFFFFFA0] =	vst v0;
	s30 =	sadd.s32 $0x400, s30  }
0x69e: {  	[tilespmem:s30+$0xFFFFFF90] =	vst v0;
	p0 =	slt.u32 s31, $0x980  }
0x69f: {  	[tilespmem:s30+$0x0] =	vst v0  }
.Ltmp43:
0x6a0: {  	[tilespmem:s30+$0xFFFFFFF0] =	vst v0;
	(pc) =	sbr.rel @p0 .LBB2_88-.Ltmp43, $4  }
0x6a1: {  	[tilespmem:s30+$0xFFFFFFE0] =	vst v0  }
0x6a2: {  	[tilespmem:s30+$0xFFFFFFD0] =	vst v0  }
0x6a3: {  	[tilespmem:s30+$0xFFFFFFC0] =	vst v0  }
0x6a4: {  	s29 =	simm.s32 $0xA040;
	s26 =	simm.s32 $0xB440;
	s28 =	simm.s32 $0xF040;
	[tilespmem:s30+$0xFFFFFFB0] =	vst v0  }
0x6a5: {  	[tilespmem:s30+$0xFFFFFFA0] =	vst v0  }
0x6a6: {  	v1 =	vld [tilespmem:s29+$0x30]  }
0x6a7: {  	v2 =	vld [tilespmem:s26+$0x30]  }
0x6a8: {  	v3 =	vld [tilespmem:s26+$0xFFFFFFC0]  }
0x6a9: {  	v4 =	vld [tilespmem:s29+$0xFFFFFFD0]  }
0x6aa: {  	v6 =	vld [tilespmem:s29+$0xFFFFFFE0]  }
0x6ab: {  	v9 =	vld [tilespmem:s26+$0xFFFFFFE0]  }
0x6ac: {  	v11 =	vld [tilespmem:s29+$0xFFFFFFF0]  }
0x6ad: {  	v13 =	vld [tilespmem:s26+$0xFFFFFFF0]  }
0x6ae: {  	v14 =	vld [tilespmem:s29+$0x0]  }
0x6af: {  	v15 =	vld [tilespmem:s26+$0x0]  }
0x6b0: {  	v17 =	vld [tilespmem:s29+$0x10]  }
0x6b1: {  	v19 =	vld [tilespmem:s26+$0x10]  }
0x6b2: {  	v5 =	vld [tilespmem:s26+$0xFFFFFFD0]  }
0x6b3: {  	v7 =	vshra.s32 v1, $0x14;
	v8 =	vshra.s32 v2, $0x14;
	v1 =	vand.u32 $0xFFFFF, v1  }
0x6b4: {  	v2 =	vand.u32 $0xFFFFF, v2;
	v20 =	vand.u32 $0xFFFFF, v6;
	v21 =	vand.u32 $0xFFFFF, v9  }
0x6b5: {  	v22 =	vand.u32 $0xFFFFF, v11;
	v23 =	vand.u32 $0xFFFFF, v13;
	v24 =	vand.u32 $0xFFFFF, v14  }
0x6b6: {  	v25 =	vand.u32 $0xFFFFF, v15;
	v26 =	vand.u32 $0xFFFFF, v17;
	v27 =	vand.u32 $0xFFFFF, v19  }
0x6b7: {  	v32 =	vshra.s32 v3, $0x14;
	v33 =	vshra.s32 v4, $0x14;
	v34 =	vshra.s32 v5, $0x14  }
0x6b8: {  	v35 =	vshra.s32 v6, $0x14;
	v36 =	vshra.s32 v9, $0x14;
	v37 =	vshra.s32 v11, $0x14  }
0x6b9: {  	v38 =	vshra.s32 v13, $0x14;
	v39 =	vshra.s32 v14, $0x14;
	v40 =	vshra.s32 v15, $0x14  }
0x6ba: {  	v41 =	vshra.s32 v17, $0x14;
	v19 =	vshra.s32 v19, $0x14;
	v10 =	vshll.u32 v7, $0x7  }
0x6bb: {  	v1 =	vadd.s32 $0xFFFFE200, v1;
	v7 =	vshrl.u32 v7, $0x3;
	v12 =	vshll.u32 v8, $0x7  }
0x6bc: {  	v2 =	vadd.s32 $0xFFFFE200, v2;
	v8 =	vshrl.u32 v8, $0x3;
	v20 =	vadd.s32 $0xFFFFE200, v20  }
0x6bd: {  	v21 =	vadd.s32 $0xFFFFE200, v21;
	v22 =	vadd.s32 $0xFFFFE200, v22;
	v23 =	vadd.s32 $0xFFFFE200, v23  }
0x6be: {  	v24 =	vadd.s32 $0xFFFFE200, v24;
	v25 =	vadd.s32 $0xFFFFE200, v25;
	v26 =	vadd.s32 $0xFFFFE200, v26  }
0x6bf: {  	v27 =	vadd.s32 $0xFFFFE200, v27;
	vm1 =	vlt.u32 v1, $0xA00;
	vm0 =	vlt.u32 v2, $0xA00  }
0x6c0: {  	v10 =	vand.u32 $0x380, v10;
	v7 =	vmul.u32 $0x5000, v7;
	v8 =	vmul.u32 $0x5000, v8  }
0x6c1: {  	v12 =	vand.u32 $0x380, v12;
	vm14 =	vlt.u32 v20, $0xA00;
	vm13 =	vlt.u32 v21, $0xA00  }
0x6c2: {  	vm15 =	vlt.u32 v22, $0xA00;
	vm5 =	vlt.u32 v23, $0xA00;
	vm3 =	vlt.u32 v24, $0xA00  }
0x6c3: {  	vm11 =	vlt.u32 v25, $0xA00;
	vm2 =	vlt.u32 v26, $0xA00;
	vm9 =	vlt.u32 v27, $0xA00  }
0x6c4: {  	v1 =	vnsel vm1, $0x0, v1;
	v2 =	vnsel vm0, $0x0, v2;
	v14 =	vnsel vm14, $0x0, v20  }
0x6c5: {  	v15 =	vnsel vm13, $0x0, v21;
	v11 =	vnsel vm15, $0x0, v22;
	v13 =	vnsel vm3, $0x0, v24  }
0x6c6: {  	v9 =	vnsel vm2, $0x0, v26;
	v20 =	vshrl.u32 v32, $0x3;
	v21 =	vshrl.u32 v33, $0x3  }
0x6c7: {  	v22 =	vshrl.u32 v34, $0x3;
	v24 =	vshrl.u32 v36, $0x3;
	v26 =	vshrl.u32 v38, $0x3  }
0x6c8: {  	v32 =	vshll.u32 v32, $0x7;
	v33 =	vshll.u32 v33, $0x7;
	v34 =	vshll.u32 v34, $0x7  }
0x6c9: {  	v36 =	vshll.u32 v36, $0x7;
	v38 =	vshll.u32 v38, $0x7;
	v16 =	vshll.u32 v1, $0x3  }
0x6ca: {  	v18 =	vshll.u32 v2, $0x3;
	v1 =	vand.u32 $0x7F, v1;
	v2 =	vand.u32 $0x7F, v2  }
0x6cb: {  	v49 =	vshll.u32 v14, $0x3;
	v50 =	vshll.u32 v15, $0x3;
	v51 =	vshll.u32 v11, $0x3  }
0x6cc: {  	v53 =	vshll.u32 v13, $0x3;
	v55 =	vshll.u32 v9, $0x3;
	v20 =	vmul.u32 $0x5000, v20  }
0x6cd: {  	v21 =	vmul.u32 $0x5000, v21;
	v22 =	vmul.u32 $0x5000, v22;
	v24 =	vmul.u32 $0x5000, v24  }
0x6ce: {  	v26 =	vmul.u32 $0x5000, v26;
	v16 =	vand.u32 $0xFFFFFC00, v16;
	v49 =	vand.u32 $0xFFFFFC00, v49  }
0x6cf: {  	v50 =	vand.u32 $0xFFFFFC00, v50;
	v51 =	vand.u32 $0xFFFFFC00, v51;
	v53 =	vand.u32 $0xFFFFFC00, v53  }
0x6d0: {  	v55 =	vand.u32 $0xFFFFFC00, v55;
	v7 =	vadd.s32 v7, v16;
	v16 =	vand.u32 $0xFFFFFC00, v18  }
0x6d1: {  	v24 =	vadd.s32 v24, v50;
	v50 =	vand.u32 $0x380, v36;
	v7 =	vor.u32 v10, v7  }
0x6d2: {  	v8 =	vadd.s32 v8, v16;
	v16 =	vand.u32 $0xFFFFF, v4;
	v1 =	vor.u32 v1, v7  }
0x6d3: {  	v7 =	vor.u32 v12, v8;
	v12 =	vand.u32 $0xFFFFF, v3;
	v31 =	vadd.s32 $0xFFFFE200, v16  }
0x6d4: {  	v18 =	vld [tilespmem:s29+$0x20];
	v3 =	vimm.s32 $0x0;
	v2 =	vor.u32 v2, v7;
	v7 =	vand.u32 $0xFFFFF, v5  }
0x6d5: {  	v12 =	vadd.s32 $0xFFFFE200, v12;
	vm10 =	vlt.u32 v31, $0xA00;
	v3 =	vsel vm5, $0xFFFFFFFF, v3  }
0x6d6: {  	v10 =	vld [tilespmem:s26+$0x20];
	v5 =	vimm.s32 $0x0;
	v7 =	vadd.s32 $0xFFFFE200, v7;
	vm12 =	vlt.u32 v12, $0xA00  }
0x6d7: {  	v8 =	vld [tilespmem:s29+$0xFFFFFFC0];
	v17 =	vnsel vm10, $0x0, v31;
	[tilespmem:$0x1FBA0] =	vst v3;
	v3 =	vnsel vm11, $0x0, v25;
	v5 =	vsel vm2, $0xFFFFFFFF, v5  }
0x6d8: {  	v25 =	vshrl.u32 v37, $0x3;
	v31 =	vshrl.u32 v19, $0x3;
	v37 =	vshll.u32 v37, $0x7  }
0x6d9: {  	v19 =	vshll.u32 v19, $0x7;
	v28 =	vand.u32 $0xFFFFF, v18;
	vm4 =	vlt.u32 v7, $0xA00  }
0x6da: {  	v18 =	vshra.s32 v18, $0x14;
	v47 =	vshll.u32 v17, $0x3;
	v54 =	vshll.u32 v3, $0x3  }
0x6db: {  	v25 =	vmul.u32 $0x5000, v25;
	v31 =	vmul.u32 $0x5000, v31;
	v19 =	vand.u32 $0x380, v19  }
0x6dc: {  	v29 =	vand.u32 $0xFFFFF, v10;
	v28 =	vadd.s32 $0xFFFFE200, v28;
	v42 =	vshra.s32 v10, $0x14  }
0x6dd: {  	v4 =	vnsel vm4, $0x0, v7;
	v10 =	vnsel vm9, $0x0, v27;
	v27 =	vshrl.u32 v39, $0x3  }
0x6de: {  	v43 =	vshrl.u32 v18, $0x3;
	v47 =	vand.u32 $0xFFFFFC00, v47;
	v54 =	vand.u32 $0xFFFFFC00, v54  }
0x6df: {  	v39 =	vshll.u32 v39, $0x7;
	v18 =	vshll.u32 v18, $0x7;
	v30 =	vand.u32 $0xFFFFF, v8  }
0x6e0: {  	v29 =	vadd.s32 $0xFFFFE200, v29;
	vm8 =	vlt.u32 v28, $0xA00;
	v46 =	vshrl.u32 v42, $0x3  }
0x6e1: {  	v48 =	vshll.u32 v4, $0x3;
	v56 =	vshll.u32 v10, $0x3;
	v27 =	vmul.u32 $0x5000, v27  }
0x6e2: {  	v43 =	vmul.u32 $0x5000, v43;
	v42 =	vshll.u32 v42, $0x7;
	v21 =	vadd.s32 v21, v47  }
0x6e3: {  	v25 =	vadd.s32 v25, v51;
	v51 =	vand.u32 $0x380, v37;
	v18 =	vand.u32 $0x380, v18  }
0x6e4: {  	v16 =	vadd.s32 $0xFFFFE200, v30;
	v30 =	vshra.s32 v8, $0x14;
	vm7 =	vlt.u32 v29, $0xA00  }
0x6e5: {  	[tilespmem:$0x1FBB0] =	vst v5;
	v5 =	vnsel vm8, $0x0, v28;
	v28 =	vshrl.u32 v40, $0x3;
	v46 =	vmul.u32 $0x5000, v46  }
0x6e6: {  	v48 =	vand.u32 $0xFFFFFC00, v48;
	v56 =	vand.u32 $0xFFFFFC00, v56;
	v40 =	vshll.u32 v40, $0x7  }
0x6e7: {  	v59 =	vor.u32 v51, v25;
	vm6 =	vlt.u32 v16, $0xA00;
	v7 =	vshrl.u32 v30, $0x3  }
0x6e8: {  	v8 =	vnsel vm7, $0x0, v29;
	v29 =	vshrl.u32 v41, $0x3;
	v57 =	vshll.u32 v5, $0x3  }
0x6e9: {  	v28 =	vmul.u32 $0x5000, v28;
	v30 =	vshll.u32 v30, $0x7;
	v41 =	vshll.u32 v41, $0x7  }
0x6ea: {  	v22 =	vadd.s32 v22, v48;
	v27 =	vadd.s32 v27, v53;
	v31 =	vadd.s32 v31, v56  }
0x6eb: {  	v48 =	vand.u32 $0x380, v34;
	v53 =	vand.u32 $0x380, v39;
	v6 =	vnsel vm6, $0x0, v16  }
0x6ec: {  	v16 =	vnsel vm12, $0x0, v12;
	v12 =	vnsel vm5, $0x0, v23;
	vm2 =	vmmov vm6  }
0x6ed: {  	v23 =	vshrl.u32 v35, $0x3;
	v58 =	vshll.u32 v8, $0x3;
	v7 =	vmul.u32 $0x5000, v7  }
0x6ee: {  	v60 =	vld [tilespmem:s28+$0x30];
	v29 =	vmul.u32 $0x5000, v29;
	v57 =	vand.u32 $0xFFFFFC00, v57;
	v35 =	vshll.u32 v35, $0x7  }
0x6ef: {  	v22 =	vor.u32 v48, v22;
	v25 =	vor.u32 v19, v31;
	v31 =	vand.u32 $0x7F, v17  }
0x6f0: {  	v17 =	vand.u32 $0x7F, v9;
	v44 =	vshll.u32 v6, $0x3;
	v45 =	vshll.u32 v16, $0x3  }
0x6f1: {  	v52 =	vshll.u32 v12, $0x3;
	v23 =	vmul.u32 $0x5000, v23;
	v58 =	vand.u32 $0xFFFFFC00, v58  }
0x6f2: {  	v61 =	vadd.s32 v28, v54;
	v28 =	vand.u32 $0x380, v30;
	v30 =	vadd.s32 v43, v57  }
0x6f3: {  	v54 =	vand.u32 $0x380, v40;
	[tilespmem:v1+s22+$0x0] =	vst.idx.add.f32.msk vm1, v60;
	vm1 =	vmmov vm3;
	vm3 =	vmmov vm10  }
0x6f4: {  	v1 =	vand.u32 $0x380, v41;
	v19 =	vand.u32 $0x7F, v16;
	v16 =	vand.u32 $0x7F, v3  }
0x6f5: {  	v44 =	vand.u32 $0xFFFFFC00, v44;
	v45 =	vand.u32 $0xFFFFFC00, v45;
	v52 =	vand.u32 $0xFFFFFC00, v52  }
0x6f6: {  	v62 =	vadd.s32 v29, v55;
	v63 =	vadd.s32 v46, v58;
	v29 =	vand.u32 $0x380, v32  }
0x6f7: {  	v46 =	vand.u32 $0x380, v33;
	[tilespmem:v2+s22+$0x0] =	vst.idx.add.f32.msk vm0, v60;
	v2 =	vand.u32 $0x380, v42;
	v58 =	vor.u32 v50, v24  }
0x6f8: {  	v24 =	vor.u32 v18, v30;
	v18 =	vand.u32 $0x7F, v6;
	v60 =	vand.u32 $0x7F, v4  }
0x6f9: {  	v30 =	vand.u32 $0x7F, v12;
	v12 =	vand.u32 $0x7F, v5;
	v7 =	vadd.s32 v7, v44  }
0x6fa: {  	v20 =	vadd.s32 v20, v45;
	v23 =	vadd.s32 v23, v49;
	v26 =	vadd.s32 v26, v52  }
0x6fb: {  	v49 =	vand.u32 $0x380, v35;
	v52 =	vand.u32 $0x380, v38;
	v32 =	vor.u32 v46, v21  }
0x6fc: {  	v3 =	vld [tilespmem:s28+$0x0];
	v55 =	vor.u32 v28, v7;
	v56 =	vor.u32 v29, v20;
	v57 =	vor.u32 v49, v23  }
0x6fd: {  	v6 =	vld [tilespmem:s28+$0xFFFFFFD0];
	v29 =	vor.u32 v52, v26;
	v28 =	vor.u32 v53, v27;
	v27 =	vor.u32 v54, v61  }
0x6fe: {  	v4 =	vld [tilespmem:s28+$0xFFFFFFE0];
	v26 =	vor.u32 v1, v62;
	v23 =	vor.u32 v2, v63;
	v61 =	vand.u32 $0x7F, v14  }
0x6ff: {  	v5 =	vld [tilespmem:s28+$0x10];
	v62 =	vand.u32 $0x7F, v15;
	v63 =	vand.u32 $0x7F, v11;
	v1 =	vand.u32 $0x7F, v13  }
0x700: {  	v7 =	vld [tilespmem:s28+$0xFFFFFFC0];
	v14 =	vand.u32 $0x7F, v10;
	v11 =	vand.u32 $0x7F, v8;
	v15 =	vor.u32 v60, v22  }
0x701: {  	v2 =	vld [tilespmem:s28+$0xFFFFFFF0];
	v20 =	vor.u32 v18, v55;
	v21 =	vor.u32 v19, v56;
	v18 =	vor.u32 v31, v32  }
0x702: {  	s30 =	simm.s32 $0xA0C0;
	s29 =	simm.s32 $0x0;
	v8 =	vld [tilespmem:s28+$0x20];
	v13 =	vor.u32 v61, v57;
	v10 =	vor.u32 v62, v58;
	v9 =	vor.u32 v63, v59  }
.LBB2_90:
0x703: {  	v31 =	vld [tilespmem:s30+$0x30];
	vm0 =	vmmov vm2;
	v12 =	vor.u32 v12, v24  }
0x704: {  	v11 =	vor.u32 v11, v23;
	v23 =	vld [tilespmem:s30+$0xFFFFFFD0];
	vm2 =	vmmov vm15;
	v24 =	vimm.s32 $0x0  }
0x705: {  	v16 =	vor.u32 v16, v27;
	v27 =	vld [tilespmem:s30+$0xFFFFFFF0];
	v24 =	vsel vm2, $0xFFFFFFFF, v24  }
0x706: {  	v19 =	vor.u32 v30, v29;
	v1 =	vor.u32 v1, v28;
	[tilespmem:$0x1FB20] =	vst v24;
	v24 =	vld [tilespmem:$0x1FBA0]  }
0x707: {  	vm10 =	vmmov vm8;
	vm8 =	vmmov vm12;
	vm6 =	vmmov vm3;
	v35 =	vld [tilespmem:s30+$0x0]  }
0x708: {  	v17 =	vor.u32 v17, v26;
	v14 =	vor.u32 v14, v25;
	vm12 =	vmmov vm7;
	v37 =	vld [tilespmem:s30+$0x10]  }
0x709: {  	vm7 =	vmmov vm4;
	vm5 =	vmmov vm14;
	vm14 =	vmmov vm13;
	v41 =	vld [tilespmem:s30+$0x20]  }
0x70a: {  	s26 =	sadd.s32 $0x80, s26;
	v25 =	vimm.s32 $0x0;
	v26 =	vimm.s32 $0x0;
	v29 =	vshra.s32 v31, $0x14  }
0x70b: {  	v28 =	vld [tilespmem:s26+$0x30];
	v31 =	vand.u32 $0xFFFFF, v31;
	v59 =	vand.u32 $0xFFFFF, v23;
	vm4 =	vnez.u8 v24  }
0x70c: {  	v22 =	vld [tilespmem:s26+$0xFFFFFFC0];
	v46 =	vand.u32 $0xFFFFF, v27;
	v24 =	vimm.s32 $0x0;
	vm2 =	vmmov vm4  }
0x70d: {  	v33 =	vld [tilespmem:s26+$0xFFFFFFF0];
	v48 =	vand.u32 $0xFFFFF, v35;
	v24 =	vsel vm2, $0xFFFFFFFF, v24;
	vm2 =	vmmov vm1  }
0x70e: {  	v36 =	vld [tilespmem:s26+$0x0];
	v51 =	vand.u32 $0xFFFFF, v37;
	v53 =	vand.u32 $0xFFFFF, v41;
	v25 =	vsel vm2, $0xFFFFFFFF, v25  }
0x70f: {  	v39 =	vld [tilespmem:s26+$0x10];
	v23 =	vshra.s32 v23, $0x14;
	vm1 =	vmmov vm11;
	[tilespmem:$0x1FB40] =	vst v25;
	v25 =	vimm.s32 $0x0  }
0x710: {  	v27 =	vshra.s32 v27, $0x14;
	v35 =	vshra.s32 v35, $0x14;
	v25 =	vsel vm1, $0xFFFFFFFF, v25  }
0x711: {  	v37 =	vshra.s32 v37, $0x14;
	v41 =	vshra.s32 v41, $0x14;
	v30 =	vshra.s32 v28, $0x14;
	[tilespmem:$0x1FB50] =	vst v25;
	v25 =	vld [tilespmem:$0x1FBB0]  }
0x712: {  	v28 =	vand.u32 $0xFFFFF, v28;
	v32 =	vshll.u32 v29, $0x7;
	v31 =	vadd.s32 $0xFFFFE200, v31  }
0x713: {  	v29 =	vshrl.u32 v29, $0x3;
	v58 =	vand.u32 $0xFFFFF, v22;
	v47 =	vand.u32 $0xFFFFF, v33  }
0x714: {  	v50 =	vand.u32 $0xFFFFF, v36;
	v52 =	vand.u32 $0xFFFFF, v39;
	v61 =	vadd.s32 $0xFFFFE200, v46  }
0x715: {  	v48 =	vadd.s32 $0xFFFFE200, v48;
	v51 =	vadd.s32 $0xFFFFE200, v51;
	v53 =	vadd.s32 $0xFFFFE200, v53  }
0x716: {  	s28 =	sadd.s32 $0x80, s28;
	v33 =	vshra.s32 v33, $0x14;
	v36 =	vshra.s32 v36, $0x14;
	vm11 =	vnez.u8 v25  }
0x717: {  	v45 =	vld [tilespmem:s28+$0xFFFFFFD0];
	v39 =	vshra.s32 v39, $0x14;
	v25 =	vimm.s32 $0x0;
	vm1 =	vmmov vm11  }
0x718: {  	v46 =	vshrl.u32 v37, $0x3;
	[tilespmem:$0x1FB30] =	vst v24;
	v24 =	vld [tilespmem:s26+$0xFFFFFFD0];
	v25 =	vsel vm1, $0xFFFFFFFF, v25;
	vm1 =	vmmov vm9  }
0x719: {  	v37 =	vshll.u32 v37, $0x7;
	v34 =	vshll.u32 v30, $0x7;
	[tilespmem:v18+s22+$0x0] =	vst.idx.add.f32.msk vm6, v6;
	v26 =	vsel vm1, $0xFFFFFFFF, v26  }
0x71a: {  	v28 =	vadd.s32 $0xFFFFE200, v28;
	vm1 =	vmmov vm10;
	[tilespmem:$0x1FB70] =	vst v26;
	v26 =	vimm.s32 $0x0  }
0x71b: {  	v30 =	vshrl.u32 v30, $0x3;
	v32 =	vand.u32 $0x380, v32;
	[tilespmem:v15+s22+$0x0] =	vst.idx.add.f32.msk vm7, v6;
	v26 =	vsel vm1, $0xFFFFFFFF, v26  }
0x71c: {  	v49 =	vld [tilespmem:s28+$0xFFFFFFE0];
	v29 =	vmul.u32 $0x5000, v29;
	vm1 =	vmmov vm12;
	[tilespmem:$0x1FB80] =	vst v26;
	v26 =	vimm.s32 $0x0  }
0x71d: {  	v62 =	vadd.s32 $0xFFFFE200, v47;
	v50 =	vadd.s32 $0xFFFFE200, v50;
	[tilespmem:$0x1FB60] =	vst v25;
	v25 =	vld [tilespmem:s30+$0xFFFFFFE0];
	v26 =	vsel vm1, $0xFFFFFFFF, v26  }
0x71e: {  	v52 =	vadd.s32 $0xFFFFE200, v52;
	vm15 =	vlt.u32 v61, $0xA00;
	v47 =	vshrl.u32 v39, $0x3;
	[tilespmem:$0x1FB90] =	vst v26;
	v26 =	vld [tilespmem:s26+$0xFFFFFFE0]  }
0x71f: {  	v46 =	vmul.u32 $0x5000, v46;
	v39 =	vshll.u32 v39, $0x7;
	v37 =	vand.u32 $0x380, v37;
	[tilespmem:v13+s22+$0x0] =	vst.idx.add.f32.msk vm5, v4  }
0x720: {  	v30 =	vmul.u32 $0x5000, v30;
	v34 =	vand.u32 $0x380, v34;
	v47 =	vmul.u32 $0x5000, v47;
	[tilespmem:v10+s22+$0x0] =	vst.idx.add.f32.msk vm14, v4  }
0x721: {  	v39 =	vand.u32 $0x380, v39;
	vm6 =	vlt.u32 v51, $0xA00;
	v6 =	vmovc v45;
	v45 =	vshrl.u32 v36, $0x3;
	v10 =	vld [tilespmem:$0x1FB20]  }
0x722: {  	v36 =	vshll.u32 v36, $0x7;
	v45 =	vmul.u32 $0x5000, v45;
	vm11 =	vlt.u32 v31, $0xA00  }
0x723: {  	v36 =	vand.u32 $0x380, v36;
	v31 =	vnsel vm11, $0x0, v31;
	vm10 =	vlt.u32 v28, $0xA00  }
0x724: {  	v42 =	vand.u32 $0xFFFFF, v24;
	v38 =	vshll.u32 v31, $0x3;
	v28 =	vnsel vm10, $0x0, v28  }
0x725: {  	v57 =	vld [tilespmem:s28+$0x30];
	v24 =	vshra.s32 v24, $0x14;
	v38 =	vand.u32 $0xFFFFFC00, v38;
	v40 =	vshll.u32 v28, $0x3  }
0x726: {  	v60 =	vld [tilespmem:s28+$0xFFFFFFF0];
	v29 =	vadd.s32 v29, v38;
	v56 =	vand.u32 $0xFFFFFC00, v40;
	vm5 =	vnez.u8 v10  }
0x727: {  	v31 =	vand.u32 $0x7F, v31;
	v40 =	vld [tilespmem:s26+$0x20];
	v29 =	vor.u32 v32, v29;
	v30 =	vadd.s32 v30, v56  }
0x728: {  	v28 =	vand.u32 $0x7F, v28;
	v29 =	vor.u32 v31, v29;
	v31 =	vld [tilespmem:s30+$0xFFFFFFC0];
	v30 =	vor.u32 v34, v30  }
0x729: {  	v42 =	vadd.s32 $0xFFFFE200, v42;
	v38 =	vadd.s32 $0xFFFFE200, v59;
	v28 =	vor.u32 v28, v30;
	v30 =	vld [tilespmem:s28+$0xFFFFFFC0]  }
0x72a: {  	vm4 =	vlt.u32 v42, $0xA00;
	vm9 =	vlt.u32 v52, $0xA00;
	vm3 =	vlt.u32 v38, $0xA00;
	[tilespmem:v20+s22+$0x0] =	vst.idx.add.f32.msk vm0, v7  }
0x72b: {  	vm1 =	vlt.u32 v48, $0xA00;
	v43 =	vand.u32 $0xFFFFF, v25;
	v34 =	vadd.s32 $0xFFFFE200, v58;
	[tilespmem:v21+s22+$0x0] =	vst.idx.add.f32.msk vm8, v7  }
0x72c: {  	v25 =	vshra.s32 v25, $0x14;
	vm12 =	vlt.u32 v34, $0xA00;
	vm0 =	vlt.u32 v50, $0xA00;
	[tilespmem:v9+s22+$0x0] =	vst.idx.add.f32.msk vm5, v2  }
0x72d: {  	vm8 =	vlt.u32 v53, $0xA00;
	v21 =	vnsel vm9, $0x0, v52;
	v54 =	vand.u32 $0xFFFFF, v40;
	v9 =	vld [tilespmem:$0x1FB30]  }
0x72e: {  	v40 =	vshra.s32 v40, $0x14;
	[tilespmem:v29+s22+$0x0] =	vst.idx.add.f32.msk vm11, v57;
	v29 =	vand.u32 $0xFFFFF, v31;
	v54 =	vadd.s32 $0xFFFFE200, v54  }
0x72f: {  	v44 =	vand.u32 $0xFFFFF, v26;
	vm7 =	vlt.u32 v54, $0xA00;
	v26 =	vshra.s32 v26, $0x14  }
0x730: {  	[tilespmem:v28+s22+$0x0] =	vst.idx.add.f32.msk vm10, v57;
	v28 =	vadd.s32 $0xFFFFE200, v29;
	v29 =	vadd.s32 $0xFFFFE200, v43;
	v32 =	vadd.s32 $0xFFFFE200, v44  }
0x731: {  	v7 =	vmovc v30;
	vm10 =	vlt.u32 v62, $0xA00;
	v30 =	vshra.s32 v31, $0x14;
	v31 =	vshra.s32 v22, $0x14  }
0x732: {  	v10 =	vnsel vm3, $0x0, v38;
	v38 =	vshrl.u32 v26, $0x3;
	vm5 =	vnez.u8 v9  }
0x733: {  	v43 =	vshrl.u32 v33, $0x3;
	v44 =	vshrl.u32 v35, $0x3;
	v26 =	vshll.u32 v26, $0x7;
	v9 =	vld [tilespmem:$0x1FB40]  }
0x734: {  	v20 =	vld [tilespmem:$0x1FB70];
	v33 =	vshll.u32 v33, $0x7;
	v35 =	vshll.u32 v35, $0x7;
	vm2 =	vlt.u32 v28, $0xA00  }
0x735: {  	vm11 =	vlt.u32 v29, $0xA00;
	vm13 =	vlt.u32 v32, $0xA00;
	v52 =	vshll.u32 v10, $0x3  }
0x736: {  	v38 =	vmul.u32 $0x5000, v38;
	v43 =	vmul.u32 $0x5000, v43;
	v44 =	vmul.u32 $0x5000, v44  }
0x737: {  	v26 =	vand.u32 $0x380, v26;
	v33 =	vand.u32 $0x380, v33;
	v35 =	vand.u32 $0x380, v35  }
0x738: {  	vm14 =	vmmov vm11;
	v15 =	vnsel vm11, $0x0, v29;
	[tilespmem:v19+s22+$0x0] =	vst.idx.add.f32.msk vm5, v2;
	vm5 =	vnez.u8 v9  }
0x739: {  	v13 =	vld [tilespmem:$0x1FB50];
	vm11 =	vmmov vm0;
	vm0 =	vnez.u8 v20;
	v20 =	vimm.s32 $0x0  }
0x73a: {  	v10 =	vand.u32 $0x7F, v10;
	v52 =	vand.u32 $0xFFFFFC00, v52;
	v20 =	vsel vm6, $0xFFFFFFFF, v20  }
0x73b: {  	[tilespmem:$0x1FBB0] =	vst v20;
	v20 =	vnsel vm6, $0x0, v51;
	v51 =	vshrl.u32 v40, $0x3;
	v40 =	vshll.u32 v40, $0x7  }
0x73c: {  	v51 =	vmul.u32 $0x5000, v51;
	v9 =	vnsel vm12, $0x0, v34;
	v19 =	vnsel vm1, $0x0, v48  }
0x73d: {  	v63 =	vld [tilespmem:s28+$0x0];
	v2 =	vmovc v60;
	v34 =	vshrl.u32 v25, $0x3;
	v48 =	vshrl.u32 v41, $0x3;
	v60 =	vshll.u32 v20, $0x3  }
0x73e: {  	v25 =	vshll.u32 v25, $0x7;
	v41 =	vshll.u32 v41, $0x7;
	[tilespmem:v1+s22+$0x0] =	vst.idx.add.f32.msk vm5, v3;
	vm5 =	vnez.u8 v13  }
0x73f: {  	v18 =	vld [tilespmem:$0x1FB60];
	v58 =	vshll.u32 v19, $0x3;
	v34 =	vmul.u32 $0x5000, v34;
	v48 =	vmul.u32 $0x5000, v48  }
0x740: {  	v60 =	vand.u32 $0xFFFFFC00, v60;
	v25 =	vand.u32 $0x380, v25;
	v58 =	vand.u32 $0xFFFFFC00, v58  }
0x741: {  	v41 =	vand.u32 $0x380, v41;
	v46 =	vadd.s32 v46, v60;
	v44 =	vadd.s32 v44, v58  }
0x742: {  	v1 =	vnsel vm2, $0x0, v28;
	v13 =	vnsel vm4, $0x0, v42;
	v28 =	vshrl.u32 v30, $0x3  }
0x743: {  	v42 =	vshrl.u32 v27, $0x3;
	v30 =	vshll.u32 v30, $0x7;
	v27 =	vshll.u32 v27, $0x7  }
0x744: {  	v4 =	vmovc v49;
	v49 =	vshll.u32 v1, $0x3;
	v28 =	vmul.u32 $0x5000, v28;
	[tilespmem:v16+s22+$0x0] =	vst.idx.add.f32.msk vm5, v3;
	vm5 =	vnez.u8 v18  }
0x745: {  	v42 =	vmul.u32 $0x5000, v42;
	v30 =	vand.u32 $0x380, v30;
	v18 =	vimm.s32 $0x0  }
0x746: {  	v22 =	vld [tilespmem:$0x1FB80];
	v27 =	vand.u32 $0x380, v27;
	v49 =	vand.u32 $0xFFFFFC00, v49;
	v18 =	vsel vm10, $0xFFFFFFFF, v18  }
0x747: {  	v55 =	vld [tilespmem:s28+$0x10];
	v28 =	vadd.s32 v28, v49;
	v16 =	vnsel vm13, $0x0, v32;
	[tilespmem:$0x1FBA0] =	vst v18;
	v18 =	vnsel vm10, $0x0, v62  }
0x748: {  	v32 =	vshrl.u32 v24, $0x3;
	v24 =	vshll.u32 v24, $0x7;
	v57 =	vshll.u32 v18, $0x3  }
0x749: {  	v32 =	vmul.u32 $0x5000, v32;
	v24 =	vand.u32 $0x380, v24;
	v57 =	vand.u32 $0xFFFFFC00, v57  }
0x74a: {  	v43 =	vadd.s32 v43, v57;
	[tilespmem:v17+s22+$0x0] =	vst.idx.add.f32.msk vm5, v5;
	v17 =	vnsel vm15, $0x0, v61;
	v61 =	vshll.u32 v21, $0x3  }
0x74b: {  	[tilespmem:v14+s22+$0x0] =	vst.idx.add.f32.msk vm0, v5;
	v14 =	vnsel vm11, $0x0, v50;
	vm0 =	vnez.u8 v22;
	v22 =	vnsel vm7, $0x0, v54  }
0x74c: {  	v5 =	vmovc v55;
	v50 =	vshll.u32 v9, $0x3;
	v54 =	vshll.u32 v15, $0x3;
	v55 =	vshll.u32 v16, $0x3  }
0x74d: {  	v61 =	vand.u32 $0xFFFFFC00, v61;
	v9 =	vand.u32 $0x7F, v9;
	v59 =	vshll.u32 v14, $0x3  }
0x74e: {  	v3 =	vmovc v63;
	v63 =	vshll.u32 v22, $0x3;
	v50 =	vand.u32 $0xFFFFFC00, v50;
	v54 =	vand.u32 $0xFFFFFC00, v54  }
0x74f: {  	v55 =	vand.u32 $0xFFFFFC00, v55;
	v47 =	vadd.s32 v47, v61;
	v61 =	vand.u32 $0x7F, v15  }
0x750: {  	v29 =	vld [tilespmem:$0x1FB90];
	v59 =	vand.u32 $0xFFFFFC00, v59;
	v63 =	vand.u32 $0xFFFFFC00, v63;
	v34 =	vadd.s32 v34, v54  }
0x751: {  	v38 =	vadd.s32 v38, v55;
	v45 =	vadd.s32 v45, v59;
	v58 =	vadd.s32 v51, v63  }
0x752: {  	v59 =	vor.u32 v30, v28;
	v34 =	vor.u32 v25, v34;
	v38 =	vor.u32 v26, v38  }
0x753: {  	v56 =	vld [tilespmem:s28+$0x20];
	v28 =	vor.u32 v35, v44;
	v26 =	vor.u32 v37, v46;
	v25 =	vor.u32 v39, v47  }
0x754: {  	v63 =	vand.u32 $0x7F, v17;
	v30 =	vand.u32 $0x7F, v18;
	[tilespmem:v12+s22+$0x0] =	vst.idx.add.f32.msk vm0, v8;
	v12 =	vnsel vm8, $0x0, v53  }
0x755: {  	vm0 =	vnez.u8 v29;
	v29 =	vshrl.u32 v23, $0x3;
	v53 =	vshll.u32 v13, $0x3  }
0x756: {  	v23 =	vshll.u32 v23, $0x7;
	v13 =	vand.u32 $0x7F, v13;
	v62 =	vshll.u32 v12, $0x3  }
0x757: {  	v29 =	vmul.u32 $0x5000, v29;
	v53 =	vand.u32 $0xFFFFFC00, v53;
	v23 =	vand.u32 $0x380, v23  }
0x758: {  	v12 =	vand.u32 $0x7F, v12;
	v62 =	vand.u32 $0xFFFFFC00, v62;
	v32 =	vadd.s32 v32, v53  }
0x759: {  	v29 =	vadd.s32 v29, v52;
	v48 =	vadd.s32 v48, v62;
	v32 =	vor.u32 v24, v32  }
0x75a: {  	v62 =	vand.u32 $0x7F, v16;
	v16 =	vand.u32 $0x7F, v14;
	v14 =	vand.u32 $0x7F, v21  }
0x75b: {  	v60 =	vor.u32 v23, v29;
	v29 =	vor.u32 v33, v43;
	v24 =	vor.u32 v41, v48  }
0x75c: {  	v15 =	vor.u32 v13, v32;
	v13 =	vor.u32 v61, v34;
	[tilespmem:v11+s22+$0x0] =	vst.idx.add.f32.msk vm0, v8;
	v11 =	vshrl.u32 v31, $0x3  }
0x75d: {  	s29 =	sadd.s32 $0x80, s29;
	v18 =	vor.u32 v10, v60;
	v10 =	vor.u32 v62, v38;
	v11 =	vmul.u32 $0x5000, v11  }
0x75e: {  	p0 =	slt.u32 s29, $0x1300;
	v8 =	vmovc v56;
	v56 =	vshll.u32 v17, $0x3;
	v31 =	vshll.u32 v31, $0x7;
	v17 =	vand.u32 $0x7F, v20  }
.Ltmp44:
0x75f: {  	v56 =	vand.u32 $0xFFFFFC00, v56;
	v31 =	vand.u32 $0x380, v31;
	v11 =	vadd.s32 v11, v50;
	(pc) =	sbr.rel @p0 .LBB2_90-.Ltmp44, $4  }
0x760: {  	v42 =	vadd.s32 v42, v56;
	v31 =	vor.u32 v31, v11;
	v11 =	vand.u32 $0x380, v40  }
0x761: {  	v42 =	vor.u32 v27, v42;
	v27 =	vor.u32 v36, v45;
	v23 =	vor.u32 v11, v58  }
0x762: {  	v11 =	vand.u32 $0x7F, v1;
	v1 =	vand.u32 $0x7F, v19;
	v21 =	vor.u32 v9, v31  }
0x763: {  	s30 =	sadd.s32 $0x80, s30;
	v9 =	vor.u32 v63, v42;
	v20 =	vor.u32 v11, v59;
	v11 =	vand.u32 $0x7F, v22  }
0x764: {  	vm0 =	vmmov vm2;
	_ =	sdelay $0x2  }
0x765: {  	vm2 =	vmmov vm3  }
0x766: {  	vm3 =	vmmov vm4;
	_ =	sdelay $0x1  }
0x767: {  	[tilespmem:v20+s22+$0x0] =	vst.idx.add.f32.msk vm0, v7  }
0x768: {  	v19 =	vld [tilespmem:$0x1FBA0]  }
0x769: {  	[tilespmem:v21+s22+$0x0] =	vst.idx.add.f32.msk vm12, v7  }
0x76a: {  	[tilespmem:v18+s22+$0x0] =	vst.idx.add.f32.msk vm2, v6  }
0x76b: {  	[tilespmem:v15+s22+$0x0] =	vst.idx.add.f32.msk vm3, v6  }
0x76c: {  	v15 =	vld [tilespmem:$0x1FBB0]  }
0x76d: {  	vm10 =	vmmov vm1;
	vm5 =	vmmov vm13  }
0x76e: {  	v1 =	vor.u32 v1, v28;
	vm5 =	vnez.u8 v19  }
0x76f: {  	v56 =	vor.u32 v12, v24;
	vm0 =	vmmov vm5  }
0x770: {  	v52 =	vor.u32 v30, v29  }
0x771: {  	vm6 =	vmmov vm12;
	[tilespmem:v13+s22+$0x0] =	vst.idx.add.f32.msk vm14, v4;
	vm12 =	vnez.u8 v15  }
0x772: {  	v53 =	vor.u32 v16, v27;
	[tilespmem:v9+s22+$0x0] =	vst.idx.add.f32.msk vm15, v2;
	vm3 =	vmmov vm12  }
0x773: {  	v54 =	vor.u32 v17, v26;
	[tilespmem:v1+s22+$0x0] =	vst.idx.add.f32.msk vm10, v3  }
0x774: {  	v55 =	vor.u32 v14, v25;
	[tilespmem:v56+s22+$0x0] =	vst.idx.add.f32.msk vm8, v8  }
0x775: {  	[tilespmem:v52+s22+$0x0] =	vst.idx.add.f32.msk vm0, v2;
	v2 =	vor.u32 v11, v23  }
0x776: {  	[tilespmem:v10+s22+$0x0] =	vst.idx.add.f32.msk vm13, v4  }
0x777: {  	[tilespmem:v53+s22+$0x0] =	vst.idx.add.f32.msk vm11, v3  }
0x778: {  	[tilespmem:v54+s22+$0x0] =	vst.idx.add.f32.msk vm3, v5  }
0x779: {  	[tilespmem:v55+s22+$0x0] =	vst.idx.add.f32.msk vm9, v5  }
0x77a: {  	[tilespmem:v2+s22+$0x0] =	vst.idx.add.f32.msk vm7, v8  }
0x77b: {  	v1 =	vld [tilespmem:$0xB380]  }
0x77c: {  	v2 =	vld [tilespmem:$0xC780];
	_ =	sdelay $0x3  }
0x77d: {  	vm1 =	vmmov vm14;
	vm6 =	vmmov vm15  }
0x77e: {  	vm1 =	vmmov vm10;
	v3 =	vand.u32 $0xFFFFF, v1;
	v57 =	vand.u32 $0xFFFFF, v2  }
0x77f: {  	v1 =	vshra.s32 v1, $0x14;
	v2 =	vshra.s32 v2, $0x14;
	v3 =	vadd.s32 $0xFFFFE200, v3  }
0x780: {  	v4 =	vadd.s32 $0xFFFFE200, v57;
	v58 =	vshrl.u32 v1, $0x3;
	vm15 =	vlt.u32 v3, $0xA00  }
0x781: {  	v60 =	vshrl.u32 v2, $0x3;
	v1 =	vshll.u32 v1, $0x7;
	v3 =	vnsel vm15, $0x0, v3  }
0x782: {  	v5 =	vmul.u32 $0x5000, v58;
	vm1 =	vlt.u32 v4, $0xA00;
	v59 =	vshll.u32 v3, $0x3  }
0x783: {  	v2 =	vshll.u32 v2, $0x7;
	v4 =	vnsel vm1, $0x0, v4;
	v6 =	vand.u32 $0xFFFFFC00, v59  }
0x784: {  	v61 =	vshll.u32 v4, $0x3;
	v5 =	vadd.s32 v5, v6;
	v6 =	vmul.u32 $0x5000, v60  }
0x785: {  	v1 =	vand.u32 $0x380, v1;
	v2 =	vand.u32 $0x380, v2;
	v7 =	vand.u32 $0xFFFFFC00, v61  }
0x786: {  	v3 =	vand.u32 $0x7F, v3;
	v1 =	vor.u32 v1, v5;
	v62 =	vadd.s32 v6, v7  }
0x787: {  	v63 =	vld [tilespmem:$0x10380];
	v1 =	vor.u32 v3, v1;
	v3 =	vand.u32 $0x7F, v4;
	v2 =	vor.u32 v2, v62  }
0x788: {  	v2 =	vor.u32 v3, v2;
	_ =	sdelay $0x2  }
0x789: {  	s25 =	sadd.s32 $0x1, s25  }
0x78a: {  	p0 =	sne.s32 s25, s14;
	[tilespmem:v1+s22+$0x0] =	vst.idx.add.f32.msk vm15, v63  }
.Ltmp45:
0x78b: {  	[tilespmem:v2+s22+$0x0] =	vst.idx.add.f32.msk vm1, v63;
	(pc) =	sbr.rel @p0 .LBB2_1-.Ltmp45, $4  }
0x78c: {  	[hbm4b:s13+s4] =	stream.linear.scatter [tilespmem:s22], [sflag:$0x1], $0xA000, $0x38;
	[tilespmem:$0x1A400] =	vst v63  }
0x78d: {  	_ =	swait.ge [sflag:s15], $0xA000  }
0x78e: {  	vm4 =	vmmov vm9;
	vm6 =	vmmov vm11;
	[sflag:s15] =	ssyncset.done $0x0  }
0x78f: {  	v16 =	vimm.s32 $0x0;
	vm6 =	vmmov vm7;
	vm5 =	vmmov vm8;
	[sflag:s15] =	ssyncadd.s32 $0xFFFF6000  }
0x790: {  	_ =	sfence.sel $0x180000  }
0x791: {  	[bflag:$0x0] =	sbarrier.arrive $0xFFFF  }
0x792: {  	p0 =	sne.s32 s1, $0x0;
	_ =	strace $0x90000047  }
0x793: {  	s0 =	sadd.s32 @!p0 $0x100000, s0;
	[bflag:$0x2] =	sbarrier.arrive $0xFFFF  }
0x794: {  	[sflag:s0] =	ssyncadd.tile.s32 @!p0 $0x1;
	_ =	shalt  }
.Lfunc_end2:
_tile_overlayer_lowered:
.L_overlay_start_2:
0x795: {  	(tag) =	ssettag $0x2  }
0x796: {  	s0 =	rddreg [dreg:$0x0];
	s2 =	stileid.u32  }
0x797: {  	s1 =	rddreg [dreg:$0x1];
	p0 =	sne.s32 s2, $0x0  }
0x798: {  	s3 =	rddreg [dreg:$0x2];
	[bflag:$0x3] =	sbarrier.arrive $0xFFFF;
	s2 =	simm.s32 @!p0 $0x1C01  }
0x799: {  	[timem:s3], [sflag:s2] =	dma.local @!p0 [hbm:s0], s1  }
0x79a: {  	s0 =	simm.s32 @!p0 $0x1  }
0x79b: {  	_ =	swait.ge @!p0 [sflag:s0], s1  }
0x79c: {  	s1 =	ssub.s32 @!p0 $0x0, s1;
	[sflag:s0] =	ssyncset.done @!p0 $0x0  }
0x79d: {  	[sflag:s0] =	ssyncadd.s32 @!p0 s1  }
0x79e: {  	[bflag:$0x3] =	sbarrier.arrive $0xFFFF  }
0x79f: {  	_ =	shalt  }

</sc_bundles>
